<compile_context>
chip_gen: v7x
topology: tpu7x:2x2x1
jax: 0.10.2.dev20260603
libtpu: 0.0.44.dev20260713+nightly
codegen_flags: <defaults>
</compile_context>

<pallas_src>
import jax
import jax.numpy as jnp
from jax import lax
from jax.experimental import pallas as pl
from jax.experimental.pallas import tpu as pltpu
from jax.experimental.pallas import tpu_sc as plsc

N_NODES = 1024
N_EDGES = 65536
IN_DIM = 4
HID = 8
LANES = 16
N_SUB = 16
NODES_PER_TILE = N_NODES // N_SUB
EDGES_PER_TILE = N_EDGES // N_SUB


def _rsqrt16(d):
    i = plsc.bitcast(d, jnp.int32)
    i = 0x5F3759DF - lax.shift_right_logical(i, 1)
    y = plsc.bitcast(i, jnp.float32)
    for _ in range(3):
        y = y * (1.5 - 0.5 * d * y * y)
    return y


def _gcn_body(edge_hbm, x_hbm, w1_hbm, b1_hbm, w2_hbm, b2_hbm,
              out_hbm,
              srcl, dstl, rowsb, onesv, xloc, pv,
              degb, dinvb, xwb, hwb, accb, pubb, zb, outb,
              t_src, t_acc, sem_g, sem_s):
    c = lax.axis_index("c")
    s = lax.axis_index("s")
    nd = pl.ds(s * NODES_PER_TILE, NODES_PER_TILE)

    scope_stage = jax.named_scope("stage")
    scope_stage.__enter__()
    stage = [
        pltpu.async_copy(
            edge_hbm.at[0, pl.ds(s * EDGES_PER_TILE, EDGES_PER_TILE)],
            srcl, sem_g),
        pltpu.async_copy(
            edge_hbm.at[1, pl.ds(s * EDGES_PER_TILE, EDGES_PER_TILE)],
            dstl, sem_g),
        pltpu.async_copy(x_hbm.at[s], xloc, sem_g),
    ]
    def fill_ones(i, carry):
        onesv[i] = jnp.full((LANES,), 1.0, jnp.float32)
        return carry
    lax.fori_loop(0, NODES_PER_TILE, fill_ones, 0)

    def fill_zero_pv(i, carry):
        pv[i] = jnp.zeros((LANES,), jnp.float32)
        return carry
    lax.fori_loop(0, 14, fill_zero_pv, 0)
    stage.append(pltpu.async_copy(w1_hbm, pv.at[pl.ds(0, IN_DIM),
                                                pl.ds(0, HID)], sem_g))
    stage.append(pltpu.async_copy(b1_hbm, pv.at[4, pl.ds(0, HID)], sem_g))
    stage.append(pltpu.async_copy(w2_hbm, pv.at[pl.ds(5, HID),
                                                pl.ds(0, HID)], sem_g))
    stage.append(pltpu.async_copy(b2_hbm, pv.at[13, pl.ds(0, HID)], sem_g))
    for d in stage:
        d.wait()
    pltpu.sync_copy(onesv, t_acc.at[nd])
    plsc.subcore_barrier()
    scope_stage.__exit__(None, None, None)

    scope_deg = jax.named_scope("deg_mac")
    scope_deg.__enter__()
    deg_ds = [pltpu.async_copy(onesv,
                               t_acc.at[dstl.at[pl.ds(j * NODES_PER_TILE,
                                                      NODES_PER_TILE)]],
                               sem_s, add=True)
              for j in range(EDGES_PER_TILE // NODES_PER_TILE)]

    w1r = [pv[k] for k in range(IN_DIM)]
    zero16 = jnp.zeros((LANES,), jnp.float32)

    def mac1(j, carry):
        xv = xloc[pl.ds(j * LANES, LANES)]
        for m in range(4):
            acc = zero16
            for k in range(IN_DIM):
                acc = acc + w1r[k] * xv[4 * m + k]
            xwb[4 * j + m] = acc
            zb[4 * j + m] = zero16
        return carry
    lax.fori_loop(0, NODES_PER_TILE // 4, mac1, 0)
    for d in deg_ds:
        d.wait()
    plsc.subcore_barrier()
    scope_deg.__exit__(None, None, None)

    scope_pub = jax.named_scope("dinv_pub")
    scope_pub.__enter__()
    pltpu.sync_copy(t_acc.at[nd], degb)
    b1 = pv[4]
    b2 = pv[13]
    w2r = [pv[5 + k] for k in range(HID)]

    def loc1(i, carry):
        y = _rsqrt16(degb[i])
        dinvb[i] = y
        pubb[i] = xwb[i] * y
        return carry
    lax.fori_loop(0, NODES_PER_TILE, loc1, 0)
    pltpu.sync_copy(pubb, t_src.at[nd])
    pltpu.sync_copy(zb, t_acc.at[nd])
    plsc.subcore_barrier()
    scope_pub.__exit__(None, None, None)

    HALF = EDGES_PER_TILE // 2

    def edge_pass():
        ga = pltpu.async_copy(t_src.at[srcl.at[pl.ds(0, HALF)]],
                              rowsb.at[pl.ds(0, HALF)], sem_g)
        ga.wait()
        sa = pltpu.async_copy(rowsb.at[pl.ds(0, HALF)],
                              t_acc.at[dstl.at[pl.ds(0, HALF)]],
                              sem_s, add=True)
        gb = pltpu.async_copy(t_src.at[srcl.at[pl.ds(HALF, HALF)]],
                              rowsb.at[pl.ds(HALF, HALF)], sem_g)
        gb.wait()
        sa.wait()
        pltpu.async_copy(rowsb.at[pl.ds(HALF, HALF)],
                         t_acc.at[dstl.at[pl.ds(HALF, HALF)]],
                         sem_s, add=True).wait()

    with jax.named_scope("l1_edges"):
        edge_pass()
    plsc.subcore_barrier()

    scope_mid = jax.named_scope("mid_locals")
    scope_mid.__enter__()
    pltpu.sync_copy(t_acc.at[nd], accb)

    def loc2(i, carry):
        y = dinvb[i]
        h1 = jnp.maximum(y * accb[i] + (y * y) * xwb[i] + b1, 0.0)
        acc = jnp.zeros((LANES,), jnp.float32)
        for k in range(HID):
            acc = acc + w2r[k] * h1[k]
        hwb[i] = acc
        pubb[i] = acc * y
        return carry
    lax.fori_loop(0, NODES_PER_TILE, loc2, 0)
    pltpu.sync_copy(pubb, t_src.at[nd])
    pltpu.sync_copy(zb, t_acc.at[nd])
    plsc.subcore_barrier()
    scope_mid.__exit__(None, None, None)

    with jax.named_scope("l2_edges"):
        edge_pass()
    plsc.subcore_barrier()

    scope_fin = jax.named_scope("final")
    scope_fin.__enter__()
    pltpu.sync_copy(t_acc.at[nd], accb)

    lanes = lax.iota(jnp.int32, LANES)
    lo = lanes < HID

    def loc4(i, carry):
        y = dinvb[i]
        o = y * accb[i] + (y * y) * hwb[i] + b2
        plsc.store_scatter(outb, [i * HID + lanes], o, mask=lo)
        return carry
    lax.fori_loop(0, NODES_PER_TILE, loc4, 0)

    @pl.when(c == 0)
    def _():
        pltpu.sync_copy(outb,
                        out_hbm.at[pl.ds(s * NODES_PER_TILE * HID,
                                         NODES_PER_TILE * HID)])
    scope_fin.__exit__(None, None, None)


def _gcn_sc(edge_index, x16g, W1, b1, W2, b2):
    mesh = plsc.VectorSubcoreMesh(core_axis_name="c", subcore_axis_name="s",
                                  num_cores=1)
    f32 = jnp.float32
    kern = pl.kernel(
        _gcn_body,
        out_type=jax.ShapeDtypeStruct((N_NODES * HID,), f32),
        mesh=mesh,
        compiler_params=pltpu.CompilerParams(needs_layout_passes=False,
                                             use_tc_tiling_on_sc=False),
        scratch_types=[
            pltpu.VMEM((EDGES_PER_TILE,), jnp.int32),
            pltpu.VMEM((EDGES_PER_TILE,), jnp.int32),
            pltpu.VMEM((EDGES_PER_TILE, LANES), f32),
            pltpu.VMEM((NODES_PER_TILE, LANES), f32),
            pltpu.VMEM((NODES_PER_TILE * IN_DIM,), f32),
            pltpu.VMEM((14, LANES), f32),
            pltpu.VMEM((NODES_PER_TILE, LANES), f32),
            pltpu.VMEM((NODES_PER_TILE, LANES), f32),
            pltpu.VMEM((NODES_PER_TILE, LANES), f32),
            pltpu.VMEM((NODES_PER_TILE, LANES), f32),
            pltpu.VMEM((NODES_PER_TILE, LANES), f32),
            pltpu.VMEM((NODES_PER_TILE, LANES), f32),
            pltpu.VMEM((NODES_PER_TILE, LANES), f32),
            pltpu.VMEM((NODES_PER_TILE * HID,), f32),
            pltpu.VMEM_SHARED((N_NODES, LANES), f32),
            pltpu.VMEM_SHARED((N_NODES, LANES), f32),
            pltpu.SemaphoreType.DMA,
            pltpu.SemaphoreType.DMA,
        ],
    )
    return kern(edge_index, x16g, W1, b1, W2, b2)


KBLK = 512
NSLOT = 6


def _mlp_body(v_ref, w1_hbm, b1_ref, w3_ref, b3_ref, o_ref, wbuf, sems):
    n_in = w1_hbm.shape[0]
    n_hidden = w1_hbm.shape[1]
    n_slab = n_in // KBLK

    def fire(i):
        return pltpu.async_copy(
            w1_hbm.at[pl.ds(i * KBLK, KBLK), :], wbuf.at[i % NSLOT],
            sems.at[i % NSLOT])

    descs = [fire(i) for i in range(NSLOT)]
    u = jnp.zeros((1, n_hidden), jnp.float32)
    for i in range(n_slab):
        descs[i % NSLOT].wait()
        vblk = v_ref[:, pl.ds(i * KBLK, KBLK)]
        u = u + jnp.dot(vblk, wbuf[i % NSLOT],
                        preferred_element_type=jnp.float32)
        if i + NSLOT < n_slab:
            descs[i % NSLOT] = fire(i + NSLOT)
    u = jnp.maximum(u + b1_ref[...], 0.0)
    z = jnp.dot(u, w3_ref[...], preferred_element_type=jnp.float32)
    z = z + b3_ref[...]
    z = z - jnp.max(z, axis=-1, keepdims=True)
    e = jnp.exp(z)
    o_ref[...] = e / jnp.sum(e, axis=-1, keepdims=True)


def _mlp_tc(v, lin1_W, lin1_b, lin3_W, lin3_b):
    n_hidden = lin1_W.shape[1]
    n_out = lin3_W.shape[1]
    return pl.pallas_call(
        _mlp_body,
        in_specs=[
            pl.BlockSpec(memory_space=pltpu.VMEM),
            pl.BlockSpec(memory_space=pl.ANY),
            pl.BlockSpec(memory_space=pltpu.VMEM),
            pl.BlockSpec(memory_space=pltpu.VMEM),
            pl.BlockSpec(memory_space=pltpu.VMEM),
        ],
        out_specs=pl.BlockSpec(memory_space=pltpu.VMEM),
        out_shape=jax.ShapeDtypeStruct((1, n_out), jnp.float32),
        compiler_params=pltpu.CompilerParams(
            vmem_limit_bytes=64 * 1024 * 1024),
        scratch_shapes=[
            pltpu.VMEM((NSLOT, KBLK, n_hidden), jnp.float32),
            pltpu.SemaphoreType.DMA((NSLOT,)),
        ],
    )(v, lin1_W, lin1_b, lin3_W, lin3_b)


def kernel(x, edge_index, W1, b1, W2, b2, lin1_W, lin1_b, lin3_W, lin3_b):
    x16g = x.reshape(N_SUB, NODES_PER_TILE * IN_DIM)
    h2 = _gcn_sc(edge_index, x16g, W1, b1, W2, b2)
    v = h2.reshape(1, -1)
    out = _mlp_tc(v, lin1_W, lin1_b.reshape(1, -1), lin3_W, lin3_b.reshape(1, -1))
    return out.reshape(-1)

# --- scband reference (transcript-rebuilt; emitter-appended) ---
"""Pipeline reference for scband-gcn-17480516895403 (READ-ONLY COPY).

The authoritative reference and input builder live on the scoring server;
editing this copy changes nothing except your own understanding.
"""

import jax, jax.numpy as jnp
import numpy as np

NUM_NODES = 1024
IN_DIM = 4
HID_DIM = IN_DIM * 2
OUT_DIM = 256
N_EDGES = 65536
FLAT_DIM = NUM_NODES * HID_DIM


def gcn_conv(x, edge_index, W, b):
    # Faithful PyG-style GCNConv: add self-loops, symmetric deg^{-1/2} normalization,
    # message = norm * (x W)[src], scatter-add into dst, then bias.
    n = x.shape[0]
    src = edge_index[0]
    dst = edge_index[1]
    loop = jnp.arange(n, dtype=edge_index.dtype)
    src = jnp.concatenate([src, loop])
    dst = jnp.concatenate([dst, loop])
    deg = jnp.zeros((n,), jnp.float32).at[dst].add(1.0)
    dinv = jax.lax.rsqrt(jnp.maximum(deg, 1e-12))
    norm = dinv[src] * dinv[dst]
    xw = x @ W
    msg = xw[src] * norm[:, None]
    out = jnp.zeros((n, W.shape[1]), jnp.float32).at[dst].add(msg)
    return out + b


def setup_inputs(seed: int = 0):
    key = jax.random.key(seed)
    ks = jax.random.split(key, 10)
    x = jax.random.normal(ks[0], (NUM_NODES, IN_DIM), dtype=jnp.float32)
    edge_index = jax.random.randint(ks[1], (2, N_EDGES), 0, NUM_NODES, dtype=jnp.int32)
    W1 = jax.random.normal(ks[2], (IN_DIM, HID_DIM), jnp.float32) * (1.0 / np.sqrt(IN_DIM))
    b1 = jnp.zeros((HID_DIM,), jnp.float32)
    W2 = jax.random.normal(ks[3], (HID_DIM, HID_DIM), jnp.float32) * (1.0 / np.sqrt(HID_DIM))
    b2 = jnp.zeros((HID_DIM,), jnp.float32)
    lin1_W = jax.random.normal(ks[4], (FLAT_DIM, FLAT_DIM // 2), jnp.float32) * (1.0 / np.sqrt(FLAT_DIM))
    lin1_b = jnp.zeros((FLAT_DIM // 2,), jnp.float32)
    lin3_W = jax.random.normal(ks[5], (FLAT_DIM // 2, OUT_DIM), jnp.float32) * (1.0 / np.sqrt(FLAT_DIM // 2))
    lin3_b = jnp.zeros((OUT_DIM,), jnp.float32)
    return {
        "x": x,
        "edge_index": edge_index,
        "W1": W1, "b1": b1,
        "W2": W2, "b2": b2,
        "lin1_W": lin1_W, "lin1_b": lin1_b,
        "lin3_W": lin3_W, "lin3_b": lin3_b,
    }


def reference(x, edge_index, W1, b1, W2, b2, lin1_W, lin1_b, lin3_W, lin3_b):
    h = jax.nn.relu(gcn_conv(x, edge_index, W1, b1))
    h = gcn_conv(h, edge_index, W2, b2)
    v = h.reshape(-1)
    v = jax.nn.relu(v @ lin1_W + lin1_b)
    v = v @ lin3_W + lin3_b
    return jax.nn.softmax(v, axis=-1)

if __name__ == "__main__":
    import jax
    _d = setup_inputs()
    print(jax.jit(kernel)(*tuple(_d.values())))

</pallas_src>

<mosaic_0001>
#map = affine_map<(d0, d1) -> (0, 0)>
#map1 = affine_map<(d0, d1) -> (0)>
module attributes {stable_mosaic.version = 14 : i64} {
  func.func @_gcn_body(%arg0: i32, %arg1: i32, %arg2: memref<2x65536xi32, #tpu.memory_space<hbm>>, %arg3: memref<16x256xf32, #tpu.memory_space<hbm>>, %arg4: memref<4x8xf32, #tpu.memory_space<hbm>>, %arg5: memref<8xf32, #tpu.memory_space<hbm>>, %arg6: memref<8x8xf32, #tpu.memory_space<hbm>>, %arg7: memref<8xf32, #tpu.memory_space<hbm>>, %arg8: memref<8192xf32, #tpu.memory_space<hbm>>, %arg9: memref<4096xi32, #tpu.memory_space<vmem>>, %arg10: memref<4096xi32, #tpu.memory_space<vmem>>, %arg11: memref<4096x16xf32, #tpu.memory_space<vmem>>, %arg12: memref<64x16xf32, #tpu.memory_space<vmem>>, %arg13: memref<256xf32, #tpu.memory_space<vmem>>, %arg14: memref<14x16xf32, #tpu.memory_space<vmem>>, %arg15: memref<64x16xf32, #tpu.memory_space<vmem>>, %arg16: memref<64x16xf32, #tpu.memory_space<vmem>>, %arg17: memref<64x16xf32, #tpu.memory_space<vmem>>, %arg18: memref<64x16xf32, #tpu.memory_space<vmem>>, %arg19: memref<64x16xf32, #tpu.memory_space<vmem>>, %arg20: memref<64x16xf32, #tpu.memory_space<vmem>>, %arg21: memref<64x16xf32, #tpu.memory_space<vmem>>, %arg22: memref<512xf32, #tpu.memory_space<vmem>>, %arg23: memref<1024x16xf32, #tpu.memory_space<vmem_shared>>, %arg24: memref<1024x16xf32, #tpu.memory_space<vmem_shared>>, %arg25: memref<!tpu.dma_semaphore, #tpu.memory_space<semaphore_mem>>, %arg26: memref<!tpu.dma_semaphore, #tpu.memory_space<semaphore_mem>>) attributes {dimension_semantics = [#tpu.dimension_semantics<core_parallel>, #tpu.dimension_semantics<subcore_parallel>], iteration_bounds = array<i64: 1, 16>, scalar_prefetch = 0 : i64, scratch_operands = 18 : i64, tpu.core_type = #tpu.core_type<sc_vector_subcore>, window_params = [{transform_indices = #map}, {transform_indices = #map}, {transform_indices = #map}, {transform_indices = #map1}, {transform_indices = #map}, {transform_indices = #map1}, {transform_indices = #map1}]} {
    %mul3A = arith.constant 64 : i32
    %mul3A_0 = arith.muli %arg1, %mul3A : i32
    "tpu.trace_start"() <{level = 10 : i32, message = "stage"}> : () -> ()
    %mul3A_1 = arith.constant 4096 : i32
    %mul3A_2 = arith.muli %arg1, %mul3A_1 : i32
    %dma_start3A = arith.constant 0 : i32
    %dma_start3A_3 = tpu.memref_slice %arg2[%dma_start3A, %mul3A_2] : memref<2x65536xi32, #tpu.memory_space<hbm>> -> memref<1x4096xi32, #tpu.memory_space<hbm>>
    %dma_start3A_4 = tpu.memref_squeeze %dma_start3A_3 : memref<1x4096xi32, #tpu.memory_space<hbm>> -> memref<4096xi32, #tpu.memory_space<hbm>>
    %dma_start3A_5 = tpu.memref_slice %arg2[%dma_start3A, %mul3A_2] : memref<2x65536xi32, #tpu.memory_space<hbm>> -> memref<1x4096xi32, #tpu.memory_space<hbm>>
    %dma_start3A_6 = tpu.memref_squeeze %dma_start3A_5 : memref<1x4096xi32, #tpu.memory_space<hbm>> -> memref<4096xi32, #tpu.memory_space<hbm>>
    tpu.enqueue_dma source(%dma_start3A_6 : memref<4096xi32, #tpu.memory_space<hbm>>) target(%arg9 : memref<4096xi32, #tpu.memory_space<vmem>>) target_semaphore(%arg25 : memref<!tpu.dma_semaphore, #tpu.memory_space<semaphore_mem>>)
    %mul3A_7 = arith.constant 4096 : i32
    %mul3A_8 = arith.muli %arg1, %mul3A_7 : i32
    %dma_start3A_9 = arith.constant 1 : i32
    %dma_start3A_10 = tpu.memref_slice %arg2[%dma_start3A_9, %mul3A_8] : memref<2x65536xi32, #tpu.memory_space<hbm>> -> memref<1x4096xi32, #tpu.memory_space<hbm>>
    %dma_start3A_11 = tpu.memref_squeeze %dma_start3A_10 : memref<1x4096xi32, #tpu.memory_space<hbm>> -> memref<4096xi32, #tpu.memory_space<hbm>>
    %dma_start3A_12 = tpu.memref_slice %arg2[%dma_start3A_9, %mul3A_8] : memref<2x65536xi32, #tpu.memory_space<hbm>> -> memref<1x4096xi32, #tpu.memory_space<hbm>>
    %dma_start3A_13 = tpu.memref_squeeze %dma_start3A_12 : memref<1x4096xi32, #tpu.memory_space<hbm>> -> memref<4096xi32, #tpu.memory_space<hbm>>
    tpu.enqueue_dma source(%dma_start3A_13 : memref<4096xi32, #tpu.memory_space<hbm>>) target(%arg10 : memref<4096xi32, #tpu.memory_space<vmem>>) target_semaphore(%arg25 : memref<!tpu.dma_semaphore, #tpu.memory_space<semaphore_mem>>)
    %dma_start3A_14 = arith.constant 0 : i32
    %dma_start3A_15 = tpu.memref_slice %arg3[%arg1, %dma_start3A_14] : memref<16x256xf32, #tpu.memory_space<hbm>> -> memref<1x256xf32, #tpu.memory_space<hbm>>
    %dma_start3A_16 = tpu.memref_squeeze %dma_start3A_15 : memref<1x256xf32, #tpu.memory_space<hbm>> -> memref<256xf32, #tpu.memory_space<hbm>>
    %dma_start3A_17 = arith.constant 0 : i32
    %dma_start3A_18 = tpu.memref_slice %arg3[%arg1, %dma_start3A_17] : memref<16x256xf32, #tpu.memory_space<hbm>> -> memref<1x256xf32, #tpu.memory_space<hbm>>
    %dma_start3A_19 = tpu.memref_squeeze %dma_start3A_18 : memref<1x256xf32, #tpu.memory_space<hbm>> -> memref<256xf32, #tpu.memory_space<hbm>>
    tpu.enqueue_dma source(%dma_start3A_19 : memref<256xf32, #tpu.memory_space<hbm>>) target(%arg13 : memref<256xf32, #tpu.memory_space<vmem>>) target_semaphore(%arg25 : memref<!tpu.dma_semaphore, #tpu.memory_space<semaphore_mem>>)
    %scan3A = arith.constant 0 : i32
    %scan3A_20 = arith.constant 0 : i32
    %scan3A_21 = arith.constant 64 : i32
    %scan3A_22 = arith.addi %scan3A_20, %scan3A_21 : i32
    %scan3A_23 = arith.constant 1 : i32
    scf.for %scan3A_955 = %scan3A_20 to %scan3A_22 step %scan3A_23  : i32 {
      %broadcast_in_dim3A_956 = arith.constant 1.000000e+00 : f32
      %broadcast_in_dim3A_957 = vector.broadcast %broadcast_in_dim3A_956 : f32 to vector<16xf32>
      %swap3A = arith.index_cast %scan3A_955 : i32 to index
      %swap3A_958 = arith.constant 0 : index
      %swap3A_959 = tpu.vector_load %arg12[%swap3A, %swap3A_958] {strides = array<i32>} : memref<64x16xf32, #tpu.memory_space<vmem>>, vector<16xf32>,
      tpu.vector_store %arg12[%swap3A, %swap3A_958], %broadcast_in_dim3A_957 {strides = array<i32>} : memref<64x16xf32, #tpu.memory_space<vmem>>, vector<16xf32>,
    }
    %scan3A_24 = arith.constant 64 : i32
    %scan3A_25 = arith.constant 0 : i32
    %scan3A_26 = arith.constant 0 : i32
    %scan3A_27 = arith.constant 14 : i32
    %scan3A_28 = arith.addi %scan3A_26, %scan3A_27 : i32
    %scan3A_29 = arith.constant 1 : i32
    scf.for %scan3A_955 = %scan3A_26 to %scan3A_28 step %scan3A_29  : i32 {
      %broadcast_in_dim3A_956 = arith.constant 0.000000e+00 : f32
      %broadcast_in_dim3A_957 = vector.broadcast %broadcast_in_dim3A_956 : f32 to vector<16xf32>
      %swap3A = arith.index_cast %scan3A_955 : i32 to index
      %swap3A_958 = arith.constant 0 : index
      %swap3A_959 = tpu.vector_load %arg14[%swap3A, %swap3A_958] {strides = array<i32>} : memref<14x16xf32, #tpu.memory_space<vmem>>, vector<16xf32>,
      tpu.vector_store %arg14[%swap3A, %swap3A_958], %broadcast_in_dim3A_957 {strides = array<i32>} : memref<14x16xf32, #tpu.memory_space<vmem>>, vector<16xf32>,
    }
    %scan3A_30 = arith.constant 14 : i32
    %dma_start3A_31 = arith.constant 0 : i32
    %dma_start3A_32 = arith.constant 0 : i32
    %dma_start3A_33 = tpu.memref_slice %arg14[%dma_start3A_31, %dma_start3A_32] : memref<14x16xf32, #tpu.memory_space<vmem>> -> memref<4x8xf32, #tpu.memory_space<vmem>>
    %dma_start3A_34 = arith.constant 0 : i32
    %dma_start3A_35 = arith.constant 0 : i32
    %dma_start3A_36 = tpu.memref_slice %arg14[%dma_start3A_34, %dma_start3A_35] : memref<14x16xf32, #tpu.memory_space<vmem>> -> memref<4x8xf32, #tpu.memory_space<vmem>>
    tpu.enqueue_dma source(%arg4 : memref<4x8xf32, #tpu.memory_space<hbm>>) target(%dma_start3A_36 : memref<4x8xf32, #tpu.memory_space<vmem>>) target_semaphore(%arg25 : memref<!tpu.dma_semaphore, #tpu.memory_space<semaphore_mem>>)
    %dma_start3A_37 = arith.constant 4 : i32
    %dma_start3A_38 = arith.constant 0 : i32
    %dma_start3A_39 = tpu.memref_slice %arg14[%dma_start3A_37, %dma_start3A_38] : memref<14x16xf32, #tpu.memory_space<vmem>> -> memref<1x8xf32, #tpu.memory_space<vmem>>
    %dma_start3A_40 = tpu.memref_squeeze %dma_start3A_39 : memref<1x8xf32, #tpu.memory_space<vmem>> -> memref<8xf32, #tpu.memory_space<vmem>>
    %dma_start3A_41 = arith.constant 0 : i32
    %dma_start3A_42 = tpu.memref_slice %arg14[%dma_start3A_37, %dma_start3A_41] : memref<14x16xf32, #tpu.memory_space<vmem>> -> memref<1x8xf32, #tpu.memory_space<vmem>>
    %dma_start3A_43 = tpu.memref_squeeze %dma_start3A_42 : memref<1x8xf32, #tpu.memory_space<vmem>> -> memref<8xf32, #tpu.memory_space<vmem>>
    tpu.enqueue_dma source(%arg5 : memref<8xf32, #tpu.memory_space<hbm>>) target(%dma_start3A_43 : memref<8xf32, #tpu.memory_space<vmem>>) target_semaphore(%arg25 : memref<!tpu.dma_semaphore, #tpu.memory_space<semaphore_mem>>)
    %dma_start3A_44 = arith.constant 5 : i32
    %dma_start3A_45 = arith.constant 0 : i32
    %dma_start3A_46 = tpu.memref_slice %arg14[%dma_start3A_44, %dma_start3A_45] : memref<14x16xf32, #tpu.memory_space<vmem>> -> memref<8x8xf32, #tpu.memory_space<vmem>>
    %dma_start3A_47 = arith.constant 5 : i32
    %dma_start3A_48 = arith.constant 0 : i32
    %dma_start3A_49 = tpu.memref_slice %arg14[%dma_start3A_47, %dma_start3A_48] : memref<14x16xf32, #tpu.memory_space<vmem>> -> memref<8x8xf32, #tpu.memory_space<vmem>>
    tpu.enqueue_dma source(%arg6 : memref<8x8xf32, #tpu.memory_space<hbm>>) target(%dma_start3A_49 : memref<8x8xf32, #tpu.memory_space<vmem>>) target_semaphore(%arg25 : memref<!tpu.dma_semaphore, #tpu.memory_space<semaphore_mem>>)
    %dma_start3A_50 = arith.constant 13 : i32
    %dma_start3A_51 = arith.constant 0 : i32
    %dma_start3A_52 = tpu.memref_slice %arg14[%dma_start3A_50, %dma_start3A_51] : memref<14x16xf32, #tpu.memory_space<vmem>> -> memref<1x8xf32, #tpu.memory_space<vmem>>
    %dma_start3A_53 = tpu.memref_squeeze %dma_start3A_52 : memref<1x8xf32, #tpu.memory_space<vmem>> -> memref<8xf32, #tpu.memory_space<vmem>>
    %dma_start3A_54 = arith.constant 0 : i32
    %dma_start3A_55 = tpu.memref_slice %arg14[%dma_start3A_50, %dma_start3A_54] : memref<14x16xf32, #tpu.memory_space<vmem>> -> memref<1x8xf32, #tpu.memory_space<vmem>>
    %dma_start3A_56 = tpu.memref_squeeze %dma_start3A_55 : memref<1x8xf32, #tpu.memory_space<vmem>> -> memref<8xf32, #tpu.memory_space<vmem>>
    tpu.enqueue_dma source(%arg7 : memref<8xf32, #tpu.memory_space<hbm>>) target(%dma_start3A_56 : memref<8xf32, #tpu.memory_space<vmem>>) target_semaphore(%arg25 : memref<!tpu.dma_semaphore, #tpu.memory_space<semaphore_mem>>)
    %dma_wait3A = arith.constant 0 : i32
    %dma_wait3A_57 = tpu.memref_slice %arg2[%dma_wait3A, %mul3A_2] : memref<2x65536xi32, #tpu.memory_space<hbm>> -> memref<1x4096xi32, #tpu.memory_space<hbm>>
    %dma_wait3A_58 = tpu.memref_squeeze %dma_wait3A_57 : memref<1x4096xi32, #tpu.memory_space<hbm>> -> memref<4096xi32, #tpu.memory_space<hbm>>
    %dma_wait3A_59 = tpu.memref_slice %arg2[%dma_wait3A, %mul3A_2] : memref<2x65536xi32, #tpu.memory_space<hbm>> -> memref<1x4096xi32, #tpu.memory_space<hbm>>
    %dma_wait3A_60 = tpu.memref_squeeze %dma_wait3A_59 : memref<1x4096xi32, #tpu.memory_space<hbm>> -> memref<4096xi32, #tpu.memory_space<hbm>>
    tpu.wait_dma2 semaphore(%arg25 : memref<!tpu.dma_semaphore, #tpu.memory_space<semaphore_mem>>) src(%dma_wait3A_60 : memref<4096xi32, #tpu.memory_space<hbm>>) dst(%arg9 : memref<4096xi32, #tpu.memory_space<vmem>>)
    %dma_wait3A_61 = arith.constant 1 : i32
    %dma_wait3A_62 = tpu.memref_slice %arg2[%dma_wait3A_61, %mul3A_8] : memref<2x65536xi32, #tpu.memory_space<hbm>> -> memref<1x4096xi32, #tpu.memory_space<hbm>>
    %dma_wait3A_63 = tpu.memref_squeeze %dma_wait3A_62 : memref<1x4096xi32, #tpu.memory_space<hbm>> -> memref<4096xi32, #tpu.memory_space<hbm>>
    %dma_wait3A_64 = tpu.memref_slice %arg2[%dma_wait3A_61, %mul3A_8] : memref<2x65536xi32, #tpu.memory_space<hbm>> -> memref<1x4096xi32, #tpu.memory_space<hbm>>
    %dma_wait3A_65 = tpu.memref_squeeze %dma_wait3A_64 : memref<1x4096xi32, #tpu.memory_space<hbm>> -> memref<4096xi32, #tpu.memory_space<hbm>>
    tpu.wait_dma2 semaphore(%arg25 : memref<!tpu.dma_semaphore, #tpu.memory_space<semaphore_mem>>) src(%dma_wait3A_65 : memref<4096xi32, #tpu.memory_space<hbm>>) dst(%arg10 : memref<4096xi32, #tpu.memory_space<vmem>>)
    %dma_wait3A_66 = arith.constant 0 : i32
    %dma_wait3A_67 = tpu.memref_slice %arg3[%arg1, %dma_wait3A_66] : memref<16x256xf32, #tpu.memory_space<hbm>> -> memref<1x256xf32, #tpu.memory_space<hbm>>
    %dma_wait3A_68 = tpu.memref_squeeze %dma_wait3A_67 : memref<1x256xf32, #tpu.memory_space<hbm>> -> memref<256xf32, #tpu.memory_space<hbm>>
    %dma_wait3A_69 = arith.constant 0 : i32
    %dma_wait3A_70 = tpu.memref_slice %arg3[%arg1, %dma_wait3A_69] : memref<16x256xf32, #tpu.memory_space<hbm>> -> memref<1x256xf32, #tpu.memory_space<hbm>>
    %dma_wait3A_71 = tpu.memref_squeeze %dma_wait3A_70 : memref<1x256xf32, #tpu.memory_space<hbm>> -> memref<256xf32, #tpu.memory_space<hbm>>
    tpu.wait_dma2 semaphore(%arg25 : memref<!tpu.dma_semaphore, #tpu.memory_space<semaphore_mem>>) src(%dma_wait3A_71 : memref<256xf32, #tpu.memory_space<hbm>>) dst(%arg13 : memref<256xf32, #tpu.memory_space<vmem>>)
    %dma_wait3A_72 = arith.constant 0 : i32
    %dma_wait3A_73 = arith.constant 0 : i32
    %dma_wait3A_74 = tpu.memref_slice %arg14[%dma_wait3A_72, %dma_wait3A_73] : memref<14x16xf32, #tpu.memory_space<vmem>> -> memref<4x8xf32, #tpu.memory_space<vmem>>
    %dma_wait3A_75 = arith.constant 0 : i32
    %dma_wait3A_76 = arith.constant 0 : i32
    %dma_wait3A_77 = tpu.memref_slice %arg14[%dma_wait3A_75, %dma_wait3A_76] : memref<14x16xf32, #tpu.memory_space<vmem>> -> memref<4x8xf32, #tpu.memory_space<vmem>>
    tpu.wait_dma2 semaphore(%arg25 : memref<!tpu.dma_semaphore, #tpu.memory_space<semaphore_mem>>) src(%arg4 : memref<4x8xf32, #tpu.memory_space<hbm>>) dst(%dma_wait3A_77 : memref<4x8xf32, #tpu.memory_space<vmem>>)
    %dma_wait3A_78 = arith.constant 4 : i32
    %dma_wait3A_79 = arith.constant 0 : i32
    %dma_wait3A_80 = tpu.memref_slice %arg14[%dma_wait3A_78, %dma_wait3A_79] : memref<14x16xf32, #tpu.memory_space<vmem>> -> memref<1x8xf32, #tpu.memory_space<vmem>>
    %dma_wait3A_81 = tpu.memref_squeeze %dma_wait3A_80 : memref<1x8xf32, #tpu.memory_space<vmem>> -> memref<8xf32, #tpu.memory_space<vmem>>
    %dma_wait3A_82 = arith.constant 0 : i32
    %dma_wait3A_83 = tpu.memref_slice %arg14[%dma_wait3A_78, %dma_wait3A_82] : memref<14x16xf32, #tpu.memory_space<vmem>> -> memref<1x8xf32, #tpu.memory_space<vmem>>
    %dma_wait3A_84 = tpu.memref_squeeze %dma_wait3A_83 : memref<1x8xf32, #tpu.memory_space<vmem>> -> memref<8xf32, #tpu.memory_space<vmem>>
    tpu.wait_dma2 semaphore(%arg25 : memref<!tpu.dma_semaphore, #tpu.memory_space<semaphore_mem>>) src(%arg5 : memref<8xf32, #tpu.memory_space<hbm>>) dst(%dma_wait3A_84 : memref<8xf32, #tpu.memory_space<vmem>>)
    %dma_wait3A_85 = arith.constant 5 : i32
    %dma_wait3A_86 = arith.constant 0 : i32
    %dma_wait3A_87 = tpu.memref_slice %arg14[%dma_wait3A_85, %dma_wait3A_86] : memref<14x16xf32, #tpu.memory_space<vmem>> -> memref<8x8xf32, #tpu.memory_space<vmem>>
    %dma_wait3A_88 = arith.constant 5 : i32
    %dma_wait3A_89 = arith.constant 0 : i32
    %dma_wait3A_90 = tpu.memref_slice %arg14[%dma_wait3A_88, %dma_wait3A_89] : memref<14x16xf32, #tpu.memory_space<vmem>> -> memref<8x8xf32, #tpu.memory_space<vmem>>
    tpu.wait_dma2 semaphore(%arg25 : memref<!tpu.dma_semaphore, #tpu.memory_space<semaphore_mem>>) src(%arg6 : memref<8x8xf32, #tpu.memory_space<hbm>>) dst(%dma_wait3A_90 : memref<8x8xf32, #tpu.memory_space<vmem>>)
    %dma_wait3A_91 = arith.constant 13 : i32
    %dma_wait3A_92 = arith.constant 0 : i32
    %dma_wait3A_93 = tpu.memref_slice %arg14[%dma_wait3A_91, %dma_wait3A_92] : memref<14x16xf32, #tpu.memory_space<vmem>> -> memref<1x8xf32, #tpu.memory_space<vmem>>
    %dma_wait3A_94 = tpu.memref_squeeze %dma_wait3A_93 : memref<1x8xf32, #tpu.memory_space<vmem>> -> memref<8xf32, #tpu.memory_space<vmem>>
    %dma_wait3A_95 = arith.constant 0 : i32
    %dma_wait3A_96 = tpu.memref_slice %arg14[%dma_wait3A_91, %dma_wait3A_95] : memref<14x16xf32, #tpu.memory_space<vmem>> -> memref<1x8xf32, #tpu.memory_space<vmem>>
    %dma_wait3A_97 = tpu.memref_squeeze %dma_wait3A_96 : memref<1x8xf32, #tpu.memory_space<vmem>> -> memref<8xf32, #tpu.memory_space<vmem>>
    tpu.wait_dma2 semaphore(%arg25 : memref<!tpu.dma_semaphore, #tpu.memory_space<semaphore_mem>>) src(%arg7 : memref<8xf32, #tpu.memory_space<hbm>>) dst(%dma_wait3A_97 : memref<8xf32, #tpu.memory_space<vmem>>)
    "tpu.region"() ({
      %run_scoped3A = tpu.sem_alloc : memref<!tpu.dma_semaphore, #tpu.memory_space<semaphore_mem>>
      %dma_start3A_955 = arith.constant 0 : i32
      %dma_start3A_956 = tpu.memref_slice %arg24[%mul3A_0, %dma_start3A_955] : memref<1024x16xf32, #tpu.memory_space<vmem_shared>> -> memref<64x16xf32, #tpu.memory_space<vmem_shared>>
      %dma_start3A_957 = arith.constant 0 : i32
      %dma_start3A_958 = tpu.memref_slice %arg24[%mul3A_0, %dma_start3A_957] : memref<1024x16xf32, #tpu.memory_space<vmem_shared>> -> memref<64x16xf32, #tpu.memory_space<vmem_shared>>
      tpu.enqueue_dma source(%arg12 : memref<64x16xf32, #tpu.memory_space<vmem>>) target(%dma_start3A_958 : memref<64x16xf32, #tpu.memory_space<vmem_shared>>) target_semaphore(%run_scoped3A : memref<!tpu.dma_semaphore, #tpu.memory_space<semaphore_mem>>)
      %dma_wait3A_959 = arith.constant 0 : i32
      %dma_wait3A_960 = tpu.memref_slice %arg24[%mul3A_0, %dma_wait3A_959] : memref<1024x16xf32, #tpu.memory_space<vmem_shared>> -> memref<64x16xf32, #tpu.memory_space<vmem_shared>>
      %dma_wait3A_961 = arith.constant 0 : i32
      %dma_wait3A_962 = tpu.memref_slice %arg24[%mul3A_0, %dma_wait3A_961] : memref<1024x16xf32, #tpu.memory_space<vmem_shared>> -> memref<64x16xf32, #tpu.memory_space<vmem_shared>>
      tpu.wait_dma2 semaphore(%run_scoped3A : memref<!tpu.dma_semaphore, #tpu.memory_space<semaphore_mem>>) src(%arg12 : memref<64x16xf32, #tpu.memory_space<vmem>>) dst(%dma_wait3A_962 : memref<64x16xf32, #tpu.memory_space<vmem_shared>>)
      tpu.yield
    }) : () -> ()
    %barrier3A = arith.constant 0 : index
    tpu.barrier barrier_id(%barrier3A)
    "tpu.trace_stop"() : () -> ()
    "tpu.trace_start"() <{level = 10 : i32, message = "deg_mac"}> : () -> ()
    %dma_start3A_98 = arith.constant 0 : i32
    %dma_start3A_99 = tpu.memref_slice %arg10[%dma_start3A_98] : memref<4096xi32, #tpu.memory_space<vmem>> -> memref<64xi32, #tpu.memory_space<vmem>>
    %dma_start3A_100 = arith.constant 0 : i32
    %dma_start3A_101 = arith.constant 0 : i32
    %dma_start3A_102 = tpu.memref_slice %arg24[%dma_start3A_100, %dma_start3A_101] : memref<1024x16xf32, #tpu.memory_space<vmem_shared>> -> memref<1024x16xf32, #tpu.memory_space<vmem_shared>>
    tpu.enqueue_indirect_dma source(%arg12 : memref<64x16xf32, #tpu.memory_space<vmem>>) target(%dma_start3A_102 : memref<1024x16xf32, #tpu.memory_space<vmem_shared>>) offsets(%dma_start3A_99 : memref<64xi32, #tpu.memory_space<vmem>>) semaphore(%arg26 : memref<!tpu.dma_semaphore, #tpu.memory_space<semaphore_mem>>) {add = true}
    %dma_start3A_103 = arith.constant 64 : i32
    %dma_start3A_104 = tpu.memref_slice %arg10[%dma_start3A_103] : memref<4096xi32, #tpu.memory_space<vmem>> -> memref<64xi32, #tpu.memory_space<vmem>>
    %dma_start3A_105 = arith.constant 0 : i32
    %dma_start3A_106 = arith.constant 0 : i32
    %dma_start3A_107 = tpu.memref_slice %arg24[%dma_start3A_105, %dma_start3A_106] : memref<1024x16xf32, #tpu.memory_space<vmem_shared>> -> memref<1024x16xf32, #tpu.memory_space<vmem_shared>>
    tpu.enqueue_indirect_dma source(%arg12 : memref<64x16xf32, #tpu.memory_space<vmem>>) target(%dma_start3A_107 : memref<1024x16xf32, #tpu.memory_space<vmem_shared>>) offsets(%dma_start3A_104 : memref<64xi32, #tpu.memory_space<vmem>>) semaphore(%arg26 : memref<!tpu.dma_semaphore, #tpu.memory_space<semaphore_mem>>) {add = true}
    %dma_start3A_108 = arith.constant 128 : i32
    %dma_start3A_109 = tpu.memref_slice %arg10[%dma_start3A_108] : memref<4096xi32, #tpu.memory_space<vmem>> -> memref<64xi32, #tpu.memory_space<vmem>>
    %dma_start3A_110 = arith.constant 0 : i32
    %dma_start3A_111 = arith.constant 0 : i32
    %dma_start3A_112 = tpu.memref_slice %arg24[%dma_start3A_110, %dma_start3A_111] : memref<1024x16xf32, #tpu.memory_space<vmem_shared>> -> memref<1024x16xf32, #tpu.memory_space<vmem_shared>>
    tpu.enqueue_indirect_dma source(%arg12 : memref<64x16xf32, #tpu.memory_space<vmem>>) target(%dma_start3A_112 : memref<1024x16xf32, #tpu.memory_space<vmem_shared>>) offsets(%dma_start3A_109 : memref<64xi32, #tpu.memory_space<vmem>>) semaphore(%arg26 : memref<!tpu.dma_semaphore, #tpu.memory_space<semaphore_mem>>) {add = true}
    %dma_start3A_113 = arith.constant 192 : i32
    %dma_start3A_114 = tpu.memref_slice %arg10[%dma_start3A_113] : memref<4096xi32, #tpu.memory_space<vmem>> -> memref<64xi32, #tpu.memory_space<vmem>>
    %dma_start3A_115 = arith.constant 0 : i32
    %dma_start3A_116 = arith.constant 0 : i32
    %dma_start3A_117 = tpu.memref_slice %arg24[%dma_start3A_115, %dma_start3A_116] : memref<1024x16xf32, #tpu.memory_space<vmem_shared>> -> memref<1024x16xf32, #tpu.memory_space<vmem_shared>>
    tpu.enqueue_indirect_dma source(%arg12 : memref<64x16xf32, #tpu.memory_space<vmem>>) target(%dma_start3A_117 : memref<1024x16xf32, #tpu.memory_space<vmem_shared>>) offsets(%dma_start3A_114 : memref<64xi32, #tpu.memory_space<vmem>>) semaphore(%arg26 : memref<!tpu.dma_semaphore, #tpu.memory_space<semaphore_mem>>) {add = true}
    %dma_start3A_118 = arith.constant 256 : i32
    %dma_start3A_119 = tpu.memref_slice %arg10[%dma_start3A_118] : memref<4096xi32, #tpu.memory_space<vmem>> -> memref<64xi32, #tpu.memory_space<vmem>>
    %dma_start3A_120 = arith.constant 0 : i32
    %dma_start3A_121 = arith.constant 0 : i32
    %dma_start3A_122 = tpu.memref_slice %arg24[%dma_start3A_120, %dma_start3A_121] : memref<1024x16xf32, #tpu.memory_space<vmem_shared>> -> memref<1024x16xf32, #tpu.memory_space<vmem_shared>>
    tpu.enqueue_indirect_dma source(%arg12 : memref<64x16xf32, #tpu.memory_space<vmem>>) target(%dma_start3A_122 : memref<1024x16xf32, #tpu.memory_space<vmem_shared>>) offsets(%dma_start3A_119 : memref<64xi32, #tpu.memory_space<vmem>>) semaphore(%arg26 : memref<!tpu.dma_semaphore, #tpu.memory_space<semaphore_mem>>) {add = true}
    %dma_start3A_123 = arith.constant 320 : i32
    %dma_start3A_124 = tpu.memref_slice %arg10[%dma_start3A_123] : memref<4096xi32, #tpu.memory_space<vmem>> -> memref<64xi32, #tpu.memory_space<vmem>>
    %dma_start3A_125 = arith.constant 0 : i32
    %dma_start3A_126 = arith.constant 0 : i32
    %dma_start3A_127 = tpu.memref_slice %arg24[%dma_start3A_125, %dma_start3A_126] : memref<1024x16xf32, #tpu.memory_space<vmem_shared>> -> memref<1024x16xf32, #tpu.memory_space<vmem_shared>>
    tpu.enqueue_indirect_dma source(%arg12 : memref<64x16xf32, #tpu.memory_space<vmem>>) target(%dma_start3A_127 : memref<1024x16xf32, #tpu.memory_space<vmem_shared>>) offsets(%dma_start3A_124 : memref<64xi32, #tpu.memory_space<vmem>>) semaphore(%arg26 : memref<!tpu.dma_semaphore, #tpu.memory_space<semaphore_mem>>) {add = true}
    %dma_start3A_128 = arith.constant 384 : i32
    %dma_start3A_129 = tpu.memref_slice %arg10[%dma_start3A_128] : memref<4096xi32, #tpu.memory_space<vmem>> -> memref<64xi32, #tpu.memory_space<vmem>>
    %dma_start3A_130 = arith.constant 0 : i32
    %dma_start3A_131 = arith.constant 0 : i32
    %dma_start3A_132 = tpu.memref_slice %arg24[%dma_start3A_130, %dma_start3A_131] : memref<1024x16xf32, #tpu.memory_space<vmem_shared>> -> memref<1024x16xf32, #tpu.memory_space<vmem_shared>>
    tpu.enqueue_indirect_dma source(%arg12 : memref<64x16xf32, #tpu.memory_space<vmem>>) target(%dma_start3A_132 : memref<1024x16xf32, #tpu.memory_space<vmem_shared>>) offsets(%dma_start3A_129 : memref<64xi32, #tpu.memory_space<vmem>>) semaphore(%arg26 : memref<!tpu.dma_semaphore, #tpu.memory_space<semaphore_mem>>) {add = true}
    %dma_start3A_133 = arith.constant 448 : i32
    %dma_start3A_134 = tpu.memref_slice %arg10[%dma_start3A_133] : memref<4096xi32, #tpu.memory_space<vmem>> -> memref<64xi32, #tpu.memory_space<vmem>>
    %dma_start3A_135 = arith.constant 0 : i32
    %dma_start3A_136 = arith.constant 0 : i32
    %dma_start3A_137 = tpu.memref_slice %arg24[%dma_start3A_135, %dma_start3A_136] : memref<1024x16xf32, #tpu.memory_space<vmem_shared>> -> memref<1024x16xf32, #tpu.memory_space<vmem_shared>>
    tpu.enqueue_indirect_dma source(%arg12 : memref<64x16xf32, #tpu.memory_space<vmem>>) target(%dma_start3A_137 : memref<1024x16xf32, #tpu.memory_space<vmem_shared>>) offsets(%dma_start3A_134 : memref<64xi32, #tpu.memory_space<vmem>>) semaphore(%arg26 : memref<!tpu.dma_semaphore, #tpu.memory_space<semaphore_mem>>) {add = true}
    %dma_start3A_138 = arith.constant 512 : i32
    %dma_start3A_139 = tpu.memref_slice %arg10[%dma_start3A_138] : memref<4096xi32, #tpu.memory_space<vmem>> -> memref<64xi32, #tpu.memory_space<vmem>>
    %dma_start3A_140 = arith.constant 0 : i32
    %dma_start3A_141 = arith.constant 0 : i32
    %dma_start3A_142 = tpu.memref_slice %arg24[%dma_start3A_140, %dma_start3A_141] : memref<1024x16xf32, #tpu.memory_space<vmem_shared>> -> memref<1024x16xf32, #tpu.memory_space<vmem_shared>>
    tpu.enqueue_indirect_dma source(%arg12 : memref<64x16xf32, #tpu.memory_space<vmem>>) target(%dma_start3A_142 : memref<1024x16xf32, #tpu.memory_space<vmem_shared>>) offsets(%dma_start3A_139 : memref<64xi32, #tpu.memory_space<vmem>>) semaphore(%arg26 : memref<!tpu.dma_semaphore, #tpu.memory_space<semaphore_mem>>) {add = true}
    %dma_start3A_143 = arith.constant 576 : i32
    %dma_start3A_144 = tpu.memref_slice %arg10[%dma_start3A_143] : memref<4096xi32, #tpu.memory_space<vmem>> -> memref<64xi32, #tpu.memory_space<vmem>>
    %dma_start3A_145 = arith.constant 0 : i32
    %dma_start3A_146 = arith.constant 0 : i32
    %dma_start3A_147 = tpu.memref_slice %arg24[%dma_start3A_145, %dma_start3A_146] : memref<1024x16xf32, #tpu.memory_space<vmem_shared>> -> memref<1024x16xf32, #tpu.memory_space<vmem_shared>>
    tpu.enqueue_indirect_dma source(%arg12 : memref<64x16xf32, #tpu.memory_space<vmem>>) target(%dma_start3A_147 : memref<1024x16xf32, #tpu.memory_space<vmem_shared>>) offsets(%dma_start3A_144 : memref<64xi32, #tpu.memory_space<vmem>>) semaphore(%arg26 : memref<!tpu.dma_semaphore, #tpu.memory_space<semaphore_mem>>) {add = true}
    %dma_start3A_148 = arith.constant 640 : i32
    %dma_start3A_149 = tpu.memref_slice %arg10[%dma_start3A_148] : memref<4096xi32, #tpu.memory_space<vmem>> -> memref<64xi32, #tpu.memory_space<vmem>>
    %dma_start3A_150 = arith.constant 0 : i32
    %dma_start3A_151 = arith.constant 0 : i32
    %dma_start3A_152 = tpu.memref_slice %arg24[%dma_start3A_150, %dma_start3A_151] : memref<1024x16xf32, #tpu.memory_space<vmem_shared>> -> memref<1024x16xf32, #tpu.memory_space<vmem_shared>>
    tpu.enqueue_indirect_dma source(%arg12 : memref<64x16xf32, #tpu.memory_space<vmem>>) target(%dma_start3A_152 : memref<1024x16xf32, #tpu.memory_space<vmem_shared>>) offsets(%dma_start3A_149 : memref<64xi32, #tpu.memory_space<vmem>>) semaphore(%arg26 : memref<!tpu.dma_semaphore, #tpu.memory_space<semaphore_mem>>) {add = true}
    %dma_start3A_153 = arith.constant 704 : i32
    %dma_start3A_154 = tpu.memref_slice %arg10[%dma_start3A_153] : memref<4096xi32, #tpu.memory_space<vmem>> -> memref<64xi32, #tpu.memory_space<vmem>>
    %dma_start3A_155 = arith.constant 0 : i32
    %dma_start3A_156 = arith.constant 0 : i32
    %dma_start3A_157 = tpu.memref_slice %arg24[%dma_start3A_155, %dma_start3A_156] : memref<1024x16xf32, #tpu.memory_space<vmem_shared>> -> memref<1024x16xf32, #tpu.memory_space<vmem_shared>>
    tpu.enqueue_indirect_dma source(%arg12 : memref<64x16xf32, #tpu.memory_space<vmem>>) target(%dma_start3A_157 : memref<1024x16xf32, #tpu.memory_space<vmem_shared>>) offsets(%dma_start3A_154 : memref<64xi32, #tpu.memory_space<vmem>>) semaphore(%arg26 : memref<!tpu.dma_semaphore, #tpu.memory_space<semaphore_mem>>) {add = true}
    %dma_start3A_158 = arith.constant 768 : i32
    %dma_start3A_159 = tpu.memref_slice %arg10[%dma_start3A_158] : memref<4096xi32, #tpu.memory_space<vmem>> -> memref<64xi32, #tpu.memory_space<vmem>>
    %dma_start3A_160 = arith.constant 0 : i32
    %dma_start3A_161 = arith.constant 0 : i32
    %dma_start3A_162 = tpu.memref_slice %arg24[%dma_start3A_160, %dma_start3A_161] : memref<1024x16xf32, #tpu.memory_space<vmem_shared>> -> memref<1024x16xf32, #tpu.memory_space<vmem_shared>>
    tpu.enqueue_indirect_dma source(%arg12 : memref<64x16xf32, #tpu.memory_space<vmem>>) target(%dma_start3A_162 : memref<1024x16xf32, #tpu.memory_space<vmem_shared>>) offsets(%dma_start3A_159 : memref<64xi32, #tpu.memory_space<vmem>>) semaphore(%arg26 : memref<!tpu.dma_semaphore, #tpu.memory_space<semaphore_mem>>) {add = true}
    %dma_start3A_163 = arith.constant 832 : i32
    %dma_start3A_164 = tpu.memref_slice %arg10[%dma_start3A_163] : memref<4096xi32, #tpu.memory_space<vmem>> -> memref<64xi32, #tpu.memory_space<vmem>>
    %dma_start3A_165 = arith.constant 0 : i32
    %dma_start3A_166 = arith.constant 0 : i32
    %dma_start3A_167 = tpu.memref_slice %arg24[%dma_start3A_165, %dma_start3A_166] : memref<1024x16xf32, #tpu.memory_space<vmem_shared>> -> memref<1024x16xf32, #tpu.memory_space<vmem_shared>>
    tpu.enqueue_indirect_dma source(%arg12 : memref<64x16xf32, #tpu.memory_space<vmem>>) target(%dma_start3A_167 : memref<1024x16xf32, #tpu.memory_space<vmem_shared>>) offsets(%dma_start3A_164 : memref<64xi32, #tpu.memory_space<vmem>>) semaphore(%arg26 : memref<!tpu.dma_semaphore, #tpu.memory_space<semaphore_mem>>) {add = true}
    %dma_start3A_168 = arith.constant 896 : i32
    %dma_start3A_169 = tpu.memref_slice %arg10[%dma_start3A_168] : memref<4096xi32, #tpu.memory_space<vmem>> -> memref<64xi32, #tpu.memory_space<vmem>>
    %dma_start3A_170 = arith.constant 0 : i32
    %dma_start3A_171 = arith.constant 0 : i32
    %dma_start3A_172 = tpu.memref_slice %arg24[%dma_start3A_170, %dma_start3A_171] : memref<1024x16xf32, #tpu.memory_space<vmem_shared>> -> memref<1024x16xf32, #tpu.memory_space<vmem_shared>>
    tpu.enqueue_indirect_dma source(%arg12 : memref<64x16xf32, #tpu.memory_space<vmem>>) target(%dma_start3A_172 : memref<1024x16xf32, #tpu.memory_space<vmem_shared>>) offsets(%dma_start3A_169 : memref<64xi32, #tpu.memory_space<vmem>>) semaphore(%arg26 : memref<!tpu.dma_semaphore, #tpu.memory_space<semaphore_mem>>) {add = true}
    %dma_start3A_173 = arith.constant 960 : i32
    %dma_start3A_174 = tpu.memref_slice %arg10[%dma_start3A_173] : memref<4096xi32, #tpu.memory_space<vmem>> -> memref<64xi32, #tpu.memory_space<vmem>>
    %dma_start3A_175 = arith.constant 0 : i32
    %dma_start3A_176 = arith.constant 0 : i32
    %dma_start3A_177 = tpu.memref_slice %arg24[%dma_start3A_175, %dma_start3A_176] : memref<1024x16xf32, #tpu.memory_space<vmem_shared>> -> memref<1024x16xf32, #tpu.memory_space<vmem_shared>>
    tpu.enqueue_indirect_dma source(%arg12 : memref<64x16xf32, #tpu.memory_space<vmem>>) target(%dma_start3A_177 : memref<1024x16xf32, #tpu.memory_space<vmem_shared>>) offsets(%dma_start3A_174 : memref<64xi32, #tpu.memory_space<vmem>>) semaphore(%arg26 : memref<!tpu.dma_semaphore, #tpu.memory_space<semaphore_mem>>) {add = true}
    %dma_start3A_178 = arith.constant 1024 : i32
    %dma_start3A_179 = tpu.memref_slice %arg10[%dma_start3A_178] : memref<4096xi32, #tpu.memory_space<vmem>> -> memref<64xi32, #tpu.memory_space<vmem>>
    %dma_start3A_180 = arith.constant 0 : i32
    %dma_start3A_181 = arith.constant 0 : i32
    %dma_start3A_182 = tpu.memref_slice %arg24[%dma_start3A_180, %dma_start3A_181] : memref<1024x16xf32, #tpu.memory_space<vmem_shared>> -> memref<1024x16xf32, #tpu.memory_space<vmem_shared>>
    tpu.enqueue_indirect_dma source(%arg12 : memref<64x16xf32, #tpu.memory_space<vmem>>) target(%dma_start3A_182 : memref<1024x16xf32, #tpu.memory_space<vmem_shared>>) offsets(%dma_start3A_179 : memref<64xi32, #tpu.memory_space<vmem>>) semaphore(%arg26 : memref<!tpu.dma_semaphore, #tpu.memory_space<semaphore_mem>>) {add = true}
    %dma_start3A_183 = arith.constant 1088 : i32
    %dma_start3A_184 = tpu.memref_slice %arg10[%dma_start3A_183] : memref<4096xi32, #tpu.memory_space<vmem>> -> memref<64xi32, #tpu.memory_space<vmem>>
    %dma_start3A_185 = arith.constant 0 : i32
    %dma_start3A_186 = arith.constant 0 : i32
    %dma_start3A_187 = tpu.memref_slice %arg24[%dma_start3A_185, %dma_start3A_186] : memref<1024x16xf32, #tpu.memory_space<vmem_shared>> -> memref<1024x16xf32, #tpu.memory_space<vmem_shared>>
    tpu.enqueue_indirect_dma source(%arg12 : memref<64x16xf32, #tpu.memory_space<vmem>>) target(%dma_start3A_187 : memref<1024x16xf32, #tpu.memory_space<vmem_shared>>) offsets(%dma_start3A_184 : memref<64xi32, #tpu.memory_space<vmem>>) semaphore(%arg26 : memref<!tpu.dma_semaphore, #tpu.memory_space<semaphore_mem>>) {add = true}
    %dma_start3A_188 = arith.constant 1152 : i32
    %dma_start3A_189 = tpu.memref_slice %arg10[%dma_start3A_188] : memref<4096xi32, #tpu.memory_space<vmem>> -> memref<64xi32, #tpu.memory_space<vmem>>
    %dma_start3A_190 = arith.constant 0 : i32
    %dma_start3A_191 = arith.constant 0 : i32
    %dma_start3A_192 = tpu.memref_slice %arg24[%dma_start3A_190, %dma_start3A_191] : memref<1024x16xf32, #tpu.memory_space<vmem_shared>> -> memref<1024x16xf32, #tpu.memory_space<vmem_shared>>
    tpu.enqueue_indirect_dma source(%arg12 : memref<64x16xf32, #tpu.memory_space<vmem>>) target(%dma_start3A_192 : memref<1024x16xf32, #tpu.memory_space<vmem_shared>>) offsets(%dma_start3A_189 : memref<64xi32, #tpu.memory_space<vmem>>) semaphore(%arg26 : memref<!tpu.dma_semaphore, #tpu.memory_space<semaphore_mem>>) {add = true}
    %dma_start3A_193 = arith.constant 1216 : i32
    %dma_start3A_194 = tpu.memref_slice %arg10[%dma_start3A_193] : memref<4096xi32, #tpu.memory_space<vmem>> -> memref<64xi32, #tpu.memory_space<vmem>>
    %dma_start3A_195 = arith.constant 0 : i32
    %dma_start3A_196 = arith.constant 0 : i32
    %dma_start3A_197 = tpu.memref_slice %arg24[%dma_start3A_195, %dma_start3A_196] : memref<1024x16xf32, #tpu.memory_space<vmem_shared>> -> memref<1024x16xf32, #tpu.memory_space<vmem_shared>>
    tpu.enqueue_indirect_dma source(%arg12 : memref<64x16xf32, #tpu.memory_space<vmem>>) target(%dma_start3A_197 : memref<1024x16xf32, #tpu.memory_space<vmem_shared>>) offsets(%dma_start3A_194 : memref<64xi32, #tpu.memory_space<vmem>>) semaphore(%arg26 : memref<!tpu.dma_semaphore, #tpu.memory_space<semaphore_mem>>) {add = true}
    %dma_start3A_198 = arith.constant 1280 : i32
    %dma_start3A_199 = tpu.memref_slice %arg10[%dma_start3A_198] : memref<4096xi32, #tpu.memory_space<vmem>> -> memref<64xi32, #tpu.memory_space<vmem>>
    %dma_start3A_200 = arith.constant 0 : i32
    %dma_start3A_201 = arith.constant 0 : i32
    %dma_start3A_202 = tpu.memref_slice %arg24[%dma_start3A_200, %dma_start3A_201] : memref<1024x16xf32, #tpu.memory_space<vmem_shared>> -> memref<1024x16xf32, #tpu.memory_space<vmem_shared>>
    tpu.enqueue_indirect_dma source(%arg12 : memref<64x16xf32, #tpu.memory_space<vmem>>) target(%dma_start3A_202 : memref<1024x16xf32, #tpu.memory_space<vmem_shared>>) offsets(%dma_start3A_199 : memref<64xi32, #tpu.memory_space<vmem>>) semaphore(%arg26 : memref<!tpu.dma_semaphore, #tpu.memory_space<semaphore_mem>>) {add = true}
    %dma_start3A_203 = arith.constant 1344 : i32
    %dma_start3A_204 = tpu.memref_slice %arg10[%dma_start3A_203] : memref<4096xi32, #tpu.memory_space<vmem>> -> memref<64xi32, #tpu.memory_space<vmem>>
    %dma_start3A_205 = arith.constant 0 : i32
    %dma_start3A_206 = arith.constant 0 : i32
    %dma_start3A_207 = tpu.memref_slice %arg24[%dma_start3A_205, %dma_start3A_206] : memref<1024x16xf32, #tpu.memory_space<vmem_shared>> -> memref<1024x16xf32, #tpu.memory_space<vmem_shared>>
    tpu.enqueue_indirect_dma source(%arg12 : memref<64x16xf32, #tpu.memory_space<vmem>>) target(%dma_start3A_207 : memref<1024x16xf32, #tpu.memory_space<vmem_shared>>) offsets(%dma_start3A_204 : memref<64xi32, #tpu.memory_space<vmem>>) semaphore(%arg26 : memref<!tpu.dma_semaphore, #tpu.memory_space<semaphore_mem>>) {add = true}
    %dma_start3A_208 = arith.constant 1408 : i32
    %dma_start3A_209 = tpu.memref_slice %arg10[%dma_start3A_208] : memref<4096xi32, #tpu.memory_space<vmem>> -> memref<64xi32, #tpu.memory_space<vmem>>
    %dma_start3A_210 = arith.constant 0 : i32
    %dma_start3A_211 = arith.constant 0 : i32
    %dma_start3A_212 = tpu.memref_slice %arg24[%dma_start3A_210, %dma_start3A_211] : memref<1024x16xf32, #tpu.memory_space<vmem_shared>> -> memref<1024x16xf32, #tpu.memory_space<vmem_shared>>
    tpu.enqueue_indirect_dma source(%arg12 : memref<64x16xf32, #tpu.memory_space<vmem>>) target(%dma_start3A_212 : memref<1024x16xf32, #tpu.memory_space<vmem_shared>>) offsets(%dma_start3A_209 : memref<64xi32, #tpu.memory_space<vmem>>) semaphore(%arg26 : memref<!tpu.dma_semaphore, #tpu.memory_space<semaphore_mem>>) {add = true}
    %dma_start3A_213 = arith.constant 1472 : i32
    %dma_start3A_214 = tpu.memref_slice %arg10[%dma_start3A_213] : memref<4096xi32, #tpu.memory_space<vmem>> -> memref<64xi32, #tpu.memory_space<vmem>>
    %dma_start3A_215 = arith.constant 0 : i32
    %dma_start3A_216 = arith.constant 0 : i32
    %dma_start3A_217 = tpu.memref_slice %arg24[%dma_start3A_215, %dma_start3A_216] : memref<1024x16xf32, #tpu.memory_space<vmem_shared>> -> memref<1024x16xf32, #tpu.memory_space<vmem_shared>>
    tpu.enqueue_indirect_dma source(%arg12 : memref<64x16xf32, #tpu.memory_space<vmem>>) target(%dma_start3A_217 : memref<1024x16xf32, #tpu.memory_space<vmem_shared>>) offsets(%dma_start3A_214 : memref<64xi32, #tpu.memory_space<vmem>>) semaphore(%arg26 : memref<!tpu.dma_semaphore, #tpu.memory_space<semaphore_mem>>) {add = true}
    %dma_start3A_218 = arith.constant 1536 : i32
    %dma_start3A_219 = tpu.memref_slice %arg10[%dma_start3A_218] : memref<4096xi32, #tpu.memory_space<vmem>> -> memref<64xi32, #tpu.memory_space<vmem>>
    %dma_start3A_220 = arith.constant 0 : i32
    %dma_start3A_221 = arith.constant 0 : i32
    %dma_start3A_222 = tpu.memref_slice %arg24[%dma_start3A_220, %dma_start3A_221] : memref<1024x16xf32, #tpu.memory_space<vmem_shared>> -> memref<1024x16xf32, #tpu.memory_space<vmem_shared>>
    tpu.enqueue_indirect_dma source(%arg12 : memref<64x16xf32, #tpu.memory_space<vmem>>) target(%dma_start3A_222 : memref<1024x16xf32, #tpu.memory_space<vmem_shared>>) offsets(%dma_start3A_219 : memref<64xi32, #tpu.memory_space<vmem>>) semaphore(%arg26 : memref<!tpu.dma_semaphore, #tpu.memory_space<semaphore_mem>>) {add = true}
    %dma_start3A_223 = arith.constant 1600 : i32
    %dma_start3A_224 = tpu.memref_slice %arg10[%dma_start3A_223] : memref<4096xi32, #tpu.memory_space<vmem>> -> memref<64xi32, #tpu.memory_space<vmem>>
    %dma_start3A_225 = arith.constant 0 : i32
    %dma_start3A_226 = arith.constant 0 : i32
    %dma_start3A_227 = tpu.memref_slice %arg24[%dma_start3A_225, %dma_start3A_226] : memref<1024x16xf32, #tpu.memory_space<vmem_shared>> -> memref<1024x16xf32, #tpu.memory_space<vmem_shared>>
    tpu.enqueue_indirect_dma source(%arg12 : memref<64x16xf32, #tpu.memory_space<vmem>>) target(%dma_start3A_227 : memref<1024x16xf32, #tpu.memory_space<vmem_shared>>) offsets(%dma_start3A_224 : memref<64xi32, #tpu.memory_space<vmem>>) semaphore(%arg26 : memref<!tpu.dma_semaphore, #tpu.memory_space<semaphore_mem>>) {add = true}
    %dma_start3A_228 = arith.constant 1664 : i32
    %dma_start3A_229 = tpu.memref_slice %arg10[%dma_start3A_228] : memref<4096xi32, #tpu.memory_space<vmem>> -> memref<64xi32, #tpu.memory_space<vmem>>
    %dma_start3A_230 = arith.constant 0 : i32
    %dma_start3A_231 = arith.constant 0 : i32
    %dma_start3A_232 = tpu.memref_slice %arg24[%dma_start3A_230, %dma_start3A_231] : memref<1024x16xf32, #tpu.memory_space<vmem_shared>> -> memref<1024x16xf32, #tpu.memory_space<vmem_shared>>
    tpu.enqueue_indirect_dma source(%arg12 : memref<64x16xf32, #tpu.memory_space<vmem>>) target(%dma_start3A_232 : memref<1024x16xf32, #tpu.memory_space<vmem_shared>>) offsets(%dma_start3A_229 : memref<64xi32, #tpu.memory_space<vmem>>) semaphore(%arg26 : memref<!tpu.dma_semaphore, #tpu.memory_space<semaphore_mem>>) {add = true}
    %dma_start3A_233 = arith.constant 1728 : i32
    %dma_start3A_234 = tpu.memref_slice %arg10[%dma_start3A_233] : memref<4096xi32, #tpu.memory_space<vmem>> -> memref<64xi32, #tpu.memory_space<vmem>>
    %dma_start3A_235 = arith.constant 0 : i32
    %dma_start3A_236 = arith.constant 0 : i32
    %dma_start3A_237 = tpu.memref_slice %arg24[%dma_start3A_235, %dma_start3A_236] : memref<1024x16xf32, #tpu.memory_space<vmem_shared>> -> memref<1024x16xf32, #tpu.memory_space<vmem_shared>>
    tpu.enqueue_indirect_dma source(%arg12 : memref<64x16xf32, #tpu.memory_space<vmem>>) target(%dma_start3A_237 : memref<1024x16xf32, #tpu.memory_space<vmem_shared>>) offsets(%dma_start3A_234 : memref<64xi32, #tpu.memory_space<vmem>>) semaphore(%arg26 : memref<!tpu.dma_semaphore, #tpu.memory_space<semaphore_mem>>) {add = true}
    %dma_start3A_238 = arith.constant 1792 : i32
    %dma_start3A_239 = tpu.memref_slice %arg10[%dma_start3A_238] : memref<4096xi32, #tpu.memory_space<vmem>> -> memref<64xi32, #tpu.memory_space<vmem>>
    %dma_start3A_240 = arith.constant 0 : i32
    %dma_start3A_241 = arith.constant 0 : i32
    %dma_start3A_242 = tpu.memref_slice %arg24[%dma_start3A_240, %dma_start3A_241] : memref<1024x16xf32, #tpu.memory_space<vmem_shared>> -> memref<1024x16xf32, #tpu.memory_space<vmem_shared>>
    tpu.enqueue_indirect_dma source(%arg12 : memref<64x16xf32, #tpu.memory_space<vmem>>) target(%dma_start3A_242 : memref<1024x16xf32, #tpu.memory_space<vmem_shared>>) offsets(%dma_start3A_239 : memref<64xi32, #tpu.memory_space<vmem>>) semaphore(%arg26 : memref<!tpu.dma_semaphore, #tpu.memory_space<semaphore_mem>>) {add = true}
    %dma_start3A_243 = arith.constant 1856 : i32
    %dma_start3A_244 = tpu.memref_slice %arg10[%dma_start3A_243] : memref<4096xi32, #tpu.memory_space<vmem>> -> memref<64xi32, #tpu.memory_space<vmem>>
    %dma_start3A_245 = arith.constant 0 : i32
    %dma_start3A_246 = arith.constant 0 : i32
    %dma_start3A_247 = tpu.memref_slice %arg24[%dma_start3A_245, %dma_start3A_246] : memref<1024x16xf32, #tpu.memory_space<vmem_shared>> -> memref<1024x16xf32, #tpu.memory_space<vmem_shared>>
    tpu.enqueue_indirect_dma source(%arg12 : memref<64x16xf32, #tpu.memory_space<vmem>>) target(%dma_start3A_247 : memref<1024x16xf32, #tpu.memory_space<vmem_shared>>) offsets(%dma_start3A_244 : memref<64xi32, #tpu.memory_space<vmem>>) semaphore(%arg26 : memref<!tpu.dma_semaphore, #tpu.memory_space<semaphore_mem>>) {add = true}
    %dma_start3A_248 = arith.constant 1920 : i32
    %dma_start3A_249 = tpu.memref_slice %arg10[%dma_start3A_248] : memref<4096xi32, #tpu.memory_space<vmem>> -> memref<64xi32, #tpu.memory_space<vmem>>
    %dma_start3A_250 = arith.constant 0 : i32
    %dma_start3A_251 = arith.constant 0 : i32
    %dma_start3A_252 = tpu.memref_slice %arg24[%dma_start3A_250, %dma_start3A_251] : memref<1024x16xf32, #tpu.memory_space<vmem_shared>> -> memref<1024x16xf32, #tpu.memory_space<vmem_shared>>
    tpu.enqueue_indirect_dma source(%arg12 : memref<64x16xf32, #tpu.memory_space<vmem>>) target(%dma_start3A_252 : memref<1024x16xf32, #tpu.memory_space<vmem_shared>>) offsets(%dma_start3A_249 : memref<64xi32, #tpu.memory_space<vmem>>) semaphore(%arg26 : memref<!tpu.dma_semaphore, #tpu.memory_space<semaphore_mem>>) {add = true}
    %dma_start3A_253 = arith.constant 1984 : i32
    %dma_start3A_254 = tpu.memref_slice %arg10[%dma_start3A_253] : memref<4096xi32, #tpu.memory_space<vmem>> -> memref<64xi32, #tpu.memory_space<vmem>>
    %dma_start3A_255 = arith.constant 0 : i32
    %dma_start3A_256 = arith.constant 0 : i32
    %dma_start3A_257 = tpu.memref_slice %arg24[%dma_start3A_255, %dma_start3A_256] : memref<1024x16xf32, #tpu.memory_space<vmem_shared>> -> memref<1024x16xf32, #tpu.memory_space<vmem_shared>>
    tpu.enqueue_indirect_dma source(%arg12 : memref<64x16xf32, #tpu.memory_space<vmem>>) target(%dma_start3A_257 : memref<1024x16xf32, #tpu.memory_space<vmem_shared>>) offsets(%dma_start3A_254 : memref<64xi32, #tpu.memory_space<vmem>>) semaphore(%arg26 : memref<!tpu.dma_semaphore, #tpu.memory_space<semaphore_mem>>) {add = true}
    %dma_start3A_258 = arith.constant 2048 : i32
    %dma_start3A_259 = tpu.memref_slice %arg10[%dma_start3A_258] : memref<4096xi32, #tpu.memory_space<vmem>> -> memref<64xi32, #tpu.memory_space<vmem>>
    %dma_start3A_260 = arith.constant 0 : i32
    %dma_start3A_261 = arith.constant 0 : i32
    %dma_start3A_262 = tpu.memref_slice %arg24[%dma_start3A_260, %dma_start3A_261] : memref<1024x16xf32, #tpu.memory_space<vmem_shared>> -> memref<1024x16xf32, #tpu.memory_space<vmem_shared>>
    tpu.enqueue_indirect_dma source(%arg12 : memref<64x16xf32, #tpu.memory_space<vmem>>) target(%dma_start3A_262 : memref<1024x16xf32, #tpu.memory_space<vmem_shared>>) offsets(%dma_start3A_259 : memref<64xi32, #tpu.memory_space<vmem>>) semaphore(%arg26 : memref<!tpu.dma_semaphore, #tpu.memory_space<semaphore_mem>>) {add = true}
    %dma_start3A_263 = arith.constant 2112 : i32
    %dma_start3A_264 = tpu.memref_slice %arg10[%dma_start3A_263] : memref<4096xi32, #tpu.memory_space<vmem>> -> memref<64xi32, #tpu.memory_space<vmem>>
    %dma_start3A_265 = arith.constant 0 : i32
    %dma_start3A_266 = arith.constant 0 : i32
    %dma_start3A_267 = tpu.memref_slice %arg24[%dma_start3A_265, %dma_start3A_266] : memref<1024x16xf32, #tpu.memory_space<vmem_shared>> -> memref<1024x16xf32, #tpu.memory_space<vmem_shared>>
    tpu.enqueue_indirect_dma source(%arg12 : memref<64x16xf32, #tpu.memory_space<vmem>>) target(%dma_start3A_267 : memref<1024x16xf32, #tpu.memory_space<vmem_shared>>) offsets(%dma_start3A_264 : memref<64xi32, #tpu.memory_space<vmem>>) semaphore(%arg26 : memref<!tpu.dma_semaphore, #tpu.memory_space<semaphore_mem>>) {add = true}
    %dma_start3A_268 = arith.constant 2176 : i32
    %dma_start3A_269 = tpu.memref_slice %arg10[%dma_start3A_268] : memref<4096xi32, #tpu.memory_space<vmem>> -> memref<64xi32, #tpu.memory_space<vmem>>
    %dma_start3A_270 = arith.constant 0 : i32
    %dma_start3A_271 = arith.constant 0 : i32
    %dma_start3A_272 = tpu.memref_slice %arg24[%dma_start3A_270, %dma_start3A_271] : memref<1024x16xf32, #tpu.memory_space<vmem_shared>> -> memref<1024x16xf32, #tpu.memory_space<vmem_shared>>
    tpu.enqueue_indirect_dma source(%arg12 : memref<64x16xf32, #tpu.memory_space<vmem>>) target(%dma_start3A_272 : memref<1024x16xf32, #tpu.memory_space<vmem_shared>>) offsets(%dma_start3A_269 : memref<64xi32, #tpu.memory_space<vmem>>) semaphore(%arg26 : memref<!tpu.dma_semaphore, #tpu.memory_space<semaphore_mem>>) {add = true}
    %dma_start3A_273 = arith.constant 2240 : i32
    %dma_start3A_274 = tpu.memref_slice %arg10[%dma_start3A_273] : memref<4096xi32, #tpu.memory_space<vmem>> -> memref<64xi32, #tpu.memory_space<vmem>>
    %dma_start3A_275 = arith.constant 0 : i32
    %dma_start3A_276 = arith.constant 0 : i32
    %dma_start3A_277 = tpu.memref_slice %arg24[%dma_start3A_275, %dma_start3A_276] : memref<1024x16xf32, #tpu.memory_space<vmem_shared>> -> memref<1024x16xf32, #tpu.memory_space<vmem_shared>>
    tpu.enqueue_indirect_dma source(%arg12 : memref<64x16xf32, #tpu.memory_space<vmem>>) target(%dma_start3A_277 : memref<1024x16xf32, #tpu.memory_space<vmem_shared>>) offsets(%dma_start3A_274 : memref<64xi32, #tpu.memory_space<vmem>>) semaphore(%arg26 : memref<!tpu.dma_semaphore, #tpu.memory_space<semaphore_mem>>) {add = true}
    %dma_start3A_278 = arith.constant 2304 : i32
    %dma_start3A_279 = tpu.memref_slice %arg10[%dma_start3A_278] : memref<4096xi32, #tpu.memory_space<vmem>> -> memref<64xi32, #tpu.memory_space<vmem>>
    %dma_start3A_280 = arith.constant 0 : i32
    %dma_start3A_281 = arith.constant 0 : i32
    %dma_start3A_282 = tpu.memref_slice %arg24[%dma_start3A_280, %dma_start3A_281] : memref<1024x16xf32, #tpu.memory_space<vmem_shared>> -> memref<1024x16xf32, #tpu.memory_space<vmem_shared>>
    tpu.enqueue_indirect_dma source(%arg12 : memref<64x16xf32, #tpu.memory_space<vmem>>) target(%dma_start3A_282 : memref<1024x16xf32, #tpu.memory_space<vmem_shared>>) offsets(%dma_start3A_279 : memref<64xi32, #tpu.memory_space<vmem>>) semaphore(%arg26 : memref<!tpu.dma_semaphore, #tpu.memory_space<semaphore_mem>>) {add = true}
    %dma_start3A_283 = arith.constant 2368 : i32
    %dma_start3A_284 = tpu.memref_slice %arg10[%dma_start3A_283] : memref<4096xi32, #tpu.memory_space<vmem>> -> memref<64xi32, #tpu.memory_space<vmem>>
    %dma_start3A_285 = arith.constant 0 : i32
    %dma_start3A_286 = arith.constant 0 : i32
    %dma_start3A_287 = tpu.memref_slice %arg24[%dma_start3A_285, %dma_start3A_286] : memref<1024x16xf32, #tpu.memory_space<vmem_shared>> -> memref<1024x16xf32, #tpu.memory_space<vmem_shared>>
    tpu.enqueue_indirect_dma source(%arg12 : memref<64x16xf32, #tpu.memory_space<vmem>>) target(%dma_start3A_287 : memref<1024x16xf32, #tpu.memory_space<vmem_shared>>) offsets(%dma_start3A_284 : memref<64xi32, #tpu.memory_space<vmem>>) semaphore(%arg26 : memref<!tpu.dma_semaphore, #tpu.memory_space<semaphore_mem>>) {add = true}
    %dma_start3A_288 = arith.constant 2432 : i32
    %dma_start3A_289 = tpu.memref_slice %arg10[%dma_start3A_288] : memref<4096xi32, #tpu.memory_space<vmem>> -> memref<64xi32, #tpu.memory_space<vmem>>
    %dma_start3A_290 = arith.constant 0 : i32
    %dma_start3A_291 = arith.constant 0 : i32
    %dma_start3A_292 = tpu.memref_slice %arg24[%dma_start3A_290, %dma_start3A_291] : memref<1024x16xf32, #tpu.memory_space<vmem_shared>> -> memref<1024x16xf32, #tpu.memory_space<vmem_shared>>
    tpu.enqueue_indirect_dma source(%arg12 : memref<64x16xf32, #tpu.memory_space<vmem>>) target(%dma_start3A_292 : memref<1024x16xf32, #tpu.memory_space<vmem_shared>>) offsets(%dma_start3A_289 : memref<64xi32, #tpu.memory_space<vmem>>) semaphore(%arg26 : memref<!tpu.dma_semaphore, #tpu.memory_space<semaphore_mem>>) {add = true}
    %dma_start3A_293 = arith.constant 2496 : i32
    %dma_start3A_294 = tpu.memref_slice %arg10[%dma_start3A_293] : memref<4096xi32, #tpu.memory_space<vmem>> -> memref<64xi32, #tpu.memory_space<vmem>>
    %dma_start3A_295 = arith.constant 0 : i32
    %dma_start3A_296 = arith.constant 0 : i32
    %dma_start3A_297 = tpu.memref_slice %arg24[%dma_start3A_295, %dma_start3A_296] : memref<1024x16xf32, #tpu.memory_space<vmem_shared>> -> memref<1024x16xf32, #tpu.memory_space<vmem_shared>>
    tpu.enqueue_indirect_dma source(%arg12 : memref<64x16xf32, #tpu.memory_space<vmem>>) target(%dma_start3A_297 : memref<1024x16xf32, #tpu.memory_space<vmem_shared>>) offsets(%dma_start3A_294 : memref<64xi32, #tpu.memory_space<vmem>>) semaphore(%arg26 : memref<!tpu.dma_semaphore, #tpu.memory_space<semaphore_mem>>) {add = true}
    %dma_start3A_298 = arith.constant 2560 : i32
    %dma_start3A_299 = tpu.memref_slice %arg10[%dma_start3A_298] : memref<4096xi32, #tpu.memory_space<vmem>> -> memref<64xi32, #tpu.memory_space<vmem>>
    %dma_start3A_300 = arith.constant 0 : i32
    %dma_start3A_301 = arith.constant 0 : i32
    %dma_start3A_302 = tpu.memref_slice %arg24[%dma_start3A_300, %dma_start3A_301] : memref<1024x16xf32, #tpu.memory_space<vmem_shared>> -> memref<1024x16xf32, #tpu.memory_space<vmem_shared>>
    tpu.enqueue_indirect_dma source(%arg12 : memref<64x16xf32, #tpu.memory_space<vmem>>) target(%dma_start3A_302 : memref<1024x16xf32, #tpu.memory_space<vmem_shared>>) offsets(%dma_start3A_299 : memref<64xi32, #tpu.memory_space<vmem>>) semaphore(%arg26 : memref<!tpu.dma_semaphore, #tpu.memory_space<semaphore_mem>>) {add = true}
    %dma_start3A_303 = arith.constant 2624 : i32
    %dma_start3A_304 = tpu.memref_slice %arg10[%dma_start3A_303] : memref<4096xi32, #tpu.memory_space<vmem>> -> memref<64xi32, #tpu.memory_space<vmem>>
    %dma_start3A_305 = arith.constant 0 : i32
    %dma_start3A_306 = arith.constant 0 : i32
    %dma_start3A_307 = tpu.memref_slice %arg24[%dma_start3A_305, %dma_start3A_306] : memref<1024x16xf32, #tpu.memory_space<vmem_shared>> -> memref<1024x16xf32, #tpu.memory_space<vmem_shared>>
    tpu.enqueue_indirect_dma source(%arg12 : memref<64x16xf32, #tpu.memory_space<vmem>>) target(%dma_start3A_307 : memref<1024x16xf32, #tpu.memory_space<vmem_shared>>) offsets(%dma_start3A_304 : memref<64xi32, #tpu.memory_space<vmem>>) semaphore(%arg26 : memref<!tpu.dma_semaphore, #tpu.memory_space<semaphore_mem>>) {add = true}
    %dma_start3A_308 = arith.constant 2688 : i32
    %dma_start3A_309 = tpu.memref_slice %arg10[%dma_start3A_308] : memref<4096xi32, #tpu.memory_space<vmem>> -> memref<64xi32, #tpu.memory_space<vmem>>
    %dma_start3A_310 = arith.constant 0 : i32
    %dma_start3A_311 = arith.constant 0 : i32
    %dma_start3A_312 = tpu.memref_slice %arg24[%dma_start3A_310, %dma_start3A_311] : memref<1024x16xf32, #tpu.memory_space<vmem_shared>> -> memref<1024x16xf32, #tpu.memory_space<vmem_shared>>
    tpu.enqueue_indirect_dma source(%arg12 : memref<64x16xf32, #tpu.memory_space<vmem>>) target(%dma_start3A_312 : memref<1024x16xf32, #tpu.memory_space<vmem_shared>>) offsets(%dma_start3A_309 : memref<64xi32, #tpu.memory_space<vmem>>) semaphore(%arg26 : memref<!tpu.dma_semaphore, #tpu.memory_space<semaphore_mem>>) {add = true}
    %dma_start3A_313 = arith.constant 2752 : i32
    %dma_start3A_314 = tpu.memref_slice %arg10[%dma_start3A_313] : memref<4096xi32, #tpu.memory_space<vmem>> -> memref<64xi32, #tpu.memory_space<vmem>>
    %dma_start3A_315 = arith.constant 0 : i32
    %dma_start3A_316 = arith.constant 0 : i32
    %dma_start3A_317 = tpu.memref_slice %arg24[%dma_start3A_315, %dma_start3A_316] : memref<1024x16xf32, #tpu.memory_space<vmem_shared>> -> memref<1024x16xf32, #tpu.memory_space<vmem_shared>>
    tpu.enqueue_indirect_dma source(%arg12 : memref<64x16xf32, #tpu.memory_space<vmem>>) target(%dma_start3A_317 : memref<1024x16xf32, #tpu.memory_space<vmem_shared>>) offsets(%dma_start3A_314 : memref<64xi32, #tpu.memory_space<vmem>>) semaphore(%arg26 : memref<!tpu.dma_semaphore, #tpu.memory_space<semaphore_mem>>) {add = true}
    %dma_start3A_318 = arith.constant 2816 : i32
    %dma_start3A_319 = tpu.memref_slice %arg10[%dma_start3A_318] : memref<4096xi32, #tpu.memory_space<vmem>> -> memref<64xi32, #tpu.memory_space<vmem>>
    %dma_start3A_320 = arith.constant 0 : i32
    %dma_start3A_321 = arith.constant 0 : i32
    %dma_start3A_322 = tpu.memref_slice %arg24[%dma_start3A_320, %dma_start3A_321] : memref<1024x16xf32, #tpu.memory_space<vmem_shared>> -> memref<1024x16xf32, #tpu.memory_space<vmem_shared>>
    tpu.enqueue_indirect_dma source(%arg12 : memref<64x16xf32, #tpu.memory_space<vmem>>) target(%dma_start3A_322 : memref<1024x16xf32, #tpu.memory_space<vmem_shared>>) offsets(%dma_start3A_319 : memref<64xi32, #tpu.memory_space<vmem>>) semaphore(%arg26 : memref<!tpu.dma_semaphore, #tpu.memory_space<semaphore_mem>>) {add = true}
    %dma_start3A_323 = arith.constant 2880 : i32
    %dma_start3A_324 = tpu.memref_slice %arg10[%dma_start3A_323] : memref<4096xi32, #tpu.memory_space<vmem>> -> memref<64xi32, #tpu.memory_space<vmem>>
    %dma_start3A_325 = arith.constant 0 : i32
    %dma_start3A_326 = arith.constant 0 : i32
    %dma_start3A_327 = tpu.memref_slice %arg24[%dma_start3A_325, %dma_start3A_326] : memref<1024x16xf32, #tpu.memory_space<vmem_shared>> -> memref<1024x16xf32, #tpu.memory_space<vmem_shared>>
    tpu.enqueue_indirect_dma source(%arg12 : memref<64x16xf32, #tpu.memory_space<vmem>>) target(%dma_start3A_327 : memref<1024x16xf32, #tpu.memory_space<vmem_shared>>) offsets(%dma_start3A_324 : memref<64xi32, #tpu.memory_space<vmem>>) semaphore(%arg26 : memref<!tpu.dma_semaphore, #tpu.memory_space<semaphore_mem>>) {add = true}
    %dma_start3A_328 = arith.constant 2944 : i32
    %dma_start3A_329 = tpu.memref_slice %arg10[%dma_start3A_328] : memref<4096xi32, #tpu.memory_space<vmem>> -> memref<64xi32, #tpu.memory_space<vmem>>
    %dma_start3A_330 = arith.constant 0 : i32
    %dma_start3A_331 = arith.constant 0 : i32
    %dma_start3A_332 = tpu.memref_slice %arg24[%dma_start3A_330, %dma_start3A_331] : memref<1024x16xf32, #tpu.memory_space<vmem_shared>> -> memref<1024x16xf32, #tpu.memory_space<vmem_shared>>
    tpu.enqueue_indirect_dma source(%arg12 : memref<64x16xf32, #tpu.memory_space<vmem>>) target(%dma_start3A_332 : memref<1024x16xf32, #tpu.memory_space<vmem_shared>>) offsets(%dma_start3A_329 : memref<64xi32, #tpu.memory_space<vmem>>) semaphore(%arg26 : memref<!tpu.dma_semaphore, #tpu.memory_space<semaphore_mem>>) {add = true}
    %dma_start3A_333 = arith.constant 3008 : i32
    %dma_start3A_334 = tpu.memref_slice %arg10[%dma_start3A_333] : memref<4096xi32, #tpu.memory_space<vmem>> -> memref<64xi32, #tpu.memory_space<vmem>>
    %dma_start3A_335 = arith.constant 0 : i32
    %dma_start3A_336 = arith.constant 0 : i32
    %dma_start3A_337 = tpu.memref_slice %arg24[%dma_start3A_335, %dma_start3A_336] : memref<1024x16xf32, #tpu.memory_space<vmem_shared>> -> memref<1024x16xf32, #tpu.memory_space<vmem_shared>>
    tpu.enqueue_indirect_dma source(%arg12 : memref<64x16xf32, #tpu.memory_space<vmem>>) target(%dma_start3A_337 : memref<1024x16xf32, #tpu.memory_space<vmem_shared>>) offsets(%dma_start3A_334 : memref<64xi32, #tpu.memory_space<vmem>>) semaphore(%arg26 : memref<!tpu.dma_semaphore, #tpu.memory_space<semaphore_mem>>) {add = true}
    %dma_start3A_338 = arith.constant 3072 : i32
    %dma_start3A_339 = tpu.memref_slice %arg10[%dma_start3A_338] : memref<4096xi32, #tpu.memory_space<vmem>> -> memref<64xi32, #tpu.memory_space<vmem>>
    %dma_start3A_340 = arith.constant 0 : i32
    %dma_start3A_341 = arith.constant 0 : i32
    %dma_start3A_342 = tpu.memref_slice %arg24[%dma_start3A_340, %dma_start3A_341] : memref<1024x16xf32, #tpu.memory_space<vmem_shared>> -> memref<1024x16xf32, #tpu.memory_space<vmem_shared>>
    tpu.enqueue_indirect_dma source(%arg12 : memref<64x16xf32, #tpu.memory_space<vmem>>) target(%dma_start3A_342 : memref<1024x16xf32, #tpu.memory_space<vmem_shared>>) offsets(%dma_start3A_339 : memref<64xi32, #tpu.memory_space<vmem>>) semaphore(%arg26 : memref<!tpu.dma_semaphore, #tpu.memory_space<semaphore_mem>>) {add = true}
    %dma_start3A_343 = arith.constant 3136 : i32
    %dma_start3A_344 = tpu.memref_slice %arg10[%dma_start3A_343] : memref<4096xi32, #tpu.memory_space<vmem>> -> memref<64xi32, #tpu.memory_space<vmem>>
    %dma_start3A_345 = arith.constant 0 : i32
    %dma_start3A_346 = arith.constant 0 : i32
    %dma_start3A_347 = tpu.memref_slice %arg24[%dma_start3A_345, %dma_start3A_346] : memref<1024x16xf32, #tpu.memory_space<vmem_shared>> -> memref<1024x16xf32, #tpu.memory_space<vmem_shared>>
    tpu.enqueue_indirect_dma source(%arg12 : memref<64x16xf32, #tpu.memory_space<vmem>>) target(%dma_start3A_347 : memref<1024x16xf32, #tpu.memory_space<vmem_shared>>) offsets(%dma_start3A_344 : memref<64xi32, #tpu.memory_space<vmem>>) semaphore(%arg26 : memref<!tpu.dma_semaphore, #tpu.memory_space<semaphore_mem>>) {add = true}
    %dma_start3A_348 = arith.constant 3200 : i32
    %dma_start3A_349 = tpu.memref_slice %arg10[%dma_start3A_348] : memref<4096xi32, #tpu.memory_space<vmem>> -> memref<64xi32, #tpu.memory_space<vmem>>
    %dma_start3A_350 = arith.constant 0 : i32
    %dma_start3A_351 = arith.constant 0 : i32
    %dma_start3A_352 = tpu.memref_slice %arg24[%dma_start3A_350, %dma_start3A_351] : memref<1024x16xf32, #tpu.memory_space<vmem_shared>> -> memref<1024x16xf32, #tpu.memory_space<vmem_shared>>
    tpu.enqueue_indirect_dma source(%arg12 : memref<64x16xf32, #tpu.memory_space<vmem>>) target(%dma_start3A_352 : memref<1024x16xf32, #tpu.memory_space<vmem_shared>>) offsets(%dma_start3A_349 : memref<64xi32, #tpu.memory_space<vmem>>) semaphore(%arg26 : memref<!tpu.dma_semaphore, #tpu.memory_space<semaphore_mem>>) {add = true}
    %dma_start3A_353 = arith.constant 3264 : i32
    %dma_start3A_354 = tpu.memref_slice %arg10[%dma_start3A_353] : memref<4096xi32, #tpu.memory_space<vmem>> -> memref<64xi32, #tpu.memory_space<vmem>>
    %dma_start3A_355 = arith.constant 0 : i32
    %dma_start3A_356 = arith.constant 0 : i32
    %dma_start3A_357 = tpu.memref_slice %arg24[%dma_start3A_355, %dma_start3A_356] : memref<1024x16xf32, #tpu.memory_space<vmem_shared>> -> memref<1024x16xf32, #tpu.memory_space<vmem_shared>>
    tpu.enqueue_indirect_dma source(%arg12 : memref<64x16xf32, #tpu.memory_space<vmem>>) target(%dma_start3A_357 : memref<1024x16xf32, #tpu.memory_space<vmem_shared>>) offsets(%dma_start3A_354 : memref<64xi32, #tpu.memory_space<vmem>>) semaphore(%arg26 : memref<!tpu.dma_semaphore, #tpu.memory_space<semaphore_mem>>) {add = true}
    %dma_start3A_358 = arith.constant 3328 : i32
    %dma_start3A_359 = tpu.memref_slice %arg10[%dma_start3A_358] : memref<4096xi32, #tpu.memory_space<vmem>> -> memref<64xi32, #tpu.memory_space<vmem>>
    %dma_start3A_360 = arith.constant 0 : i32
    %dma_start3A_361 = arith.constant 0 : i32
    %dma_start3A_362 = tpu.memref_slice %arg24[%dma_start3A_360, %dma_start3A_361] : memref<1024x16xf32, #tpu.memory_space<vmem_shared>> -> memref<1024x16xf32, #tpu.memory_space<vmem_shared>>
    tpu.enqueue_indirect_dma source(%arg12 : memref<64x16xf32, #tpu.memory_space<vmem>>) target(%dma_start3A_362 : memref<1024x16xf32, #tpu.memory_space<vmem_shared>>) offsets(%dma_start3A_359 : memref<64xi32, #tpu.memory_space<vmem>>) semaphore(%arg26 : memref<!tpu.dma_semaphore, #tpu.memory_space<semaphore_mem>>) {add = true}
    %dma_start3A_363 = arith.constant 3392 : i32
    %dma_start3A_364 = tpu.memref_slice %arg10[%dma_start3A_363] : memref<4096xi32, #tpu.memory_space<vmem>> -> memref<64xi32, #tpu.memory_space<vmem>>
    %dma_start3A_365 = arith.constant 0 : i32
    %dma_start3A_366 = arith.constant 0 : i32
    %dma_start3A_367 = tpu.memref_slice %arg24[%dma_start3A_365, %dma_start3A_366] : memref<1024x16xf32, #tpu.memory_space<vmem_shared>> -> memref<1024x16xf32, #tpu.memory_space<vmem_shared>>
    tpu.enqueue_indirect_dma source(%arg12 : memref<64x16xf32, #tpu.memory_space<vmem>>) target(%dma_start3A_367 : memref<1024x16xf32, #tpu.memory_space<vmem_shared>>) offsets(%dma_start3A_364 : memref<64xi32, #tpu.memory_space<vmem>>) semaphore(%arg26 : memref<!tpu.dma_semaphore, #tpu.memory_space<semaphore_mem>>) {add = true}
    %dma_start3A_368 = arith.constant 3456 : i32
    %dma_start3A_369 = tpu.memref_slice %arg10[%dma_start3A_368] : memref<4096xi32, #tpu.memory_space<vmem>> -> memref<64xi32, #tpu.memory_space<vmem>>
    %dma_start3A_370 = arith.constant 0 : i32
    %dma_start3A_371 = arith.constant 0 : i32
    %dma_start3A_372 = tpu.memref_slice %arg24[%dma_start3A_370, %dma_start3A_371] : memref<1024x16xf32, #tpu.memory_space<vmem_shared>> -> memref<1024x16xf32, #tpu.memory_space<vmem_shared>>
    tpu.enqueue_indirect_dma source(%arg12 : memref<64x16xf32, #tpu.memory_space<vmem>>) target(%dma_start3A_372 : memref<1024x16xf32, #tpu.memory_space<vmem_shared>>) offsets(%dma_start3A_369 : memref<64xi32, #tpu.memory_space<vmem>>) semaphore(%arg26 : memref<!tpu.dma_semaphore, #tpu.memory_space<semaphore_mem>>) {add = true}
    %dma_start3A_373 = arith.constant 3520 : i32
    %dma_start3A_374 = tpu.memref_slice %arg10[%dma_start3A_373] : memref<4096xi32, #tpu.memory_space<vmem>> -> memref<64xi32, #tpu.memory_space<vmem>>
    %dma_start3A_375 = arith.constant 0 : i32
    %dma_start3A_376 = arith.constant 0 : i32
    %dma_start3A_377 = tpu.memref_slice %arg24[%dma_start3A_375, %dma_start3A_376] : memref<1024x16xf32, #tpu.memory_space<vmem_shared>> -> memref<1024x16xf32, #tpu.memory_space<vmem_shared>>
    tpu.enqueue_indirect_dma source(%arg12 : memref<64x16xf32, #tpu.memory_space<vmem>>) target(%dma_start3A_377 : memref<1024x16xf32, #tpu.memory_space<vmem_shared>>) offsets(%dma_start3A_374 : memref<64xi32, #tpu.memory_space<vmem>>) semaphore(%arg26 : memref<!tpu.dma_semaphore, #tpu.memory_space<semaphore_mem>>) {add = true}
    %dma_start3A_378 = arith.constant 3584 : i32
    %dma_start3A_379 = tpu.memref_slice %arg10[%dma_start3A_378] : memref<4096xi32, #tpu.memory_space<vmem>> -> memref<64xi32, #tpu.memory_space<vmem>>
    %dma_start3A_380 = arith.constant 0 : i32
    %dma_start3A_381 = arith.constant 0 : i32
    %dma_start3A_382 = tpu.memref_slice %arg24[%dma_start3A_380, %dma_start3A_381] : memref<1024x16xf32, #tpu.memory_space<vmem_shared>> -> memref<1024x16xf32, #tpu.memory_space<vmem_shared>>
    tpu.enqueue_indirect_dma source(%arg12 : memref<64x16xf32, #tpu.memory_space<vmem>>) target(%dma_start3A_382 : memref<1024x16xf32, #tpu.memory_space<vmem_shared>>) offsets(%dma_start3A_379 : memref<64xi32, #tpu.memory_space<vmem>>) semaphore(%arg26 : memref<!tpu.dma_semaphore, #tpu.memory_space<semaphore_mem>>) {add = true}
    %dma_start3A_383 = arith.constant 3648 : i32
    %dma_start3A_384 = tpu.memref_slice %arg10[%dma_start3A_383] : memref<4096xi32, #tpu.memory_space<vmem>> -> memref<64xi32, #tpu.memory_space<vmem>>
    %dma_start3A_385 = arith.constant 0 : i32
    %dma_start3A_386 = arith.constant 0 : i32
    %dma_start3A_387 = tpu.memref_slice %arg24[%dma_start3A_385, %dma_start3A_386] : memref<1024x16xf32, #tpu.memory_space<vmem_shared>> -> memref<1024x16xf32, #tpu.memory_space<vmem_shared>>
    tpu.enqueue_indirect_dma source(%arg12 : memref<64x16xf32, #tpu.memory_space<vmem>>) target(%dma_start3A_387 : memref<1024x16xf32, #tpu.memory_space<vmem_shared>>) offsets(%dma_start3A_384 : memref<64xi32, #tpu.memory_space<vmem>>) semaphore(%arg26 : memref<!tpu.dma_semaphore, #tpu.memory_space<semaphore_mem>>) {add = true}
    %dma_start3A_388 = arith.constant 3712 : i32
    %dma_start3A_389 = tpu.memref_slice %arg10[%dma_start3A_388] : memref<4096xi32, #tpu.memory_space<vmem>> -> memref<64xi32, #tpu.memory_space<vmem>>
    %dma_start3A_390 = arith.constant 0 : i32
    %dma_start3A_391 = arith.constant 0 : i32
    %dma_start3A_392 = tpu.memref_slice %arg24[%dma_start3A_390, %dma_start3A_391] : memref<1024x16xf32, #tpu.memory_space<vmem_shared>> -> memref<1024x16xf32, #tpu.memory_space<vmem_shared>>
    tpu.enqueue_indirect_dma source(%arg12 : memref<64x16xf32, #tpu.memory_space<vmem>>) target(%dma_start3A_392 : memref<1024x16xf32, #tpu.memory_space<vmem_shared>>) offsets(%dma_start3A_389 : memref<64xi32, #tpu.memory_space<vmem>>) semaphore(%arg26 : memref<!tpu.dma_semaphore, #tpu.memory_space<semaphore_mem>>) {add = true}
    %dma_start3A_393 = arith.constant 3776 : i32
    %dma_start3A_394 = tpu.memref_slice %arg10[%dma_start3A_393] : memref<4096xi32, #tpu.memory_space<vmem>> -> memref<64xi32, #tpu.memory_space<vmem>>
    %dma_start3A_395 = arith.constant 0 : i32
    %dma_start3A_396 = arith.constant 0 : i32
    %dma_start3A_397 = tpu.memref_slice %arg24[%dma_start3A_395, %dma_start3A_396] : memref<1024x16xf32, #tpu.memory_space<vmem_shared>> -> memref<1024x16xf32, #tpu.memory_space<vmem_shared>>
    tpu.enqueue_indirect_dma source(%arg12 : memref<64x16xf32, #tpu.memory_space<vmem>>) target(%dma_start3A_397 : memref<1024x16xf32, #tpu.memory_space<vmem_shared>>) offsets(%dma_start3A_394 : memref<64xi32, #tpu.memory_space<vmem>>) semaphore(%arg26 : memref<!tpu.dma_semaphore, #tpu.memory_space<semaphore_mem>>) {add = true}
    %dma_start3A_398 = arith.constant 3840 : i32
    %dma_start3A_399 = tpu.memref_slice %arg10[%dma_start3A_398] : memref<4096xi32, #tpu.memory_space<vmem>> -> memref<64xi32, #tpu.memory_space<vmem>>
    %dma_start3A_400 = arith.constant 0 : i32
    %dma_start3A_401 = arith.constant 0 : i32
    %dma_start3A_402 = tpu.memref_slice %arg24[%dma_start3A_400, %dma_start3A_401] : memref<1024x16xf32, #tpu.memory_space<vmem_shared>> -> memref<1024x16xf32, #tpu.memory_space<vmem_shared>>
    tpu.enqueue_indirect_dma source(%arg12 : memref<64x16xf32, #tpu.memory_space<vmem>>) target(%dma_start3A_402 : memref<1024x16xf32, #tpu.memory_space<vmem_shared>>) offsets(%dma_start3A_399 : memref<64xi32, #tpu.memory_space<vmem>>) semaphore(%arg26 : memref<!tpu.dma_semaphore, #tpu.memory_space<semaphore_mem>>) {add = true}
    %dma_start3A_403 = arith.constant 3904 : i32
    %dma_start3A_404 = tpu.memref_slice %arg10[%dma_start3A_403] : memref<4096xi32, #tpu.memory_space<vmem>> -> memref<64xi32, #tpu.memory_space<vmem>>
    %dma_start3A_405 = arith.constant 0 : i32
    %dma_start3A_406 = arith.constant 0 : i32
    %dma_start3A_407 = tpu.memref_slice %arg24[%dma_start3A_405, %dma_start3A_406] : memref<1024x16xf32, #tpu.memory_space<vmem_shared>> -> memref<1024x16xf32, #tpu.memory_space<vmem_shared>>
    tpu.enqueue_indirect_dma source(%arg12 : memref<64x16xf32, #tpu.memory_space<vmem>>) target(%dma_start3A_407 : memref<1024x16xf32, #tpu.memory_space<vmem_shared>>) offsets(%dma_start3A_404 : memref<64xi32, #tpu.memory_space<vmem>>) semaphore(%arg26 : memref<!tpu.dma_semaphore, #tpu.memory_space<semaphore_mem>>) {add = true}
    %dma_start3A_408 = arith.constant 3968 : i32
    %dma_start3A_409 = tpu.memref_slice %arg10[%dma_start3A_408] : memref<4096xi32, #tpu.memory_space<vmem>> -> memref<64xi32, #tpu.memory_space<vmem>>
    %dma_start3A_410 = arith.constant 0 : i32
    %dma_start3A_411 = arith.constant 0 : i32
    %dma_start3A_412 = tpu.memref_slice %arg24[%dma_start3A_410, %dma_start3A_411] : memref<1024x16xf32, #tpu.memory_space<vmem_shared>> -> memref<1024x16xf32, #tpu.memory_space<vmem_shared>>
    tpu.enqueue_indirect_dma source(%arg12 : memref<64x16xf32, #tpu.memory_space<vmem>>) target(%dma_start3A_412 : memref<1024x16xf32, #tpu.memory_space<vmem_shared>>) offsets(%dma_start3A_409 : memref<64xi32, #tpu.memory_space<vmem>>) semaphore(%arg26 : memref<!tpu.dma_semaphore, #tpu.memory_space<semaphore_mem>>) {add = true}
    %dma_start3A_413 = arith.constant 4032 : i32
    %dma_start3A_414 = tpu.memref_slice %arg10[%dma_start3A_413] : memref<4096xi32, #tpu.memory_space<vmem>> -> memref<64xi32, #tpu.memory_space<vmem>>
    %dma_start3A_415 = arith.constant 0 : i32
    %dma_start3A_416 = arith.constant 0 : i32
    %dma_start3A_417 = tpu.memref_slice %arg24[%dma_start3A_415, %dma_start3A_416] : memref<1024x16xf32, #tpu.memory_space<vmem_shared>> -> memref<1024x16xf32, #tpu.memory_space<vmem_shared>>
    tpu.enqueue_indirect_dma source(%arg12 : memref<64x16xf32, #tpu.memory_space<vmem>>) target(%dma_start3A_417 : memref<1024x16xf32, #tpu.memory_space<vmem_shared>>) offsets(%dma_start3A_414 : memref<64xi32, #tpu.memory_space<vmem>>) semaphore(%arg26 : memref<!tpu.dma_semaphore, #tpu.memory_space<semaphore_mem>>) {add = true}
    %get3A = arith.constant 0 : i32
    %get3A_418 = arith.index_cast %get3A : i32 to index
    %get3A_419 = arith.constant 0 : index
    %get3A_420 = tpu.vector_load %arg14[%get3A_418, %get3A_419] {strides = array<i32>} : memref<14x16xf32, #tpu.memory_space<vmem>>, vector<16xf32>,
    %get3A_421 = arith.constant 1 : i32
    %get3A_422 = arith.index_cast %get3A_421 : i32 to index
    %get3A_423 = arith.constant 0 : index
    %get3A_424 = tpu.vector_load %arg14[%get3A_422, %get3A_423] {strides = array<i32>} : memref<14x16xf32, #tpu.memory_space<vmem>>, vector<16xf32>,
    %get3A_425 = arith.constant 2 : i32
    %get3A_426 = arith.index_cast %get3A_425 : i32 to index
    %get3A_427 = arith.constant 0 : index
    %get3A_428 = tpu.vector_load %arg14[%get3A_426, %get3A_427] {strides = array<i32>} : memref<14x16xf32, #tpu.memory_space<vmem>>, vector<16xf32>,
    %get3A_429 = arith.constant 3 : i32
    %get3A_430 = arith.index_cast %get3A_429 : i32 to index
    %get3A_431 = arith.constant 0 : index
    %get3A_432 = tpu.vector_load %arg14[%get3A_430, %get3A_431] {strides = array<i32>} : memref<14x16xf32, #tpu.memory_space<vmem>>, vector<16xf32>,
    %broadcast_in_dim3A = arith.constant 0.000000e+00 : f32
    %broadcast_in_dim3A_433 = vector.broadcast %broadcast_in_dim3A : f32 to vector<16xf32>
    %scan3A_434 = arith.constant 0 : i32
    %scan3A_435 = arith.constant 0 : i32
    %scan3A_436 = arith.constant 16 : i32
    %scan3A_437 = arith.addi %scan3A_435, %scan3A_436 : i32
    %scan3A_438 = arith.constant 1 : i32
    scf.for %scan3A_955 = %scan3A_435 to %scan3A_437 step %scan3A_438  : i32 {
      %mul3A_956 = arith.constant 16 : i32
      %mul3A_957 = arith.muli %scan3A_955, %mul3A_956 : i32
      %get3A_958 = arith.index_cast %mul3A_957 : i32 to index
      %get3A_959 = tpu.vector_load %arg13[%get3A_958] {strides = array<i32>} : memref<256xf32, #tpu.memory_space<vmem>>, vector<16xf32>,
      %slice3A = vector.extract_strided_slice %get3A_959 {offsets = [0], sizes = [1], strides = [1]} : vector<16xf32> to vector<1xf32>
      %squeeze3A = vector.extract %slice3A[0] : f32 from vector<1xf32>
      %mul3A_960 = vector.broadcast %squeeze3A : f32 to vector<16xf32>
      %mul3A_961 = arith.mulf %get3A_420, %mul3A_960 : vector<16xf32>
      %add3A = arith.addf %broadcast_in_dim3A_433, %mul3A_961 : vector<16xf32>
      %slice3A_962 = vector.extract_strided_slice %get3A_959 {offsets = [1], sizes = [1], strides = [1]} : vector<16xf32> to vector<1xf32>
      %squeeze3A_963 = vector.extract %slice3A_962[0] : f32 from vector<1xf32>
      %mul3A_964 = vector.broadcast %squeeze3A_963 : f32 to vector<16xf32>
      %mul3A_965 = arith.mulf %get3A_424, %mul3A_964 : vector<16xf32>
      %add3A_966 = arith.addf %add3A, %mul3A_965 : vector<16xf32>
      %slice3A_967 = vector.extract_strided_slice %get3A_959 {offsets = [2], sizes = [1], strides = [1]} : vector<16xf32> to vector<1xf32>
      %squeeze3A_968 = vector.extract %slice3A_967[0] : f32 from vector<1xf32>
      %mul3A_969 = vector.broadcast %squeeze3A_968 : f32 to vector<16xf32>
      %mul3A_970 = arith.mulf %get3A_428, %mul3A_969 : vector<16xf32>
      %add3A_971 = arith.addf %add3A_966, %mul3A_970 : vector<16xf32>
      %slice3A_972 = vector.extract_strided_slice %get3A_959 {offsets = [3], sizes = [1], strides = [1]} : vector<16xf32> to vector<1xf32>
      %squeeze3A_973 = vector.extract %slice3A_972[0] : f32 from vector<1xf32>
      %mul3A_974 = vector.broadcast %squeeze3A_973 : f32 to vector<16xf32>
      %mul3A_975 = arith.mulf %get3A_432, %mul3A_974 : vector<16xf32>
      %add3A_976 = arith.addf %add3A_971, %mul3A_975 : vector<16xf32>
      %mul3A_977 = arith.constant 4 : i32
      %mul3A_978 = arith.muli %mul3A_977, %scan3A_955 : i32
      %add3A_979 = arith.constant 0 : i32
      %add3A_980 = arith.addi %mul3A_978, %add3A_979 : i32
      %swap3A = arith.index_cast %add3A_980 : i32 to index
      %swap3A_981 = arith.constant 0 : index
      %swap3A_982 = tpu.vector_load %arg17[%swap3A, %swap3A_981] {strides = array<i32>} : memref<64x16xf32, #tpu.memory_space<vmem>>, vector<16xf32>,
      tpu.vector_store %arg17[%swap3A, %swap3A_981], %add3A_976 {strides = array<i32>} : memref<64x16xf32, #tpu.memory_space<vmem>>, vector<16xf32>,
      %mul3A_983 = arith.constant 4 : i32
      %mul3A_984 = arith.muli %mul3A_983, %scan3A_955 : i32
      %add3A_985 = arith.constant 0 : i32
      %add3A_986 = arith.addi %mul3A_984, %add3A_985 : i32
      %swap3A_987 = arith.index_cast %add3A_986 : i32 to index
      %swap3A_988 = arith.constant 0 : index
      %swap3A_989 = tpu.vector_load %arg21[%swap3A_987, %swap3A_988] {strides = array<i32>} : memref<64x16xf32, #tpu.memory_space<vmem>>, vector<16xf32>,
      tpu.vector_store %arg21[%swap3A_987, %swap3A_988], %broadcast_in_dim3A_433 {strides = array<i32>} : memref<64x16xf32, #tpu.memory_space<vmem>>, vector<16xf32>,
      %slice3A_990 = vector.extract_strided_slice %get3A_959 {offsets = [4], sizes = [1], strides = [1]} : vector<16xf32> to vector<1xf32>
      %squeeze3A_991 = vector.extract %slice3A_990[0] : f32 from vector<1xf32>
      %mul3A_992 = vector.broadcast %squeeze3A_991 : f32 to vector<16xf32>
      %mul3A_993 = arith.mulf %get3A_420, %mul3A_992 : vector<16xf32>
      %add3A_994 = arith.addf %broadcast_in_dim3A_433, %mul3A_993 : vector<16xf32>
      %slice3A_995 = vector.extract_strided_slice %get3A_959 {offsets = [5], sizes = [1], strides = [1]} : vector<16xf32> to vector<1xf32>
      %squeeze3A_996 = vector.extract %slice3A_995[0] : f32 from vector<1xf32>
      %mul3A_997 = vector.broadcast %squeeze3A_996 : f32 to vector<16xf32>
      %mul3A_998 = arith.mulf %get3A_424, %mul3A_997 : vector<16xf32>
      %add3A_999 = arith.addf %add3A_994, %mul3A_998 : vector<16xf32>
      %slice3A_1000 = vector.extract_strided_slice %get3A_959 {offsets = [6], sizes = [1], strides = [1]} : vector<16xf32> to vector<1xf32>
      %squeeze3A_1001 = vector.extract %slice3A_1000[0] : f32 from vector<1xf32>
      %mul3A_1002 = vector.broadcast %squeeze3A_1001 : f32 to vector<16xf32>
      %mul3A_1003 = arith.mulf %get3A_428, %mul3A_1002 : vector<16xf32>
      %add3A_1004 = arith.addf %add3A_999, %mul3A_1003 : vector<16xf32>
      %slice3A_1005 = vector.extract_strided_slice %get3A_959 {offsets = [7], sizes = [1], strides = [1]} : vector<16xf32> to vector<1xf32>
      %squeeze3A_1006 = vector.extract %slice3A_1005[0] : f32 from vector<1xf32>
      %mul3A_1007 = vector.broadcast %squeeze3A_1006 : f32 to vector<16xf32>
      %mul3A_1008 = arith.mulf %get3A_432, %mul3A_1007 : vector<16xf32>
      %add3A_1009 = arith.addf %add3A_1004, %mul3A_1008 : vector<16xf32>
      %mul3A_1010 = arith.constant 4 : i32
      %mul3A_1011 = arith.muli %mul3A_1010, %scan3A_955 : i32
      %add3A_1012 = arith.constant 1 : i32
      %add3A_1013 = arith.addi %mul3A_1011, %add3A_1012 : i32
      %swap3A_1014 = arith.index_cast %add3A_1013 : i32 to index
      %swap3A_1015 = arith.constant 0 : index
      %swap3A_1016 = tpu.vector_load %arg17[%swap3A_1014, %swap3A_1015] {strides = array<i32>} : memref<64x16xf32, #tpu.memory_space<vmem>>, vector<16xf32>,
      tpu.vector_store %arg17[%swap3A_1014, %swap3A_1015], %add3A_1009 {strides = array<i32>} : memref<64x16xf32, #tpu.memory_space<vmem>>, vector<16xf32>,
      %mul3A_1017 = arith.constant 4 : i32
      %mul3A_1018 = arith.muli %mul3A_1017, %scan3A_955 : i32
      %add3A_1019 = arith.constant 1 : i32
      %add3A_1020 = arith.addi %mul3A_1018, %add3A_1019 : i32
      %swap3A_1021 = arith.index_cast %add3A_1020 : i32 to index
      %swap3A_1022 = arith.constant 0 : index
      %swap3A_1023 = tpu.vector_load %arg21[%swap3A_1021, %swap3A_1022] {strides = array<i32>} : memref<64x16xf32, #tpu.memory_space<vmem>>, vector<16xf32>,
      tpu.vector_store %arg21[%swap3A_1021, %swap3A_1022], %broadcast_in_dim3A_433 {strides = array<i32>} : memref<64x16xf32, #tpu.memory_space<vmem>>, vector<16xf32>,
      %slice3A_1024 = vector.extract_strided_slice %get3A_959 {offsets = [8], sizes = [1], strides = [1]} : vector<16xf32> to vector<1xf32>
      %squeeze3A_1025 = vector.extract %slice3A_1024[0] : f32 from vector<1xf32>
      %mul3A_1026 = vector.broadcast %squeeze3A_1025 : f32 to vector<16xf32>
      %mul3A_1027 = arith.mulf %get3A_420, %mul3A_1026 : vector<16xf32>
      %add3A_1028 = arith.addf %broadcast_in_dim3A_433, %mul3A_1027 : vector<16xf32>
      %slice3A_1029 = vector.extract_strided_slice %get3A_959 {offsets = [9], sizes = [1], strides = [1]} : vector<16xf32> to vector<1xf32>
      %squeeze3A_1030 = vector.extract %slice3A_1029[0] : f32 from vector<1xf32>
      %mul3A_1031 = vector.broadcast %squeeze3A_1030 : f32 to vector<16xf32>
      %mul3A_1032 = arith.mulf %get3A_424, %mul3A_1031 : vector<16xf32>
      %add3A_1033 = arith.addf %add3A_1028, %mul3A_1032 : vector<16xf32>
      %slice3A_1034 = vector.extract_strided_slice %get3A_959 {offsets = [10], sizes = [1], strides = [1]} : vector<16xf32> to vector<1xf32>
      %squeeze3A_1035 = vector.extract %slice3A_1034[0] : f32 from vector<1xf32>
      %mul3A_1036 = vector.broadcast %squeeze3A_1035 : f32 to vector<16xf32>
      %mul3A_1037 = arith.mulf %get3A_428, %mul3A_1036 : vector<16xf32>
      %add3A_1038 = arith.addf %add3A_1033, %mul3A_1037 : vector<16xf32>
      %slice3A_1039 = vector.extract_strided_slice %get3A_959 {offsets = [11], sizes = [1], strides = [1]} : vector<16xf32> to vector<1xf32>
      %squeeze3A_1040 = vector.extract %slice3A_1039[0] : f32 from vector<1xf32>
      %mul3A_1041 = vector.broadcast %squeeze3A_1040 : f32 to vector<16xf32>
      %mul3A_1042 = arith.mulf %get3A_432, %mul3A_1041 : vector<16xf32>
      %add3A_1043 = arith.addf %add3A_1038, %mul3A_1042 : vector<16xf32>
      %mul3A_1044 = arith.constant 4 : i32
      %mul3A_1045 = arith.muli %mul3A_1044, %scan3A_955 : i32
      %add3A_1046 = arith.constant 2 : i32
      %add3A_1047 = arith.addi %mul3A_1045, %add3A_1046 : i32
      %swap3A_1048 = arith.index_cast %add3A_1047 : i32 to index
      %swap3A_1049 = arith.constant 0 : index
      %swap3A_1050 = tpu.vector_load %arg17[%swap3A_1048, %swap3A_1049] {strides = array<i32>} : memref<64x16xf32, #tpu.memory_space<vmem>>, vector<16xf32>,
      tpu.vector_store %arg17[%swap3A_1048, %swap3A_1049], %add3A_1043 {strides = array<i32>} : memref<64x16xf32, #tpu.memory_space<vmem>>, vector<16xf32>,
      %mul3A_1051 = arith.constant 4 : i32
      %mul3A_1052 = arith.muli %mul3A_1051, %scan3A_955 : i32
      %add3A_1053 = arith.constant 2 : i32
      %add3A_1054 = arith.addi %mul3A_1052, %add3A_1053 : i32
      %swap3A_1055 = arith.index_cast %add3A_1054 : i32 to index
      %swap3A_1056 = arith.constant 0 : index
      %swap3A_1057 = tpu.vector_load %arg21[%swap3A_1055, %swap3A_1056] {strides = array<i32>} : memref<64x16xf32, #tpu.memory_space<vmem>>, vector<16xf32>,
      tpu.vector_store %arg21[%swap3A_1055, %swap3A_1056], %broadcast_in_dim3A_433 {strides = array<i32>} : memref<64x16xf32, #tpu.memory_space<vmem>>, vector<16xf32>,
      %slice3A_1058 = vector.extract_strided_slice %get3A_959 {offsets = [12], sizes = [1], strides = [1]} : vector<16xf32> to vector<1xf32>
      %squeeze3A_1059 = vector.extract %slice3A_1058[0] : f32 from vector<1xf32>
      %mul3A_1060 = vector.broadcast %squeeze3A_1059 : f32 to vector<16xf32>
      %mul3A_1061 = arith.mulf %get3A_420, %mul3A_1060 : vector<16xf32>
      %add3A_1062 = arith.addf %broadcast_in_dim3A_433, %mul3A_1061 : vector<16xf32>
      %slice3A_1063 = vector.extract_strided_slice %get3A_959 {offsets = [13], sizes = [1], strides = [1]} : vector<16xf32> to vector<1xf32>
      %squeeze3A_1064 = vector.extract %slice3A_1063[0] : f32 from vector<1xf32>
      %mul3A_1065 = vector.broadcast %squeeze3A_1064 : f32 to vector<16xf32>
      %mul3A_1066 = arith.mulf %get3A_424, %mul3A_1065 : vector<16xf32>
      %add3A_1067 = arith.addf %add3A_1062, %mul3A_1066 : vector<16xf32>
      %slice3A_1068 = vector.extract_strided_slice %get3A_959 {offsets = [14], sizes = [1], strides = [1]} : vector<16xf32> to vector<1xf32>
      %squeeze3A_1069 = vector.extract %slice3A_1068[0] : f32 from vector<1xf32>
      %mul3A_1070 = vector.broadcast %squeeze3A_1069 : f32 to vector<16xf32>
      %mul3A_1071 = arith.mulf %get3A_428, %mul3A_1070 : vector<16xf32>
      %add3A_1072 = arith.addf %add3A_1067, %mul3A_1071 : vector<16xf32>
      %slice3A_1073 = vector.extract_strided_slice %get3A_959 {offsets = [15], sizes = [1], strides = [1]} : vector<16xf32> to vector<1xf32>
      %squeeze3A_1074 = vector.extract %slice3A_1073[0] : f32 from vector<1xf32>
      %mul3A_1075 = vector.broadcast %squeeze3A_1074 : f32 to vector<16xf32>
      %mul3A_1076 = arith.mulf %get3A_432, %mul3A_1075 : vector<16xf32>
      %add3A_1077 = arith.addf %add3A_1072, %mul3A_1076 : vector<16xf32>
      %mul3A_1078 = arith.constant 4 : i32
      %mul3A_1079 = arith.muli %mul3A_1078, %scan3A_955 : i32
      %add3A_1080 = arith.constant 3 : i32
      %add3A_1081 = arith.addi %mul3A_1079, %add3A_1080 : i32
      %swap3A_1082 = arith.index_cast %add3A_1081 : i32 to index
      %swap3A_1083 = arith.constant 0 : index
      %swap3A_1084 = tpu.vector_load %arg17[%swap3A_1082, %swap3A_1083] {strides = array<i32>} : memref<64x16xf32, #tpu.memory_space<vmem>>, vector<16xf32>,
      tpu.vector_store %arg17[%swap3A_1082, %swap3A_1083], %add3A_1077 {strides = array<i32>} : memref<64x16xf32, #tpu.memory_space<vmem>>, vector<16xf32>,
      %mul3A_1085 = arith.constant 4 : i32
      %mul3A_1086 = arith.muli %mul3A_1085, %scan3A_955 : i32
      %add3A_1087 = arith.constant 3 : i32
      %add3A_1088 = arith.addi %mul3A_1086, %add3A_1087 : i32
      %swap3A_1089 = arith.index_cast %add3A_1088 : i32 to index
      %swap3A_1090 = arith.constant 0 : index
      %swap3A_1091 = tpu.vector_load %arg21[%swap3A_1089, %swap3A_1090] {strides = array<i32>} : memref<64x16xf32, #tpu.memory_space<vmem>>, vector<16xf32>,
      tpu.vector_store %arg21[%swap3A_1089, %swap3A_1090], %broadcast_in_dim3A_433 {strides = array<i32>} : memref<64x16xf32, #tpu.memory_space<vmem>>, vector<16xf32>,
    }
    %scan3A_439 = arith.constant 16 : i32
    %dma_wait3A_440 = arith.constant 0 : i32
    %dma_wait3A_441 = tpu.memref_slice %arg10[%dma_wait3A_440] : memref<4096xi32, #tpu.memory_space<vmem>> -> memref<64xi32, #tpu.memory_space<vmem>>
    %dma_wait3A_442 = arith.constant 0 : i32
    %dma_wait3A_443 = arith.constant 0 : i32
    %dma_wait3A_444 = tpu.memref_slice %arg24[%dma_wait3A_442, %dma_wait3A_443] : memref<1024x16xf32, #tpu.memory_space<vmem_shared>> -> memref<1024x16xf32, #tpu.memory_space<vmem_shared>>
    tpu.wait_indirect_dma semaphore(%arg26 : memref<!tpu.dma_semaphore, #tpu.memory_space<semaphore_mem>>) src(%arg12 : memref<64x16xf32, #tpu.memory_space<vmem>>) dst(%dma_wait3A_444 : memref<1024x16xf32, #tpu.memory_space<vmem_shared>>)
    %dma_wait3A_445 = arith.constant 64 : i32
    %dma_wait3A_446 = tpu.memref_slice %arg10[%dma_wait3A_445] : memref<4096xi32, #tpu.memory_space<vmem>> -> memref<64xi32, #tpu.memory_space<vmem>>
    %dma_wait3A_447 = arith.constant 0 : i32
    %dma_wait3A_448 = arith.constant 0 : i32
    %dma_wait3A_449 = tpu.memref_slice %arg24[%dma_wait3A_447, %dma_wait3A_448] : memref<1024x16xf32, #tpu.memory_space<vmem_shared>> -> memref<1024x16xf32, #tpu.memory_space<vmem_shared>>
    tpu.wait_indirect_dma semaphore(%arg26 : memref<!tpu.dma_semaphore, #tpu.memory_space<semaphore_mem>>) src(%arg12 : memref<64x16xf32, #tpu.memory_space<vmem>>) dst(%dma_wait3A_449 : memref<1024x16xf32, #tpu.memory_space<vmem_shared>>)
    %dma_wait3A_450 = arith.constant 128 : i32
    %dma_wait3A_451 = tpu.memref_slice %arg10[%dma_wait3A_450] : memref<4096xi32, #tpu.memory_space<vmem>> -> memref<64xi32, #tpu.memory_space<vmem>>
    %dma_wait3A_452 = arith.constant 0 : i32
    %dma_wait3A_453 = arith.constant 0 : i32
    %dma_wait3A_454 = tpu.memref_slice %arg24[%dma_wait3A_452, %dma_wait3A_453] : memref<1024x16xf32, #tpu.memory_space<vmem_shared>> -> memref<1024x16xf32, #tpu.memory_space<vmem_shared>>
    tpu.wait_indirect_dma semaphore(%arg26 : memref<!tpu.dma_semaphore, #tpu.memory_space<semaphore_mem>>) src(%arg12 : memref<64x16xf32, #tpu.memory_space<vmem>>) dst(%dma_wait3A_454 : memref<1024x16xf32, #tpu.memory_space<vmem_shared>>)
    %dma_wait3A_455 = arith.constant 192 : i32
    %dma_wait3A_456 = tpu.memref_slice %arg10[%dma_wait3A_455] : memref<4096xi32, #tpu.memory_space<vmem>> -> memref<64xi32, #tpu.memory_space<vmem>>
    %dma_wait3A_457 = arith.constant 0 : i32
    %dma_wait3A_458 = arith.constant 0 : i32
    %dma_wait3A_459 = tpu.memref_slice %arg24[%dma_wait3A_457, %dma_wait3A_458] : memref<1024x16xf32, #tpu.memory_space<vmem_shared>> -> memref<1024x16xf32, #tpu.memory_space<vmem_shared>>
    tpu.wait_indirect_dma semaphore(%arg26 : memref<!tpu.dma_semaphore, #tpu.memory_space<semaphore_mem>>) src(%arg12 : memref<64x16xf32, #tpu.memory_space<vmem>>) dst(%dma_wait3A_459 : memref<1024x16xf32, #tpu.memory_space<vmem_shared>>)
    %dma_wait3A_460 = arith.constant 256 : i32
    %dma_wait3A_461 = tpu.memref_slice %arg10[%dma_wait3A_460] : memref<4096xi32, #tpu.memory_space<vmem>> -> memref<64xi32, #tpu.memory_space<vmem>>
    %dma_wait3A_462 = arith.constant 0 : i32
    %dma_wait3A_463 = arith.constant 0 : i32
    %dma_wait3A_464 = tpu.memref_slice %arg24[%dma_wait3A_462, %dma_wait3A_463] : memref<1024x16xf32, #tpu.memory_space<vmem_shared>> -> memref<1024x16xf32, #tpu.memory_space<vmem_shared>>
    tpu.wait_indirect_dma semaphore(%arg26 : memref<!tpu.dma_semaphore, #tpu.memory_space<semaphore_mem>>) src(%arg12 : memref<64x16xf32, #tpu.memory_space<vmem>>) dst(%dma_wait3A_464 : memref<1024x16xf32, #tpu.memory_space<vmem_shared>>)
    %dma_wait3A_465 = arith.constant 320 : i32
    %dma_wait3A_466 = tpu.memref_slice %arg10[%dma_wait3A_465] : memref<4096xi32, #tpu.memory_space<vmem>> -> memref<64xi32, #tpu.memory_space<vmem>>
    %dma_wait3A_467 = arith.constant 0 : i32
    %dma_wait3A_468 = arith.constant 0 : i32
    %dma_wait3A_469 = tpu.memref_slice %arg24[%dma_wait3A_467, %dma_wait3A_468] : memref<1024x16xf32, #tpu.memory_space<vmem_shared>> -> memref<1024x16xf32, #tpu.memory_space<vmem_shared>>
    tpu.wait_indirect_dma semaphore(%arg26 : memref<!tpu.dma_semaphore, #tpu.memory_space<semaphore_mem>>) src(%arg12 : memref<64x16xf32, #tpu.memory_space<vmem>>) dst(%dma_wait3A_469 : memref<1024x16xf32, #tpu.memory_space<vmem_shared>>)
    %dma_wait3A_470 = arith.constant 384 : i32
    %dma_wait3A_471 = tpu.memref_slice %arg10[%dma_wait3A_470] : memref<4096xi32, #tpu.memory_space<vmem>> -> memref<64xi32, #tpu.memory_space<vmem>>
    %dma_wait3A_472 = arith.constant 0 : i32
    %dma_wait3A_473 = arith.constant 0 : i32
    %dma_wait3A_474 = tpu.memref_slice %arg24[%dma_wait3A_472, %dma_wait3A_473] : memref<1024x16xf32, #tpu.memory_space<vmem_shared>> -> memref<1024x16xf32, #tpu.memory_space<vmem_shared>>
    tpu.wait_indirect_dma semaphore(%arg26 : memref<!tpu.dma_semaphore, #tpu.memory_space<semaphore_mem>>) src(%arg12 : memref<64x16xf32, #tpu.memory_space<vmem>>) dst(%dma_wait3A_474 : memref<1024x16xf32, #tpu.memory_space<vmem_shared>>)
    %dma_wait3A_475 = arith.constant 448 : i32
    %dma_wait3A_476 = tpu.memref_slice %arg10[%dma_wait3A_475] : memref<4096xi32, #tpu.memory_space<vmem>> -> memref<64xi32, #tpu.memory_space<vmem>>
    %dma_wait3A_477 = arith.constant 0 : i32
    %dma_wait3A_478 = arith.constant 0 : i32
    %dma_wait3A_479 = tpu.memref_slice %arg24[%dma_wait3A_477, %dma_wait3A_478] : memref<1024x16xf32, #tpu.memory_space<vmem_shared>> -> memref<1024x16xf32, #tpu.memory_space<vmem_shared>>
    tpu.wait_indirect_dma semaphore(%arg26 : memref<!tpu.dma_semaphore, #tpu.memory_space<semaphore_mem>>) src(%arg12 : memref<64x16xf32, #tpu.memory_space<vmem>>) dst(%dma_wait3A_479 : memref<1024x16xf32, #tpu.memory_space<vmem_shared>>)
    %dma_wait3A_480 = arith.constant 512 : i32
    %dma_wait3A_481 = tpu.memref_slice %arg10[%dma_wait3A_480] : memref<4096xi32, #tpu.memory_space<vmem>> -> memref<64xi32, #tpu.memory_space<vmem>>
    %dma_wait3A_482 = arith.constant 0 : i32
    %dma_wait3A_483 = arith.constant 0 : i32
    %dma_wait3A_484 = tpu.memref_slice %arg24[%dma_wait3A_482, %dma_wait3A_483] : memref<1024x16xf32, #tpu.memory_space<vmem_shared>> -> memref<1024x16xf32, #tpu.memory_space<vmem_shared>>
    tpu.wait_indirect_dma semaphore(%arg26 : memref<!tpu.dma_semaphore, #tpu.memory_space<semaphore_mem>>) src(%arg12 : memref<64x16xf32, #tpu.memory_space<vmem>>) dst(%dma_wait3A_484 : memref<1024x16xf32, #tpu.memory_space<vmem_shared>>)
    %dma_wait3A_485 = arith.constant 576 : i32
    %dma_wait3A_486 = tpu.memref_slice %arg10[%dma_wait3A_485] : memref<4096xi32, #tpu.memory_space<vmem>> -> memref<64xi32, #tpu.memory_space<vmem>>
    %dma_wait3A_487 = arith.constant 0 : i32
    %dma_wait3A_488 = arith.constant 0 : i32
    %dma_wait3A_489 = tpu.memref_slice %arg24[%dma_wait3A_487, %dma_wait3A_488] : memref<1024x16xf32, #tpu.memory_space<vmem_shared>> -> memref<1024x16xf32, #tpu.memory_space<vmem_shared>>
    tpu.wait_indirect_dma semaphore(%arg26 : memref<!tpu.dma_semaphore, #tpu.memory_space<semaphore_mem>>) src(%arg12 : memref<64x16xf32, #tpu.memory_space<vmem>>) dst(%dma_wait3A_489 : memref<1024x16xf32, #tpu.memory_space<vmem_shared>>)
    %dma_wait3A_490 = arith.constant 640 : i32
    %dma_wait3A_491 = tpu.memref_slice %arg10[%dma_wait3A_490] : memref<4096xi32, #tpu.memory_space<vmem>> -> memref<64xi32, #tpu.memory_space<vmem>>
    %dma_wait3A_492 = arith.constant 0 : i32
    %dma_wait3A_493 = arith.constant 0 : i32
    %dma_wait3A_494 = tpu.memref_slice %arg24[%dma_wait3A_492, %dma_wait3A_493] : memref<1024x16xf32, #tpu.memory_space<vmem_shared>> -> memref<1024x16xf32, #tpu.memory_space<vmem_shared>>
    tpu.wait_indirect_dma semaphore(%arg26 : memref<!tpu.dma_semaphore, #tpu.memory_space<semaphore_mem>>) src(%arg12 : memref<64x16xf32, #tpu.memory_space<vmem>>) dst(%dma_wait3A_494 : memref<1024x16xf32, #tpu.memory_space<vmem_shared>>)
    %dma_wait3A_495 = arith.constant 704 : i32
    %dma_wait3A_496 = tpu.memref_slice %arg10[%dma_wait3A_495] : memref<4096xi32, #tpu.memory_space<vmem>> -> memref<64xi32, #tpu.memory_space<vmem>>
    %dma_wait3A_497 = arith.constant 0 : i32
    %dma_wait3A_498 = arith.constant 0 : i32
    %dma_wait3A_499 = tpu.memref_slice %arg24[%dma_wait3A_497, %dma_wait3A_498] : memref<1024x16xf32, #tpu.memory_space<vmem_shared>> -> memref<1024x16xf32, #tpu.memory_space<vmem_shared>>
    tpu.wait_indirect_dma semaphore(%arg26 : memref<!tpu.dma_semaphore, #tpu.memory_space<semaphore_mem>>) src(%arg12 : memref<64x16xf32, #tpu.memory_space<vmem>>) dst(%dma_wait3A_499 : memref<1024x16xf32, #tpu.memory_space<vmem_shared>>)
    %dma_wait3A_500 = arith.constant 768 : i32
    %dma_wait3A_501 = tpu.memref_slice %arg10[%dma_wait3A_500] : memref<4096xi32, #tpu.memory_space<vmem>> -> memref<64xi32, #tpu.memory_space<vmem>>
    %dma_wait3A_502 = arith.constant 0 : i32
    %dma_wait3A_503 = arith.constant 0 : i32
    %dma_wait3A_504 = tpu.memref_slice %arg24[%dma_wait3A_502, %dma_wait3A_503] : memref<1024x16xf32, #tpu.memory_space<vmem_shared>> -> memref<1024x16xf32, #tpu.memory_space<vmem_shared>>
    tpu.wait_indirect_dma semaphore(%arg26 : memref<!tpu.dma_semaphore, #tpu.memory_space<semaphore_mem>>) src(%arg12 : memref<64x16xf32, #tpu.memory_space<vmem>>) dst(%dma_wait3A_504 : memref<1024x16xf32, #tpu.memory_space<vmem_shared>>)
    %dma_wait3A_505 = arith.constant 832 : i32
    %dma_wait3A_506 = tpu.memref_slice %arg10[%dma_wait3A_505] : memref<4096xi32, #tpu.memory_space<vmem>> -> memref<64xi32, #tpu.memory_space<vmem>>
    %dma_wait3A_507 = arith.constant 0 : i32
    %dma_wait3A_508 = arith.constant 0 : i32
    %dma_wait3A_509 = tpu.memref_slice %arg24[%dma_wait3A_507, %dma_wait3A_508] : memref<1024x16xf32, #tpu.memory_space<vmem_shared>> -> memref<1024x16xf32, #tpu.memory_space<vmem_shared>>
    tpu.wait_indirect_dma semaphore(%arg26 : memref<!tpu.dma_semaphore, #tpu.memory_space<semaphore_mem>>) src(%arg12 : memref<64x16xf32, #tpu.memory_space<vmem>>) dst(%dma_wait3A_509 : memref<1024x16xf32, #tpu.memory_space<vmem_shared>>)
    %dma_wait3A_510 = arith.constant 896 : i32
    %dma_wait3A_511 = tpu.memref_slice %arg10[%dma_wait3A_510] : memref<4096xi32, #tpu.memory_space<vmem>> -> memref<64xi32, #tpu.memory_space<vmem>>
    %dma_wait3A_512 = arith.constant 0 : i32
    %dma_wait3A_513 = arith.constant 0 : i32
    %dma_wait3A_514 = tpu.memref_slice %arg24[%dma_wait3A_512, %dma_wait3A_513] : memref<1024x16xf32, #tpu.memory_space<vmem_shared>> -> memref<1024x16xf32, #tpu.memory_space<vmem_shared>>
    tpu.wait_indirect_dma semaphore(%arg26 : memref<!tpu.dma_semaphore, #tpu.memory_space<semaphore_mem>>) src(%arg12 : memref<64x16xf32, #tpu.memory_space<vmem>>) dst(%dma_wait3A_514 : memref<1024x16xf32, #tpu.memory_space<vmem_shared>>)
    %dma_wait3A_515 = arith.constant 960 : i32
    %dma_wait3A_516 = tpu.memref_slice %arg10[%dma_wait3A_515] : memref<4096xi32, #tpu.memory_space<vmem>> -> memref<64xi32, #tpu.memory_space<vmem>>
    %dma_wait3A_517 = arith.constant 0 : i32
    %dma_wait3A_518 = arith.constant 0 : i32
    %dma_wait3A_519 = tpu.memref_slice %arg24[%dma_wait3A_517, %dma_wait3A_518] : memref<1024x16xf32, #tpu.memory_space<vmem_shared>> -> memref<1024x16xf32, #tpu.memory_space<vmem_shared>>
    tpu.wait_indirect_dma semaphore(%arg26 : memref<!tpu.dma_semaphore, #tpu.memory_space<semaphore_mem>>) src(%arg12 : memref<64x16xf32, #tpu.memory_space<vmem>>) dst(%dma_wait3A_519 : memref<1024x16xf32, #tpu.memory_space<vmem_shared>>)
    %dma_wait3A_520 = arith.constant 1024 : i32
    %dma_wait3A_521 = tpu.memref_slice %arg10[%dma_wait3A_520] : memref<4096xi32, #tpu.memory_space<vmem>> -> memref<64xi32, #tpu.memory_space<vmem>>
    %dma_wait3A_522 = arith.constant 0 : i32
    %dma_wait3A_523 = arith.constant 0 : i32
    %dma_wait3A_524 = tpu.memref_slice %arg24[%dma_wait3A_522, %dma_wait3A_523] : memref<1024x16xf32, #tpu.memory_space<vmem_shared>> -> memref<1024x16xf32, #tpu.memory_space<vmem_shared>>
    tpu.wait_indirect_dma semaphore(%arg26 : memref<!tpu.dma_semaphore, #tpu.memory_space<semaphore_mem>>) src(%arg12 : memref<64x16xf32, #tpu.memory_space<vmem>>) dst(%dma_wait3A_524 : memref<1024x16xf32, #tpu.memory_space<vmem_shared>>)
    %dma_wait3A_525 = arith.constant 1088 : i32
    %dma_wait3A_526 = tpu.memref_slice %arg10[%dma_wait3A_525] : memref<4096xi32, #tpu.memory_space<vmem>> -> memref<64xi32, #tpu.memory_space<vmem>>
    %dma_wait3A_527 = arith.constant 0 : i32
    %dma_wait3A_528 = arith.constant 0 : i32
    %dma_wait3A_529 = tpu.memref_slice %arg24[%dma_wait3A_527, %dma_wait3A_528] : memref<1024x16xf32, #tpu.memory_space<vmem_shared>> -> memref<1024x16xf32, #tpu.memory_space<vmem_shared>>
    tpu.wait_indirect_dma semaphore(%arg26 : memref<!tpu.dma_semaphore, #tpu.memory_space<semaphore_mem>>) src(%arg12 : memref<64x16xf32, #tpu.memory_space<vmem>>) dst(%dma_wait3A_529 : memref<1024x16xf32, #tpu.memory_space<vmem_shared>>)
    %dma_wait3A_530 = arith.constant 1152 : i32
    %dma_wait3A_531 = tpu.memref_slice %arg10[%dma_wait3A_530] : memref<4096xi32, #tpu.memory_space<vmem>> -> memref<64xi32, #tpu.memory_space<vmem>>
    %dma_wait3A_532 = arith.constant 0 : i32
    %dma_wait3A_533 = arith.constant 0 : i32
    %dma_wait3A_534 = tpu.memref_slice %arg24[%dma_wait3A_532, %dma_wait3A_533] : memref<1024x16xf32, #tpu.memory_space<vmem_shared>> -> memref<1024x16xf32, #tpu.memory_space<vmem_shared>>
    tpu.wait_indirect_dma semaphore(%arg26 : memref<!tpu.dma_semaphore, #tpu.memory_space<semaphore_mem>>) src(%arg12 : memref<64x16xf32, #tpu.memory_space<vmem>>) dst(%dma_wait3A_534 : memref<1024x16xf32, #tpu.memory_space<vmem_shared>>)
    %dma_wait3A_535 = arith.constant 1216 : i32
    %dma_wait3A_536 = tpu.memref_slice %arg10[%dma_wait3A_535] : memref<4096xi32, #tpu.memory_space<vmem>> -> memref<64xi32, #tpu.memory_space<vmem>>
    %dma_wait3A_537 = arith.constant 0 : i32
    %dma_wait3A_538 = arith.constant 0 : i32
    %dma_wait3A_539 = tpu.memref_slice %arg24[%dma_wait3A_537, %dma_wait3A_538] : memref<1024x16xf32, #tpu.memory_space<vmem_shared>> -> memref<1024x16xf32, #tpu.memory_space<vmem_shared>>
    tpu.wait_indirect_dma semaphore(%arg26 : memref<!tpu.dma_semaphore, #tpu.memory_space<semaphore_mem>>) src(%arg12 : memref<64x16xf32, #tpu.memory_space<vmem>>) dst(%dma_wait3A_539 : memref<1024x16xf32, #tpu.memory_space<vmem_shared>>)
    %dma_wait3A_540 = arith.constant 1280 : i32
    %dma_wait3A_541 = tpu.memref_slice %arg10[%dma_wait3A_540] : memref<4096xi32, #tpu.memory_space<vmem>> -> memref<64xi32, #tpu.memory_space<vmem>>
    %dma_wait3A_542 = arith.constant 0 : i32
    %dma_wait3A_543 = arith.constant 0 : i32
    %dma_wait3A_544 = tpu.memref_slice %arg24[%dma_wait3A_542, %dma_wait3A_543] : memref<1024x16xf32, #tpu.memory_space<vmem_shared>> -> memref<1024x16xf32, #tpu.memory_space<vmem_shared>>
    tpu.wait_indirect_dma semaphore(%arg26 : memref<!tpu.dma_semaphore, #tpu.memory_space<semaphore_mem>>) src(%arg12 : memref<64x16xf32, #tpu.memory_space<vmem>>) dst(%dma_wait3A_544 : memref<1024x16xf32, #tpu.memory_space<vmem_shared>>)
    %dma_wait3A_545 = arith.constant 1344 : i32
    %dma_wait3A_546 = tpu.memref_slice %arg10[%dma_wait3A_545] : memref<4096xi32, #tpu.memory_space<vmem>> -> memref<64xi32, #tpu.memory_space<vmem>>
    %dma_wait3A_547 = arith.constant 0 : i32
    %dma_wait3A_548 = arith.constant 0 : i32
    %dma_wait3A_549 = tpu.memref_slice %arg24[%dma_wait3A_547, %dma_wait3A_548] : memref<1024x16xf32, #tpu.memory_space<vmem_shared>> -> memref<1024x16xf32, #tpu.memory_space<vmem_shared>>
    tpu.wait_indirect_dma semaphore(%arg26 : memref<!tpu.dma_semaphore, #tpu.memory_space<semaphore_mem>>) src(%arg12 : memref<64x16xf32, #tpu.memory_space<vmem>>) dst(%dma_wait3A_549 : memref<1024x16xf32, #tpu.memory_space<vmem_shared>>)
    %dma_wait3A_550 = arith.constant 1408 : i32
    %dma_wait3A_551 = tpu.memref_slice %arg10[%dma_wait3A_550] : memref<4096xi32, #tpu.memory_space<vmem>> -> memref<64xi32, #tpu.memory_space<vmem>>
    %dma_wait3A_552 = arith.constant 0 : i32
    %dma_wait3A_553 = arith.constant 0 : i32
    %dma_wait3A_554 = tpu.memref_slice %arg24[%dma_wait3A_552, %dma_wait3A_553] : memref<1024x16xf32, #tpu.memory_space<vmem_shared>> -> memref<1024x16xf32, #tpu.memory_space<vmem_shared>>
    tpu.wait_indirect_dma semaphore(%arg26 : memref<!tpu.dma_semaphore, #tpu.memory_space<semaphore_mem>>) src(%arg12 : memref<64x16xf32, #tpu.memory_space<vmem>>) dst(%dma_wait3A_554 : memref<1024x16xf32, #tpu.memory_space<vmem_shared>>)
    %dma_wait3A_555 = arith.constant 1472 : i32
    %dma_wait3A_556 = tpu.memref_slice %arg10[%dma_wait3A_555] : memref<4096xi32, #tpu.memory_space<vmem>> -> memref<64xi32, #tpu.memory_space<vmem>>
    %dma_wait3A_557 = arith.constant 0 : i32
    %dma_wait3A_558 = arith.constant 0 : i32
    %dma_wait3A_559 = tpu.memref_slice %arg24[%dma_wait3A_557, %dma_wait3A_558] : memref<1024x16xf32, #tpu.memory_space<vmem_shared>> -> memref<1024x16xf32, #tpu.memory_space<vmem_shared>>
    tpu.wait_indirect_dma semaphore(%arg26 : memref<!tpu.dma_semaphore, #tpu.memory_space<semaphore_mem>>) src(%arg12 : memref<64x16xf32, #tpu.memory_space<vmem>>) dst(%dma_wait3A_559 : memref<1024x16xf32, #tpu.memory_space<vmem_shared>>)
    %dma_wait3A_560 = arith.constant 1536 : i32
    %dma_wait3A_561 = tpu.memref_slice %arg10[%dma_wait3A_560] : memref<4096xi32, #tpu.memory_space<vmem>> -> memref<64xi32, #tpu.memory_space<vmem>>
    %dma_wait3A_562 = arith.constant 0 : i32
    %dma_wait3A_563 = arith.constant 0 : i32
    %dma_wait3A_564 = tpu.memref_slice %arg24[%dma_wait3A_562, %dma_wait3A_563] : memref<1024x16xf32, #tpu.memory_space<vmem_shared>> -> memref<1024x16xf32, #tpu.memory_space<vmem_shared>>
    tpu.wait_indirect_dma semaphore(%arg26 : memref<!tpu.dma_semaphore, #tpu.memory_space<semaphore_mem>>) src(%arg12 : memref<64x16xf32, #tpu.memory_space<vmem>>) dst(%dma_wait3A_564 : memref<1024x16xf32, #tpu.memory_space<vmem_shared>>)
    %dma_wait3A_565 = arith.constant 1600 : i32
    %dma_wait3A_566 = tpu.memref_slice %arg10[%dma_wait3A_565] : memref<4096xi32, #tpu.memory_space<vmem>> -> memref<64xi32, #tpu.memory_space<vmem>>
    %dma_wait3A_567 = arith.constant 0 : i32
    %dma_wait3A_568 = arith.constant 0 : i32
    %dma_wait3A_569 = tpu.memref_slice %arg24[%dma_wait3A_567, %dma_wait3A_568] : memref<1024x16xf32, #tpu.memory_space<vmem_shared>> -> memref<1024x16xf32, #tpu.memory_space<vmem_shared>>
    tpu.wait_indirect_dma semaphore(%arg26 : memref<!tpu.dma_semaphore, #tpu.memory_space<semaphore_mem>>) src(%arg12 : memref<64x16xf32, #tpu.memory_space<vmem>>) dst(%dma_wait3A_569 : memref<1024x16xf32, #tpu.memory_space<vmem_shared>>)
    %dma_wait3A_570 = arith.constant 1664 : i32
    %dma_wait3A_571 = tpu.memref_slice %arg10[%dma_wait3A_570] : memref<4096xi32, #tpu.memory_space<vmem>> -> memref<64xi32, #tpu.memory_space<vmem>>
    %dma_wait3A_572 = arith.constant 0 : i32
    %dma_wait3A_573 = arith.constant 0 : i32
    %dma_wait3A_574 = tpu.memref_slice %arg24[%dma_wait3A_572, %dma_wait3A_573] : memref<1024x16xf32, #tpu.memory_space<vmem_shared>> -> memref<1024x16xf32, #tpu.memory_space<vmem_shared>>
    tpu.wait_indirect_dma semaphore(%arg26 : memref<!tpu.dma_semaphore, #tpu.memory_space<semaphore_mem>>) src(%arg12 : memref<64x16xf32, #tpu.memory_space<vmem>>) dst(%dma_wait3A_574 : memref<1024x16xf32, #tpu.memory_space<vmem_shared>>)
    %dma_wait3A_575 = arith.constant 1728 : i32
    %dma_wait3A_576 = tpu.memref_slice %arg10[%dma_wait3A_575] : memref<4096xi32, #tpu.memory_space<vmem>> -> memref<64xi32, #tpu.memory_space<vmem>>
    %dma_wait3A_577 = arith.constant 0 : i32
    %dma_wait3A_578 = arith.constant 0 : i32
    %dma_wait3A_579 = tpu.memref_slice %arg24[%dma_wait3A_577, %dma_wait3A_578] : memref<1024x16xf32, #tpu.memory_space<vmem_shared>> -> memref<1024x16xf32, #tpu.memory_space<vmem_shared>>
    tpu.wait_indirect_dma semaphore(%arg26 : memref<!tpu.dma_semaphore, #tpu.memory_space<semaphore_mem>>) src(%arg12 : memref<64x16xf32, #tpu.memory_space<vmem>>) dst(%dma_wait3A_579 : memref<1024x16xf32, #tpu.memory_space<vmem_shared>>)
    %dma_wait3A_580 = arith.constant 1792 : i32
    %dma_wait3A_581 = tpu.memref_slice %arg10[%dma_wait3A_580] : memref<4096xi32, #tpu.memory_space<vmem>> -> memref<64xi32, #tpu.memory_space<vmem>>
    %dma_wait3A_582 = arith.constant 0 : i32
    %dma_wait3A_583 = arith.constant 0 : i32
    %dma_wait3A_584 = tpu.memref_slice %arg24[%dma_wait3A_582, %dma_wait3A_583] : memref<1024x16xf32, #tpu.memory_space<vmem_shared>> -> memref<1024x16xf32, #tpu.memory_space<vmem_shared>>
    tpu.wait_indirect_dma semaphore(%arg26 : memref<!tpu.dma_semaphore, #tpu.memory_space<semaphore_mem>>) src(%arg12 : memref<64x16xf32, #tpu.memory_space<vmem>>) dst(%dma_wait3A_584 : memref<1024x16xf32, #tpu.memory_space<vmem_shared>>)
    %dma_wait3A_585 = arith.constant 1856 : i32
    %dma_wait3A_586 = tpu.memref_slice %arg10[%dma_wait3A_585] : memref<4096xi32, #tpu.memory_space<vmem>> -> memref<64xi32, #tpu.memory_space<vmem>>
    %dma_wait3A_587 = arith.constant 0 : i32
    %dma_wait3A_588 = arith.constant 0 : i32
    %dma_wait3A_589 = tpu.memref_slice %arg24[%dma_wait3A_587, %dma_wait3A_588] : memref<1024x16xf32, #tpu.memory_space<vmem_shared>> -> memref<1024x16xf32, #tpu.memory_space<vmem_shared>>
    tpu.wait_indirect_dma semaphore(%arg26 : memref<!tpu.dma_semaphore, #tpu.memory_space<semaphore_mem>>) src(%arg12 : memref<64x16xf32, #tpu.memory_space<vmem>>) dst(%dma_wait3A_589 : memref<1024x16xf32, #tpu.memory_space<vmem_shared>>)
    %dma_wait3A_590 = arith.constant 1920 : i32
    %dma_wait3A_591 = tpu.memref_slice %arg10[%dma_wait3A_590] : memref<4096xi32, #tpu.memory_space<vmem>> -> memref<64xi32, #tpu.memory_space<vmem>>
    %dma_wait3A_592 = arith.constant 0 : i32
    %dma_wait3A_593 = arith.constant 0 : i32
    %dma_wait3A_594 = tpu.memref_slice %arg24[%dma_wait3A_592, %dma_wait3A_593] : memref<1024x16xf32, #tpu.memory_space<vmem_shared>> -> memref<1024x16xf32, #tpu.memory_space<vmem_shared>>
    tpu.wait_indirect_dma semaphore(%arg26 : memref<!tpu.dma_semaphore, #tpu.memory_space<semaphore_mem>>) src(%arg12 : memref<64x16xf32, #tpu.memory_space<vmem>>) dst(%dma_wait3A_594 : memref<1024x16xf32, #tpu.memory_space<vmem_shared>>)
    %dma_wait3A_595 = arith.constant 1984 : i32
    %dma_wait3A_596 = tpu.memref_slice %arg10[%dma_wait3A_595] : memref<4096xi32, #tpu.memory_space<vmem>> -> memref<64xi32, #tpu.memory_space<vmem>>
    %dma_wait3A_597 = arith.constant 0 : i32
    %dma_wait3A_598 = arith.constant 0 : i32
    %dma_wait3A_599 = tpu.memref_slice %arg24[%dma_wait3A_597, %dma_wait3A_598] : memref<1024x16xf32, #tpu.memory_space<vmem_shared>> -> memref<1024x16xf32, #tpu.memory_space<vmem_shared>>
    tpu.wait_indirect_dma semaphore(%arg26 : memref<!tpu.dma_semaphore, #tpu.memory_space<semaphore_mem>>) src(%arg12 : memref<64x16xf32, #tpu.memory_space<vmem>>) dst(%dma_wait3A_599 : memref<1024x16xf32, #tpu.memory_space<vmem_shared>>)
    %dma_wait3A_600 = arith.constant 2048 : i32
    %dma_wait3A_601 = tpu.memref_slice %arg10[%dma_wait3A_600] : memref<4096xi32, #tpu.memory_space<vmem>> -> memref<64xi32, #tpu.memory_space<vmem>>
    %dma_wait3A_602 = arith.constant 0 : i32
    %dma_wait3A_603 = arith.constant 0 : i32
    %dma_wait3A_604 = tpu.memref_slice %arg24[%dma_wait3A_602, %dma_wait3A_603] : memref<1024x16xf32, #tpu.memory_space<vmem_shared>> -> memref<1024x16xf32, #tpu.memory_space<vmem_shared>>
    tpu.wait_indirect_dma semaphore(%arg26 : memref<!tpu.dma_semaphore, #tpu.memory_space<semaphore_mem>>) src(%arg12 : memref<64x16xf32, #tpu.memory_space<vmem>>) dst(%dma_wait3A_604 : memref<1024x16xf32, #tpu.memory_space<vmem_shared>>)
    %dma_wait3A_605 = arith.constant 2112 : i32
    %dma_wait3A_606 = tpu.memref_slice %arg10[%dma_wait3A_605] : memref<4096xi32, #tpu.memory_space<vmem>> -> memref<64xi32, #tpu.memory_space<vmem>>
    %dma_wait3A_607 = arith.constant 0 : i32
    %dma_wait3A_608 = arith.constant 0 : i32
    %dma_wait3A_609 = tpu.memref_slice %arg24[%dma_wait3A_607, %dma_wait3A_608] : memref<1024x16xf32, #tpu.memory_space<vmem_shared>> -> memref<1024x16xf32, #tpu.memory_space<vmem_shared>>
    tpu.wait_indirect_dma semaphore(%arg26 : memref<!tpu.dma_semaphore, #tpu.memory_space<semaphore_mem>>) src(%arg12 : memref<64x16xf32, #tpu.memory_space<vmem>>) dst(%dma_wait3A_609 : memref<1024x16xf32, #tpu.memory_space<vmem_shared>>)
    %dma_wait3A_610 = arith.constant 2176 : i32
    %dma_wait3A_611 = tpu.memref_slice %arg10[%dma_wait3A_610] : memref<4096xi32, #tpu.memory_space<vmem>> -> memref<64xi32, #tpu.memory_space<vmem>>
    %dma_wait3A_612 = arith.constant 0 : i32
    %dma_wait3A_613 = arith.constant 0 : i32
    %dma_wait3A_614 = tpu.memref_slice %arg24[%dma_wait3A_612, %dma_wait3A_613] : memref<1024x16xf32, #tpu.memory_space<vmem_shared>> -> memref<1024x16xf32, #tpu.memory_space<vmem_shared>>
    tpu.wait_indirect_dma semaphore(%arg26 : memref<!tpu.dma_semaphore, #tpu.memory_space<semaphore_mem>>) src(%arg12 : memref<64x16xf32, #tpu.memory_space<vmem>>) dst(%dma_wait3A_614 : memref<1024x16xf32, #tpu.memory_space<vmem_shared>>)
    %dma_wait3A_615 = arith.constant 2240 : i32
    %dma_wait3A_616 = tpu.memref_slice %arg10[%dma_wait3A_615] : memref<4096xi32, #tpu.memory_space<vmem>> -> memref<64xi32, #tpu.memory_space<vmem>>
    %dma_wait3A_617 = arith.constant 0 : i32
    %dma_wait3A_618 = arith.constant 0 : i32
    %dma_wait3A_619 = tpu.memref_slice %arg24[%dma_wait3A_617, %dma_wait3A_618] : memref<1024x16xf32, #tpu.memory_space<vmem_shared>> -> memref<1024x16xf32, #tpu.memory_space<vmem_shared>>
    tpu.wait_indirect_dma semaphore(%arg26 : memref<!tpu.dma_semaphore, #tpu.memory_space<semaphore_mem>>) src(%arg12 : memref<64x16xf32, #tpu.memory_space<vmem>>) dst(%dma_wait3A_619 : memref<1024x16xf32, #tpu.memory_space<vmem_shared>>)
    %dma_wait3A_620 = arith.constant 2304 : i32
    %dma_wait3A_621 = tpu.memref_slice %arg10[%dma_wait3A_620] : memref<4096xi32, #tpu.memory_space<vmem>> -> memref<64xi32, #tpu.memory_space<vmem>>
    %dma_wait3A_622 = arith.constant 0 : i32
    %dma_wait3A_623 = arith.constant 0 : i32
    %dma_wait3A_624 = tpu.memref_slice %arg24[%dma_wait3A_622, %dma_wait3A_623] : memref<1024x16xf32, #tpu.memory_space<vmem_shared>> -> memref<1024x16xf32, #tpu.memory_space<vmem_shared>>
    tpu.wait_indirect_dma semaphore(%arg26 : memref<!tpu.dma_semaphore, #tpu.memory_space<semaphore_mem>>) src(%arg12 : memref<64x16xf32, #tpu.memory_space<vmem>>) dst(%dma_wait3A_624 : memref<1024x16xf32, #tpu.memory_space<vmem_shared>>)
    %dma_wait3A_625 = arith.constant 2368 : i32
    %dma_wait3A_626 = tpu.memref_slice %arg10[%dma_wait3A_625] : memref<4096xi32, #tpu.memory_space<vmem>> -> memref<64xi32, #tpu.memory_space<vmem>>
    %dma_wait3A_627 = arith.constant 0 : i32
    %dma_wait3A_628 = arith.constant 0 : i32
    %dma_wait3A_629 = tpu.memref_slice %arg24[%dma_wait3A_627, %dma_wait3A_628] : memref<1024x16xf32, #tpu.memory_space<vmem_shared>> -> memref<1024x16xf32, #tpu.memory_space<vmem_shared>>
    tpu.wait_indirect_dma semaphore(%arg26 : memref<!tpu.dma_semaphore, #tpu.memory_space<semaphore_mem>>) src(%arg12 : memref<64x16xf32, #tpu.memory_space<vmem>>) dst(%dma_wait3A_629 : memref<1024x16xf32, #tpu.memory_space<vmem_shared>>)
    %dma_wait3A_630 = arith.constant 2432 : i32
    %dma_wait3A_631 = tpu.memref_slice %arg10[%dma_wait3A_630] : memref<4096xi32, #tpu.memory_space<vmem>> -> memref<64xi32, #tpu.memory_space<vmem>>
    %dma_wait3A_632 = arith.constant 0 : i32
    %dma_wait3A_633 = arith.constant 0 : i32
    %dma_wait3A_634 = tpu.memref_slice %arg24[%dma_wait3A_632, %dma_wait3A_633] : memref<1024x16xf32, #tpu.memory_space<vmem_shared>> -> memref<1024x16xf32, #tpu.memory_space<vmem_shared>>
    tpu.wait_indirect_dma semaphore(%arg26 : memref<!tpu.dma_semaphore, #tpu.memory_space<semaphore_mem>>) src(%arg12 : memref<64x16xf32, #tpu.memory_space<vmem>>) dst(%dma_wait3A_634 : memref<1024x16xf32, #tpu.memory_space<vmem_shared>>)
    %dma_wait3A_635 = arith.constant 2496 : i32
    %dma_wait3A_636 = tpu.memref_slice %arg10[%dma_wait3A_635] : memref<4096xi32, #tpu.memory_space<vmem>> -> memref<64xi32, #tpu.memory_space<vmem>>
    %dma_wait3A_637 = arith.constant 0 : i32
    %dma_wait3A_638 = arith.constant 0 : i32
    %dma_wait3A_639 = tpu.memref_slice %arg24[%dma_wait3A_637, %dma_wait3A_638] : memref<1024x16xf32, #tpu.memory_space<vmem_shared>> -> memref<1024x16xf32, #tpu.memory_space<vmem_shared>>
    tpu.wait_indirect_dma semaphore(%arg26 : memref<!tpu.dma_semaphore, #tpu.memory_space<semaphore_mem>>) src(%arg12 : memref<64x16xf32, #tpu.memory_space<vmem>>) dst(%dma_wait3A_639 : memref<1024x16xf32, #tpu.memory_space<vmem_shared>>)
    %dma_wait3A_640 = arith.constant 2560 : i32
    %dma_wait3A_641 = tpu.memref_slice %arg10[%dma_wait3A_640] : memref<4096xi32, #tpu.memory_space<vmem>> -> memref<64xi32, #tpu.memory_space<vmem>>
    %dma_wait3A_642 = arith.constant 0 : i32
    %dma_wait3A_643 = arith.constant 0 : i32
    %dma_wait3A_644 = tpu.memref_slice %arg24[%dma_wait3A_642, %dma_wait3A_643] : memref<1024x16xf32, #tpu.memory_space<vmem_shared>> -> memref<1024x16xf32, #tpu.memory_space<vmem_shared>>
    tpu.wait_indirect_dma semaphore(%arg26 : memref<!tpu.dma_semaphore, #tpu.memory_space<semaphore_mem>>) src(%arg12 : memref<64x16xf32, #tpu.memory_space<vmem>>) dst(%dma_wait3A_644 : memref<1024x16xf32, #tpu.memory_space<vmem_shared>>)
    %dma_wait3A_645 = arith.constant 2624 : i32
    %dma_wait3A_646 = tpu.memref_slice %arg10[%dma_wait3A_645] : memref<4096xi32, #tpu.memory_space<vmem>> -> memref<64xi32, #tpu.memory_space<vmem>>
    %dma_wait3A_647 = arith.constant 0 : i32
    %dma_wait3A_648 = arith.constant 0 : i32
    %dma_wait3A_649 = tpu.memref_slice %arg24[%dma_wait3A_647, %dma_wait3A_648] : memref<1024x16xf32, #tpu.memory_space<vmem_shared>> -> memref<1024x16xf32, #tpu.memory_space<vmem_shared>>
    tpu.wait_indirect_dma semaphore(%arg26 : memref<!tpu.dma_semaphore, #tpu.memory_space<semaphore_mem>>) src(%arg12 : memref<64x16xf32, #tpu.memory_space<vmem>>) dst(%dma_wait3A_649 : memref<1024x16xf32, #tpu.memory_space<vmem_shared>>)
    %dma_wait3A_650 = arith.constant 2688 : i32
    %dma_wait3A_651 = tpu.memref_slice %arg10[%dma_wait3A_650] : memref<4096xi32, #tpu.memory_space<vmem>> -> memref<64xi32, #tpu.memory_space<vmem>>
    %dma_wait3A_652 = arith.constant 0 : i32
    %dma_wait3A_653 = arith.constant 0 : i32
    %dma_wait3A_654 = tpu.memref_slice %arg24[%dma_wait3A_652, %dma_wait3A_653] : memref<1024x16xf32, #tpu.memory_space<vmem_shared>> -> memref<1024x16xf32, #tpu.memory_space<vmem_shared>>
    tpu.wait_indirect_dma semaphore(%arg26 : memref<!tpu.dma_semaphore, #tpu.memory_space<semaphore_mem>>) src(%arg12 : memref<64x16xf32, #tpu.memory_space<vmem>>) dst(%dma_wait3A_654 : memref<1024x16xf32, #tpu.memory_space<vmem_shared>>)
    %dma_wait3A_655 = arith.constant 2752 : i32
    %dma_wait3A_656 = tpu.memref_slice %arg10[%dma_wait3A_655] : memref<4096xi32, #tpu.memory_space<vmem>> -> memref<64xi32, #tpu.memory_space<vmem>>
    %dma_wait3A_657 = arith.constant 0 : i32
    %dma_wait3A_658 = arith.constant 0 : i32
    %dma_wait3A_659 = tpu.memref_slice %arg24[%dma_wait3A_657, %dma_wait3A_658] : memref<1024x16xf32, #tpu.memory_space<vmem_shared>> -> memref<1024x16xf32, #tpu.memory_space<vmem_shared>>
    tpu.wait_indirect_dma semaphore(%arg26 : memref<!tpu.dma_semaphore, #tpu.memory_space<semaphore_mem>>) src(%arg12 : memref<64x16xf32, #tpu.memory_space<vmem>>) dst(%dma_wait3A_659 : memref<1024x16xf32, #tpu.memory_space<vmem_shared>>)
    %dma_wait3A_660 = arith.constant 2816 : i32
    %dma_wait3A_661 = tpu.memref_slice %arg10[%dma_wait3A_660] : memref<4096xi32, #tpu.memory_space<vmem>> -> memref<64xi32, #tpu.memory_space<vmem>>
    %dma_wait3A_662 = arith.constant 0 : i32
    %dma_wait3A_663 = arith.constant 0 : i32
    %dma_wait3A_664 = tpu.memref_slice %arg24[%dma_wait3A_662, %dma_wait3A_663] : memref<1024x16xf32, #tpu.memory_space<vmem_shared>> -> memref<1024x16xf32, #tpu.memory_space<vmem_shared>>
    tpu.wait_indirect_dma semaphore(%arg26 : memref<!tpu.dma_semaphore, #tpu.memory_space<semaphore_mem>>) src(%arg12 : memref<64x16xf32, #tpu.memory_space<vmem>>) dst(%dma_wait3A_664 : memref<1024x16xf32, #tpu.memory_space<vmem_shared>>)
    %dma_wait3A_665 = arith.constant 2880 : i32
    %dma_wait3A_666 = tpu.memref_slice %arg10[%dma_wait3A_665] : memref<4096xi32, #tpu.memory_space<vmem>> -> memref<64xi32, #tpu.memory_space<vmem>>
    %dma_wait3A_667 = arith.constant 0 : i32
    %dma_wait3A_668 = arith.constant 0 : i32
    %dma_wait3A_669 = tpu.memref_slice %arg24[%dma_wait3A_667, %dma_wait3A_668] : memref<1024x16xf32, #tpu.memory_space<vmem_shared>> -> memref<1024x16xf32, #tpu.memory_space<vmem_shared>>
    tpu.wait_indirect_dma semaphore(%arg26 : memref<!tpu.dma_semaphore, #tpu.memory_space<semaphore_mem>>) src(%arg12 : memref<64x16xf32, #tpu.memory_space<vmem>>) dst(%dma_wait3A_669 : memref<1024x16xf32, #tpu.memory_space<vmem_shared>>)
    %dma_wait3A_670 = arith.constant 2944 : i32
    %dma_wait3A_671 = tpu.memref_slice %arg10[%dma_wait3A_670] : memref<4096xi32, #tpu.memory_space<vmem>> -> memref<64xi32, #tpu.memory_space<vmem>>
    %dma_wait3A_672 = arith.constant 0 : i32
    %dma_wait3A_673 = arith.constant 0 : i32
    %dma_wait3A_674 = tpu.memref_slice %arg24[%dma_wait3A_672, %dma_wait3A_673] : memref<1024x16xf32, #tpu.memory_space<vmem_shared>> -> memref<1024x16xf32, #tpu.memory_space<vmem_shared>>
    tpu.wait_indirect_dma semaphore(%arg26 : memref<!tpu.dma_semaphore, #tpu.memory_space<semaphore_mem>>) src(%arg12 : memref<64x16xf32, #tpu.memory_space<vmem>>) dst(%dma_wait3A_674 : memref<1024x16xf32, #tpu.memory_space<vmem_shared>>)
    %dma_wait3A_675 = arith.constant 3008 : i32
    %dma_wait3A_676 = tpu.memref_slice %arg10[%dma_wait3A_675] : memref<4096xi32, #tpu.memory_space<vmem>> -> memref<64xi32, #tpu.memory_space<vmem>>
    %dma_wait3A_677 = arith.constant 0 : i32
    %dma_wait3A_678 = arith.constant 0 : i32
    %dma_wait3A_679 = tpu.memref_slice %arg24[%dma_wait3A_677, %dma_wait3A_678] : memref<1024x16xf32, #tpu.memory_space<vmem_shared>> -> memref<1024x16xf32, #tpu.memory_space<vmem_shared>>
    tpu.wait_indirect_dma semaphore(%arg26 : memref<!tpu.dma_semaphore, #tpu.memory_space<semaphore_mem>>) src(%arg12 : memref<64x16xf32, #tpu.memory_space<vmem>>) dst(%dma_wait3A_679 : memref<1024x16xf32, #tpu.memory_space<vmem_shared>>)
    %dma_wait3A_680 = arith.constant 3072 : i32
    %dma_wait3A_681 = tpu.memref_slice %arg10[%dma_wait3A_680] : memref<4096xi32, #tpu.memory_space<vmem>> -> memref<64xi32, #tpu.memory_space<vmem>>
    %dma_wait3A_682 = arith.constant 0 : i32
    %dma_wait3A_683 = arith.constant 0 : i32
    %dma_wait3A_684 = tpu.memref_slice %arg24[%dma_wait3A_682, %dma_wait3A_683] : memref<1024x16xf32, #tpu.memory_space<vmem_shared>> -> memref<1024x16xf32, #tpu.memory_space<vmem_shared>>
    tpu.wait_indirect_dma semaphore(%arg26 : memref<!tpu.dma_semaphore, #tpu.memory_space<semaphore_mem>>) src(%arg12 : memref<64x16xf32, #tpu.memory_space<vmem>>) dst(%dma_wait3A_684 : memref<1024x16xf32, #tpu.memory_space<vmem_shared>>)
    %dma_wait3A_685 = arith.constant 3136 : i32
    %dma_wait3A_686 = tpu.memref_slice %arg10[%dma_wait3A_685] : memref<4096xi32, #tpu.memory_space<vmem>> -> memref<64xi32, #tpu.memory_space<vmem>>
    %dma_wait3A_687 = arith.constant 0 : i32
    %dma_wait3A_688 = arith.constant 0 : i32
    %dma_wait3A_689 = tpu.memref_slice %arg24[%dma_wait3A_687, %dma_wait3A_688] : memref<1024x16xf32, #tpu.memory_space<vmem_shared>> -> memref<1024x16xf32, #tpu.memory_space<vmem_shared>>
    tpu.wait_indirect_dma semaphore(%arg26 : memref<!tpu.dma_semaphore, #tpu.memory_space<semaphore_mem>>) src(%arg12 : memref<64x16xf32, #tpu.memory_space<vmem>>) dst(%dma_wait3A_689 : memref<1024x16xf32, #tpu.memory_space<vmem_shared>>)
    %dma_wait3A_690 = arith.constant 3200 : i32
    %dma_wait3A_691 = tpu.memref_slice %arg10[%dma_wait3A_690] : memref<4096xi32, #tpu.memory_space<vmem>> -> memref<64xi32, #tpu.memory_space<vmem>>
    %dma_wait3A_692 = arith.constant 0 : i32
    %dma_wait3A_693 = arith.constant 0 : i32
    %dma_wait3A_694 = tpu.memref_slice %arg24[%dma_wait3A_692, %dma_wait3A_693] : memref<1024x16xf32, #tpu.memory_space<vmem_shared>> -> memref<1024x16xf32, #tpu.memory_space<vmem_shared>>
    tpu.wait_indirect_dma semaphore(%arg26 : memref<!tpu.dma_semaphore, #tpu.memory_space<semaphore_mem>>) src(%arg12 : memref<64x16xf32, #tpu.memory_space<vmem>>) dst(%dma_wait3A_694 : memref<1024x16xf32, #tpu.memory_space<vmem_shared>>)
    %dma_wait3A_695 = arith.constant 3264 : i32
    %dma_wait3A_696 = tpu.memref_slice %arg10[%dma_wait3A_695] : memref<4096xi32, #tpu.memory_space<vmem>> -> memref<64xi32, #tpu.memory_space<vmem>>
    %dma_wait3A_697 = arith.constant 0 : i32
    %dma_wait3A_698 = arith.constant 0 : i32
    %dma_wait3A_699 = tpu.memref_slice %arg24[%dma_wait3A_697, %dma_wait3A_698] : memref<1024x16xf32, #tpu.memory_space<vmem_shared>> -> memref<1024x16xf32, #tpu.memory_space<vmem_shared>>
    tpu.wait_indirect_dma semaphore(%arg26 : memref<!tpu.dma_semaphore, #tpu.memory_space<semaphore_mem>>) src(%arg12 : memref<64x16xf32, #tpu.memory_space<vmem>>) dst(%dma_wait3A_699 : memref<1024x16xf32, #tpu.memory_space<vmem_shared>>)
    %dma_wait3A_700 = arith.constant 3328 : i32
    %dma_wait3A_701 = tpu.memref_slice %arg10[%dma_wait3A_700] : memref<4096xi32, #tpu.memory_space<vmem>> -> memref<64xi32, #tpu.memory_space<vmem>>
    %dma_wait3A_702 = arith.constant 0 : i32
    %dma_wait3A_703 = arith.constant 0 : i32
    %dma_wait3A_704 = tpu.memref_slice %arg24[%dma_wait3A_702, %dma_wait3A_703] : memref<1024x16xf32, #tpu.memory_space<vmem_shared>> -> memref<1024x16xf32, #tpu.memory_space<vmem_shared>>
    tpu.wait_indirect_dma semaphore(%arg26 : memref<!tpu.dma_semaphore, #tpu.memory_space<semaphore_mem>>) src(%arg12 : memref<64x16xf32, #tpu.memory_space<vmem>>) dst(%dma_wait3A_704 : memref<1024x16xf32, #tpu.memory_space<vmem_shared>>)
    %dma_wait3A_705 = arith.constant 3392 : i32
    %dma_wait3A_706 = tpu.memref_slice %arg10[%dma_wait3A_705] : memref<4096xi32, #tpu.memory_space<vmem>> -> memref<64xi32, #tpu.memory_space<vmem>>
    %dma_wait3A_707 = arith.constant 0 : i32
    %dma_wait3A_708 = arith.constant 0 : i32
    %dma_wait3A_709 = tpu.memref_slice %arg24[%dma_wait3A_707, %dma_wait3A_708] : memref<1024x16xf32, #tpu.memory_space<vmem_shared>> -> memref<1024x16xf32, #tpu.memory_space<vmem_shared>>
    tpu.wait_indirect_dma semaphore(%arg26 : memref<!tpu.dma_semaphore, #tpu.memory_space<semaphore_mem>>) src(%arg12 : memref<64x16xf32, #tpu.memory_space<vmem>>) dst(%dma_wait3A_709 : memref<1024x16xf32, #tpu.memory_space<vmem_shared>>)
    %dma_wait3A_710 = arith.constant 3456 : i32
    %dma_wait3A_711 = tpu.memref_slice %arg10[%dma_wait3A_710] : memref<4096xi32, #tpu.memory_space<vmem>> -> memref<64xi32, #tpu.memory_space<vmem>>
    %dma_wait3A_712 = arith.constant 0 : i32
    %dma_wait3A_713 = arith.constant 0 : i32
    %dma_wait3A_714 = tpu.memref_slice %arg24[%dma_wait3A_712, %dma_wait3A_713] : memref<1024x16xf32, #tpu.memory_space<vmem_shared>> -> memref<1024x16xf32, #tpu.memory_space<vmem_shared>>
    tpu.wait_indirect_dma semaphore(%arg26 : memref<!tpu.dma_semaphore, #tpu.memory_space<semaphore_mem>>) src(%arg12 : memref<64x16xf32, #tpu.memory_space<vmem>>) dst(%dma_wait3A_714 : memref<1024x16xf32, #tpu.memory_space<vmem_shared>>)
    %dma_wait3A_715 = arith.constant 3520 : i32
    %dma_wait3A_716 = tpu.memref_slice %arg10[%dma_wait3A_715] : memref<4096xi32, #tpu.memory_space<vmem>> -> memref<64xi32, #tpu.memory_space<vmem>>
    %dma_wait3A_717 = arith.constant 0 : i32
    %dma_wait3A_718 = arith.constant 0 : i32
    %dma_wait3A_719 = tpu.memref_slice %arg24[%dma_wait3A_717, %dma_wait3A_718] : memref<1024x16xf32, #tpu.memory_space<vmem_shared>> -> memref<1024x16xf32, #tpu.memory_space<vmem_shared>>
    tpu.wait_indirect_dma semaphore(%arg26 : memref<!tpu.dma_semaphore, #tpu.memory_space<semaphore_mem>>) src(%arg12 : memref<64x16xf32, #tpu.memory_space<vmem>>) dst(%dma_wait3A_719 : memref<1024x16xf32, #tpu.memory_space<vmem_shared>>)
    %dma_wait3A_720 = arith.constant 3584 : i32
    %dma_wait3A_721 = tpu.memref_slice %arg10[%dma_wait3A_720] : memref<4096xi32, #tpu.memory_space<vmem>> -> memref<64xi32, #tpu.memory_space<vmem>>
    %dma_wait3A_722 = arith.constant 0 : i32
    %dma_wait3A_723 = arith.constant 0 : i32
    %dma_wait3A_724 = tpu.memref_slice %arg24[%dma_wait3A_722, %dma_wait3A_723] : memref<1024x16xf32, #tpu.memory_space<vmem_shared>> -> memref<1024x16xf32, #tpu.memory_space<vmem_shared>>
    tpu.wait_indirect_dma semaphore(%arg26 : memref<!tpu.dma_semaphore, #tpu.memory_space<semaphore_mem>>) src(%arg12 : memref<64x16xf32, #tpu.memory_space<vmem>>) dst(%dma_wait3A_724 : memref<1024x16xf32, #tpu.memory_space<vmem_shared>>)
    %dma_wait3A_725 = arith.constant 3648 : i32
    %dma_wait3A_726 = tpu.memref_slice %arg10[%dma_wait3A_725] : memref<4096xi32, #tpu.memory_space<vmem>> -> memref<64xi32, #tpu.memory_space<vmem>>
    %dma_wait3A_727 = arith.constant 0 : i32
    %dma_wait3A_728 = arith.constant 0 : i32
    %dma_wait3A_729 = tpu.memref_slice %arg24[%dma_wait3A_727, %dma_wait3A_728] : memref<1024x16xf32, #tpu.memory_space<vmem_shared>> -> memref<1024x16xf32, #tpu.memory_space<vmem_shared>>
    tpu.wait_indirect_dma semaphore(%arg26 : memref<!tpu.dma_semaphore, #tpu.memory_space<semaphore_mem>>) src(%arg12 : memref<64x16xf32, #tpu.memory_space<vmem>>) dst(%dma_wait3A_729 : memref<1024x16xf32, #tpu.memory_space<vmem_shared>>)
    %dma_wait3A_730 = arith.constant 3712 : i32
    %dma_wait3A_731 = tpu.memref_slice %arg10[%dma_wait3A_730] : memref<4096xi32, #tpu.memory_space<vmem>> -> memref<64xi32, #tpu.memory_space<vmem>>
    %dma_wait3A_732 = arith.constant 0 : i32
    %dma_wait3A_733 = arith.constant 0 : i32
    %dma_wait3A_734 = tpu.memref_slice %arg24[%dma_wait3A_732, %dma_wait3A_733] : memref<1024x16xf32, #tpu.memory_space<vmem_shared>> -> memref<1024x16xf32, #tpu.memory_space<vmem_shared>>
    tpu.wait_indirect_dma semaphore(%arg26 : memref<!tpu.dma_semaphore, #tpu.memory_space<semaphore_mem>>) src(%arg12 : memref<64x16xf32, #tpu.memory_space<vmem>>) dst(%dma_wait3A_734 : memref<1024x16xf32, #tpu.memory_space<vmem_shared>>)
    %dma_wait3A_735 = arith.constant 3776 : i32
    %dma_wait3A_736 = tpu.memref_slice %arg10[%dma_wait3A_735] : memref<4096xi32, #tpu.memory_space<vmem>> -> memref<64xi32, #tpu.memory_space<vmem>>
    %dma_wait3A_737 = arith.constant 0 : i32
    %dma_wait3A_738 = arith.constant 0 : i32
    %dma_wait3A_739 = tpu.memref_slice %arg24[%dma_wait3A_737, %dma_wait3A_738] : memref<1024x16xf32, #tpu.memory_space<vmem_shared>> -> memref<1024x16xf32, #tpu.memory_space<vmem_shared>>
    tpu.wait_indirect_dma semaphore(%arg26 : memref<!tpu.dma_semaphore, #tpu.memory_space<semaphore_mem>>) src(%arg12 : memref<64x16xf32, #tpu.memory_space<vmem>>) dst(%dma_wait3A_739 : memref<1024x16xf32, #tpu.memory_space<vmem_shared>>)
    %dma_wait3A_740 = arith.constant 3840 : i32
    %dma_wait3A_741 = tpu.memref_slice %arg10[%dma_wait3A_740] : memref<4096xi32, #tpu.memory_space<vmem>> -> memref<64xi32, #tpu.memory_space<vmem>>
    %dma_wait3A_742 = arith.constant 0 : i32
    %dma_wait3A_743 = arith.constant 0 : i32
    %dma_wait3A_744 = tpu.memref_slice %arg24[%dma_wait3A_742, %dma_wait3A_743] : memref<1024x16xf32, #tpu.memory_space<vmem_shared>> -> memref<1024x16xf32, #tpu.memory_space<vmem_shared>>
    tpu.wait_indirect_dma semaphore(%arg26 : memref<!tpu.dma_semaphore, #tpu.memory_space<semaphore_mem>>) src(%arg12 : memref<64x16xf32, #tpu.memory_space<vmem>>) dst(%dma_wait3A_744 : memref<1024x16xf32, #tpu.memory_space<vmem_shared>>)
    %dma_wait3A_745 = arith.constant 3904 : i32
    %dma_wait3A_746 = tpu.memref_slice %arg10[%dma_wait3A_745] : memref<4096xi32, #tpu.memory_space<vmem>> -> memref<64xi32, #tpu.memory_space<vmem>>
    %dma_wait3A_747 = arith.constant 0 : i32
    %dma_wait3A_748 = arith.constant 0 : i32
    %dma_wait3A_749 = tpu.memref_slice %arg24[%dma_wait3A_747, %dma_wait3A_748] : memref<1024x16xf32, #tpu.memory_space<vmem_shared>> -> memref<1024x16xf32, #tpu.memory_space<vmem_shared>>
    tpu.wait_indirect_dma semaphore(%arg26 : memref<!tpu.dma_semaphore, #tpu.memory_space<semaphore_mem>>) src(%arg12 : memref<64x16xf32, #tpu.memory_space<vmem>>) dst(%dma_wait3A_749 : memref<1024x16xf32, #tpu.memory_space<vmem_shared>>)
    %dma_wait3A_750 = arith.constant 3968 : i32
    %dma_wait3A_751 = tpu.memref_slice %arg10[%dma_wait3A_750] : memref<4096xi32, #tpu.memory_space<vmem>> -> memref<64xi32, #tpu.memory_space<vmem>>
    %dma_wait3A_752 = arith.constant 0 : i32
    %dma_wait3A_753 = arith.constant 0 : i32
    %dma_wait3A_754 = tpu.memref_slice %arg24[%dma_wait3A_752, %dma_wait3A_753] : memref<1024x16xf32, #tpu.memory_space<vmem_shared>> -> memref<1024x16xf32, #tpu.memory_space<vmem_shared>>
    tpu.wait_indirect_dma semaphore(%arg26 : memref<!tpu.dma_semaphore, #tpu.memory_space<semaphore_mem>>) src(%arg12 : memref<64x16xf32, #tpu.memory_space<vmem>>) dst(%dma_wait3A_754 : memref<1024x16xf32, #tpu.memory_space<vmem_shared>>)
    %dma_wait3A_755 = arith.constant 4032 : i32
    %dma_wait3A_756 = tpu.memref_slice %arg10[%dma_wait3A_755] : memref<4096xi32, #tpu.memory_space<vmem>> -> memref<64xi32, #tpu.memory_space<vmem>>
    %dma_wait3A_757 = arith.constant 0 : i32
    %dma_wait3A_758 = arith.constant 0 : i32
    %dma_wait3A_759 = tpu.memref_slice %arg24[%dma_wait3A_757, %dma_wait3A_758] : memref<1024x16xf32, #tpu.memory_space<vmem_shared>> -> memref<1024x16xf32, #tpu.memory_space<vmem_shared>>
    tpu.wait_indirect_dma semaphore(%arg26 : memref<!tpu.dma_semaphore, #tpu.memory_space<semaphore_mem>>) src(%arg12 : memref<64x16xf32, #tpu.memory_space<vmem>>) dst(%dma_wait3A_759 : memref<1024x16xf32, #tpu.memory_space<vmem_shared>>)
    %barrier3A_760 = arith.constant 0 : index
    tpu.barrier barrier_id(%barrier3A_760)
    "tpu.trace_stop"() : () -> ()
    "tpu.trace_start"() <{level = 10 : i32, message = "dinv_pub"}> : () -> ()
    "tpu.region"() ({
      %run_scoped3A = tpu.sem_alloc : memref<!tpu.dma_semaphore, #tpu.memory_space<semaphore_mem>>
      %dma_start3A_955 = arith.constant 0 : i32
      %dma_start3A_956 = tpu.memref_slice %arg24[%mul3A_0, %dma_start3A_955] : memref<1024x16xf32, #tpu.memory_space<vmem_shared>> -> memref<64x16xf32, #tpu.memory_space<vmem_shared>>
      %dma_start3A_957 = arith.constant 0 : i32
      %dma_start3A_958 = tpu.memref_slice %arg24[%mul3A_0, %dma_start3A_957] : memref<1024x16xf32, #tpu.memory_space<vmem_shared>> -> memref<64x16xf32, #tpu.memory_space<vmem_shared>>
      tpu.enqueue_dma source(%dma_start3A_958 : memref<64x16xf32, #tpu.memory_space<vmem_shared>>) target(%arg15 : memref<64x16xf32, #tpu.memory_space<vmem>>) target_semaphore(%run_scoped3A : memref<!tpu.dma_semaphore, #tpu.memory_space<semaphore_mem>>)
      %dma_wait3A_959 = arith.constant 0 : i32
      %dma_wait3A_960 = tpu.memref_slice %arg24[%mul3A_0, %dma_wait3A_959] : memref<1024x16xf32, #tpu.memory_space<vmem_shared>> -> memref<64x16xf32, #tpu.memory_space<vmem_shared>>
      %dma_wait3A_961 = arith.constant 0 : i32
      %dma_wait3A_962 = tpu.memref_slice %arg24[%mul3A_0, %dma_wait3A_961] : memref<1024x16xf32, #tpu.memory_space<vmem_shared>> -> memref<64x16xf32, #tpu.memory_space<vmem_shared>>
      tpu.wait_dma2 semaphore(%run_scoped3A : memref<!tpu.dma_semaphore, #tpu.memory_space<semaphore_mem>>) src(%dma_wait3A_962 : memref<64x16xf32, #tpu.memory_space<vmem_shared>>) dst(%arg15 : memref<64x16xf32, #tpu.memory_space<vmem>>)
      tpu.yield
    }) : () -> ()
    %get3A_761 = arith.constant 4 : i32
    %get3A_762 = arith.index_cast %get3A_761 : i32 to index
    %get3A_763 = arith.constant 0 : index
    %get3A_764 = tpu.vector_load %arg14[%get3A_762, %get3A_763] {strides = array<i32>} : memref<14x16xf32, #tpu.memory_space<vmem>>, vector<16xf32>,
    %get3A_765 = arith.constant 13 : i32
    %get3A_766 = arith.index_cast %get3A_765 : i32 to index
    %get3A_767 = arith.constant 0 : index
    %get3A_768 = tpu.vector_load %arg14[%get3A_766, %get3A_767] {strides = array<i32>} : memref<14x16xf32, #tpu.memory_space<vmem>>, vector<16xf32>,
    %get3A_769 = arith.constant 5 : i32
    %get3A_770 = arith.index_cast %get3A_769 : i32 to index
    %get3A_771 = arith.constant 0 : index
    %get3A_772 = tpu.vector_load %arg14[%get3A_770, %get3A_771] {strides = array<i32>} : memref<14x16xf32, #tpu.memory_space<vmem>>, vector<16xf32>,
    %get3A_773 = arith.constant 6 : i32
    %get3A_774 = arith.index_cast %get3A_773 : i32 to index
    %get3A_775 = arith.constant 0 : index
    %get3A_776 = tpu.vector_load %arg14[%get3A_774, %get3A_775] {strides = array<i32>} : memref<14x16xf32, #tpu.memory_space<vmem>>, vector<16xf32>,
    %get3A_777 = arith.constant 7 : i32
    %get3A_778 = arith.index_cast %get3A_777 : i32 to index
    %get3A_779 = arith.constant 0 : index
    %get3A_780 = tpu.vector_load %arg14[%get3A_778, %get3A_779] {strides = array<i32>} : memref<14x16xf32, #tpu.memory_space<vmem>>, vector<16xf32>,
    %get3A_781 = arith.constant 8 : i32
    %get3A_782 = arith.index_cast %get3A_781 : i32 to index
    %get3A_783 = arith.constant 0 : index
    %get3A_784 = tpu.vector_load %arg14[%get3A_782, %get3A_783] {strides = array<i32>} : memref<14x16xf32, #tpu.memory_space<vmem>>, vector<16xf32>,
    %get3A_785 = arith.constant 9 : i32
    %get3A_786 = arith.index_cast %get3A_785 : i32 to index
    %get3A_787 = arith.constant 0 : index
    %get3A_788 = tpu.vector_load %arg14[%get3A_786, %get3A_787] {strides = array<i32>} : memref<14x16xf32, #tpu.memory_space<vmem>>, vector<16xf32>,
    %get3A_789 = arith.constant 10 : i32
    %get3A_790 = arith.index_cast %get3A_789 : i32 to index
    %get3A_791 = arith.constant 0 : index
    %get3A_792 = tpu.vector_load %arg14[%get3A_790, %get3A_791] {strides = array<i32>} : memref<14x16xf32, #tpu.memory_space<vmem>>, vector<16xf32>,
    %get3A_793 = arith.constant 11 : i32
    %get3A_794 = arith.index_cast %get3A_793 : i32 to index
    %get3A_795 = arith.constant 0 : index
    %get3A_796 = tpu.vector_load %arg14[%get3A_794, %get3A_795] {strides = array<i32>} : memref<14x16xf32, #tpu.memory_space<vmem>>, vector<16xf32>,
    %get3A_797 = arith.constant 12 : i32
    %get3A_798 = arith.index_cast %get3A_797 : i32 to index
    %get3A_799 = arith.constant 0 : index
    %get3A_800 = tpu.vector_load %arg14[%get3A_798, %get3A_799] {strides = array<i32>} : memref<14x16xf32, #tpu.memory_space<vmem>>, vector<16xf32>,
    %scan3A_801 = arith.constant 0 : i32
    %scan3A_802 = arith.constant 0 : i32
    %scan3A_803 = arith.constant 64 : i32
    %scan3A_804 = arith.addi %scan3A_802, %scan3A_803 : i32
    %scan3A_805 = arith.constant 1 : i32
    scf.for %scan3A_955 = %scan3A_802 to %scan3A_804 step %scan3A_805  : i32 {
      %get3A_956 = arith.index_cast %scan3A_955 : i32 to index
      %get3A_957 = arith.constant 0 : index
      %get3A_958 = tpu.vector_load %arg15[%get3A_956, %get3A_957] {strides = array<i32>} : memref<64x16xf32, #tpu.memory_space<vmem>>, vector<16xf32>,
      %bitcast3A = vector.bitcast %get3A_958 : vector<16xf32> to vector<16xi32>
      %shift_right_logical3A = arith.constant 1 : i32
      %shift_right_logical3A_959 = vector.broadcast %shift_right_logical3A : i32 to vector<16xi32>
      %shift_right_logical3A_960 = arith.shrui %bitcast3A, %shift_right_logical3A_959 : vector<16xi32>
      %sub3A = arith.constant 1597463007 : i32
      %sub3A_961 = vector.broadcast %sub3A : i32 to vector<16xi32>
      %sub3A_962 = arith.subi %sub3A_961, %shift_right_logical3A_960 : vector<16xi32>
      %bitcast3A_963 = vector.bitcast %sub3A_962 : vector<16xi32> to vector<16xf32>
      %mul3A_964 = arith.constant 5.000000e-01 : f32
      %mul3A_965 = vector.broadcast %mul3A_964 : f32 to vector<16xf32>
      %mul3A_966 = arith.mulf %mul3A_965, %get3A_958 : vector<16xf32>
      %mul3A_967 = arith.mulf %mul3A_966, %bitcast3A_963 : vector<16xf32>
      %mul3A_968 = arith.mulf %mul3A_967, %bitcast3A_963 : vector<16xf32>
      %sub3A_969 = arith.constant 1.500000e+00 : f32
      %sub3A_970 = vector.broadcast %sub3A_969 : f32 to vector<16xf32>
      %sub3A_971 = arith.subf %sub3A_970, %mul3A_968 : vector<16xf32>
      %mul3A_972 = arith.mulf %bitcast3A_963, %sub3A_971 : vector<16xf32>
      %mul3A_973 = arith.constant 5.000000e-01 : f32
      %mul3A_974 = vector.broadcast %mul3A_973 : f32 to vector<16xf32>
      %mul3A_975 = arith.mulf %mul3A_974, %get3A_958 : vector<16xf32>
      %mul3A_976 = arith.mulf %mul3A_975, %mul3A_972 : vector<16xf32>
      %mul3A_977 = arith.mulf %mul3A_976, %mul3A_972 : vector<16xf32>
      %sub3A_978 = arith.constant 1.500000e+00 : f32
      %sub3A_979 = vector.broadcast %sub3A_978 : f32 to vector<16xf32>
      %sub3A_980 = arith.subf %sub3A_979, %mul3A_977 : vector<16xf32>
      %mul3A_981 = arith.mulf %mul3A_972, %sub3A_980 : vector<16xf32>
      %mul3A_982 = arith.constant 5.000000e-01 : f32
      %mul3A_983 = vector.broadcast %mul3A_982 : f32 to vector<16xf32>
      %mul3A_984 = arith.mulf %mul3A_983, %get3A_958 : vector<16xf32>
      %mul3A_985 = arith.mulf %mul3A_984, %mul3A_981 : vector<16xf32>
      %mul3A_986 = arith.mulf %mul3A_985, %mul3A_981 : vector<16xf32>
      %sub3A_987 = arith.constant 1.500000e+00 : f32
      %sub3A_988 = vector.broadcast %sub3A_987 : f32 to vector<16xf32>
      %sub3A_989 = arith.subf %sub3A_988, %mul3A_986 : vector<16xf32>
      %mul3A_990 = arith.mulf %mul3A_981, %sub3A_989 : vector<16xf32>
      %swap3A = arith.index_cast %scan3A_955 : i32 to index
      %swap3A_991 = arith.constant 0 : index
      %swap3A_992 = tpu.vector_load %arg16[%swap3A, %swap3A_991] {strides = array<i32>} : memref<64x16xf32, #tpu.memory_space<vmem>>, vector<16xf32>,
      tpu.vector_store %arg16[%swap3A, %swap3A_991], %mul3A_990 {strides = array<i32>} : memref<64x16xf32, #tpu.memory_space<vmem>>, vector<16xf32>,
      %get3A_993 = arith.index_cast %scan3A_955 : i32 to index
      %get3A_994 = arith.constant 0 : index
      %get3A_995 = tpu.vector_load %arg17[%get3A_993, %get3A_994] {strides = array<i32>} : memref<64x16xf32, #tpu.memory_space<vmem>>, vector<16xf32>,
      %mul3A_996 = arith.mulf %get3A_995, %mul3A_990 : vector<16xf32>
      %swap3A_997 = arith.index_cast %scan3A_955 : i32 to index
      %swap3A_998 = arith.constant 0 : index
      %swap3A_999 = tpu.vector_load %arg20[%swap3A_997, %swap3A_998] {strides = array<i32>} : memref<64x16xf32, #tpu.memory_space<vmem>>, vector<16xf32>,
      tpu.vector_store %arg20[%swap3A_997, %swap3A_998], %mul3A_996 {strides = array<i32>} : memref<64x16xf32, #tpu.memory_space<vmem>>, vector<16xf32>,
    }
    %scan3A_806 = arith.constant 64 : i32
    "tpu.region"() ({
      %run_scoped3A = tpu.sem_alloc : memref<!tpu.dma_semaphore, #tpu.memory_space<semaphore_mem>>
      %dma_start3A_955 = arith.constant 0 : i32
      %dma_start3A_956 = tpu.memref_slice %arg23[%mul3A_0, %dma_start3A_955] : memref<1024x16xf32, #tpu.memory_space<vmem_shared>> -> memref<64x16xf32, #tpu.memory_space<vmem_shared>>
      %dma_start3A_957 = arith.constant 0 : i32
      %dma_start3A_958 = tpu.memref_slice %arg23[%mul3A_0, %dma_start3A_957] : memref<1024x16xf32, #tpu.memory_space<vmem_shared>> -> memref<64x16xf32, #tpu.memory_space<vmem_shared>>
      tpu.enqueue_dma source(%arg20 : memref<64x16xf32, #tpu.memory_space<vmem>>) target(%dma_start3A_958 : memref<64x16xf32, #tpu.memory_space<vmem_shared>>) target_semaphore(%run_scoped3A : memref<!tpu.dma_semaphore, #tpu.memory_space<semaphore_mem>>)
      %dma_wait3A_959 = arith.constant 0 : i32
      %dma_wait3A_960 = tpu.memref_slice %arg23[%mul3A_0, %dma_wait3A_959] : memref<1024x16xf32, #tpu.memory_space<vmem_shared>> -> memref<64x16xf32, #tpu.memory_space<vmem_shared>>
      %dma_wait3A_961 = arith.constant 0 : i32
      %dma_wait3A_962 = tpu.memref_slice %arg23[%mul3A_0, %dma_wait3A_961] : memref<1024x16xf32, #tpu.memory_space<vmem_shared>> -> memref<64x16xf32, #tpu.memory_space<vmem_shared>>
      tpu.wait_dma2 semaphore(%run_scoped3A : memref<!tpu.dma_semaphore, #tpu.memory_space<semaphore_mem>>) src(%arg20 : memref<64x16xf32, #tpu.memory_space<vmem>>) dst(%dma_wait3A_962 : memref<64x16xf32, #tpu.memory_space<vmem_shared>>)
      tpu.yield
    }) : () -> ()
    "tpu.region"() ({
      %run_scoped3A = tpu.sem_alloc : memref<!tpu.dma_semaphore, #tpu.memory_space<semaphore_mem>>
      %dma_start3A_955 = arith.constant 0 : i32
      %dma_start3A_956 = tpu.memref_slice %arg24[%mul3A_0, %dma_start3A_955] : memref<1024x16xf32, #tpu.memory_space<vmem_shared>> -> memref<64x16xf32, #tpu.memory_space<vmem_shared>>
      %dma_start3A_957 = arith.constant 0 : i32
      %dma_start3A_958 = tpu.memref_slice %arg24[%mul3A_0, %dma_start3A_957] : memref<1024x16xf32, #tpu.memory_space<vmem_shared>> -> memref<64x16xf32, #tpu.memory_space<vmem_shared>>
      tpu.enqueue_dma source(%arg21 : memref<64x16xf32, #tpu.memory_space<vmem>>) target(%dma_start3A_958 : memref<64x16xf32, #tpu.memory_space<vmem_shared>>) target_semaphore(%run_scoped3A : memref<!tpu.dma_semaphore, #tpu.memory_space<semaphore_mem>>)
      %dma_wait3A_959 = arith.constant 0 : i32
      %dma_wait3A_960 = tpu.memref_slice %arg24[%mul3A_0, %dma_wait3A_959] : memref<1024x16xf32, #tpu.memory_space<vmem_shared>> -> memref<64x16xf32, #tpu.memory_space<vmem_shared>>
      %dma_wait3A_961 = arith.constant 0 : i32
      %dma_wait3A_962 = tpu.memref_slice %arg24[%mul3A_0, %dma_wait3A_961] : memref<1024x16xf32, #tpu.memory_space<vmem_shared>> -> memref<64x16xf32, #tpu.memory_space<vmem_shared>>
      tpu.wait_dma2 semaphore(%run_scoped3A : memref<!tpu.dma_semaphore, #tpu.memory_space<semaphore_mem>>) src(%arg21 : memref<64x16xf32, #tpu.memory_space<vmem>>) dst(%dma_wait3A_962 : memref<64x16xf32, #tpu.memory_space<vmem_shared>>)
      tpu.yield
    }) : () -> ()
    %barrier3A_807 = arith.constant 0 : index
    tpu.barrier barrier_id(%barrier3A_807)
    "tpu.trace_stop"() : () -> ()
    "tpu.trace_start"() <{level = 10 : i32, message = "l1_edges"}> : () -> ()
    %dma_start3A_808 = arith.constant 0 : i32
    %dma_start3A_809 = arith.constant 0 : i32
    %dma_start3A_810 = tpu.memref_slice %arg11[%dma_start3A_808, %dma_start3A_809] : memref<4096x16xf32, #tpu.memory_space<vmem>> -> memref<2048x16xf32, #tpu.memory_space<vmem>>
    %dma_start3A_811 = arith.constant 0 : i32
    %dma_start3A_812 = tpu.memref_slice %arg9[%dma_start3A_811] : memref<4096xi32, #tpu.memory_space<vmem>> -> memref<2048xi32, #tpu.memory_space<vmem>>
    %dma_start3A_813 = arith.constant 0 : i32
    %dma_start3A_814 = arith.constant 0 : i32
    %dma_start3A_815 = tpu.memref_slice %arg23[%dma_start3A_813, %dma_start3A_814] : memref<1024x16xf32, #tpu.memory_space<vmem_shared>> -> memref<1024x16xf32, #tpu.memory_space<vmem_shared>>
    tpu.enqueue_indirect_dma source(%dma_start3A_815 : memref<1024x16xf32, #tpu.memory_space<vmem_shared>>) target(%dma_start3A_810 : memref<2048x16xf32, #tpu.memory_space<vmem>>) offsets(%dma_start3A_812 : memref<2048xi32, #tpu.memory_space<vmem>>) semaphore(%arg25 : memref<!tpu.dma_semaphore, #tpu.memory_space<semaphore_mem>>)
    %dma_wait3A_816 = arith.constant 0 : i32
    %dma_wait3A_817 = arith.constant 0 : i32
    %dma_wait3A_818 = tpu.memref_slice %arg11[%dma_wait3A_816, %dma_wait3A_817] : memref<4096x16xf32, #tpu.memory_space<vmem>> -> memref<2048x16xf32, #tpu.memory_space<vmem>>
    %dma_wait3A_819 = arith.constant 0 : i32
    %dma_wait3A_820 = tpu.memref_slice %arg9[%dma_wait3A_819] : memref<4096xi32, #tpu.memory_space<vmem>> -> memref<2048xi32, #tpu.memory_space<vmem>>
    %dma_wait3A_821 = arith.constant 0 : i32
    %dma_wait3A_822 = arith.constant 0 : i32
    %dma_wait3A_823 = tpu.memref_slice %arg23[%dma_wait3A_821, %dma_wait3A_822] : memref<1024x16xf32, #tpu.memory_space<vmem_shared>> -> memref<1024x16xf32, #tpu.memory_space<vmem_shared>>
    tpu.wait_indirect_dma semaphore(%arg25 : memref<!tpu.dma_semaphore, #tpu.memory_space<semaphore_mem>>) src(%dma_wait3A_823 : memref<1024x16xf32, #tpu.memory_space<vmem_shared>>) dst(%dma_wait3A_818 : memref<2048x16xf32, #tpu.memory_space<vmem>>)
    %dma_start3A_824 = arith.constant 0 : i32
    %dma_start3A_825 = arith.constant 0 : i32
    %dma_start3A_826 = tpu.memref_slice %arg11[%dma_start3A_824, %dma_start3A_825] : memref<4096x16xf32, #tpu.memory_space<vmem>> -> memref<2048x16xf32, #tpu.memory_space<vmem>>
    %dma_start3A_827 = arith.constant 0 : i32
    %dma_start3A_828 = tpu.memref_slice %arg10[%dma_start3A_827] : memref<4096xi32, #tpu.memory_space<vmem>> -> memref<2048xi32, #tpu.memory_space<vmem>>
    %dma_start3A_829 = arith.constant 0 : i32
    %dma_start3A_830 = arith.constant 0 : i32
    %dma_start3A_831 = tpu.memref_slice %arg24[%dma_start3A_829, %dma_start3A_830] : memref<1024x16xf32, #tpu.memory_space<vmem_shared>> -> memref<1024x16xf32, #tpu.memory_space<vmem_shared>>
    tpu.enqueue_indirect_dma source(%dma_start3A_826 : memref<2048x16xf32, #tpu.memory_space<vmem>>) target(%dma_start3A_831 : memref<1024x16xf32, #tpu.memory_space<vmem_shared>>) offsets(%dma_start3A_828 : memref<2048xi32, #tpu.memory_space<vmem>>) semaphore(%arg26 : memref<!tpu.dma_semaphore, #tpu.memory_space<semaphore_mem>>) {add = true}
    %dma_start3A_832 = arith.constant 2048 : i32
    %dma_start3A_833 = arith.constant 0 : i32
    %dma_start3A_834 = tpu.memref_slice %arg11[%dma_start3A_832, %dma_start3A_833] : memref<4096x16xf32, #tpu.memory_space<vmem>> -> memref<2048x16xf32, #tpu.memory_space<vmem>>
    %dma_start3A_835 = arith.constant 2048 : i32
    %dma_start3A_836 = tpu.memref_slice %arg9[%dma_start3A_835] : memref<4096xi32, #tpu.memory_space<vmem>> -> memref<2048xi32, #tpu.memory_space<vmem>>
    %dma_start3A_837 = arith.constant 0 : i32
    %dma_start3A_838 = arith.constant 0 : i32
    %dma_start3A_839 = tpu.memref_slice %arg23[%dma_start3A_837, %dma_start3A_838] : memref<1024x16xf32, #tpu.memory_space<vmem_shared>> -> memref<1024x16xf32, #tpu.memory_space<vmem_shared>>
    tpu.enqueue_indirect_dma source(%dma_start3A_839 : memref<1024x16xf32, #tpu.memory_space<vmem_shared>>) target(%dma_start3A_834 : memref<2048x16xf32, #tpu.memory_space<vmem>>) offsets(%dma_start3A_836 : memref<2048xi32, #tpu.memory_space<vmem>>) semaphore(%arg25 : memref<!tpu.dma_semaphore, #tpu.memory_space<semaphore_mem>>)
    %dma_wait3A_840 = arith.constant 2048 : i32
    %dma_wait3A_841 = arith.constant 0 : i32
    %dma_wait3A_842 = tpu.memref_slice %arg11[%dma_wait3A_840, %dma_wait3A_841] : memref<4096x16xf32, #tpu.memory_space<vmem>> -> memref<2048x16xf32, #tpu.memory_space<vmem>>
    %dma_wait3A_843 = arith.constant 2048 : i32
    %dma_wait3A_844 = tpu.memref_slice %arg9[%dma_wait3A_843] : memref<4096xi32, #tpu.memory_space<vmem>> -> memref<2048xi32, #tpu.memory_space<vmem>>
    %dma_wait3A_845 = arith.constant 0 : i32
    %dma_wait3A_846 = arith.constant 0 : i32
    %dma_wait3A_847 = tpu.memref_slice %arg23[%dma_wait3A_845, %dma_wait3A_846] : memref<1024x16xf32, #tpu.memory_space<vmem_shared>> -> memref<1024x16xf32, #tpu.memory_space<vmem_shared>>
    tpu.wait_indirect_dma semaphore(%arg25 : memref<!tpu.dma_semaphore, #tpu.memory_space<semaphore_mem>>) src(%dma_wait3A_847 : memref<1024x16xf32, #tpu.memory_space<vmem_shared>>) dst(%dma_wait3A_842 : memref<2048x16xf32, #tpu.memory_space<vmem>>)
    %dma_wait3A_848 = arith.constant 0 : i32
    %dma_wait3A_849 = arith.constant 0 : i32
    %dma_wait3A_850 = tpu.memref_slice %arg11[%dma_wait3A_848, %dma_wait3A_849] : memref<4096x16xf32, #tpu.memory_space<vmem>> -> memref<2048x16xf32, #tpu.memory_space<vmem>>
    %dma_wait3A_851 = arith.constant 0 : i32
    %dma_wait3A_852 = tpu.memref_slice %arg10[%dma_wait3A_851] : memref<4096xi32, #tpu.memory_space<vmem>> -> memref<2048xi32, #tpu.memory_space<vmem>>
    %dma_wait3A_853 = arith.constant 0 : i32
    %dma_wait3A_854 = arith.constant 0 : i32
    %dma_wait3A_855 = tpu.memref_slice %arg24[%dma_wait3A_853, %dma_wait3A_854] : memref<1024x16xf32, #tpu.memory_space<vmem_shared>> -> memref<1024x16xf32, #tpu.memory_space<vmem_shared>>
    tpu.wait_indirect_dma semaphore(%arg26 : memref<!tpu.dma_semaphore, #tpu.memory_space<semaphore_mem>>) src(%dma_wait3A_850 : memref<2048x16xf32, #tpu.memory_space<vmem>>) dst(%dma_wait3A_855 : memref<1024x16xf32, #tpu.memory_space<vmem_shared>>)
    %dma_start3A_856 = arith.constant 2048 : i32
    %dma_start3A_857 = arith.constant 0 : i32
    %dma_start3A_858 = tpu.memref_slice %arg11[%dma_start3A_856, %dma_start3A_857] : memref<4096x16xf32, #tpu.memory_space<vmem>> -> memref<2048x16xf32, #tpu.memory_space<vmem>>
    %dma_start3A_859 = arith.constant 2048 : i32
    %dma_start3A_860 = tpu.memref_slice %arg10[%dma_start3A_859] : memref<4096xi32, #tpu.memory_space<vmem>> -> memref<2048xi32, #tpu.memory_space<vmem>>
    %dma_start3A_861 = arith.constant 0 : i32
    %dma_start3A_862 = arith.constant 0 : i32
    %dma_start3A_863 = tpu.memref_slice %arg24[%dma_start3A_861, %dma_start3A_862] : memref<1024x16xf32, #tpu.memory_space<vmem_shared>> -> memref<1024x16xf32, #tpu.memory_space<vmem_shared>>
    tpu.enqueue_indirect_dma source(%dma_start3A_858 : memref<2048x16xf32, #tpu.memory_space<vmem>>) target(%dma_start3A_863 : memref<1024x16xf32, #tpu.memory_space<vmem_shared>>) offsets(%dma_start3A_860 : memref<2048xi32, #tpu.memory_space<vmem>>) semaphore(%arg26 : memref<!tpu.dma_semaphore, #tpu.memory_space<semaphore_mem>>) {add = true}
    %dma_wait3A_864 = arith.constant 2048 : i32
    %dma_wait3A_865 = arith.constant 0 : i32
    %dma_wait3A_866 = tpu.memref_slice %arg11[%dma_wait3A_864, %dma_wait3A_865] : memref<4096x16xf32, #tpu.memory_space<vmem>> -> memref<2048x16xf32, #tpu.memory_space<vmem>>
    %dma_wait3A_867 = arith.constant 2048 : i32
    %dma_wait3A_868 = tpu.memref_slice %arg10[%dma_wait3A_867] : memref<4096xi32, #tpu.memory_space<vmem>> -> memref<2048xi32, #tpu.memory_space<vmem>>
    %dma_wait3A_869 = arith.constant 0 : i32
    %dma_wait3A_870 = arith.constant 0 : i32
    %dma_wait3A_871 = tpu.memref_slice %arg24[%dma_wait3A_869, %dma_wait3A_870] : memref<1024x16xf32, #tpu.memory_space<vmem_shared>> -> memref<1024x16xf32, #tpu.memory_space<vmem_shared>>
    tpu.wait_indirect_dma semaphore(%arg26 : memref<!tpu.dma_semaphore, #tpu.memory_space<semaphore_mem>>) src(%dma_wait3A_866 : memref<2048x16xf32, #tpu.memory_space<vmem>>) dst(%dma_wait3A_871 : memref<1024x16xf32, #tpu.memory_space<vmem_shared>>)
    "tpu.trace_stop"() : () -> ()
    %barrier3A_872 = arith.constant 0 : index
    tpu.barrier barrier_id(%barrier3A_872)
    "tpu.trace_start"() <{level = 10 : i32, message = "mid_locals"}> : () -> ()
    "tpu.region"() ({
      %run_scoped3A = tpu.sem_alloc : memref<!tpu.dma_semaphore, #tpu.memory_space<semaphore_mem>>
      %dma_start3A_955 = arith.constant 0 : i32
      %dma_start3A_956 = tpu.memref_slice %arg24[%mul3A_0, %dma_start3A_955] : memref<1024x16xf32, #tpu.memory_space<vmem_shared>> -> memref<64x16xf32, #tpu.memory_space<vmem_shared>>
      %dma_start3A_957 = arith.constant 0 : i32
      %dma_start3A_958 = tpu.memref_slice %arg24[%mul3A_0, %dma_start3A_957] : memref<1024x16xf32, #tpu.memory_space<vmem_shared>> -> memref<64x16xf32, #tpu.memory_space<vmem_shared>>
      tpu.enqueue_dma source(%dma_start3A_958 : memref<64x16xf32, #tpu.memory_space<vmem_shared>>) target(%arg19 : memref<64x16xf32, #tpu.memory_space<vmem>>) target_semaphore(%run_scoped3A : memref<!tpu.dma_semaphore, #tpu.memory_space<semaphore_mem>>)
      %dma_wait3A_959 = arith.constant 0 : i32
      %dma_wait3A_960 = tpu.memref_slice %arg24[%mul3A_0, %dma_wait3A_959] : memref<1024x16xf32, #tpu.memory_space<vmem_shared>> -> memref<64x16xf32, #tpu.memory_space<vmem_shared>>
      %dma_wait3A_961 = arith.constant 0 : i32
      %dma_wait3A_962 = tpu.memref_slice %arg24[%mul3A_0, %dma_wait3A_961] : memref<1024x16xf32, #tpu.memory_space<vmem_shared>> -> memref<64x16xf32, #tpu.memory_space<vmem_shared>>
      tpu.wait_dma2 semaphore(%run_scoped3A : memref<!tpu.dma_semaphore, #tpu.memory_space<semaphore_mem>>) src(%dma_wait3A_962 : memref<64x16xf32, #tpu.memory_space<vmem_shared>>) dst(%arg19 : memref<64x16xf32, #tpu.memory_space<vmem>>)
      tpu.yield
    }) : () -> ()
    %scan3A_873 = arith.constant 0 : i32
    %scan3A_874 = arith.constant 0 : i32
    %scan3A_875 = arith.constant 64 : i32
    %scan3A_876 = arith.addi %scan3A_874, %scan3A_875 : i32
    %scan3A_877 = arith.constant 1 : i32
    scf.for %scan3A_955 = %scan3A_874 to %scan3A_876 step %scan3A_877  : i32 {
      %get3A_956 = arith.index_cast %scan3A_955 : i32 to index
      %get3A_957 = arith.constant 0 : index
      %get3A_958 = tpu.vector_load %arg16[%get3A_956, %get3A_957] {strides = array<i32>} : memref<64x16xf32, #tpu.memory_space<vmem>>, vector<16xf32>,
      %get3A_959 = arith.index_cast %scan3A_955 : i32 to index
      %get3A_960 = arith.constant 0 : index
      %get3A_961 = tpu.vector_load %arg19[%get3A_959, %get3A_960] {strides = array<i32>} : memref<64x16xf32, #tpu.memory_space<vmem>>, vector<16xf32>,
      %mul3A_962 = arith.mulf %get3A_958, %get3A_961 : vector<16xf32>
      %mul3A_963 = arith.mulf %get3A_958, %get3A_958 : vector<16xf32>
      %get3A_964 = arith.index_cast %scan3A_955 : i32 to index
      %get3A_965 = arith.constant 0 : index
      %get3A_966 = tpu.vector_load %arg17[%get3A_964, %get3A_965] {strides = array<i32>} : memref<64x16xf32, #tpu.memory_space<vmem>>, vector<16xf32>,
      %mul3A_967 = arith.mulf %mul3A_963, %get3A_966 : vector<16xf32>
      %add3A = arith.addf %mul3A_962, %mul3A_967 : vector<16xf32>
      %add3A_968 = arith.addf %add3A, %get3A_764 : vector<16xf32>
      %max3A = arith.constant 0.000000e+00 : f32
      %max3A_969 = vector.broadcast %max3A : f32 to vector<16xf32>
      %max3A_970 = arith.maximumf %add3A_968, %max3A_969 : vector<16xf32>
      %broadcast_in_dim3A_971 = arith.constant 0.000000e+00 : f32
      %broadcast_in_dim3A_972 = vector.broadcast %broadcast_in_dim3A_971 : f32 to vector<16xf32>
      %slice3A = vector.extract_strided_slice %max3A_970 {offsets = [0], sizes = [1], strides = [1]} : vector<16xf32> to vector<1xf32>
      %squeeze3A = vector.extract %slice3A[0] : f32 from vector<1xf32>
      %mul3A_973 = vector.broadcast %squeeze3A : f32 to vector<16xf32>
      %mul3A_974 = arith.mulf %get3A_772, %mul3A_973 : vector<16xf32>
      %add3A_975 = arith.addf %broadcast_in_dim3A_972, %mul3A_974 : vector<16xf32>
      %slice3A_976 = vector.extract_strided_slice %max3A_970 {offsets = [1], sizes = [1], strides = [1]} : vector<16xf32> to vector<1xf32>
      %squeeze3A_977 = vector.extract %slice3A_976[0] : f32 from vector<1xf32>
      %mul3A_978 = vector.broadcast %squeeze3A_977 : f32 to vector<16xf32>
      %mul3A_979 = arith.mulf %get3A_776, %mul3A_978 : vector<16xf32>
      %add3A_980 = arith.addf %add3A_975, %mul3A_979 : vector<16xf32>
      %slice3A_981 = vector.extract_strided_slice %max3A_970 {offsets = [2], sizes = [1], strides = [1]} : vector<16xf32> to vector<1xf32>
      %squeeze3A_982 = vector.extract %slice3A_981[0] : f32 from vector<1xf32>
      %mul3A_983 = vector.broadcast %squeeze3A_982 : f32 to vector<16xf32>
      %mul3A_984 = arith.mulf %get3A_780, %mul3A_983 : vector<16xf32>
      %add3A_985 = arith.addf %add3A_980, %mul3A_984 : vector<16xf32>
      %slice3A_986 = vector.extract_strided_slice %max3A_970 {offsets = [3], sizes = [1], strides = [1]} : vector<16xf32> to vector<1xf32>
      %squeeze3A_987 = vector.extract %slice3A_986[0] : f32 from vector<1xf32>
      %mul3A_988 = vector.broadcast %squeeze3A_987 : f32 to vector<16xf32>
      %mul3A_989 = arith.mulf %get3A_784, %mul3A_988 : vector<16xf32>
      %add3A_990 = arith.addf %add3A_985, %mul3A_989 : vector<16xf32>
      %slice3A_991 = vector.extract_strided_slice %max3A_970 {offsets = [4], sizes = [1], strides = [1]} : vector<16xf32> to vector<1xf32>
      %squeeze3A_992 = vector.extract %slice3A_991[0] : f32 from vector<1xf32>
      %mul3A_993 = vector.broadcast %squeeze3A_992 : f32 to vector<16xf32>
      %mul3A_994 = arith.mulf %get3A_788, %mul3A_993 : vector<16xf32>
      %add3A_995 = arith.addf %add3A_990, %mul3A_994 : vector<16xf32>
      %slice3A_996 = vector.extract_strided_slice %max3A_970 {offsets = [5], sizes = [1], strides = [1]} : vector<16xf32> to vector<1xf32>
      %squeeze3A_997 = vector.extract %slice3A_996[0] : f32 from vector<1xf32>
      %mul3A_998 = vector.broadcast %squeeze3A_997 : f32 to vector<16xf32>
      %mul3A_999 = arith.mulf %get3A_792, %mul3A_998 : vector<16xf32>
      %add3A_1000 = arith.addf %add3A_995, %mul3A_999 : vector<16xf32>
      %slice3A_1001 = vector.extract_strided_slice %max3A_970 {offsets = [6], sizes = [1], strides = [1]} : vector<16xf32> to vector<1xf32>
      %squeeze3A_1002 = vector.extract %slice3A_1001[0] : f32 from vector<1xf32>
      %mul3A_1003 = vector.broadcast %squeeze3A_1002 : f32 to vector<16xf32>
      %mul3A_1004 = arith.mulf %get3A_796, %mul3A_1003 : vector<16xf32>
      %add3A_1005 = arith.addf %add3A_1000, %mul3A_1004 : vector<16xf32>
      %slice3A_1006 = vector.extract_strided_slice %max3A_970 {offsets = [7], sizes = [1], strides = [1]} : vector<16xf32> to vector<1xf32>
      %squeeze3A_1007 = vector.extract %slice3A_1006[0] : f32 from vector<1xf32>
      %mul3A_1008 = vector.broadcast %squeeze3A_1007 : f32 to vector<16xf32>
      %mul3A_1009 = arith.mulf %get3A_800, %mul3A_1008 : vector<16xf32>
      %add3A_1010 = arith.addf %add3A_1005, %mul3A_1009 : vector<16xf32>
      %swap3A = arith.index_cast %scan3A_955 : i32 to index
      %swap3A_1011 = arith.constant 0 : index
      %swap3A_1012 = tpu.vector_load %arg18[%swap3A, %swap3A_1011] {strides = array<i32>} : memref<64x16xf32, #tpu.memory_space<vmem>>, vector<16xf32>,
      tpu.vector_store %arg18[%swap3A, %swap3A_1011], %add3A_1010 {strides = array<i32>} : memref<64x16xf32, #tpu.memory_space<vmem>>, vector<16xf32>,
      %mul3A_1013 = arith.mulf %add3A_1010, %get3A_958 : vector<16xf32>
      %swap3A_1014 = arith.index_cast %scan3A_955 : i32 to index
      %swap3A_1015 = arith.constant 0 : index
      %swap3A_1016 = tpu.vector_load %arg20[%swap3A_1014, %swap3A_1015] {strides = array<i32>} : memref<64x16xf32, #tpu.memory_space<vmem>>, vector<16xf32>,
      tpu.vector_store %arg20[%swap3A_1014, %swap3A_1015], %mul3A_1013 {strides = array<i32>} : memref<64x16xf32, #tpu.memory_space<vmem>>, vector<16xf32>,
    }
    %scan3A_878 = arith.constant 64 : i32
    "tpu.region"() ({
      %run_scoped3A = tpu.sem_alloc : memref<!tpu.dma_semaphore, #tpu.memory_space<semaphore_mem>>
      %dma_start3A_955 = arith.constant 0 : i32
      %dma_start3A_956 = tpu.memref_slice %arg23[%mul3A_0, %dma_start3A_955] : memref<1024x16xf32, #tpu.memory_space<vmem_shared>> -> memref<64x16xf32, #tpu.memory_space<vmem_shared>>
      %dma_start3A_957 = arith.constant 0 : i32
      %dma_start3A_958 = tpu.memref_slice %arg23[%mul3A_0, %dma_start3A_957] : memref<1024x16xf32, #tpu.memory_space<vmem_shared>> -> memref<64x16xf32, #tpu.memory_space<vmem_shared>>
      tpu.enqueue_dma source(%arg20 : memref<64x16xf32, #tpu.memory_space<vmem>>) target(%dma_start3A_958 : memref<64x16xf32, #tpu.memory_space<vmem_shared>>) target_semaphore(%run_scoped3A : memref<!tpu.dma_semaphore, #tpu.memory_space<semaphore_mem>>)
      %dma_wait3A_959 = arith.constant 0 : i32
      %dma_wait3A_960 = tpu.memref_slice %arg23[%mul3A_0, %dma_wait3A_959] : memref<1024x16xf32, #tpu.memory_space<vmem_shared>> -> memref<64x16xf32, #tpu.memory_space<vmem_shared>>
      %dma_wait3A_961 = arith.constant 0 : i32
      %dma_wait3A_962 = tpu.memref_slice %arg23[%mul3A_0, %dma_wait3A_961] : memref<1024x16xf32, #tpu.memory_space<vmem_shared>> -> memref<64x16xf32, #tpu.memory_space<vmem_shared>>
      tpu.wait_dma2 semaphore(%run_scoped3A : memref<!tpu.dma_semaphore, #tpu.memory_space<semaphore_mem>>) src(%arg20 : memref<64x16xf32, #tpu.memory_space<vmem>>) dst(%dma_wait3A_962 : memref<64x16xf32, #tpu.memory_space<vmem_shared>>)
      tpu.yield
    }) : () -> ()
    "tpu.region"() ({
      %run_scoped3A = tpu.sem_alloc : memref<!tpu.dma_semaphore, #tpu.memory_space<semaphore_mem>>
      %dma_start3A_955 = arith.constant 0 : i32
      %dma_start3A_956 = tpu.memref_slice %arg24[%mul3A_0, %dma_start3A_955] : memref<1024x16xf32, #tpu.memory_space<vmem_shared>> -> memref<64x16xf32, #tpu.memory_space<vmem_shared>>
      %dma_start3A_957 = arith.constant 0 : i32
      %dma_start3A_958 = tpu.memref_slice %arg24[%mul3A_0, %dma_start3A_957] : memref<1024x16xf32, #tpu.memory_space<vmem_shared>> -> memref<64x16xf32, #tpu.memory_space<vmem_shared>>
      tpu.enqueue_dma source(%arg21 : memref<64x16xf32, #tpu.memory_space<vmem>>) target(%dma_start3A_958 : memref<64x16xf32, #tpu.memory_space<vmem_shared>>) target_semaphore(%run_scoped3A : memref<!tpu.dma_semaphore, #tpu.memory_space<semaphore_mem>>)
      %dma_wait3A_959 = arith.constant 0 : i32
      %dma_wait3A_960 = tpu.memref_slice %arg24[%mul3A_0, %dma_wait3A_959] : memref<1024x16xf32, #tpu.memory_space<vmem_shared>> -> memref<64x16xf32, #tpu.memory_space<vmem_shared>>
      %dma_wait3A_961 = arith.constant 0 : i32
      %dma_wait3A_962 = tpu.memref_slice %arg24[%mul3A_0, %dma_wait3A_961] : memref<1024x16xf32, #tpu.memory_space<vmem_shared>> -> memref<64x16xf32, #tpu.memory_space<vmem_shared>>
      tpu.wait_dma2 semaphore(%run_scoped3A : memref<!tpu.dma_semaphore, #tpu.memory_space<semaphore_mem>>) src(%arg21 : memref<64x16xf32, #tpu.memory_space<vmem>>) dst(%dma_wait3A_962 : memref<64x16xf32, #tpu.memory_space<vmem_shared>>)
      tpu.yield
    }) : () -> ()
    %barrier3A_879 = arith.constant 0 : index
    tpu.barrier barrier_id(%barrier3A_879)
    "tpu.trace_stop"() : () -> ()
    "tpu.trace_start"() <{level = 10 : i32, message = "l2_edges"}> : () -> ()
    %dma_start3A_880 = arith.constant 0 : i32
    %dma_start3A_881 = arith.constant 0 : i32
    %dma_start3A_882 = tpu.memref_slice %arg11[%dma_start3A_880, %dma_start3A_881] : memref<4096x16xf32, #tpu.memory_space<vmem>> -> memref<2048x16xf32, #tpu.memory_space<vmem>>
    %dma_start3A_883 = arith.constant 0 : i32
    %dma_start3A_884 = tpu.memref_slice %arg9[%dma_start3A_883] : memref<4096xi32, #tpu.memory_space<vmem>> -> memref<2048xi32, #tpu.memory_space<vmem>>
    %dma_start3A_885 = arith.constant 0 : i32
    %dma_start3A_886 = arith.constant 0 : i32
    %dma_start3A_887 = tpu.memref_slice %arg23[%dma_start3A_885, %dma_start3A_886] : memref<1024x16xf32, #tpu.memory_space<vmem_shared>> -> memref<1024x16xf32, #tpu.memory_space<vmem_shared>>
    tpu.enqueue_indirect_dma source(%dma_start3A_887 : memref<1024x16xf32, #tpu.memory_space<vmem_shared>>) target(%dma_start3A_882 : memref<2048x16xf32, #tpu.memory_space<vmem>>) offsets(%dma_start3A_884 : memref<2048xi32, #tpu.memory_space<vmem>>) semaphore(%arg25 : memref<!tpu.dma_semaphore, #tpu.memory_space<semaphore_mem>>)
    %dma_wait3A_888 = arith.constant 0 : i32
    %dma_wait3A_889 = arith.constant 0 : i32
    %dma_wait3A_890 = tpu.memref_slice %arg11[%dma_wait3A_888, %dma_wait3A_889] : memref<4096x16xf32, #tpu.memory_space<vmem>> -> memref<2048x16xf32, #tpu.memory_space<vmem>>
    %dma_wait3A_891 = arith.constant 0 : i32
    %dma_wait3A_892 = tpu.memref_slice %arg9[%dma_wait3A_891] : memref<4096xi32, #tpu.memory_space<vmem>> -> memref<2048xi32, #tpu.memory_space<vmem>>
    %dma_wait3A_893 = arith.constant 0 : i32
    %dma_wait3A_894 = arith.constant 0 : i32
    %dma_wait3A_895 = tpu.memref_slice %arg23[%dma_wait3A_893, %dma_wait3A_894] : memref<1024x16xf32, #tpu.memory_space<vmem_shared>> -> memref<1024x16xf32, #tpu.memory_space<vmem_shared>>
    tpu.wait_indirect_dma semaphore(%arg25 : memref<!tpu.dma_semaphore, #tpu.memory_space<semaphore_mem>>) src(%dma_wait3A_895 : memref<1024x16xf32, #tpu.memory_space<vmem_shared>>) dst(%dma_wait3A_890 : memref<2048x16xf32, #tpu.memory_space<vmem>>)
    %dma_start3A_896 = arith.constant 0 : i32
    %dma_start3A_897 = arith.constant 0 : i32
    %dma_start3A_898 = tpu.memref_slice %arg11[%dma_start3A_896, %dma_start3A_897] : memref<4096x16xf32, #tpu.memory_space<vmem>> -> memref<2048x16xf32, #tpu.memory_space<vmem>>
    %dma_start3A_899 = arith.constant 0 : i32
    %dma_start3A_900 = tpu.memref_slice %arg10[%dma_start3A_899] : memref<4096xi32, #tpu.memory_space<vmem>> -> memref<2048xi32, #tpu.memory_space<vmem>>
    %dma_start3A_901 = arith.constant 0 : i32
    %dma_start3A_902 = arith.constant 0 : i32
    %dma_start3A_903 = tpu.memref_slice %arg24[%dma_start3A_901, %dma_start3A_902] : memref<1024x16xf32, #tpu.memory_space<vmem_shared>> -> memref<1024x16xf32, #tpu.memory_space<vmem_shared>>
    tpu.enqueue_indirect_dma source(%dma_start3A_898 : memref<2048x16xf32, #tpu.memory_space<vmem>>) target(%dma_start3A_903 : memref<1024x16xf32, #tpu.memory_space<vmem_shared>>) offsets(%dma_start3A_900 : memref<2048xi32, #tpu.memory_space<vmem>>) semaphore(%arg26 : memref<!tpu.dma_semaphore, #tpu.memory_space<semaphore_mem>>) {add = true}
    %dma_start3A_904 = arith.constant 2048 : i32
    %dma_start3A_905 = arith.constant 0 : i32
    %dma_start3A_906 = tpu.memref_slice %arg11[%dma_start3A_904, %dma_start3A_905] : memref<4096x16xf32, #tpu.memory_space<vmem>> -> memref<2048x16xf32, #tpu.memory_space<vmem>>
    %dma_start3A_907 = arith.constant 2048 : i32
    %dma_start3A_908 = tpu.memref_slice %arg9[%dma_start3A_907] : memref<4096xi32, #tpu.memory_space<vmem>> -> memref<2048xi32, #tpu.memory_space<vmem>>
    %dma_start3A_909 = arith.constant 0 : i32
    %dma_start3A_910 = arith.constant 0 : i32
    %dma_start3A_911 = tpu.memref_slice %arg23[%dma_start3A_909, %dma_start3A_910] : memref<1024x16xf32, #tpu.memory_space<vmem_shared>> -> memref<1024x16xf32, #tpu.memory_space<vmem_shared>>
    tpu.enqueue_indirect_dma source(%dma_start3A_911 : memref<1024x16xf32, #tpu.memory_space<vmem_shared>>) target(%dma_start3A_906 : memref<2048x16xf32, #tpu.memory_space<vmem>>) offsets(%dma_start3A_908 : memref<2048xi32, #tpu.memory_space<vmem>>) semaphore(%arg25 : memref<!tpu.dma_semaphore, #tpu.memory_space<semaphore_mem>>)
    %dma_wait3A_912 = arith.constant 2048 : i32
    %dma_wait3A_913 = arith.constant 0 : i32
    %dma_wait3A_914 = tpu.memref_slice %arg11[%dma_wait3A_912, %dma_wait3A_913] : memref<4096x16xf32, #tpu.memory_space<vmem>> -> memref<2048x16xf32, #tpu.memory_space<vmem>>
    %dma_wait3A_915 = arith.constant 2048 : i32
    %dma_wait3A_916 = tpu.memref_slice %arg9[%dma_wait3A_915] : memref<4096xi32, #tpu.memory_space<vmem>> -> memref<2048xi32, #tpu.memory_space<vmem>>
    %dma_wait3A_917 = arith.constant 0 : i32
    %dma_wait3A_918 = arith.constant 0 : i32
    %dma_wait3A_919 = tpu.memref_slice %arg23[%dma_wait3A_917, %dma_wait3A_918] : memref<1024x16xf32, #tpu.memory_space<vmem_shared>> -> memref<1024x16xf32, #tpu.memory_space<vmem_shared>>
    tpu.wait_indirect_dma semaphore(%arg25 : memref<!tpu.dma_semaphore, #tpu.memory_space<semaphore_mem>>) src(%dma_wait3A_919 : memref<1024x16xf32, #tpu.memory_space<vmem_shared>>) dst(%dma_wait3A_914 : memref<2048x16xf32, #tpu.memory_space<vmem>>)
    %dma_wait3A_920 = arith.constant 0 : i32
    %dma_wait3A_921 = arith.constant 0 : i32
    %dma_wait3A_922 = tpu.memref_slice %arg11[%dma_wait3A_920, %dma_wait3A_921] : memref<4096x16xf32, #tpu.memory_space<vmem>> -> memref<2048x16xf32, #tpu.memory_space<vmem>>
    %dma_wait3A_923 = arith.constant 0 : i32
    %dma_wait3A_924 = tpu.memref_slice %arg10[%dma_wait3A_923] : memref<4096xi32, #tpu.memory_space<vmem>> -> memref<2048xi32, #tpu.memory_space<vmem>>
    %dma_wait3A_925 = arith.constant 0 : i32
    %dma_wait3A_926 = arith.constant 0 : i32
    %dma_wait3A_927 = tpu.memref_slice %arg24[%dma_wait3A_925, %dma_wait3A_926] : memref<1024x16xf32, #tpu.memory_space<vmem_shared>> -> memref<1024x16xf32, #tpu.memory_space<vmem_shared>>
    tpu.wait_indirect_dma semaphore(%arg26 : memref<!tpu.dma_semaphore, #tpu.memory_space<semaphore_mem>>) src(%dma_wait3A_922 : memref<2048x16xf32, #tpu.memory_space<vmem>>) dst(%dma_wait3A_927 : memref<1024x16xf32, #tpu.memory_space<vmem_shared>>)
    %dma_start3A_928 = arith.constant 2048 : i32
    %dma_start3A_929 = arith.constant 0 : i32
    %dma_start3A_930 = tpu.memref_slice %arg11[%dma_start3A_928, %dma_start3A_929] : memref<4096x16xf32, #tpu.memory_space<vmem>> -> memref<2048x16xf32, #tpu.memory_space<vmem>>
    %dma_start3A_931 = arith.constant 2048 : i32
    %dma_start3A_932 = tpu.memref_slice %arg10[%dma_start3A_931] : memref<4096xi32, #tpu.memory_space<vmem>> -> memref<2048xi32, #tpu.memory_space<vmem>>
    %dma_start3A_933 = arith.constant 0 : i32
    %dma_start3A_934 = arith.constant 0 : i32
    %dma_start3A_935 = tpu.memref_slice %arg24[%dma_start3A_933, %dma_start3A_934] : memref<1024x16xf32, #tpu.memory_space<vmem_shared>> -> memref<1024x16xf32, #tpu.memory_space<vmem_shared>>
    tpu.enqueue_indirect_dma source(%dma_start3A_930 : memref<2048x16xf32, #tpu.memory_space<vmem>>) target(%dma_start3A_935 : memref<1024x16xf32, #tpu.memory_space<vmem_shared>>) offsets(%dma_start3A_932 : memref<2048xi32, #tpu.memory_space<vmem>>) semaphore(%arg26 : memref<!tpu.dma_semaphore, #tpu.memory_space<semaphore_mem>>) {add = true}
    %dma_wait3A_936 = arith.constant 2048 : i32
    %dma_wait3A_937 = arith.constant 0 : i32
    %dma_wait3A_938 = tpu.memref_slice %arg11[%dma_wait3A_936, %dma_wait3A_937] : memref<4096x16xf32, #tpu.memory_space<vmem>> -> memref<2048x16xf32, #tpu.memory_space<vmem>>
    %dma_wait3A_939 = arith.constant 2048 : i32
    %dma_wait3A_940 = tpu.memref_slice %arg10[%dma_wait3A_939] : memref<4096xi32, #tpu.memory_space<vmem>> -> memref<2048xi32, #tpu.memory_space<vmem>>
    %dma_wait3A_941 = arith.constant 0 : i32
    %dma_wait3A_942 = arith.constant 0 : i32
    %dma_wait3A_943 = tpu.memref_slice %arg24[%dma_wait3A_941, %dma_wait3A_942] : memref<1024x16xf32, #tpu.memory_space<vmem_shared>> -> memref<1024x16xf32, #tpu.memory_space<vmem_shared>>
    tpu.wait_indirect_dma semaphore(%arg26 : memref<!tpu.dma_semaphore, #tpu.memory_space<semaphore_mem>>) src(%dma_wait3A_938 : memref<2048x16xf32, #tpu.memory_space<vmem>>) dst(%dma_wait3A_943 : memref<1024x16xf32, #tpu.memory_space<vmem_shared>>)
    "tpu.trace_stop"() : () -> ()
    %barrier3A_944 = arith.constant 0 : index
    tpu.barrier barrier_id(%barrier3A_944)
    "tpu.trace_start"() <{level = 10 : i32, message = "final"}> : () -> ()
    "tpu.region"() ({
      %run_scoped3A = tpu.sem_alloc : memref<!tpu.dma_semaphore, #tpu.memory_space<semaphore_mem>>
      %dma_start3A_955 = arith.constant 0 : i32
      %dma_start3A_956 = tpu.memref_slice %arg24[%mul3A_0, %dma_start3A_955] : memref<1024x16xf32, #tpu.memory_space<vmem_shared>> -> memref<64x16xf32, #tpu.memory_space<vmem_shared>>
      %dma_start3A_957 = arith.constant 0 : i32
      %dma_start3A_958 = tpu.memref_slice %arg24[%mul3A_0, %dma_start3A_957] : memref<1024x16xf32, #tpu.memory_space<vmem_shared>> -> memref<64x16xf32, #tpu.memory_space<vmem_shared>>
      tpu.enqueue_dma source(%dma_start3A_958 : memref<64x16xf32, #tpu.memory_space<vmem_shared>>) target(%arg19 : memref<64x16xf32, #tpu.memory_space<vmem>>) target_semaphore(%run_scoped3A : memref<!tpu.dma_semaphore, #tpu.memory_space<semaphore_mem>>)
      %dma_wait3A_959 = arith.constant 0 : i32
      %dma_wait3A_960 = tpu.memref_slice %arg24[%mul3A_0, %dma_wait3A_959] : memref<1024x16xf32, #tpu.memory_space<vmem_shared>> -> memref<64x16xf32, #tpu.memory_space<vmem_shared>>
      %dma_wait3A_961 = arith.constant 0 : i32
      %dma_wait3A_962 = tpu.memref_slice %arg24[%mul3A_0, %dma_wait3A_961] : memref<1024x16xf32, #tpu.memory_space<vmem_shared>> -> memref<64x16xf32, #tpu.memory_space<vmem_shared>>
      tpu.wait_dma2 semaphore(%run_scoped3A : memref<!tpu.dma_semaphore, #tpu.memory_space<semaphore_mem>>) src(%dma_wait3A_962 : memref<64x16xf32, #tpu.memory_space<vmem_shared>>) dst(%arg19 : memref<64x16xf32, #tpu.memory_space<vmem>>)
      tpu.yield
    }) : () -> ()
    %iota3A = tpu.iota {dimensions = array<i32: 0>} : vector<16xi32>
    %lt3A = arith.constant 8 : i32
    %lt3A_945 = vector.broadcast %lt3A : i32 to vector<16xi32>
    %lt3A_946 = arith.cmpi slt, %iota3A, %lt3A_945 : vector<16xi32>
    %scan3A_947 = arith.constant 0 : i32
    %scan3A_948 = arith.constant 0 : i32
    %scan3A_949 = arith.constant 64 : i32
    %scan3A_950 = arith.addi %scan3A_948, %scan3A_949 : i32
    %scan3A_951 = arith.constant 1 : i32
    scf.for %scan3A_955 = %scan3A_948 to %scan3A_950 step %scan3A_951  : i32 {
      %get3A_956 = arith.index_cast %scan3A_955 : i32 to index
      %get3A_957 = arith.constant 0 : index
      %get3A_958 = tpu.vector_load %arg16[%get3A_956, %get3A_957] {strides = array<i32>} : memref<64x16xf32, #tpu.memory_space<vmem>>, vector<16xf32>,
      %get3A_959 = arith.index_cast %scan3A_955 : i32 to index
      %get3A_960 = arith.constant 0 : index
      %get3A_961 = tpu.vector_load %arg19[%get3A_959, %get3A_960] {strides = array<i32>} : memref<64x16xf32, #tpu.memory_space<vmem>>, vector<16xf32>,
      %mul3A_962 = arith.mulf %get3A_958, %get3A_961 : vector<16xf32>
      %mul3A_963 = arith.mulf %get3A_958, %get3A_958 : vector<16xf32>
      %get3A_964 = arith.index_cast %scan3A_955 : i32 to index
      %get3A_965 = arith.constant 0 : index
      %get3A_966 = tpu.vector_load %arg18[%get3A_964, %get3A_965] {strides = array<i32>} : memref<64x16xf32, #tpu.memory_space<vmem>>, vector<16xf32>,
      %mul3A_967 = arith.mulf %mul3A_963, %get3A_966 : vector<16xf32>
      %add3A = arith.addf %mul3A_962, %mul3A_967 : vector<16xf32>
      %add3A_968 = arith.addf %add3A, %get3A_768 : vector<16xf32>
      %mul3A_969 = arith.constant 8 : i32
      %mul3A_970 = arith.muli %scan3A_955, %mul3A_969 : i32
      %add3A_971 = vector.broadcast %mul3A_970 : i32 to vector<16xi32>
      %add3A_972 = arith.addi %add3A_971, %iota3A : vector<16xi32>
      tpu.vector_store_idx %arg22[%add3A_972], %add3A_968 masked %lt3A_946 : memref<512xf32, #tpu.memory_space<vmem>>[vector<16xi32>], vector<16xf32>, vector<16xi1>
    }
    %scan3A_952 = arith.constant 64 : i32
    %eq3A = arith.constant 0 : i32
    %eq3A_953 = arith.cmpi eq, %arg0, %eq3A : i32
    %convert_element_type3A = arith.extui %eq3A_953 : i1 to i32
    %cond3A = arith.constant 0 : i32
    %cond3A_954 = arith.cmpi ne, %convert_element_type3A, %cond3A : i32
    scf.if %cond3A_954 {
      %mul3A_955 = arith.constant 64 : i32
      %mul3A_956 = arith.muli %arg1, %mul3A_955 : i32
      %mul3A_957 = arith.constant 8 : i32
      %mul3A_958 = arith.muli %mul3A_956, %mul3A_957 : i32
      "tpu.region"() ({
        %run_scoped3A = tpu.sem_alloc : memref<!tpu.dma_semaphore, #tpu.memory_space<semaphore_mem>>
        %dma_start3A_959 = tpu.memref_slice %arg8[%mul3A_958] : memref<8192xf32, #tpu.memory_space<hbm>> -> memref<512xf32, #tpu.memory_space<hbm>>
        %dma_start3A_960 = tpu.memref_slice %arg8[%mul3A_958] : memref<8192xf32, #tpu.memory_space<hbm>> -> memref<512xf32, #tpu.memory_space<hbm>>
        tpu.enqueue_dma source(%arg22 : memref<512xf32, #tpu.memory_space<vmem>>) target(%dma_start3A_960 : memref<512xf32, #tpu.memory_space<hbm>>) target_semaphore(%run_scoped3A : memref<!tpu.dma_semaphore, #tpu.memory_space<semaphore_mem>>)
        %dma_wait3A_961 = tpu.memref_slice %arg8[%mul3A_958] : memref<8192xf32, #tpu.memory_space<hbm>> -> memref<512xf32, #tpu.memory_space<hbm>>
        %dma_wait3A_962 = tpu.memref_slice %arg8[%mul3A_958] : memref<8192xf32, #tpu.memory_space<hbm>> -> memref<512xf32, #tpu.memory_space<hbm>>
        tpu.wait_dma2 semaphore(%run_scoped3A : memref<!tpu.dma_semaphore, #tpu.memory_space<semaphore_mem>>) src(%arg22 : memref<512xf32, #tpu.memory_space<vmem>>) dst(%dma_wait3A_962 : memref<512xf32, #tpu.memory_space<hbm>>)
        tpu.yield
      }) : () -> ()
    } else {
    }
    "tpu.trace_stop"() : () -> ()
    return
  }
}

module attributes {stable_mosaic.version = 14 : i64} {
  func.func @_mlp_body(%arg0: memref<1x8192xf32, #tpu.memory_space<vmem>>, %arg1: memref<8192x4096xf32, #tpu.memory_space<any>>, %arg2: memref<1x4096xf32, #tpu.memory_space<vmem>>, %arg3: memref<4096x256xf32, #tpu.memory_space<vmem>>, %arg4: memref<1x256xf32, #tpu.memory_space<vmem>>, %arg5: memref<1x256xf32, #tpu.memory_space<vmem>>, %arg6: memref<6x512x4096xf32, #tpu.memory_space<vmem>>, %arg7: memref<6x!tpu.dma_semaphore, #tpu.memory_space<semaphore_mem>>) attributes {dimension_semantics = [], scalar_prefetch = 0 : i64, scratch_operands = 2 : i64, tpu.core_type = #tpu.core_type<tc>} {
    %dma_start3A = arith.constant 0 : i32
    %dma_start3A_0 = arith.constant 0 : i32
    %dma_start3A_1 = tpu.memref_slice %arg7[%dma_start3A_0] : memref<6x!tpu.dma_semaphore, #tpu.memory_space<semaphore_mem>> -> memref<1x!tpu.dma_semaphore, #tpu.memory_space<semaphore_mem>>
    %dma_start3A_2 = tpu.memref_squeeze %dma_start3A_1 : memref<1x!tpu.dma_semaphore, #tpu.memory_space<semaphore_mem>> -> memref<!tpu.dma_semaphore, #tpu.memory_space<semaphore_mem>>
    %dma_start3A_3 = arith.constant 0 : i32
    %dma_start3A_4 = arith.constant 0 : i32
    %dma_start3A_5 = tpu.memref_slice %arg6[%dma_start3A, %dma_start3A_3, %dma_start3A_4] : memref<6x512x4096xf32, #tpu.memory_space<vmem>> -> memref<1x512x4096xf32, #tpu.memory_space<vmem>>
    %dma_start3A_6 = tpu.memref_squeeze %dma_start3A_5 : memref<1x512x4096xf32, #tpu.memory_space<vmem>> -> memref<512x4096xf32, #tpu.memory_space<vmem>>
    %dma_start3A_7 = arith.constant 0 : i32
    %dma_start3A_8 = arith.constant 0 : i32
    %dma_start3A_9 = tpu.memref_slice %arg1[%dma_start3A_7, %dma_start3A_8] : memref<8192x4096xf32, #tpu.memory_space<any>> -> memref<512x4096xf32, #tpu.memory_space<any>>
    tpu.enqueue_dma source(%dma_start3A_9 : memref<512x4096xf32, #tpu.memory_space<any>>) target(%dma_start3A_6 : memref<512x4096xf32, #tpu.memory_space<vmem>>) target_semaphore(%dma_start3A_2 : memref<!tpu.dma_semaphore, #tpu.memory_space<semaphore_mem>>)
    %dma_start3A_10 = arith.constant 1 : i32
    %dma_start3A_11 = arith.constant 1 : i32
    %dma_start3A_12 = tpu.memref_slice %arg7[%dma_start3A_11] : memref<6x!tpu.dma_semaphore, #tpu.memory_space<semaphore_mem>> -> memref<1x!tpu.dma_semaphore, #tpu.memory_space<semaphore_mem>>
    %dma_start3A_13 = tpu.memref_squeeze %dma_start3A_12 : memref<1x!tpu.dma_semaphore, #tpu.memory_space<semaphore_mem>> -> memref<!tpu.dma_semaphore, #tpu.memory_space<semaphore_mem>>
    %dma_start3A_14 = arith.constant 0 : i32
    %dma_start3A_15 = arith.constant 0 : i32
    %dma_start3A_16 = tpu.memref_slice %arg6[%dma_start3A_10, %dma_start3A_14, %dma_start3A_15] : memref<6x512x4096xf32, #tpu.memory_space<vmem>> -> memref<1x512x4096xf32, #tpu.memory_space<vmem>>
    %dma_start3A_17 = tpu.memref_squeeze %dma_start3A_16 : memref<1x512x4096xf32, #tpu.memory_space<vmem>> -> memref<512x4096xf32, #tpu.memory_space<vmem>>
    %dma_start3A_18 = arith.constant 512 : i32
    %dma_start3A_19 = arith.constant 0 : i32
    %dma_start3A_20 = tpu.memref_slice %arg1[%dma_start3A_18, %dma_start3A_19] : memref<8192x4096xf32, #tpu.memory_space<any>> -> memref<512x4096xf32, #tpu.memory_space<any>>
    tpu.enqueue_dma source(%dma_start3A_20 : memref<512x4096xf32, #tpu.memory_space<any>>) target(%dma_start3A_17 : memref<512x4096xf32, #tpu.memory_space<vmem>>) target_semaphore(%dma_start3A_13 : memref<!tpu.dma_semaphore, #tpu.memory_space<semaphore_mem>>)
    %dma_start3A_21 = arith.constant 2 : i32
    %dma_start3A_22 = arith.constant 2 : i32
    %dma_start3A_23 = tpu.memref_slice %arg7[%dma_start3A_22] : memref<6x!tpu.dma_semaphore, #tpu.memory_space<semaphore_mem>> -> memref<1x!tpu.dma_semaphore, #tpu.memory_space<semaphore_mem>>
    %dma_start3A_24 = tpu.memref_squeeze %dma_start3A_23 : memref<1x!tpu.dma_semaphore, #tpu.memory_space<semaphore_mem>> -> memref<!tpu.dma_semaphore, #tpu.memory_space<semaphore_mem>>
    %dma_start3A_25 = arith.constant 0 : i32
    %dma_start3A_26 = arith.constant 0 : i32
    %dma_start3A_27 = tpu.memref_slice %arg6[%dma_start3A_21, %dma_start3A_25, %dma_start3A_26] : memref<6x512x4096xf32, #tpu.memory_space<vmem>> -> memref<1x512x4096xf32, #tpu.memory_space<vmem>>
    %dma_start3A_28 = tpu.memref_squeeze %dma_start3A_27 : memref<1x512x4096xf32, #tpu.memory_space<vmem>> -> memref<512x4096xf32, #tpu.memory_space<vmem>>
    %dma_start3A_29 = arith.constant 1024 : i32
    %dma_start3A_30 = arith.constant 0 : i32
    %dma_start3A_31 = tpu.memref_slice %arg1[%dma_start3A_29, %dma_start3A_30] : memref<8192x4096xf32, #tpu.memory_space<any>> -> memref<512x4096xf32, #tpu.memory_space<any>>
    tpu.enqueue_dma source(%dma_start3A_31 : memref<512x4096xf32, #tpu.memory_space<any>>) target(%dma_start3A_28 : memref<512x4096xf32, #tpu.memory_space<vmem>>) target_semaphore(%dma_start3A_24 : memref<!tpu.dma_semaphore, #tpu.memory_space<semaphore_mem>>)
    %dma_start3A_32 = arith.constant 3 : i32
    %dma_start3A_33 = arith.constant 3 : i32
    %dma_start3A_34 = tpu.memref_slice %arg7[%dma_start3A_33] : memref<6x!tpu.dma_semaphore, #tpu.memory_space<semaphore_mem>> -> memref<1x!tpu.dma_semaphore, #tpu.memory_space<semaphore_mem>>
    %dma_start3A_35 = tpu.memref_squeeze %dma_start3A_34 : memref<1x!tpu.dma_semaphore, #tpu.memory_space<semaphore_mem>> -> memref<!tpu.dma_semaphore, #tpu.memory_space<semaphore_mem>>
    %dma_start3A_36 = arith.constant 0 : i32
    %dma_start3A_37 = arith.constant 0 : i32
    %dma_start3A_38 = tpu.memref_slice %arg6[%dma_start3A_32, %dma_start3A_36, %dma_start3A_37] : memref<6x512x4096xf32, #tpu.memory_space<vmem>> -> memref<1x512x4096xf32, #tpu.memory_space<vmem>>
    %dma_start3A_39 = tpu.memref_squeeze %dma_start3A_38 : memref<1x512x4096xf32, #tpu.memory_space<vmem>> -> memref<512x4096xf32, #tpu.memory_space<vmem>>
    %dma_start3A_40 = arith.constant 1536 : i32
    %dma_start3A_41 = arith.constant 0 : i32
    %dma_start3A_42 = tpu.memref_slice %arg1[%dma_start3A_40, %dma_start3A_41] : memref<8192x4096xf32, #tpu.memory_space<any>> -> memref<512x4096xf32, #tpu.memory_space<any>>
    tpu.enqueue_dma source(%dma_start3A_42 : memref<512x4096xf32, #tpu.memory_space<any>>) target(%dma_start3A_39 : memref<512x4096xf32, #tpu.memory_space<vmem>>) target_semaphore(%dma_start3A_35 : memref<!tpu.dma_semaphore, #tpu.memory_space<semaphore_mem>>)
    %dma_start3A_43 = arith.constant 4 : i32
    %dma_start3A_44 = arith.constant 4 : i32
    %dma_start3A_45 = tpu.memref_slice %arg7[%dma_start3A_44] : memref<6x!tpu.dma_semaphore, #tpu.memory_space<semaphore_mem>> -> memref<1x!tpu.dma_semaphore, #tpu.memory_space<semaphore_mem>>
    %dma_start3A_46 = tpu.memref_squeeze %dma_start3A_45 : memref<1x!tpu.dma_semaphore, #tpu.memory_space<semaphore_mem>> -> memref<!tpu.dma_semaphore, #tpu.memory_space<semaphore_mem>>
    %dma_start3A_47 = arith.constant 0 : i32
    %dma_start3A_48 = arith.constant 0 : i32
    %dma_start3A_49 = tpu.memref_slice %arg6[%dma_start3A_43, %dma_start3A_47, %dma_start3A_48] : memref<6x512x4096xf32, #tpu.memory_space<vmem>> -> memref<1x512x4096xf32, #tpu.memory_space<vmem>>
    %dma_start3A_50 = tpu.memref_squeeze %dma_start3A_49 : memref<1x512x4096xf32, #tpu.memory_space<vmem>> -> memref<512x4096xf32, #tpu.memory_space<vmem>>
    %dma_start3A_51 = arith.constant 2048 : i32
    %dma_start3A_52 = arith.constant 0 : i32
    %dma_start3A_53 = tpu.memref_slice %arg1[%dma_start3A_51, %dma_start3A_52] : memref<8192x4096xf32, #tpu.memory_space<any>> -> memref<512x4096xf32, #tpu.memory_space<any>>
    tpu.enqueue_dma source(%dma_start3A_53 : memref<512x4096xf32, #tpu.memory_space<any>>) target(%dma_start3A_50 : memref<512x4096xf32, #tpu.memory_space<vmem>>) target_semaphore(%dma_start3A_46 : memref<!tpu.dma_semaphore, #tpu.memory_space<semaphore_mem>>)
    %dma_start3A_54 = arith.constant 5 : i32
    %dma_start3A_55 = arith.constant 5 : i32
    %dma_start3A_56 = tpu.memref_slice %arg7[%dma_start3A_55] : memref<6x!tpu.dma_semaphore, #tpu.memory_space<semaphore_mem>> -> memref<1x!tpu.dma_semaphore, #tpu.memory_space<semaphore_mem>>
    %dma_start3A_57 = tpu.memref_squeeze %dma_start3A_56 : memref<1x!tpu.dma_semaphore, #tpu.memory_space<semaphore_mem>> -> memref<!tpu.dma_semaphore, #tpu.memory_space<semaphore_mem>>
    %dma_start3A_58 = arith.constant 0 : i32
    %dma_start3A_59 = arith.constant 0 : i32
    %dma_start3A_60 = tpu.memref_slice %arg6[%dma_start3A_54, %dma_start3A_58, %dma_start3A_59] : memref<6x512x4096xf32, #tpu.memory_space<vmem>> -> memref<1x512x4096xf32, #tpu.memory_space<vmem>>
    %dma_start3A_61 = tpu.memref_squeeze %dma_start3A_60 : memref<1x512x4096xf32, #tpu.memory_space<vmem>> -> memref<512x4096xf32, #tpu.memory_space<vmem>>
    %dma_start3A_62 = arith.constant 2560 : i32
    %dma_start3A_63 = arith.constant 0 : i32
    %dma_start3A_64 = tpu.memref_slice %arg1[%dma_start3A_62, %dma_start3A_63] : memref<8192x4096xf32, #tpu.memory_space<any>> -> memref<512x4096xf32, #tpu.memory_space<any>>
    tpu.enqueue_dma source(%dma_start3A_64 : memref<512x4096xf32, #tpu.memory_space<any>>) target(%dma_start3A_61 : memref<512x4096xf32, #tpu.memory_space<vmem>>) target_semaphore(%dma_start3A_57 : memref<!tpu.dma_semaphore, #tpu.memory_space<semaphore_mem>>)
    %broadcast_in_dim3A = arith.constant 0.000000e+00 : f32
    %broadcast_in_dim3A_65 = vector.broadcast %broadcast_in_dim3A : f32 to vector<1x4096xf32>
    %dma_wait3A = arith.constant 0 : i32
    %dma_wait3A_66 = arith.constant 0 : i32
    %dma_wait3A_67 = tpu.memref_slice %arg7[%dma_wait3A_66] : memref<6x!tpu.dma_semaphore, #tpu.memory_space<semaphore_mem>> -> memref<1x!tpu.dma_semaphore, #tpu.memory_space<semaphore_mem>>
    %dma_wait3A_68 = tpu.memref_squeeze %dma_wait3A_67 : memref<1x!tpu.dma_semaphore, #tpu.memory_space<semaphore_mem>> -> memref<!tpu.dma_semaphore, #tpu.memory_space<semaphore_mem>>
    %dma_wait3A_69 = arith.constant 0 : i32
    %dma_wait3A_70 = arith.constant 0 : i32
    %dma_wait3A_71 = tpu.memref_slice %arg6[%dma_wait3A, %dma_wait3A_69, %dma_wait3A_70] : memref<6x512x4096xf32, #tpu.memory_space<vmem>> -> memref<1x512x4096xf32, #tpu.memory_space<vmem>>
    %dma_wait3A_72 = tpu.memref_squeeze %dma_wait3A_71 : memref<1x512x4096xf32, #tpu.memory_space<vmem>> -> memref<512x4096xf32, #tpu.memory_space<vmem>>
    %dma_wait3A_73 = arith.constant 0 : i32
    %dma_wait3A_74 = arith.constant 0 : i32
    %dma_wait3A_75 = tpu.memref_slice %arg1[%dma_wait3A_73, %dma_wait3A_74] : memref<8192x4096xf32, #tpu.memory_space<any>> -> memref<512x4096xf32, #tpu.memory_space<any>>
    tpu.wait_dma2 semaphore(%dma_wait3A_68 : memref<!tpu.dma_semaphore, #tpu.memory_space<semaphore_mem>>) src(%dma_wait3A_75 : memref<512x4096xf32, #tpu.memory_space<any>>) dst(%dma_wait3A_72 : memref<512x4096xf32, #tpu.memory_space<vmem>>)
    %get3A = arith.constant 0 : index
    %get3A_76 = arith.constant 0 : index
    %get3A_77 = vector.load %arg0[%get3A, %get3A_76] : memref<1x8192xf32, #tpu.memory_space<vmem>>, vector<1x512xf32>
    %get3A_78 = arith.constant 0 : index
    %get3A_79 = arith.constant 0 : index
    %get3A_80 = arith.constant 0 : index
    %get3A_81 = vector.load %arg6[%get3A_78, %get3A_79, %get3A_80] : memref<6x512x4096xf32, #tpu.memory_space<vmem>>, vector<1x512x4096xf32>
    %get3A_82 = vector.shape_cast %get3A_81 : vector<1x512x4096xf32> to vector<512x4096xf32>
    %dot_general3A = arith.constant dense<0.000000e+00> : vector<1x4096xf32>
    %dot_general3A_83 = tpu.matmul %get3A_77, %get3A_82, %dot_general3A {dimension_numbers = #tpu.dot_dimension_numbers<[1], [0], [0], [1], [0, 0, 1, 1], [], []>, transpose_lhs_hint = false} : vector<1x512xf32>, vector<512x4096xf32>, vector<1x4096xf32> -> vector<1x4096xf32>
    %add3A = arith.addf %broadcast_in_dim3A_65, %dot_general3A_83 : vector<1x4096xf32>
    %dma_start3A_84 = arith.constant 0 : i32
    %dma_start3A_85 = arith.constant 0 : i32
    %dma_start3A_86 = tpu.memref_slice %arg7[%dma_start3A_85] : memref<6x!tpu.dma_semaphore, #tpu.memory_space<semaphore_mem>> -> memref<1x!tpu.dma_semaphore, #tpu.memory_space<semaphore_mem>>
    %dma_start3A_87 = tpu.memref_squeeze %dma_start3A_86 : memref<1x!tpu.dma_semaphore, #tpu.memory_space<semaphore_mem>> -> memref<!tpu.dma_semaphore, #tpu.memory_space<semaphore_mem>>
    %dma_start3A_88 = arith.constant 0 : i32
    %dma_start3A_89 = arith.constant 0 : i32
    %dma_start3A_90 = tpu.memref_slice %arg6[%dma_start3A_84, %dma_start3A_88, %dma_start3A_89] : memref<6x512x4096xf32, #tpu.memory_space<vmem>> -> memref<1x512x4096xf32, #tpu.memory_space<vmem>>
    %dma_start3A_91 = tpu.memref_squeeze %dma_start3A_90 : memref<1x512x4096xf32, #tpu.memory_space<vmem>> -> memref<512x4096xf32, #tpu.memory_space<vmem>>
    %dma_start3A_92 = arith.constant 3072 : i32
    %dma_start3A_93 = arith.constant 0 : i32
    %dma_start3A_94 = tpu.memref_slice %arg1[%dma_start3A_92, %dma_start3A_93] : memref<8192x4096xf32, #tpu.memory_space<any>> -> memref<512x4096xf32, #tpu.memory_space<any>>
    tpu.enqueue_dma source(%dma_start3A_94 : memref<512x4096xf32, #tpu.memory_space<any>>) target(%dma_start3A_91 : memref<512x4096xf32, #tpu.memory_space<vmem>>) target_semaphore(%dma_start3A_87 : memref<!tpu.dma_semaphore, #tpu.memory_space<semaphore_mem>>)
    %dma_wait3A_95 = arith.constant 1 : i32
    %dma_wait3A_96 = arith.constant 1 : i32
    %dma_wait3A_97 = tpu.memref_slice %arg7[%dma_wait3A_96] : memref<6x!tpu.dma_semaphore, #tpu.memory_space<semaphore_mem>> -> memref<1x!tpu.dma_semaphore, #tpu.memory_space<semaphore_mem>>
    %dma_wait3A_98 = tpu.memref_squeeze %dma_wait3A_97 : memref<1x!tpu.dma_semaphore, #tpu.memory_space<semaphore_mem>> -> memref<!tpu.dma_semaphore, #tpu.memory_space<semaphore_mem>>
    %dma_wait3A_99 = arith.constant 0 : i32
    %dma_wait3A_100 = arith.constant 0 : i32
    %dma_wait3A_101 = tpu.memref_slice %arg6[%dma_wait3A_95, %dma_wait3A_99, %dma_wait3A_100] : memref<6x512x4096xf32, #tpu.memory_space<vmem>> -> memref<1x512x4096xf32, #tpu.memory_space<vmem>>
    %dma_wait3A_102 = tpu.memref_squeeze %dma_wait3A_101 : memref<1x512x4096xf32, #tpu.memory_space<vmem>> -> memref<512x4096xf32, #tpu.memory_space<vmem>>
    %dma_wait3A_103 = arith.constant 512 : i32
    %dma_wait3A_104 = arith.constant 0 : i32
    %dma_wait3A_105 = tpu.memref_slice %arg1[%dma_wait3A_103, %dma_wait3A_104] : memref<8192x4096xf32, #tpu.memory_space<any>> -> memref<512x4096xf32, #tpu.memory_space<any>>
    tpu.wait_dma2 semaphore(%dma_wait3A_98 : memref<!tpu.dma_semaphore, #tpu.memory_space<semaphore_mem>>) src(%dma_wait3A_105 : memref<512x4096xf32, #tpu.memory_space<any>>) dst(%dma_wait3A_102 : memref<512x4096xf32, #tpu.memory_space<vmem>>)
    %get3A_106 = arith.constant 0 : index
    %get3A_107 = arith.constant 512 : index
    %get3A_108 = vector.load %arg0[%get3A_106, %get3A_107] : memref<1x8192xf32, #tpu.memory_space<vmem>>, vector<1x512xf32>
    %get3A_109 = arith.constant 1 : index
    %get3A_110 = arith.constant 0 : index
    %get3A_111 = arith.constant 0 : index
    %get3A_112 = vector.load %arg6[%get3A_109, %get3A_110, %get3A_111] : memref<6x512x4096xf32, #tpu.memory_space<vmem>>, vector<1x512x4096xf32>
    %get3A_113 = vector.shape_cast %get3A_112 : vector<1x512x4096xf32> to vector<512x4096xf32>
    %dot_general3A_114 = arith.constant dense<0.000000e+00> : vector<1x4096xf32>
    %dot_general3A_115 = tpu.matmul %get3A_108, %get3A_113, %dot_general3A_114 {dimension_numbers = #tpu.dot_dimension_numbers<[1], [0], [0], [1], [0, 0, 1, 1], [], []>, transpose_lhs_hint = false} : vector<1x512xf32>, vector<512x4096xf32>, vector<1x4096xf32> -> vector<1x4096xf32>
    %add3A_116 = arith.addf %add3A, %dot_general3A_115 : vector<1x4096xf32>
    %dma_start3A_117 = arith.constant 1 : i32
    %dma_start3A_118 = arith.constant 1 : i32
    %dma_start3A_119 = tpu.memref_slice %arg7[%dma_start3A_118] : memref<6x!tpu.dma_semaphore, #tpu.memory_space<semaphore_mem>> -> memref<1x!tpu.dma_semaphore, #tpu.memory_space<semaphore_mem>>
    %dma_start3A_120 = tpu.memref_squeeze %dma_start3A_119 : memref<1x!tpu.dma_semaphore, #tpu.memory_space<semaphore_mem>> -> memref<!tpu.dma_semaphore, #tpu.memory_space<semaphore_mem>>
    %dma_start3A_121 = arith.constant 0 : i32
    %dma_start3A_122 = arith.constant 0 : i32
    %dma_start3A_123 = tpu.memref_slice %arg6[%dma_start3A_117, %dma_start3A_121, %dma_start3A_122] : memref<6x512x4096xf32, #tpu.memory_space<vmem>> -> memref<1x512x4096xf32, #tpu.memory_space<vmem>>
    %dma_start3A_124 = tpu.memref_squeeze %dma_start3A_123 : memref<1x512x4096xf32, #tpu.memory_space<vmem>> -> memref<512x4096xf32, #tpu.memory_space<vmem>>
    %dma_start3A_125 = arith.constant 3584 : i32
    %dma_start3A_126 = arith.constant 0 : i32
    %dma_start3A_127 = tpu.memref_slice %arg1[%dma_start3A_125, %dma_start3A_126] : memref<8192x4096xf32, #tpu.memory_space<any>> -> memref<512x4096xf32, #tpu.memory_space<any>>
    tpu.enqueue_dma source(%dma_start3A_127 : memref<512x4096xf32, #tpu.memory_space<any>>) target(%dma_start3A_124 : memref<512x4096xf32, #tpu.memory_space<vmem>>) target_semaphore(%dma_start3A_120 : memref<!tpu.dma_semaphore, #tpu.memory_space<semaphore_mem>>)
    %dma_wait3A_128 = arith.constant 2 : i32
    %dma_wait3A_129 = arith.constant 2 : i32
    %dma_wait3A_130 = tpu.memref_slice %arg7[%dma_wait3A_129] : memref<6x!tpu.dma_semaphore, #tpu.memory_space<semaphore_mem>> -> memref<1x!tpu.dma_semaphore, #tpu.memory_space<semaphore_mem>>
    %dma_wait3A_131 = tpu.memref_squeeze %dma_wait3A_130 : memref<1x!tpu.dma_semaphore, #tpu.memory_space<semaphore_mem>> -> memref<!tpu.dma_semaphore, #tpu.memory_space<semaphore_mem>>
    %dma_wait3A_132 = arith.constant 0 : i32
    %dma_wait3A_133 = arith.constant 0 : i32
    %dma_wait3A_134 = tpu.memref_slice %arg6[%dma_wait3A_128, %dma_wait3A_132, %dma_wait3A_133] : memref<6x512x4096xf32, #tpu.memory_space<vmem>> -> memref<1x512x4096xf32, #tpu.memory_space<vmem>>
    %dma_wait3A_135 = tpu.memref_squeeze %dma_wait3A_134 : memref<1x512x4096xf32, #tpu.memory_space<vmem>> -> memref<512x4096xf32, #tpu.memory_space<vmem>>
    %dma_wait3A_136 = arith.constant 1024 : i32
    %dma_wait3A_137 = arith.constant 0 : i32
    %dma_wait3A_138 = tpu.memref_slice %arg1[%dma_wait3A_136, %dma_wait3A_137] : memref<8192x4096xf32, #tpu.memory_space<any>> -> memref<512x4096xf32, #tpu.memory_space<any>>
    tpu.wait_dma2 semaphore(%dma_wait3A_131 : memref<!tpu.dma_semaphore, #tpu.memory_space<semaphore_mem>>) src(%dma_wait3A_138 : memref<512x4096xf32, #tpu.memory_space<any>>) dst(%dma_wait3A_135 : memref<512x4096xf32, #tpu.memory_space<vmem>>)
    %get3A_139 = arith.constant 0 : index
    %get3A_140 = arith.constant 1024 : index
    %get3A_141 = vector.load %arg0[%get3A_139, %get3A_140] : memref<1x8192xf32, #tpu.memory_space<vmem>>, vector<1x512xf32>
    %get3A_142 = arith.constant 2 : index
    %get3A_143 = arith.constant 0 : index
    %get3A_144 = arith.constant 0 : index
    %get3A_145 = vector.load %arg6[%get3A_142, %get3A_143, %get3A_144] : memref<6x512x4096xf32, #tpu.memory_space<vmem>>, vector<1x512x4096xf32>
    %get3A_146 = vector.shape_cast %get3A_145 : vector<1x512x4096xf32> to vector<512x4096xf32>
    %dot_general3A_147 = arith.constant dense<0.000000e+00> : vector<1x4096xf32>
    %dot_general3A_148 = tpu.matmul %get3A_141, %get3A_146, %dot_general3A_147 {dimension_numbers = #tpu.dot_dimension_numbers<[1], [0], [0], [1], [0, 0, 1, 1], [], []>, transpose_lhs_hint = false} : vector<1x512xf32>, vector<512x4096xf32>, vector<1x4096xf32> -> vector<1x4096xf32>
    %add3A_149 = arith.addf %add3A_116, %dot_general3A_148 : vector<1x4096xf32>
    %dma_start3A_150 = arith.constant 2 : i32
    %dma_start3A_151 = arith.constant 2 : i32
    %dma_start3A_152 = tpu.memref_slice %arg7[%dma_start3A_151] : memref<6x!tpu.dma_semaphore, #tpu.memory_space<semaphore_mem>> -> memref<1x!tpu.dma_semaphore, #tpu.memory_space<semaphore_mem>>
    %dma_start3A_153 = tpu.memref_squeeze %dma_start3A_152 : memref<1x!tpu.dma_semaphore, #tpu.memory_space<semaphore_mem>> -> memref<!tpu.dma_semaphore, #tpu.memory_space<semaphore_mem>>
    %dma_start3A_154 = arith.constant 0 : i32
    %dma_start3A_155 = arith.constant 0 : i32
    %dma_start3A_156 = tpu.memref_slice %arg6[%dma_start3A_150, %dma_start3A_154, %dma_start3A_155] : memref<6x512x4096xf32, #tpu.memory_space<vmem>> -> memref<1x512x4096xf32, #tpu.memory_space<vmem>>
    %dma_start3A_157 = tpu.memref_squeeze %dma_start3A_156 : memref<1x512x4096xf32, #tpu.memory_space<vmem>> -> memref<512x4096xf32, #tpu.memory_space<vmem>>
    %dma_start3A_158 = arith.constant 4096 : i32
    %dma_start3A_159 = arith.constant 0 : i32
    %dma_start3A_160 = tpu.memref_slice %arg1[%dma_start3A_158, %dma_start3A_159] : memref<8192x4096xf32, #tpu.memory_space<any>> -> memref<512x4096xf32, #tpu.memory_space<any>>
    tpu.enqueue_dma source(%dma_start3A_160 : memref<512x4096xf32, #tpu.memory_space<any>>) target(%dma_start3A_157 : memref<512x4096xf32, #tpu.memory_space<vmem>>) target_semaphore(%dma_start3A_153 : memref<!tpu.dma_semaphore, #tpu.memory_space<semaphore_mem>>)
    %dma_wait3A_161 = arith.constant 3 : i32
    %dma_wait3A_162 = arith.constant 3 : i32
    %dma_wait3A_163 = tpu.memref_slice %arg7[%dma_wait3A_162] : memref<6x!tpu.dma_semaphore, #tpu.memory_space<semaphore_mem>> -> memref<1x!tpu.dma_semaphore, #tpu.memory_space<semaphore_mem>>
    %dma_wait3A_164 = tpu.memref_squeeze %dma_wait3A_163 : memref<1x!tpu.dma_semaphore, #tpu.memory_space<semaphore_mem>> -> memref<!tpu.dma_semaphore, #tpu.memory_space<semaphore_mem>>
    %dma_wait3A_165 = arith.constant 0 : i32
    %dma_wait3A_166 = arith.constant 0 : i32
    %dma_wait3A_167 = tpu.memref_slice %arg6[%dma_wait3A_161, %dma_wait3A_165, %dma_wait3A_166] : memref<6x512x4096xf32, #tpu.memory_space<vmem>> -> memref<1x512x4096xf32, #tpu.memory_space<vmem>>
    %dma_wait3A_168 = tpu.memref_squeeze %dma_wait3A_167 : memref<1x512x4096xf32, #tpu.memory_space<vmem>> -> memref<512x4096xf32, #tpu.memory_space<vmem>>
    %dma_wait3A_169 = arith.constant 1536 : i32
    %dma_wait3A_170 = arith.constant 0 : i32
    %dma_wait3A_171 = tpu.memref_slice %arg1[%dma_wait3A_169, %dma_wait3A_170] : memref<8192x4096xf32, #tpu.memory_space<any>> -> memref<512x4096xf32, #tpu.memory_space<any>>
    tpu.wait_dma2 semaphore(%dma_wait3A_164 : memref<!tpu.dma_semaphore, #tpu.memory_space<semaphore_mem>>) src(%dma_wait3A_171 : memref<512x4096xf32, #tpu.memory_space<any>>) dst(%dma_wait3A_168 : memref<512x4096xf32, #tpu.memory_space<vmem>>)
    %get3A_172 = arith.constant 0 : index
    %get3A_173 = arith.constant 1536 : index
    %get3A_174 = vector.load %arg0[%get3A_172, %get3A_173] : memref<1x8192xf32, #tpu.memory_space<vmem>>, vector<1x512xf32>
    %get3A_175 = arith.constant 3 : index
    %get3A_176 = arith.constant 0 : index
    %get3A_177 = arith.constant 0 : index
    %get3A_178 = vector.load %arg6[%get3A_175, %get3A_176, %get3A_177] : memref<6x512x4096xf32, #tpu.memory_space<vmem>>, vector<1x512x4096xf32>
    %get3A_179 = vector.shape_cast %get3A_178 : vector<1x512x4096xf32> to vector<512x4096xf32>
    %dot_general3A_180 = arith.constant dense<0.000000e+00> : vector<1x4096xf32>
    %dot_general3A_181 = tpu.matmul %get3A_174, %get3A_179, %dot_general3A_180 {dimension_numbers = #tpu.dot_dimension_numbers<[1], [0], [0], [1], [0, 0, 1, 1], [], []>, transpose_lhs_hint = false} : vector<1x512xf32>, vector<512x4096xf32>, vector<1x4096xf32> -> vector<1x4096xf32>
    %add3A_182 = arith.addf %add3A_149, %dot_general3A_181 : vector<1x4096xf32>
    %dma_start3A_183 = arith.constant 3 : i32
    %dma_start3A_184 = arith.constant 3 : i32
    %dma_start3A_185 = tpu.memref_slice %arg7[%dma_start3A_184] : memref<6x!tpu.dma_semaphore, #tpu.memory_space<semaphore_mem>> -> memref<1x!tpu.dma_semaphore, #tpu.memory_space<semaphore_mem>>
    %dma_start3A_186 = tpu.memref_squeeze %dma_start3A_185 : memref<1x!tpu.dma_semaphore, #tpu.memory_space<semaphore_mem>> -> memref<!tpu.dma_semaphore, #tpu.memory_space<semaphore_mem>>
    %dma_start3A_187 = arith.constant 0 : i32
    %dma_start3A_188 = arith.constant 0 : i32
    %dma_start3A_189 = tpu.memref_slice %arg6[%dma_start3A_183, %dma_start3A_187, %dma_start3A_188] : memref<6x512x4096xf32, #tpu.memory_space<vmem>> -> memref<1x512x4096xf32, #tpu.memory_space<vmem>>
    %dma_start3A_190 = tpu.memref_squeeze %dma_start3A_189 : memref<1x512x4096xf32, #tpu.memory_space<vmem>> -> memref<512x4096xf32, #tpu.memory_space<vmem>>
    %dma_start3A_191 = arith.constant 4608 : i32
    %dma_start3A_192 = arith.constant 0 : i32
    %dma_start3A_193 = tpu.memref_slice %arg1[%dma_start3A_191, %dma_start3A_192] : memref<8192x4096xf32, #tpu.memory_space<any>> -> memref<512x4096xf32, #tpu.memory_space<any>>
    tpu.enqueue_dma source(%dma_start3A_193 : memref<512x4096xf32, #tpu.memory_space<any>>) target(%dma_start3A_190 : memref<512x4096xf32, #tpu.memory_space<vmem>>) target_semaphore(%dma_start3A_186 : memref<!tpu.dma_semaphore, #tpu.memory_space<semaphore_mem>>)
    %dma_wait3A_194 = arith.constant 4 : i32
    %dma_wait3A_195 = arith.constant 4 : i32
    %dma_wait3A_196 = tpu.memref_slice %arg7[%dma_wait3A_195] : memref<6x!tpu.dma_semaphore, #tpu.memory_space<semaphore_mem>> -> memref<1x!tpu.dma_semaphore, #tpu.memory_space<semaphore_mem>>
    %dma_wait3A_197 = tpu.memref_squeeze %dma_wait3A_196 : memref<1x!tpu.dma_semaphore, #tpu.memory_space<semaphore_mem>> -> memref<!tpu.dma_semaphore, #tpu.memory_space<semaphore_mem>>
    %dma_wait3A_198 = arith.constant 0 : i32
    %dma_wait3A_199 = arith.constant 0 : i32
    %dma_wait3A_200 = tpu.memref_slice %arg6[%dma_wait3A_194, %dma_wait3A_198, %dma_wait3A_199] : memref<6x512x4096xf32, #tpu.memory_space<vmem>> -> memref<1x512x4096xf32, #tpu.memory_space<vmem>>
    %dma_wait3A_201 = tpu.memref_squeeze %dma_wait3A_200 : memref<1x512x4096xf32, #tpu.memory_space<vmem>> -> memref<512x4096xf32, #tpu.memory_space<vmem>>
    %dma_wait3A_202 = arith.constant 2048 : i32
    %dma_wait3A_203 = arith.constant 0 : i32
    %dma_wait3A_204 = tpu.memref_slice %arg1[%dma_wait3A_202, %dma_wait3A_203] : memref<8192x4096xf32, #tpu.memory_space<any>> -> memref<512x4096xf32, #tpu.memory_space<any>>
    tpu.wait_dma2 semaphore(%dma_wait3A_197 : memref<!tpu.dma_semaphore, #tpu.memory_space<semaphore_mem>>) src(%dma_wait3A_204 : memref<512x4096xf32, #tpu.memory_space<any>>) dst(%dma_wait3A_201 : memref<512x4096xf32, #tpu.memory_space<vmem>>)
    %get3A_205 = arith.constant 0 : index
    %get3A_206 = arith.constant 2048 : index
    %get3A_207 = vector.load %arg0[%get3A_205, %get3A_206] : memref<1x8192xf32, #tpu.memory_space<vmem>>, vector<1x512xf32>
    %get3A_208 = arith.constant 4 : index
    %get3A_209 = arith.constant 0 : index
    %get3A_210 = arith.constant 0 : index
    %get3A_211 = vector.load %arg6[%get3A_208, %get3A_209, %get3A_210] : memref<6x512x4096xf32, #tpu.memory_space<vmem>>, vector<1x512x4096xf32>
    %get3A_212 = vector.shape_cast %get3A_211 : vector<1x512x4096xf32> to vector<512x4096xf32>
    %dot_general3A_213 = arith.constant dense<0.000000e+00> : vector<1x4096xf32>
    %dot_general3A_214 = tpu.matmul %get3A_207, %get3A_212, %dot_general3A_213 {dimension_numbers = #tpu.dot_dimension_numbers<[1], [0], [0], [1], [0, 0, 1, 1], [], []>, transpose_lhs_hint = false} : vector<1x512xf32>, vector<512x4096xf32>, vector<1x4096xf32> -> vector<1x4096xf32>
    %add3A_215 = arith.addf %add3A_182, %dot_general3A_214 : vector<1x4096xf32>
    %dma_start3A_216 = arith.constant 4 : i32
    %dma_start3A_217 = arith.constant 4 : i32
    %dma_start3A_218 = tpu.memref_slice %arg7[%dma_start3A_217] : memref<6x!tpu.dma_semaphore, #tpu.memory_space<semaphore_mem>> -> memref<1x!tpu.dma_semaphore, #tpu.memory_space<semaphore_mem>>
    %dma_start3A_219 = tpu.memref_squeeze %dma_start3A_218 : memref<1x!tpu.dma_semaphore, #tpu.memory_space<semaphore_mem>> -> memref<!tpu.dma_semaphore, #tpu.memory_space<semaphore_mem>>
    %dma_start3A_220 = arith.constant 0 : i32
    %dma_start3A_221 = arith.constant 0 : i32
    %dma_start3A_222 = tpu.memref_slice %arg6[%dma_start3A_216, %dma_start3A_220, %dma_start3A_221] : memref<6x512x4096xf32, #tpu.memory_space<vmem>> -> memref<1x512x4096xf32, #tpu.memory_space<vmem>>
    %dma_start3A_223 = tpu.memref_squeeze %dma_start3A_222 : memref<1x512x4096xf32, #tpu.memory_space<vmem>> -> memref<512x4096xf32, #tpu.memory_space<vmem>>
    %dma_start3A_224 = arith.constant 5120 : i32
    %dma_start3A_225 = arith.constant 0 : i32
    %dma_start3A_226 = tpu.memref_slice %arg1[%dma_start3A_224, %dma_start3A_225] : memref<8192x4096xf32, #tpu.memory_space<any>> -> memref<512x4096xf32, #tpu.memory_space<any>>
    tpu.enqueue_dma source(%dma_start3A_226 : memref<512x4096xf32, #tpu.memory_space<any>>) target(%dma_start3A_223 : memref<512x4096xf32, #tpu.memory_space<vmem>>) target_semaphore(%dma_start3A_219 : memref<!tpu.dma_semaphore, #tpu.memory_space<semaphore_mem>>)
    %dma_wait3A_227 = arith.constant 5 : i32
    %dma_wait3A_228 = arith.constant 5 : i32
    %dma_wait3A_229 = tpu.memref_slice %arg7[%dma_wait3A_228] : memref<6x!tpu.dma_semaphore, #tpu.memory_space<semaphore_mem>> -> memref<1x!tpu.dma_semaphore, #tpu.memory_space<semaphore_mem>>
    %dma_wait3A_230 = tpu.memref_squeeze %dma_wait3A_229 : memref<1x!tpu.dma_semaphore, #tpu.memory_space<semaphore_mem>> -> memref<!tpu.dma_semaphore, #tpu.memory_space<semaphore_mem>>
    %dma_wait3A_231 = arith.constant 0 : i32
    %dma_wait3A_232 = arith.constant 0 : i32
    %dma_wait3A_233 = tpu.memref_slice %arg6[%dma_wait3A_227, %dma_wait3A_231, %dma_wait3A_232] : memref<6x512x4096xf32, #tpu.memory_space<vmem>> -> memref<1x512x4096xf32, #tpu.memory_space<vmem>>
    %dma_wait3A_234 = tpu.memref_squeeze %dma_wait3A_233 : memref<1x512x4096xf32, #tpu.memory_space<vmem>> -> memref<512x4096xf32, #tpu.memory_space<vmem>>
    %dma_wait3A_235 = arith.constant 2560 : i32
    %dma_wait3A_236 = arith.constant 0 : i32
    %dma_wait3A_237 = tpu.memref_slice %arg1[%dma_wait3A_235, %dma_wait3A_236] : memref<8192x4096xf32, #tpu.memory_space<any>> -> memref<512x4096xf32, #tpu.memory_space<any>>
    tpu.wait_dma2 semaphore(%dma_wait3A_230 : memref<!tpu.dma_semaphore, #tpu.memory_space<semaphore_mem>>) src(%dma_wait3A_237 : memref<512x4096xf32, #tpu.memory_space<any>>) dst(%dma_wait3A_234 : memref<512x4096xf32, #tpu.memory_space<vmem>>)
    %get3A_238 = arith.constant 0 : index
    %get3A_239 = arith.constant 2560 : index
    %get3A_240 = vector.load %arg0[%get3A_238, %get3A_239] : memref<1x8192xf32, #tpu.memory_space<vmem>>, vector<1x512xf32>
    %get3A_241 = arith.constant 5 : index
    %get3A_242 = arith.constant 0 : index
    %get3A_243 = arith.constant 0 : index
    %get3A_244 = vector.load %arg6[%get3A_241, %get3A_242, %get3A_243] : memref<6x512x4096xf32, #tpu.memory_space<vmem>>, vector<1x512x4096xf32>
    %get3A_245 = vector.shape_cast %get3A_244 : vector<1x512x4096xf32> to vector<512x4096xf32>
    %dot_general3A_246 = arith.constant dense<0.000000e+00> : vector<1x4096xf32>
    %dot_general3A_247 = tpu.matmul %get3A_240, %get3A_245, %dot_general3A_246 {dimension_numbers = #tpu.dot_dimension_numbers<[1], [0], [0], [1], [0, 0, 1, 1], [], []>, transpose_lhs_hint = false} : vector<1x512xf32>, vector<512x4096xf32>, vector<1x4096xf32> -> vector<1x4096xf32>
    %add3A_248 = arith.addf %add3A_215, %dot_general3A_247 : vector<1x4096xf32>
    %dma_start3A_249 = arith.constant 5 : i32
    %dma_start3A_250 = arith.constant 5 : i32
    %dma_start3A_251 = tpu.memref_slice %arg7[%dma_start3A_250] : memref<6x!tpu.dma_semaphore, #tpu.memory_space<semaphore_mem>> -> memref<1x!tpu.dma_semaphore, #tpu.memory_space<semaphore_mem>>
    %dma_start3A_252 = tpu.memref_squeeze %dma_start3A_251 : memref<1x!tpu.dma_semaphore, #tpu.memory_space<semaphore_mem>> -> memref<!tpu.dma_semaphore, #tpu.memory_space<semaphore_mem>>
    %dma_start3A_253 = arith.constant 0 : i32
    %dma_start3A_254 = arith.constant 0 : i32
    %dma_start3A_255 = tpu.memref_slice %arg6[%dma_start3A_249, %dma_start3A_253, %dma_start3A_254] : memref<6x512x4096xf32, #tpu.memory_space<vmem>> -> memref<1x512x4096xf32, #tpu.memory_space<vmem>>
    %dma_start3A_256 = tpu.memref_squeeze %dma_start3A_255 : memref<1x512x4096xf32, #tpu.memory_space<vmem>> -> memref<512x4096xf32, #tpu.memory_space<vmem>>
    %dma_start3A_257 = arith.constant 5632 : i32
    %dma_start3A_258 = arith.constant 0 : i32
    %dma_start3A_259 = tpu.memref_slice %arg1[%dma_start3A_257, %dma_start3A_258] : memref<8192x4096xf32, #tpu.memory_space<any>> -> memref<512x4096xf32, #tpu.memory_space<any>>
    tpu.enqueue_dma source(%dma_start3A_259 : memref<512x4096xf32, #tpu.memory_space<any>>) target(%dma_start3A_256 : memref<512x4096xf32, #tpu.memory_space<vmem>>) target_semaphore(%dma_start3A_252 : memref<!tpu.dma_semaphore, #tpu.memory_space<semaphore_mem>>)
    %dma_wait3A_260 = arith.constant 0 : i32
    %dma_wait3A_261 = arith.constant 0 : i32
    %dma_wait3A_262 = tpu.memref_slice %arg7[%dma_wait3A_261] : memref<6x!tpu.dma_semaphore, #tpu.memory_space<semaphore_mem>> -> memref<1x!tpu.dma_semaphore, #tpu.memory_space<semaphore_mem>>
    %dma_wait3A_263 = tpu.memref_squeeze %dma_wait3A_262 : memref<1x!tpu.dma_semaphore, #tpu.memory_space<semaphore_mem>> -> memref<!tpu.dma_semaphore, #tpu.memory_space<semaphore_mem>>
    %dma_wait3A_264 = arith.constant 0 : i32
    %dma_wait3A_265 = arith.constant 0 : i32
    %dma_wait3A_266 = tpu.memref_slice %arg6[%dma_wait3A_260, %dma_wait3A_264, %dma_wait3A_265] : memref<6x512x4096xf32, #tpu.memory_space<vmem>> -> memref<1x512x4096xf32, #tpu.memory_space<vmem>>
    %dma_wait3A_267 = tpu.memref_squeeze %dma_wait3A_266 : memref<1x512x4096xf32, #tpu.memory_space<vmem>> -> memref<512x4096xf32, #tpu.memory_space<vmem>>
    %dma_wait3A_268 = arith.constant 3072 : i32
    %dma_wait3A_269 = arith.constant 0 : i32
    %dma_wait3A_270 = tpu.memref_slice %arg1[%dma_wait3A_268, %dma_wait3A_269] : memref<8192x4096xf32, #tpu.memory_space<any>> -> memref<512x4096xf32, #tpu.memory_space<any>>
    tpu.wait_dma2 semaphore(%dma_wait3A_263 : memref<!tpu.dma_semaphore, #tpu.memory_space<semaphore_mem>>) src(%dma_wait3A_270 : memref<512x4096xf32, #tpu.memory_space<any>>) dst(%dma_wait3A_267 : memref<512x4096xf32, #tpu.memory_space<vmem>>)
    %get3A_271 = arith.constant 0 : index
    %get3A_272 = arith.constant 3072 : index
    %get3A_273 = vector.load %arg0[%get3A_271, %get3A_272] : memref<1x8192xf32, #tpu.memory_space<vmem>>, vector<1x512xf32>
    %get3A_274 = arith.constant 0 : index
    %get3A_275 = arith.constant 0 : index
    %get3A_276 = arith.constant 0 : index
    %get3A_277 = vector.load %arg6[%get3A_274, %get3A_275, %get3A_276] : memref<6x512x4096xf32, #tpu.memory_space<vmem>>, vector<1x512x4096xf32>
    %get3A_278 = vector.shape_cast %get3A_277 : vector<1x512x4096xf32> to vector<512x4096xf32>
    %dot_general3A_279 = arith.constant dense<0.000000e+00> : vector<1x4096xf32>
    %dot_general3A_280 = tpu.matmul %get3A_273, %get3A_278, %dot_general3A_279 {dimension_numbers = #tpu.dot_dimension_numbers<[1], [0], [0], [1], [0, 0, 1, 1], [], []>, transpose_lhs_hint = false} : vector<1x512xf32>, vector<512x4096xf32>, vector<1x4096xf32> -> vector<1x4096xf32>
    %add3A_281 = arith.addf %add3A_248, %dot_general3A_280 : vector<1x4096xf32>
    %dma_start3A_282 = arith.constant 0 : i32
    %dma_start3A_283 = arith.constant 0 : i32
    %dma_start3A_284 = tpu.memref_slice %arg7[%dma_start3A_283] : memref<6x!tpu.dma_semaphore, #tpu.memory_space<semaphore_mem>> -> memref<1x!tpu.dma_semaphore, #tpu.memory_space<semaphore_mem>>
    %dma_start3A_285 = tpu.memref_squeeze %dma_start3A_284 : memref<1x!tpu.dma_semaphore, #tpu.memory_space<semaphore_mem>> -> memref<!tpu.dma_semaphore, #tpu.memory_space<semaphore_mem>>
    %dma_start3A_286 = arith.constant 0 : i32
    %dma_start3A_287 = arith.constant 0 : i32
    %dma_start3A_288 = tpu.memref_slice %arg6[%dma_start3A_282, %dma_start3A_286, %dma_start3A_287] : memref<6x512x4096xf32, #tpu.memory_space<vmem>> -> memref<1x512x4096xf32, #tpu.memory_space<vmem>>
    %dma_start3A_289 = tpu.memref_squeeze %dma_start3A_288 : memref<1x512x4096xf32, #tpu.memory_space<vmem>> -> memref<512x4096xf32, #tpu.memory_space<vmem>>
    %dma_start3A_290 = arith.constant 6144 : i32
    %dma_start3A_291 = arith.constant 0 : i32
    %dma_start3A_292 = tpu.memref_slice %arg1[%dma_start3A_290, %dma_start3A_291] : memref<8192x4096xf32, #tpu.memory_space<any>> -> memref<512x4096xf32, #tpu.memory_space<any>>
    tpu.enqueue_dma source(%dma_start3A_292 : memref<512x4096xf32, #tpu.memory_space<any>>) target(%dma_start3A_289 : memref<512x4096xf32, #tpu.memory_space<vmem>>) target_semaphore(%dma_start3A_285 : memref<!tpu.dma_semaphore, #tpu.memory_space<semaphore_mem>>)
    %dma_wait3A_293 = arith.constant 1 : i32
    %dma_wait3A_294 = arith.constant 1 : i32
    %dma_wait3A_295 = tpu.memref_slice %arg7[%dma_wait3A_294] : memref<6x!tpu.dma_semaphore, #tpu.memory_space<semaphore_mem>> -> memref<1x!tpu.dma_semaphore, #tpu.memory_space<semaphore_mem>>
    %dma_wait3A_296 = tpu.memref_squeeze %dma_wait3A_295 : memref<1x!tpu.dma_semaphore, #tpu.memory_space<semaphore_mem>> -> memref<!tpu.dma_semaphore, #tpu.memory_space<semaphore_mem>>
    %dma_wait3A_297 = arith.constant 0 : i32
    %dma_wait3A_298 = arith.constant 0 : i32
    %dma_wait3A_299 = tpu.memref_slice %arg6[%dma_wait3A_293, %dma_wait3A_297, %dma_wait3A_298] : memref<6x512x4096xf32, #tpu.memory_space<vmem>> -> memref<1x512x4096xf32, #tpu.memory_space<vmem>>
    %dma_wait3A_300 = tpu.memref_squeeze %dma_wait3A_299 : memref<1x512x4096xf32, #tpu.memory_space<vmem>> -> memref<512x4096xf32, #tpu.memory_space<vmem>>
    %dma_wait3A_301 = arith.constant 3584 : i32
    %dma_wait3A_302 = arith.constant 0 : i32
    %dma_wait3A_303 = tpu.memref_slice %arg1[%dma_wait3A_301, %dma_wait3A_302] : memref<8192x4096xf32, #tpu.memory_space<any>> -> memref<512x4096xf32, #tpu.memory_space<any>>
    tpu.wait_dma2 semaphore(%dma_wait3A_296 : memref<!tpu.dma_semaphore, #tpu.memory_space<semaphore_mem>>) src(%dma_wait3A_303 : memref<512x4096xf32, #tpu.memory_space<any>>) dst(%dma_wait3A_300 : memref<512x4096xf32, #tpu.memory_space<vmem>>)
    %get3A_304 = arith.constant 0 : index
    %get3A_305 = arith.constant 3584 : index
    %get3A_306 = vector.load %arg0[%get3A_304, %get3A_305] : memref<1x8192xf32, #tpu.memory_space<vmem>>, vector<1x512xf32>
    %get3A_307 = arith.constant 1 : index
    %get3A_308 = arith.constant 0 : index
    %get3A_309 = arith.constant 0 : index
    %get3A_310 = vector.load %arg6[%get3A_307, %get3A_308, %get3A_309] : memref<6x512x4096xf32, #tpu.memory_space<vmem>>, vector<1x512x4096xf32>
    %get3A_311 = vector.shape_cast %get3A_310 : vector<1x512x4096xf32> to vector<512x4096xf32>
    %dot_general3A_312 = arith.constant dense<0.000000e+00> : vector<1x4096xf32>
    %dot_general3A_313 = tpu.matmul %get3A_306, %get3A_311, %dot_general3A_312 {dimension_numbers = #tpu.dot_dimension_numbers<[1], [0], [0], [1], [0, 0, 1, 1], [], []>, transpose_lhs_hint = false} : vector<1x512xf32>, vector<512x4096xf32>, vector<1x4096xf32> -> vector<1x4096xf32>
    %add3A_314 = arith.addf %add3A_281, %dot_general3A_313 : vector<1x4096xf32>
    %dma_start3A_315 = arith.constant 1 : i32
    %dma_start3A_316 = arith.constant 1 : i32
    %dma_start3A_317 = tpu.memref_slice %arg7[%dma_start3A_316] : memref<6x!tpu.dma_semaphore, #tpu.memory_space<semaphore_mem>> -> memref<1x!tpu.dma_semaphore, #tpu.memory_space<semaphore_mem>>
    %dma_start3A_318 = tpu.memref_squeeze %dma_start3A_317 : memref<1x!tpu.dma_semaphore, #tpu.memory_space<semaphore_mem>> -> memref<!tpu.dma_semaphore, #tpu.memory_space<semaphore_mem>>
    %dma_start3A_319 = arith.constant 0 : i32
    %dma_start3A_320 = arith.constant 0 : i32
    %dma_start3A_321 = tpu.memref_slice %arg6[%dma_start3A_315, %dma_start3A_319, %dma_start3A_320] : memref<6x512x4096xf32, #tpu.memory_space<vmem>> -> memref<1x512x4096xf32, #tpu.memory_space<vmem>>
    %dma_start3A_322 = tpu.memref_squeeze %dma_start3A_321 : memref<1x512x4096xf32, #tpu.memory_space<vmem>> -> memref<512x4096xf32, #tpu.memory_space<vmem>>
    %dma_start3A_323 = arith.constant 6656 : i32
    %dma_start3A_324 = arith.constant 0 : i32
    %dma_start3A_325 = tpu.memref_slice %arg1[%dma_start3A_323, %dma_start3A_324] : memref<8192x4096xf32, #tpu.memory_space<any>> -> memref<512x4096xf32, #tpu.memory_space<any>>
    tpu.enqueue_dma source(%dma_start3A_325 : memref<512x4096xf32, #tpu.memory_space<any>>) target(%dma_start3A_322 : memref<512x4096xf32, #tpu.memory_space<vmem>>) target_semaphore(%dma_start3A_318 : memref<!tpu.dma_semaphore, #tpu.memory_space<semaphore_mem>>)
    %dma_wait3A_326 = arith.constant 2 : i32
    %dma_wait3A_327 = arith.constant 2 : i32
    %dma_wait3A_328 = tpu.memref_slice %arg7[%dma_wait3A_327] : memref<6x!tpu.dma_semaphore, #tpu.memory_space<semaphore_mem>> -> memref<1x!tpu.dma_semaphore, #tpu.memory_space<semaphore_mem>>
    %dma_wait3A_329 = tpu.memref_squeeze %dma_wait3A_328 : memref<1x!tpu.dma_semaphore, #tpu.memory_space<semaphore_mem>> -> memref<!tpu.dma_semaphore, #tpu.memory_space<semaphore_mem>>
    %dma_wait3A_330 = arith.constant 0 : i32
    %dma_wait3A_331 = arith.constant 0 : i32
    %dma_wait3A_332 = tpu.memref_slice %arg6[%dma_wait3A_326, %dma_wait3A_330, %dma_wait3A_331] : memref<6x512x4096xf32, #tpu.memory_space<vmem>> -> memref<1x512x4096xf32, #tpu.memory_space<vmem>>
    %dma_wait3A_333 = tpu.memref_squeeze %dma_wait3A_332 : memref<1x512x4096xf32, #tpu.memory_space<vmem>> -> memref<512x4096xf32, #tpu.memory_space<vmem>>
    %dma_wait3A_334 = arith.constant 4096 : i32
    %dma_wait3A_335 = arith.constant 0 : i32
    %dma_wait3A_336 = tpu.memref_slice %arg1[%dma_wait3A_334, %dma_wait3A_335] : memref<8192x4096xf32, #tpu.memory_space<any>> -> memref<512x4096xf32, #tpu.memory_space<any>>
    tpu.wait_dma2 semaphore(%dma_wait3A_329 : memref<!tpu.dma_semaphore, #tpu.memory_space<semaphore_mem>>) src(%dma_wait3A_336 : memref<512x4096xf32, #tpu.memory_space<any>>) dst(%dma_wait3A_333 : memref<512x4096xf32, #tpu.memory_space<vmem>>)
    %get3A_337 = arith.constant 0 : index
    %get3A_338 = arith.constant 4096 : index
    %get3A_339 = vector.load %arg0[%get3A_337, %get3A_338] : memref<1x8192xf32, #tpu.memory_space<vmem>>, vector<1x512xf32>
    %get3A_340 = arith.constant 2 : index
    %get3A_341 = arith.constant 0 : index
    %get3A_342 = arith.constant 0 : index
    %get3A_343 = vector.load %arg6[%get3A_340, %get3A_341, %get3A_342] : memref<6x512x4096xf32, #tpu.memory_space<vmem>>, vector<1x512x4096xf32>
    %get3A_344 = vector.shape_cast %get3A_343 : vector<1x512x4096xf32> to vector<512x4096xf32>
    %dot_general3A_345 = arith.constant dense<0.000000e+00> : vector<1x4096xf32>
    %dot_general3A_346 = tpu.matmul %get3A_339, %get3A_344, %dot_general3A_345 {dimension_numbers = #tpu.dot_dimension_numbers<[1], [0], [0], [1], [0, 0, 1, 1], [], []>, transpose_lhs_hint = false} : vector<1x512xf32>, vector<512x4096xf32>, vector<1x4096xf32> -> vector<1x4096xf32>
    %add3A_347 = arith.addf %add3A_314, %dot_general3A_346 : vector<1x4096xf32>
    %dma_start3A_348 = arith.constant 2 : i32
    %dma_start3A_349 = arith.constant 2 : i32
    %dma_start3A_350 = tpu.memref_slice %arg7[%dma_start3A_349] : memref<6x!tpu.dma_semaphore, #tpu.memory_space<semaphore_mem>> -> memref<1x!tpu.dma_semaphore, #tpu.memory_space<semaphore_mem>>
    %dma_start3A_351 = tpu.memref_squeeze %dma_start3A_350 : memref<1x!tpu.dma_semaphore, #tpu.memory_space<semaphore_mem>> -> memref<!tpu.dma_semaphore, #tpu.memory_space<semaphore_mem>>
    %dma_start3A_352 = arith.constant 0 : i32
    %dma_start3A_353 = arith.constant 0 : i32
    %dma_start3A_354 = tpu.memref_slice %arg6[%dma_start3A_348, %dma_start3A_352, %dma_start3A_353] : memref<6x512x4096xf32, #tpu.memory_space<vmem>> -> memref<1x512x4096xf32, #tpu.memory_space<vmem>>
    %dma_start3A_355 = tpu.memref_squeeze %dma_start3A_354 : memref<1x512x4096xf32, #tpu.memory_space<vmem>> -> memref<512x4096xf32, #tpu.memory_space<vmem>>
    %dma_start3A_356 = arith.constant 7168 : i32
    %dma_start3A_357 = arith.constant 0 : i32
    %dma_start3A_358 = tpu.memref_slice %arg1[%dma_start3A_356, %dma_start3A_357] : memref<8192x4096xf32, #tpu.memory_space<any>> -> memref<512x4096xf32, #tpu.memory_space<any>>
    tpu.enqueue_dma source(%dma_start3A_358 : memref<512x4096xf32, #tpu.memory_space<any>>) target(%dma_start3A_355 : memref<512x4096xf32, #tpu.memory_space<vmem>>) target_semaphore(%dma_start3A_351 : memref<!tpu.dma_semaphore, #tpu.memory_space<semaphore_mem>>)
    %dma_wait3A_359 = arith.constant 3 : i32
    %dma_wait3A_360 = arith.constant 3 : i32
    %dma_wait3A_361 = tpu.memref_slice %arg7[%dma_wait3A_360] : memref<6x!tpu.dma_semaphore, #tpu.memory_space<semaphore_mem>> -> memref<1x!tpu.dma_semaphore, #tpu.memory_space<semaphore_mem>>
    %dma_wait3A_362 = tpu.memref_squeeze %dma_wait3A_361 : memref<1x!tpu.dma_semaphore, #tpu.memory_space<semaphore_mem>> -> memref<!tpu.dma_semaphore, #tpu.memory_space<semaphore_mem>>
    %dma_wait3A_363 = arith.constant 0 : i32
    %dma_wait3A_364 = arith.constant 0 : i32
    %dma_wait3A_365 = tpu.memref_slice %arg6[%dma_wait3A_359, %dma_wait3A_363, %dma_wait3A_364] : memref<6x512x4096xf32, #tpu.memory_space<vmem>> -> memref<1x512x4096xf32, #tpu.memory_space<vmem>>
    %dma_wait3A_366 = tpu.memref_squeeze %dma_wait3A_365 : memref<1x512x4096xf32, #tpu.memory_space<vmem>> -> memref<512x4096xf32, #tpu.memory_space<vmem>>
    %dma_wait3A_367 = arith.constant 4608 : i32
    %dma_wait3A_368 = arith.constant 0 : i32
    %dma_wait3A_369 = tpu.memref_slice %arg1[%dma_wait3A_367, %dma_wait3A_368] : memref<8192x4096xf32, #tpu.memory_space<any>> -> memref<512x4096xf32, #tpu.memory_space<any>>
    tpu.wait_dma2 semaphore(%dma_wait3A_362 : memref<!tpu.dma_semaphore, #tpu.memory_space<semaphore_mem>>) src(%dma_wait3A_369 : memref<512x4096xf32, #tpu.memory_space<any>>) dst(%dma_wait3A_366 : memref<512x4096xf32, #tpu.memory_space<vmem>>)
    %get3A_370 = arith.constant 0 : index
    %get3A_371 = arith.constant 4608 : index
    %get3A_372 = vector.load %arg0[%get3A_370, %get3A_371] : memref<1x8192xf32, #tpu.memory_space<vmem>>, vector<1x512xf32>
    %get3A_373 = arith.constant 3 : index
    %get3A_374 = arith.constant 0 : index
    %get3A_375 = arith.constant 0 : index
    %get3A_376 = vector.load %arg6[%get3A_373, %get3A_374, %get3A_375] : memref<6x512x4096xf32, #tpu.memory_space<vmem>>, vector<1x512x4096xf32>
    %get3A_377 = vector.shape_cast %get3A_376 : vector<1x512x4096xf32> to vector<512x4096xf32>
    %dot_general3A_378 = arith.constant dense<0.000000e+00> : vector<1x4096xf32>
    %dot_general3A_379 = tpu.matmul %get3A_372, %get3A_377, %dot_general3A_378 {dimension_numbers = #tpu.dot_dimension_numbers<[1], [0], [0], [1], [0, 0, 1, 1], [], []>, transpose_lhs_hint = false} : vector<1x512xf32>, vector<512x4096xf32>, vector<1x4096xf32> -> vector<1x4096xf32>
    %add3A_380 = arith.addf %add3A_347, %dot_general3A_379 : vector<1x4096xf32>
    %dma_start3A_381 = arith.constant 3 : i32
    %dma_start3A_382 = arith.constant 3 : i32
    %dma_start3A_383 = tpu.memref_slice %arg7[%dma_start3A_382] : memref<6x!tpu.dma_semaphore, #tpu.memory_space<semaphore_mem>> -> memref<1x!tpu.dma_semaphore, #tpu.memory_space<semaphore_mem>>
    %dma_start3A_384 = tpu.memref_squeeze %dma_start3A_383 : memref<1x!tpu.dma_semaphore, #tpu.memory_space<semaphore_mem>> -> memref<!tpu.dma_semaphore, #tpu.memory_space<semaphore_mem>>
    %dma_start3A_385 = arith.constant 0 : i32
    %dma_start3A_386 = arith.constant 0 : i32
    %dma_start3A_387 = tpu.memref_slice %arg6[%dma_start3A_381, %dma_start3A_385, %dma_start3A_386] : memref<6x512x4096xf32, #tpu.memory_space<vmem>> -> memref<1x512x4096xf32, #tpu.memory_space<vmem>>
    %dma_start3A_388 = tpu.memref_squeeze %dma_start3A_387 : memref<1x512x4096xf32, #tpu.memory_space<vmem>> -> memref<512x4096xf32, #tpu.memory_space<vmem>>
    %dma_start3A_389 = arith.constant 7680 : i32
    %dma_start3A_390 = arith.constant 0 : i32
    %dma_start3A_391 = tpu.memref_slice %arg1[%dma_start3A_389, %dma_start3A_390] : memref<8192x4096xf32, #tpu.memory_space<any>> -> memref<512x4096xf32, #tpu.memory_space<any>>
    tpu.enqueue_dma source(%dma_start3A_391 : memref<512x4096xf32, #tpu.memory_space<any>>) target(%dma_start3A_388 : memref<512x4096xf32, #tpu.memory_space<vmem>>) target_semaphore(%dma_start3A_384 : memref<!tpu.dma_semaphore, #tpu.memory_space<semaphore_mem>>)
    %dma_wait3A_392 = arith.constant 4 : i32
    %dma_wait3A_393 = arith.constant 4 : i32
    %dma_wait3A_394 = tpu.memref_slice %arg7[%dma_wait3A_393] : memref<6x!tpu.dma_semaphore, #tpu.memory_space<semaphore_mem>> -> memref<1x!tpu.dma_semaphore, #tpu.memory_space<semaphore_mem>>
    %dma_wait3A_395 = tpu.memref_squeeze %dma_wait3A_394 : memref<1x!tpu.dma_semaphore, #tpu.memory_space<semaphore_mem>> -> memref<!tpu.dma_semaphore, #tpu.memory_space<semaphore_mem>>
    %dma_wait3A_396 = arith.constant 0 : i32
    %dma_wait3A_397 = arith.constant 0 : i32
    %dma_wait3A_398 = tpu.memref_slice %arg6[%dma_wait3A_392, %dma_wait3A_396, %dma_wait3A_397] : memref<6x512x4096xf32, #tpu.memory_space<vmem>> -> memref<1x512x4096xf32, #tpu.memory_space<vmem>>
    %dma_wait3A_399 = tpu.memref_squeeze %dma_wait3A_398 : memref<1x512x4096xf32, #tpu.memory_space<vmem>> -> memref<512x4096xf32, #tpu.memory_space<vmem>>
    %dma_wait3A_400 = arith.constant 5120 : i32
    %dma_wait3A_401 = arith.constant 0 : i32
    %dma_wait3A_402 = tpu.memref_slice %arg1[%dma_wait3A_400, %dma_wait3A_401] : memref<8192x4096xf32, #tpu.memory_space<any>> -> memref<512x4096xf32, #tpu.memory_space<any>>
    tpu.wait_dma2 semaphore(%dma_wait3A_395 : memref<!tpu.dma_semaphore, #tpu.memory_space<semaphore_mem>>) src(%dma_wait3A_402 : memref<512x4096xf32, #tpu.memory_space<any>>) dst(%dma_wait3A_399 : memref<512x4096xf32, #tpu.memory_space<vmem>>)
    %get3A_403 = arith.constant 0 : index
    %get3A_404 = arith.constant 5120 : index
    %get3A_405 = vector.load %arg0[%get3A_403, %get3A_404] : memref<1x8192xf32, #tpu.memory_space<vmem>>, vector<1x512xf32>
    %get3A_406 = arith.constant 4 : index
    %get3A_407 = arith.constant 0 : index
    %get3A_408 = arith.constant 0 : index
    %get3A_409 = vector.load %arg6[%get3A_406, %get3A_407, %get3A_408] : memref<6x512x4096xf32, #tpu.memory_space<vmem>>, vector<1x512x4096xf32>
    %get3A_410 = vector.shape_cast %get3A_409 : vector<1x512x4096xf32> to vector<512x4096xf32>
    %dot_general3A_411 = arith.constant dense<0.000000e+00> : vector<1x4096xf32>
    %dot_general3A_412 = tpu.matmul %get3A_405, %get3A_410, %dot_general3A_411 {dimension_numbers = #tpu.dot_dimension_numbers<[1], [0], [0], [1], [0, 0, 1, 1], [], []>, transpose_lhs_hint = false} : vector<1x512xf32>, vector<512x4096xf32>, vector<1x4096xf32> -> vector<1x4096xf32>
    %add3A_413 = arith.addf %add3A_380, %dot_general3A_412 : vector<1x4096xf32>
    %dma_wait3A_414 = arith.constant 5 : i32
    %dma_wait3A_415 = arith.constant 5 : i32
    %dma_wait3A_416 = tpu.memref_slice %arg7[%dma_wait3A_415] : memref<6x!tpu.dma_semaphore, #tpu.memory_space<semaphore_mem>> -> memref<1x!tpu.dma_semaphore, #tpu.memory_space<semaphore_mem>>
    %dma_wait3A_417 = tpu.memref_squeeze %dma_wait3A_416 : memref<1x!tpu.dma_semaphore, #tpu.memory_space<semaphore_mem>> -> memref<!tpu.dma_semaphore, #tpu.memory_space<semaphore_mem>>
    %dma_wait3A_418 = arith.constant 0 : i32
    %dma_wait3A_419 = arith.constant 0 : i32
    %dma_wait3A_420 = tpu.memref_slice %arg6[%dma_wait3A_414, %dma_wait3A_418, %dma_wait3A_419] : memref<6x512x4096xf32, #tpu.memory_space<vmem>> -> memref<1x512x4096xf32, #tpu.memory_space<vmem>>
    %dma_wait3A_421 = tpu.memref_squeeze %dma_wait3A_420 : memref<1x512x4096xf32, #tpu.memory_space<vmem>> -> memref<512x4096xf32, #tpu.memory_space<vmem>>
    %dma_wait3A_422 = arith.constant 5632 : i32
    %dma_wait3A_423 = arith.constant 0 : i32
    %dma_wait3A_424 = tpu.memref_slice %arg1[%dma_wait3A_422, %dma_wait3A_423] : memref<8192x4096xf32, #tpu.memory_space<any>> -> memref<512x4096xf32, #tpu.memory_space<any>>
    tpu.wait_dma2 semaphore(%dma_wait3A_417 : memref<!tpu.dma_semaphore, #tpu.memory_space<semaphore_mem>>) src(%dma_wait3A_424 : memref<512x4096xf32, #tpu.memory_space<any>>) dst(%dma_wait3A_421 : memref<512x4096xf32, #tpu.memory_space<vmem>>)
    %get3A_425 = arith.constant 0 : index
    %get3A_426 = arith.constant 5632 : index
    %get3A_427 = vector.load %arg0[%get3A_425, %get3A_426] : memref<1x8192xf32, #tpu.memory_space<vmem>>, vector<1x512xf32>
    %get3A_428 = arith.constant 5 : index
    %get3A_429 = arith.constant 0 : index
    %get3A_430 = arith.constant 0 : index
    %get3A_431 = vector.load %arg6[%get3A_428, %get3A_429, %get3A_430] : memref<6x512x4096xf32, #tpu.memory_space<vmem>>, vector<1x512x4096xf32>
    %get3A_432 = vector.shape_cast %get3A_431 : vector<1x512x4096xf32> to vector<512x4096xf32>
    %dot_general3A_433 = arith.constant dense<0.000000e+00> : vector<1x4096xf32>
    %dot_general3A_434 = tpu.matmul %get3A_427, %get3A_432, %dot_general3A_433 {dimension_numbers = #tpu.dot_dimension_numbers<[1], [0], [0], [1], [0, 0, 1, 1], [], []>, transpose_lhs_hint = false} : vector<1x512xf32>, vector<512x4096xf32>, vector<1x4096xf32> -> vector<1x4096xf32>
    %add3A_435 = arith.addf %add3A_413, %dot_general3A_434 : vector<1x4096xf32>
    %dma_wait3A_436 = arith.constant 0 : i32
    %dma_wait3A_437 = arith.constant 0 : i32
    %dma_wait3A_438 = tpu.memref_slice %arg7[%dma_wait3A_437] : memref<6x!tpu.dma_semaphore, #tpu.memory_space<semaphore_mem>> -> memref<1x!tpu.dma_semaphore, #tpu.memory_space<semaphore_mem>>
    %dma_wait3A_439 = tpu.memref_squeeze %dma_wait3A_438 : memref<1x!tpu.dma_semaphore, #tpu.memory_space<semaphore_mem>> -> memref<!tpu.dma_semaphore, #tpu.memory_space<semaphore_mem>>
    %dma_wait3A_440 = arith.constant 0 : i32
    %dma_wait3A_441 = arith.constant 0 : i32
    %dma_wait3A_442 = tpu.memref_slice %arg6[%dma_wait3A_436, %dma_wait3A_440, %dma_wait3A_441] : memref<6x512x4096xf32, #tpu.memory_space<vmem>> -> memref<1x512x4096xf32, #tpu.memory_space<vmem>>
    %dma_wait3A_443 = tpu.memref_squeeze %dma_wait3A_442 : memref<1x512x4096xf32, #tpu.memory_space<vmem>> -> memref<512x4096xf32, #tpu.memory_space<vmem>>
    %dma_wait3A_444 = arith.constant 6144 : i32
    %dma_wait3A_445 = arith.constant 0 : i32
    %dma_wait3A_446 = tpu.memref_slice %arg1[%dma_wait3A_444, %dma_wait3A_445] : memref<8192x4096xf32, #tpu.memory_space<any>> -> memref<512x4096xf32, #tpu.memory_space<any>>
    tpu.wait_dma2 semaphore(%dma_wait3A_439 : memref<!tpu.dma_semaphore, #tpu.memory_space<semaphore_mem>>) src(%dma_wait3A_446 : memref<512x4096xf32, #tpu.memory_space<any>>) dst(%dma_wait3A_443 : memref<512x4096xf32, #tpu.memory_space<vmem>>)
    %get3A_447 = arith.constant 0 : index
    %get3A_448 = arith.constant 6144 : index
    %get3A_449 = vector.load %arg0[%get3A_447, %get3A_448] : memref<1x8192xf32, #tpu.memory_space<vmem>>, vector<1x512xf32>
    %get3A_450 = arith.constant 0 : index
    %get3A_451 = arith.constant 0 : index
    %get3A_452 = arith.constant 0 : index
    %get3A_453 = vector.load %arg6[%get3A_450, %get3A_451, %get3A_452] : memref<6x512x4096xf32, #tpu.memory_space<vmem>>, vector<1x512x4096xf32>
    %get3A_454 = vector.shape_cast %get3A_453 : vector<1x512x4096xf32> to vector<512x4096xf32>
    %dot_general3A_455 = arith.constant dense<0.000000e+00> : vector<1x4096xf32>
    %dot_general3A_456 = tpu.matmul %get3A_449, %get3A_454, %dot_general3A_455 {dimension_numbers = #tpu.dot_dimension_numbers<[1], [0], [0], [1], [0, 0, 1, 1], [], []>, transpose_lhs_hint = false} : vector<1x512xf32>, vector<512x4096xf32>, vector<1x4096xf32> -> vector<1x4096xf32>
    %add3A_457 = arith.addf %add3A_435, %dot_general3A_456 : vector<1x4096xf32>
    %dma_wait3A_458 = arith.constant 1 : i32
    %dma_wait3A_459 = arith.constant 1 : i32
    %dma_wait3A_460 = tpu.memref_slice %arg7[%dma_wait3A_459] : memref<6x!tpu.dma_semaphore, #tpu.memory_space<semaphore_mem>> -> memref<1x!tpu.dma_semaphore, #tpu.memory_space<semaphore_mem>>
    %dma_wait3A_461 = tpu.memref_squeeze %dma_wait3A_460 : memref<1x!tpu.dma_semaphore, #tpu.memory_space<semaphore_mem>> -> memref<!tpu.dma_semaphore, #tpu.memory_space<semaphore_mem>>
    %dma_wait3A_462 = arith.constant 0 : i32
    %dma_wait3A_463 = arith.constant 0 : i32
    %dma_wait3A_464 = tpu.memref_slice %arg6[%dma_wait3A_458, %dma_wait3A_462, %dma_wait3A_463] : memref<6x512x4096xf32, #tpu.memory_space<vmem>> -> memref<1x512x4096xf32, #tpu.memory_space<vmem>>
    %dma_wait3A_465 = tpu.memref_squeeze %dma_wait3A_464 : memref<1x512x4096xf32, #tpu.memory_space<vmem>> -> memref<512x4096xf32, #tpu.memory_space<vmem>>
    %dma_wait3A_466 = arith.constant 6656 : i32
    %dma_wait3A_467 = arith.constant 0 : i32
    %dma_wait3A_468 = tpu.memref_slice %arg1[%dma_wait3A_466, %dma_wait3A_467] : memref<8192x4096xf32, #tpu.memory_space<any>> -> memref<512x4096xf32, #tpu.memory_space<any>>
    tpu.wait_dma2 semaphore(%dma_wait3A_461 : memref<!tpu.dma_semaphore, #tpu.memory_space<semaphore_mem>>) src(%dma_wait3A_468 : memref<512x4096xf32, #tpu.memory_space<any>>) dst(%dma_wait3A_465 : memref<512x4096xf32, #tpu.memory_space<vmem>>)
    %get3A_469 = arith.constant 0 : index
    %get3A_470 = arith.constant 6656 : index
    %get3A_471 = vector.load %arg0[%get3A_469, %get3A_470] : memref<1x8192xf32, #tpu.memory_space<vmem>>, vector<1x512xf32>
    %get3A_472 = arith.constant 1 : index
    %get3A_473 = arith.constant 0 : index
    %get3A_474 = arith.constant 0 : index
    %get3A_475 = vector.load %arg6[%get3A_472, %get3A_473, %get3A_474] : memref<6x512x4096xf32, #tpu.memory_space<vmem>>, vector<1x512x4096xf32>
    %get3A_476 = vector.shape_cast %get3A_475 : vector<1x512x4096xf32> to vector<512x4096xf32>
    %dot_general3A_477 = arith.constant dense<0.000000e+00> : vector<1x4096xf32>
    %dot_general3A_478 = tpu.matmul %get3A_471, %get3A_476, %dot_general3A_477 {dimension_numbers = #tpu.dot_dimension_numbers<[1], [0], [0], [1], [0, 0, 1, 1], [], []>, transpose_lhs_hint = false} : vector<1x512xf32>, vector<512x4096xf32>, vector<1x4096xf32> -> vector<1x4096xf32>
    %add3A_479 = arith.addf %add3A_457, %dot_general3A_478 : vector<1x4096xf32>
    %dma_wait3A_480 = arith.constant 2 : i32
    %dma_wait3A_481 = arith.constant 2 : i32
    %dma_wait3A_482 = tpu.memref_slice %arg7[%dma_wait3A_481] : memref<6x!tpu.dma_semaphore, #tpu.memory_space<semaphore_mem>> -> memref<1x!tpu.dma_semaphore, #tpu.memory_space<semaphore_mem>>
    %dma_wait3A_483 = tpu.memref_squeeze %dma_wait3A_482 : memref<1x!tpu.dma_semaphore, #tpu.memory_space<semaphore_mem>> -> memref<!tpu.dma_semaphore, #tpu.memory_space<semaphore_mem>>
    %dma_wait3A_484 = arith.constant 0 : i32
    %dma_wait3A_485 = arith.constant 0 : i32
    %dma_wait3A_486 = tpu.memref_slice %arg6[%dma_wait3A_480, %dma_wait3A_484, %dma_wait3A_485] : memref<6x512x4096xf32, #tpu.memory_space<vmem>> -> memref<1x512x4096xf32, #tpu.memory_space<vmem>>
    %dma_wait3A_487 = tpu.memref_squeeze %dma_wait3A_486 : memref<1x512x4096xf32, #tpu.memory_space<vmem>> -> memref<512x4096xf32, #tpu.memory_space<vmem>>
    %dma_wait3A_488 = arith.constant 7168 : i32
    %dma_wait3A_489 = arith.constant 0 : i32
    %dma_wait3A_490 = tpu.memref_slice %arg1[%dma_wait3A_488, %dma_wait3A_489] : memref<8192x4096xf32, #tpu.memory_space<any>> -> memref<512x4096xf32, #tpu.memory_space<any>>
    tpu.wait_dma2 semaphore(%dma_wait3A_483 : memref<!tpu.dma_semaphore, #tpu.memory_space<semaphore_mem>>) src(%dma_wait3A_490 : memref<512x4096xf32, #tpu.memory_space<any>>) dst(%dma_wait3A_487 : memref<512x4096xf32, #tpu.memory_space<vmem>>)
    %get3A_491 = arith.constant 0 : index
    %get3A_492 = arith.constant 7168 : index
    %get3A_493 = vector.load %arg0[%get3A_491, %get3A_492] : memref<1x8192xf32, #tpu.memory_space<vmem>>, vector<1x512xf32>
    %get3A_494 = arith.constant 2 : index
    %get3A_495 = arith.constant 0 : index
    %get3A_496 = arith.constant 0 : index
    %get3A_497 = vector.load %arg6[%get3A_494, %get3A_495, %get3A_496] : memref<6x512x4096xf32, #tpu.memory_space<vmem>>, vector<1x512x4096xf32>
    %get3A_498 = vector.shape_cast %get3A_497 : vector<1x512x4096xf32> to vector<512x4096xf32>
    %dot_general3A_499 = arith.constant dense<0.000000e+00> : vector<1x4096xf32>
    %dot_general3A_500 = tpu.matmul %get3A_493, %get3A_498, %dot_general3A_499 {dimension_numbers = #tpu.dot_dimension_numbers<[1], [0], [0], [1], [0, 0, 1, 1], [], []>, transpose_lhs_hint = false} : vector<1x512xf32>, vector<512x4096xf32>, vector<1x4096xf32> -> vector<1x4096xf32>
    %add3A_501 = arith.addf %add3A_479, %dot_general3A_500 : vector<1x4096xf32>
    %dma_wait3A_502 = arith.constant 3 : i32
    %dma_wait3A_503 = arith.constant 3 : i32
    %dma_wait3A_504 = tpu.memref_slice %arg7[%dma_wait3A_503] : memref<6x!tpu.dma_semaphore, #tpu.memory_space<semaphore_mem>> -> memref<1x!tpu.dma_semaphore, #tpu.memory_space<semaphore_mem>>
    %dma_wait3A_505 = tpu.memref_squeeze %dma_wait3A_504 : memref<1x!tpu.dma_semaphore, #tpu.memory_space<semaphore_mem>> -> memref<!tpu.dma_semaphore, #tpu.memory_space<semaphore_mem>>
    %dma_wait3A_506 = arith.constant 0 : i32
    %dma_wait3A_507 = arith.constant 0 : i32
    %dma_wait3A_508 = tpu.memref_slice %arg6[%dma_wait3A_502, %dma_wait3A_506, %dma_wait3A_507] : memref<6x512x4096xf32, #tpu.memory_space<vmem>> -> memref<1x512x4096xf32, #tpu.memory_space<vmem>>
    %dma_wait3A_509 = tpu.memref_squeeze %dma_wait3A_508 : memref<1x512x4096xf32, #tpu.memory_space<vmem>> -> memref<512x4096xf32, #tpu.memory_space<vmem>>
    %dma_wait3A_510 = arith.constant 7680 : i32
    %dma_wait3A_511 = arith.constant 0 : i32
    %dma_wait3A_512 = tpu.memref_slice %arg1[%dma_wait3A_510, %dma_wait3A_511] : memref<8192x4096xf32, #tpu.memory_space<any>> -> memref<512x4096xf32, #tpu.memory_space<any>>
    tpu.wait_dma2 semaphore(%dma_wait3A_505 : memref<!tpu.dma_semaphore, #tpu.memory_space<semaphore_mem>>) src(%dma_wait3A_512 : memref<512x4096xf32, #tpu.memory_space<any>>) dst(%dma_wait3A_509 : memref<512x4096xf32, #tpu.memory_space<vmem>>)
    %get3A_513 = arith.constant 0 : index
    %get3A_514 = arith.constant 7680 : index
    %get3A_515 = vector.load %arg0[%get3A_513, %get3A_514] : memref<1x8192xf32, #tpu.memory_space<vmem>>, vector<1x512xf32>
    %get3A_516 = arith.constant 3 : index
    %get3A_517 = arith.constant 0 : index
    %get3A_518 = arith.constant 0 : index
    %get3A_519 = vector.load %arg6[%get3A_516, %get3A_517, %get3A_518] : memref<6x512x4096xf32, #tpu.memory_space<vmem>>, vector<1x512x4096xf32>
    %get3A_520 = vector.shape_cast %get3A_519 : vector<1x512x4096xf32> to vector<512x4096xf32>
    %dot_general3A_521 = arith.constant dense<0.000000e+00> : vector<1x4096xf32>
    %dot_general3A_522 = tpu.matmul %get3A_515, %get3A_520, %dot_general3A_521 {dimension_numbers = #tpu.dot_dimension_numbers<[1], [0], [0], [1], [0, 0, 1, 1], [], []>, transpose_lhs_hint = false} : vector<1x512xf32>, vector<512x4096xf32>, vector<1x4096xf32> -> vector<1x4096xf32>
    %add3A_523 = arith.addf %add3A_501, %dot_general3A_522 : vector<1x4096xf32>
    %get3A_524 = arith.constant 0 : index
    %get3A_525 = arith.constant 0 : index
    %get3A_526 = vector.load %arg2[%get3A_524, %get3A_525] : memref<1x4096xf32, #tpu.memory_space<vmem>>, vector<1x4096xf32>
    %add3A_527 = arith.addf %add3A_523, %get3A_526 : vector<1x4096xf32>
    %max3A = arith.constant 0.000000e+00 : f32
    %max3A_528 = vector.broadcast %max3A : f32 to vector<1x4096xf32>
    %max3A_529 = arith.maximumf %add3A_527, %max3A_528 : vector<1x4096xf32>
    %get3A_530 = arith.constant 0 : index
    %get3A_531 = arith.constant 0 : index
    %get3A_532 = vector.load %arg3[%get3A_530, %get3A_531] : memref<4096x256xf32, #tpu.memory_space<vmem>>, vector<4096x256xf32>
    %dot_general3A_533 = arith.constant dense<0.000000e+00> : vector<1x256xf32>
    %dot_general3A_534 = tpu.matmul %max3A_529, %get3A_532, %dot_general3A_533 {dimension_numbers = #tpu.dot_dimension_numbers<[1], [0], [0], [1], [0, 0, 1, 1], [], []>, transpose_lhs_hint = false} : vector<1x4096xf32>, vector<4096x256xf32>, vector<1x256xf32> -> vector<1x256xf32>
    %get3A_535 = arith.constant 0 : index
    %get3A_536 = arith.constant 0 : index
    %get3A_537 = vector.load %arg4[%get3A_535, %get3A_536] : memref<1x256xf32, #tpu.memory_space<vmem>>, vector<1x256xf32>
    %add3A_538 = arith.addf %dot_general3A_534, %get3A_537 : vector<1x256xf32>
    %reduce_max3A = arith.constant dense<0xFF800000> : vector<1xf32>
    %reduce_max3A_539 = vector.multi_reduction <maximumf>, %add3A_538, %reduce_max3A [1] : vector<1x256xf32> to vector<1xf32>
    %broadcast_in_dim3A_540 = vector.shape_cast %reduce_max3A_539 : vector<1xf32> to vector<1x1xf32>
    %sub3A = vector.broadcast %broadcast_in_dim3A_540 : vector<1x1xf32> to vector<1x256xf32>
    %sub3A_541 = arith.subf %add3A_538, %sub3A : vector<1x256xf32>
    %exp3A = math.exp %sub3A_541 : vector<1x256xf32>
    %reduce_sum3A = arith.constant dense<0.000000e+00> : vector<1xf32>
    %reduce_sum3A_542 = vector.multi_reduction <add>, %exp3A, %reduce_sum3A [1] : vector<1x256xf32> to vector<1xf32>
    %broadcast_in_dim3A_543 = vector.shape_cast %reduce_sum3A_542 : vector<1xf32> to vector<1x1xf32>
    %div3A = vector.broadcast %broadcast_in_dim3A_543 : vector<1x1xf32> to vector<1x256xf32>
    %div3A_544 = arith.divf %exp3A, %div3A : vector<1x256xf32>
    %swap3A = arith.constant 0 : index
    %swap3A_545 = arith.constant 0 : index
    %swap3A_546 = vector.load %arg5[%swap3A, %swap3A_545] : memref<1x256xf32, #tpu.memory_space<vmem>>, vector<1x256xf32>
    tpu.vector_store %arg5[%swap3A, %swap3A_545], %div3A_544 {strides = array<i32>} : memref<1x256xf32, #tpu.memory_space<vmem>>, vector<1x256xf32>,
    return
  }
}

</mosaic_0001>

<sc_bundles>
// kernel: kernel.4.cloned.1.call-start
scs
__scs_entry_jumppad:
0x0: {  	(pc) =	sbr.rel $0x88, $3  }
0x1: {  	(tag) =	ssettag $0x0;
	lr =	simm.s32 $0x1  }
0x2: {  	[smem:$0x3F97] =	sst lr;
	_ =	strace $0xD0000000  }
0x3: {  	_ = 	snop  }
0x4: {  	_ = 	snop  }
0x5: {  	_ = 	snop  }
0x6: {  	_ = 	snop  }
0x7: {  	_ = 	snop  }
__scs_overlays_trampoline_lowered:
0x8: {  	[smem:$0x3FA6] =	sst s0  }
0x9: {  	[smem:$0x3FA7] =	sst s1  }
0xa: {  	[smem:$0x3FA8] =	sst s2  }
0xb: {  	[smem:$0x3FA9] =	sst s3  }
0xc: {  	[smem:$0x3FAA] =	sst s4  }
0xd: {  	[smem:$0x3FAB] =	sst s5  }
0xe: {  	[smem:$0x3FAC] =	sst s6  }
0xf: {  	[smem:$0x3FAD] =	sst s7  }
0x10: {  	[smem:$0x3FAE] =	sst s8  }
0x11: {  	[smem:$0x3FAF] =	sst s9;
	s0 =	simm.s32 @!p0 $0x0  }
0x12: {  	s1 =	sld [smem:$0x3F95];
	s0 =	simm.s32 @p0 $0x1  }
0x13: {  	[smem:$0x3FB0] =	sst s0;
	s0 =	simm.s32 @!p1 $0x0  }
0x14: {  	s2 =	sld [smem:$0x3F94];
	s0 =	simm.s32 @p1 $0x1  }
0x15: {  	[smem:$0x3FB1] =	sst s0;
	s0 =	simm.s32 @!p2 $0x0  }
0x16: {  	s3 =	sld [smem:$0x3FDB];
	s0 =	simm.s32 @p2 $0x1  }
0x17: {  	s4 =	simm.s32 $0x1BF5;
	[smem:$0x3FB3] =	sst s0  }
0x18: {  	s0 =	sld [smem:$0x3F96];
	_ =	swait.ge [sflag:s4], $0x0  }
0x19: {  	s7 =	sld [smem:$0x3F97]  }
0x1a: {  	s8 =	sadd.s32 $0xFFFFE003, lr  }
0x1b: {  	s9 =	sadd.s32 $0xFFFFFEF7, lr;
	s5 =	simm.s32 $0xFFFFFFFF;
	p2 =	slt.u32 s8, $0xFFFFF086  }
0x1c: {  	p1 =	slt.u32 s9, $0xF7A;
	s5 =	simm.s32 @!p2 $0x0  }
0x1d: {  	s5 =	simm.s32 @p1 $0x1;
	p0 =	seq.s32 s7, s2  }
0x1e: {  	s7 =	smul.u32 @!p0 $0xF7A, s2;
	p2 =	seq.s32 @!p0 s5, $0x0  }
0x1f: {  	s9 =	smul.u32 $0xF7A, s1;
	s8 =	simm.s32 @!p0 $0x1BF5;
	p2 =	por !p2, p0  }
0x20: {  	[sflag:s8] =	ssyncset.s32 @!p0 $0xFFFFF086;
	s6 =	sadd.s32 @!p0 s3, s7;
	s7 =	simm.s32 @!p0 $0x108  }
0x21: {  	s3 =	sadd.s32 s3, s9;
	s6 =	sadd.s32 @!p0 $0x88, s6;
	s7 =	simm.s32 @p2 $0x1082  }
0x22: {  	[simem:s7], [sflag:s8] =	dma.local @!p0 [hbm:s6], $0xF7A  }
0x23: {  	s9 =	sor.u32 $0xD0000000, s2;
	s6 =	simm.s32 $0x108;
	_ =	swait.ge @!p0 [sflag:s8], $0x0  }
0x24: {  	s3 =	sadd.s32 $0x88, s3;
	s6 =	simm.s32 @!p1 $0x1082;
	[sflag:s4] =	ssyncset.s32 $0xFFFFF086  }
0x25: {  	[simem:s6], [sflag:s4] =	dma.local [hbm:s3], $0xF7A  }
0x26: {  	[smem:$0x3F97] =	sst s1;
	(tag) =	ssettag s2;
	_ =	strace s9  }
0x27: {  	s1 =	sld [smem:$0x3FA7]  }
0x28: {  	s2 =	sld [smem:$0x3FA8]  }
0x29: {  	s4 =	sld [smem:$0x3FAA]  }
0x2a: {  	p0 =	seq.s32 s5, $0x0;
	s5 =	sld [smem:$0x3FAB]  }
0x2b: {  	s6 =	sld [smem:$0x3FAC]  }
0x2c: {  	s7 =	sld [smem:$0x3FAD]  }
0x2d: {  	s3 =	simm.s32 $0x108;
	s8 =	sld [smem:$0x3FAE]  }
0x2e: {  	s3 =	simm.s32 @!p0 $0x1082;
	s9 =	sld [smem:$0x3FAF]  }
0x2f: {  	lr =	sadd.s32 s0, s3;
	s0 =	sld [smem:$0x3FA6]  }
0x30: {  	s3 =	sld [smem:$0x3FA9]  }
0x31: {  	[smem:$0x3FB2] =	sst s10  }
0x32: {  	s10 =	sld [smem:$0x3FB0];
	_ =	sdelay $0x3  }
0x33: {  	p0 =	seq.s32 s10, $0x1;
	s10 =	sld [smem:$0x3FB2];
	_ =	sdelay $0x3  }
0x34: {  	[smem:$0x3FB2] =	sst s10  }
0x35: {  	s10 =	sld [smem:$0x3FB1];
	_ =	sdelay $0x3  }
0x36: {  	p1 =	seq.s32 s10, $0x1;
	s10 =	sld [smem:$0x3FB2];
	_ =	sdelay $0x3  }
0x37: {  	[smem:$0x3FB2] =	sst s10  }
0x38: {  	s10 =	sld [smem:$0x3FB3]  }
0x39: {  	_ = 	snop;
	(pc) =	sbr.ind lr, $3  }
0x3a: {  	_ = 	snop  }
0x3b: {  	_ = 	snop  }
0x3c: {  	p2 =	seq.s32 s10, $0x1;
	s10 =	sld [smem:$0x3FB2]  }
0x3d: {  	_ =	shalt  }
0x3e: {  	_ =	shalt  }
0x3f: {  	_ =	shalt  }
0x40: {  	_ =	shalt  }
0x41: {  	_ =	shalt  }
0x42: {  	_ =	shalt  }
0x43: {  	_ =	shalt  }
0x44: {  	_ =	shalt  }
0x45: {  	_ =	shalt  }
0x46: {  	_ =	shalt  }
0x47: {  	_ =	shalt  }
0x48: {  	_ =	shalt  }
0x49: {  	_ =	shalt  }
0x4a: {  	_ =	shalt  }
0x4b: {  	_ =	shalt  }
0x4c: {  	_ =	shalt  }
0x4d: {  	_ =	shalt  }
0x4e: {  	_ =	shalt  }
0x4f: {  	_ =	shalt  }
0x50: {  	_ =	shalt  }
0x51: {  	_ =	shalt  }
0x52: {  	_ =	shalt  }
0x53: {  	_ =	shalt  }
0x54: {  	_ =	shalt  }
0x55: {  	_ =	shalt  }
0x56: {  	_ =	shalt  }
0x57: {  	_ =	shalt  }
0x58: {  	_ =	shalt  }
0x59: {  	_ =	shalt  }
0x5a: {  	_ =	shalt  }
0x5b: {  	_ =	shalt  }
0x5c: {  	_ =	shalt  }
0x5d: {  	_ =	shalt  }
0x5e: {  	_ =	shalt  }
0x5f: {  	_ =	shalt  }
0x60: {  	_ =	shalt  }
0x61: {  	_ =	shalt  }
0x62: {  	_ =	shalt  }
0x63: {  	_ =	shalt  }
0x64: {  	_ =	shalt  }
0x65: {  	_ =	shalt  }
0x66: {  	_ =	shalt  }
0x67: {  	_ =	shalt  }
0x68: {  	_ =	shalt  }
0x69: {  	_ =	shalt  }
0x6a: {  	_ =	shalt  }
0x6b: {  	_ =	shalt  }
0x6c: {  	_ =	shalt  }
0x6d: {  	_ =	shalt  }
0x6e: {  	_ =	shalt  }
0x6f: {  	_ =	shalt  }
0x70: {  	_ =	shalt  }
0x71: {  	_ =	shalt  }
0x72: {  	_ =	shalt  }
0x73: {  	_ =	shalt  }
0x74: {  	_ =	shalt  }
0x75: {  	_ =	shalt  }
0x76: {  	_ =	shalt  }
0x77: {  	_ =	shalt  }
0x78: {  	_ =	shalt  }
0x79: {  	_ =	shalt  }
0x7a: {  	_ =	shalt  }
0x7b: {  	_ =	shalt  }
0x7c: {  	_ =	shalt  }
0x7d: {  	_ =	shalt  }
0x7e: {  	_ =	shalt  }
0x7f: {  	_ =	shalt  }
0x80: {  	_ =	shalt  }
0x81: {  	_ =	shalt  }
0x82: {  	_ =	shalt  }
0x83: {  	_ =	shalt  }
0x84: {  	_ =	shalt  }
0x85: {  	_ =	shalt  }
0x86: {  	_ =	shalt  }
0x87: {  	_ =	shalt  }
.Lfunc_end0:
.L_simem_size_0:
called_computation_lowered:
.L_overlay_start_0:
0x88: {  	s0 =	sld [smem:$0x3FD9]  }
0x89: {  	s1 =	sld [smem:$0x3FFE];
	_ =	sdelay $0x3  }
0x8a: {  	s0 =	sadd.s32 s1, s0  }
0x8b: {  	[smem:$0x3FBE] =	sst s0  }
0x8c: {  	_ = 	snop  }
0x8d: {  	s0 =	sld [smem:$0x3FC6]  }
0x8e: {  	s16 =	sld [smem:$0x3FC4]  }
0x8f: {  	s2 =	sld [smem:$0x3FD0];
	(tm) =	ssettm $0x1  }
0x90: {  	s3 =	sld [smem:$0x3FFB];
	_ =	sdelay $0x3  }
0x91: {  	_ =	strace s3  }
0x92: {  	s3 =	sld [smem:$0x3FFC];
	_ =	sdelay $0x3  }
0x93: {  	_ =	strace s3  }
0x94: {  	s3 =	sld [smem:$0x3FFD];
	_ =	sdelay $0x3  }
0x95: {  	_ =	strace s3  }
0x96: {  	_ =	strace $0x8FFFFFFF  }
0x97: {  	s17 =	sld [smem:$0x3FDB];
	_ =	sdelay $0x1  }
0x98: {  	s4 =	simm.s32 $_scs_section_size  }
0x99: {  	s5 =	simm.s32 $_size__tile_overlayer_lowered;
	s6 =	simm.s32 $_tile_overlayer_lowered  }
0x9a: {  	s20 =	simm.s32 $0x1BFF;
	s19 =	sshll.u32 s6, $0x1;
	s3 =	sadd.s32 s4, s17  }
0x9b: {  	s7 =	simm.s32 $0x0;
	s18 =	sshll.u32 s5, $0x1;
	s5 =	sadd.s32 s19, s3  }
0x9c: {  	[timem:s7], [sflag:s20] =	dma.local [hbm:s5], s18  }
0x9d: {  	_ =	swait.ge [sflag:s20], s18  }
0x9e: {  	s4 =	ssub.s32 $0x0, s18;
	[sflag:s20] =	ssyncset.done $0x0  }
0x9f: {  	[sflag:s20] =	ssyncadd.s32 s4;
	_ =	sdelay $0x1  }
0xa0: {  	s21 =	simm.s32 $0x1B8B  }
0xa1: {  	_ =	swait.ge [sflag:s21], $0x1  }
0xa2: {  	[sflag:s21] =	ssyncset.done $0x0  }
0xa3: {  	s23 =	simm.s32 $0x1B8E;
	s22 =	sld [smem:$0x3FFE];
	[sflag:s21] =	ssyncadd.s32 $0xFFFFFFFF  }
0xa4: {  	s24 =	simm.s32 $execute0_lowered;
	[smem:$0x3FD2] =	sst s23  }
0xa5: {  	s5 =	sshll.u32 s24, $0x1;
	_ =	strace $0x80000046;
	[dreg:$0x1] =	wrdreg $0xFFFFFFFF  }
0xa6: {  	s25 =	simm.s32 $_size_execute0_lowered;
	s3 =	sadd.s32 s3, s5;
	[dreg:$0x0] =	wrdreg $0x0  }
0xa7: {  	s5 =	sshll.u32 s25, $0x1;
	[dreg:$0x2] =	wrdreg s3  }
0xa8: {  	[dreg:$0x3] =	wrdreg s5  }
0xa9: {  	[dreg:$0x4] =	wrdreg $0xC0  }
0xaa: {  	_ =	task [dreg:s7], $0x5FFFF  }
0xab: {  	[dreg:$0x1] =	wrdreg $0xFFFFFFFF  }
0xac: {  	[dreg:$0x0] =	wrdreg $0x60  }
0xad: {  	[dreg:$0x2] =	wrdreg s22  }
0xae: {  	[dreg:$0x3] =	wrdreg s2  }
0xaf: {  	[dreg:$0x4] =	wrdreg s0  }
0xb0: {  	[dreg:$0x5] =	wrdreg s16  }
0xb1: {  	[dreg:$0x6] =	wrdreg $0x147E00  }
0xb2: {  	[dreg:$0x7] =	wrdreg $0x143E00  }
0xb3: {  	[dreg:$0x8] =	wrdreg $0x9  }
0xb4: {  	_ =	task.clear_ibuf [dreg:s7], $0x9FFFF;
	_ =	strace $0x90000046  }
0xb5: {  	s26 =	simm.s32 $0x9;
	_ =	strace $0x8000004F  }
0xb6: {  	_ =	swait.ge [sflag:s26], $0x1  }
0xb7: {  	[sflag:s26] =	ssyncadd.s32 $0xFFFFFFFF  }
0xb8: {  	_ =	strace $0x9000004F  }
0xb9: {  	_ =	sfence  }
0xba: {  	s28 =	sld [smem:$0x0];
	_ =	sdelay $0x1  }
0xbb: {  	s29 =	srdreg.scid  }
0xbc: {  	s30 =	sshll.u32 s29, $0xD;
	s31 =	sshrl.u32 s29, $0x2  }
0xbd: {  	s1 =	sand.u32 $0x1, s29;
	s2 =	sand.u32 $0x4000, s30;
	s0 =	sadd.s32 s31, s28  }
0xbe: {  	s1 =	sor.u32 s2, s1;
	s0 =	sshll.u32 s0, $0x11  }
0xbf: {  	s0 =	sor.u32 s0, s1  }
0xc0: {  	s0 =	sadd.s32 $0x8F2B, s0  }
0xc1: {  	[sflag:s0] =	ssyncadd.remote.s32 $0x1  }
0xc2: {  	_ =	sfence.sel $0xFFFF  }
0xc3: {  	[dreg:$0x0] =	wrdreg $0xFFFFFFFF;
	(pc) =	sbr.abs _section_cstart, $3  }
0xc4: {  	[dreg:$0x1] =	wrdreg $0xFFFFFFFF  }
0xc5: {  	_ =	task.clear_ibuf [dreg:s7], $0x2FFFF;
	_ =	strace $0x9FFFFFFF  }
0xc6: {  	(tm) =	ssettm $0x7FFFFFFF  }
0xc7: {  	_ =	shalt  }
tec
execute0_lowered:
.L_overlay_start_1:
0x0: {  	(tag) =	ssettag $0x1  }
0x1: {  	s2 =	rddreg [dreg:$0x0]  }
0x2: {  	s8 =	rddreg [dreg:$0x1]  }
0x3: {  	s6 =	rddreg [dreg:$0x2]  }
0x4: {  	s5 =	rddreg [dreg:$0x3]  }
0x5: {  	s3 =	rddreg [dreg:$0x4]  }
0x6: {  	s4 =	rddreg [dreg:$0x5];
	s7 =	simm.s32 $0x0;
	s1 =	stileid.u32  }
0x7: {  	[smem:$0x7FF] =	sst s7;
	s9 =	sshll.u32 s1, $0x9  }
0x8: {  	s0 =	rddreg [dreg:$0x6];
	_ =	strace $0x80000047;
	s9 =	sadd.s32 s9, s2  }
0x9: {  	s10 =	sshll.u32 s1, $0x5;
	s11 =	sadd.s32 $0x800, s9;
	_ =	strace $0x80000048  }
0xa: {  	[tilespmem:s7], [sflag:$0x1] =	stream.linear.gather [hbm4b:s11+s7], $0x1000, $0x200038;
	[tilespmem:$0x14BE0] =	vst v63  }
0xb: {  	s29 =	simm.s32 $0x1000;
	s10 =	sadd.s32 s10, s2;
	s9 =	sadd.s32 $0x2800, s9  }
0xc: {  	[tilespmem:s29], [sflag:$0x1] =	stream.linear.gather [hbm4b:s9+s7], $0x1000, $0x200038;
	[tilespmem:$0x14BE0] =	vst v63  }
0xd: {  	s31 =	simm.s32 $0x12400;
	s30 =	sadd.s32 $0x600, s10;
	s10 =	simm.s32 $0x0  }
0xe: {  	[tilespmem:s31], [sflag:$0x1] =	stream.linear.gather [hbm4b:s30+s7], $0x100, $0x200038;
	[tilespmem:$0x14BE0] =	vst v63  }
0xf: {  	v0 =	vimm.f32 $1.000000000e+00;
	s9 =	simm.s32 $0x40;
	s7 =	sadd.s32 $0x400, s2;
	s2 =	sadd.s32 $0x4800, s2  }
.LBB2_1:
0x10: {  	p0 =	sne.s32 s9, $0xFC0;
	[tilespmem:s10+$0x12000] =	vst v0;
	s10 =	smov.u32 s9;
	s9 =	sadd.s32 $0x40, s9  }
.Ltmp0:
0x11: {  	(pc) =	sbr.rel @p0 .LBB2_1-.Ltmp0, $2  }
0x12: {  	_ =	sdelay $0x2  }
0x13: {  	s10 =	sshra.s32 s10, $0x2  }
0x14: {  	[tilespmem:s10+$0x12000] =	vst v0;
	v0 =	vimm.f32 $0.0e+00  }
0x15: {  	[tilespmem:$0x12500] =	vst v0  }
0x16: {  	[tilespmem:$0x12510] =	vst v0  }
0x17: {  	[tilespmem:$0x12520] =	vst v0  }
0x18: {  	[tilespmem:$0x12530] =	vst v0  }
0x19: {  	[tilespmem:$0x12540] =	vst v0  }
0x1a: {  	[tilespmem:$0x12550] =	vst v0  }
0x1b: {  	[tilespmem:$0x12560] =	vst v0  }
0x1c: {  	[tilespmem:$0x12570] =	vst v0  }
0x1d: {  	[tilespmem:$0x12580] =	vst v0  }
0x1e: {  	[tilespmem:$0x12590] =	vst v0  }
0x1f: {  	[tilespmem:$0x125A0] =	vst v0  }
0x20: {  	[tilespmem:$0x125B0] =	vst v0  }
0x21: {  	[tilespmem:$0x125C0] =	vst v0  }
0x22: {  	s9 =	simm.s32 $0x0;
	s25 =	simm.s32 $0x12500;
	[tilespmem:$0x125D0] =	vst v0  }
0x23: {  	[tilespmem:s25], [sflag:$0x1] =	stream.linear.gather [hbm4b:s8+s9], $0x8, $0x200038;
	[tilespmem:$0x14BE0] =	vst v63  }
0x24: {  	s26 =	sadd.s32 $0x1, s8;
	s11 =	simm.s32 $0x12510  }
0x25: {  	[tilespmem:s11], [sflag:$0x1] =	stream.linear.gather [hbm4b:s26+s9], $0x8, $0x200038;
	[tilespmem:$0x14BE0] =	vst v63  }
0x26: {  	s28 =	sadd.s32 $0x2, s8;
	s29 =	simm.s32 $0x12520  }
0x27: {  	[tilespmem:s29], [sflag:$0x1] =	stream.linear.gather [hbm4b:s28+s9], $0x8, $0x200038;
	[tilespmem:$0x14BE0] =	vst v63  }
0x28: {  	s30 =	sadd.s32 $0x3, s8;
	s31 =	simm.s32 $0x12530  }
0x29: {  	[tilespmem:s31], [sflag:$0x1] =	stream.linear.gather [hbm4b:s30+s9], $0x8, $0x200038;
	[tilespmem:$0x14BE0] =	vst v63  }
0x2a: {  	s11 =	simm.s32 $0x12540  }
0x2b: {  	[tilespmem:s11], [sflag:$0x1] =	stream.linear.gather [hbm4b:s6+s9], $0x8, $0x200038;
	[tilespmem:$0x14BE0] =	vst v63  }
0x2c: {  	s12 =	simm.s32 $0x12550  }
0x2d: {  	[tilespmem:s12], [sflag:$0x1] =	stream.linear.gather [hbm4b:s7+s9], $0x8, $0x200038;
	[tilespmem:$0x14BE0] =	vst v63  }
0x2e: {  	s13 =	sadd.s32 $0x1, s7;
	s14 =	simm.s32 $0x12560  }
0x2f: {  	[tilespmem:s14], [sflag:$0x1] =	stream.linear.gather [hbm4b:s13+s9], $0x8, $0x200038;
	[tilespmem:$0x14BE0] =	vst v63  }
0x30: {  	s15 =	sadd.s32 $0x2, s7;
	s16 =	simm.s32 $0x12570  }
0x31: {  	[tilespmem:s16], [sflag:$0x1] =	stream.linear.gather [hbm4b:s15+s9], $0x8, $0x200038;
	[tilespmem:$0x14BE0] =	vst v63  }
0x32: {  	s17 =	sadd.s32 $0x3, s7;
	s18 =	simm.s32 $0x12580  }
0x33: {  	[tilespmem:s18], [sflag:$0x1] =	stream.linear.gather [hbm4b:s17+s9], $0x8, $0x200038;
	[tilespmem:$0x14BE0] =	vst v63  }
0x34: {  	s19 =	sadd.s32 $0x4, s7;
	s20 =	simm.s32 $0x12590  }
0x35: {  	[tilespmem:s20], [sflag:$0x1] =	stream.linear.gather [hbm4b:s19+s9], $0x8, $0x200038;
	[tilespmem:$0x14BE0] =	vst v63  }
0x36: {  	s21 =	sadd.s32 $0x5, s7;
	s22 =	simm.s32 $0x125A0  }
0x37: {  	[tilespmem:s22], [sflag:$0x1] =	stream.linear.gather [hbm4b:s21+s9], $0x8, $0x200038;
	[tilespmem:$0x14BE0] =	vst v63  }
0x38: {  	s23 =	sadd.s32 $0x6, s7;
	s24 =	simm.s32 $0x125B0  }
0x39: {  	[tilespmem:s24], [sflag:$0x1] =	stream.linear.gather [hbm4b:s23+s9], $0x8, $0x200038;
	[tilespmem:$0x14BE0] =	vst v63  }
0x3a: {  	s25 =	sadd.s32 $0x7, s7;
	s26 =	simm.s32 $0x125C0  }
0x3b: {  	[tilespmem:s26], [sflag:$0x1] =	stream.linear.gather [hbm4b:s25+s9], $0x8, $0x200038;
	[tilespmem:$0x14BE0] =	vst v63  }
0x3c: {  	s28 =	simm.s32 $0x125D0;
	s29 =	simm.s32 $0x1  }
0x3d: {  	[tilespmem:s28], [sflag:$0x1] =	stream.linear.gather [hbm4b:s5+s9], $0x8, $0x200038;
	[tilespmem:$0x14BE0] =	vst v63  }
0x3e: {  	_ =	swait.ge [sflag:s29], $0x1000  }
0x3f: {  	[sflag:s29] =	ssyncset.done $0x0  }
0x40: {  	[sflag:s29] =	ssyncadd.s32 $0xFFFFF000  }
0x41: {  	_ =	swait.ge [sflag:s29], $0x1000  }
0x42: {  	[sflag:s29] =	ssyncset.done $0x0  }
0x43: {  	[sflag:s29] =	ssyncadd.s32 $0xFFFFF000  }
0x44: {  	_ =	swait.ge [sflag:s29], $0x100  }
0x45: {  	[sflag:s29] =	ssyncset.done $0x0  }
0x46: {  	[sflag:s29] =	ssyncadd.s32 $0xFFFFFF00  }
0x47: {  	_ =	swait.ge [sflag:s29], $0x20  }
0x48: {  	[sflag:s29] =	ssyncset.done $0x0  }
0x49: {  	[sflag:s29] =	ssyncadd.s32 $0xFFFFFFE0  }
0x4a: {  	_ =	swait.ge [sflag:s29], $0x8  }
0x4b: {  	[sflag:s29] =	ssyncset.done $0x0  }
0x4c: {  	[sflag:s29] =	ssyncadd.s32 $0xFFFFFFF8  }
0x4d: {  	_ =	swait.ge [sflag:s29], $0x40  }
0x4e: {  	[sflag:s29] =	ssyncset.done $0x0  }
0x4f: {  	[sflag:s29] =	ssyncadd.s32 $0xFFFFFFC0  }
0x50: {  	_ =	swait.ge [sflag:s29], $0x8  }
0x51: {  	s30 =	simm.s32 $0x3;
	s6 =	sshll.u32 s1, $0xA;
	[sflag:s29] =	ssyncset.done $0x0  }
0x52: {  	s7 =	simm.s32 $0x12000;
	s5 =	sadd.s32 s6, s3;
	[sflag:s29] =	ssyncadd.s32 $0xFFFFFFF8  }
0x53: {  	[spmem:s5] =	stream.linear.scatter [tilespmem:s7], [sflag:$0x3], $0x400, $0x200038;
	[tilespmem:$0x14BE0] =	vst v63  }
0x54: {  	_ =	swait.ge [sflag:s30], $0x400  }
0x55: {  	[sflag:s30] =	ssyncset.done $0x0  }
0x56: {  	[sflag:s30] =	ssyncadd.s32 $0xFFFFFC00  }
0x57: {  	[bflag:$0x0] =	sbarrier.arrive $0xFFFF  }
0x58: {  	_ =	strace $0x90000048  }
0x59: {  	s8 =	simm.s32 $0x40;
	s31 =	simm.s32 $0x1000;
	_ =	strace $0x80000049  }
0x5a: {  	[spmem:s3] =	stream.indirect.scatter.add.f32 [tilespmem:s7], [sflag:$0x2], $0x10, s31, s8, $0x2000b8;
	[tilespmem:$0x14BE0] =	vst v63  }
0x5b: {  	s10 =	simm.s32 $0x1040  }
0x5c: {  	[spmem:s3] =	stream.indirect.scatter.add.f32 [tilespmem:s7], [sflag:$0x2], $0x10, s10, s8, $0x2000b8;
	[tilespmem:$0x14BE0] =	vst v63  }
0x5d: {  	s11 =	simm.s32 $0x1080  }
0x5e: {  	[spmem:s3] =	stream.indirect.scatter.add.f32 [tilespmem:s7], [sflag:$0x2], $0x10, s11, s8, $0x2000b8;
	[tilespmem:$0x14BE0] =	vst v63  }
0x5f: {  	s12 =	simm.s32 $0x10C0  }
0x60: {  	[spmem:s3] =	stream.indirect.scatter.add.f32 [tilespmem:s7], [sflag:$0x2], $0x10, s12, s8, $0x2000b8;
	[tilespmem:$0x14BE0] =	vst v63  }
0x61: {  	s13 =	simm.s32 $0x1100  }
0x62: {  	[spmem:s3] =	stream.indirect.scatter.add.f32 [tilespmem:s7], [sflag:$0x2], $0x10, s13, s8, $0x2000b8;
	[tilespmem:$0x14BE0] =	vst v63  }
0x63: {  	s14 =	simm.s32 $0x1140  }
0x64: {  	[spmem:s3] =	stream.indirect.scatter.add.f32 [tilespmem:s7], [sflag:$0x2], $0x10, s14, s8, $0x2000b8;
	[tilespmem:$0x14BE0] =	vst v63  }
0x65: {  	s15 =	simm.s32 $0x1180  }
0x66: {  	[spmem:s3] =	stream.indirect.scatter.add.f32 [tilespmem:s7], [sflag:$0x2], $0x10, s15, s8, $0x2000b8;
	[tilespmem:$0x14BE0] =	vst v63  }
0x67: {  	s16 =	simm.s32 $0x11C0  }
0x68: {  	[spmem:s3] =	stream.indirect.scatter.add.f32 [tilespmem:s7], [sflag:$0x2], $0x10, s16, s8, $0x2000b8;
	[tilespmem:$0x14BE0] =	vst v63  }
0x69: {  	s17 =	simm.s32 $0x1200  }
0x6a: {  	[spmem:s3] =	stream.indirect.scatter.add.f32 [tilespmem:s7], [sflag:$0x2], $0x10, s17, s8, $0x2000b8;
	[tilespmem:$0x14BE0] =	vst v63  }
0x6b: {  	s18 =	simm.s32 $0x1240  }
0x6c: {  	[spmem:s3] =	stream.indirect.scatter.add.f32 [tilespmem:s7], [sflag:$0x2], $0x10, s18, s8, $0x2000b8;
	[tilespmem:$0x14BE0] =	vst v63  }
0x6d: {  	s19 =	simm.s32 $0x1280  }
0x6e: {  	[spmem:s3] =	stream.indirect.scatter.add.f32 [tilespmem:s7], [sflag:$0x2], $0x10, s19, s8, $0x2000b8;
	[tilespmem:$0x14BE0] =	vst v63  }
0x6f: {  	s20 =	simm.s32 $0x12C0  }
0x70: {  	[spmem:s3] =	stream.indirect.scatter.add.f32 [tilespmem:s7], [sflag:$0x2], $0x10, s20, s8, $0x2000b8;
	[tilespmem:$0x14BE0] =	vst v63  }
0x71: {  	s21 =	simm.s32 $0x1300  }
0x72: {  	[spmem:s3] =	stream.indirect.scatter.add.f32 [tilespmem:s7], [sflag:$0x2], $0x10, s21, s8, $0x2000b8;
	[tilespmem:$0x14BE0] =	vst v63  }
0x73: {  	s22 =	simm.s32 $0x1340  }
0x74: {  	[spmem:s3] =	stream.indirect.scatter.add.f32 [tilespmem:s7], [sflag:$0x2], $0x10, s22, s8, $0x2000b8;
	[tilespmem:$0x14BE0] =	vst v63  }
0x75: {  	s23 =	simm.s32 $0x1380  }
0x76: {  	[spmem:s3] =	stream.indirect.scatter.add.f32 [tilespmem:s7], [sflag:$0x2], $0x10, s23, s8, $0x2000b8;
	[tilespmem:$0x14BE0] =	vst v63  }
0x77: {  	s24 =	simm.s32 $0x13C0  }
0x78: {  	[spmem:s3] =	stream.indirect.scatter.add.f32 [tilespmem:s7], [sflag:$0x2], $0x10, s24, s8, $0x2000b8;
	[tilespmem:$0x14BE0] =	vst v63  }
0x79: {  	s25 =	simm.s32 $0x1400  }
0x7a: {  	[spmem:s3] =	stream.indirect.scatter.add.f32 [tilespmem:s7], [sflag:$0x2], $0x10, s25, s8, $0x2000b8;
	[tilespmem:$0x14BE0] =	vst v63  }
0x7b: {  	s26 =	simm.s32 $0x1440  }
0x7c: {  	[spmem:s3] =	stream.indirect.scatter.add.f32 [tilespmem:s7], [sflag:$0x2], $0x10, s26, s8, $0x2000b8;
	[tilespmem:$0x14BE0] =	vst v63  }
0x7d: {  	s28 =	simm.s32 $0x1480  }
0x7e: {  	[spmem:s3] =	stream.indirect.scatter.add.f32 [tilespmem:s7], [sflag:$0x2], $0x10, s28, s8, $0x2000b8;
	[tilespmem:$0x14BE0] =	vst v63  }
0x7f: {  	s29 =	simm.s32 $0x14C0  }
0x80: {  	[spmem:s3] =	stream.indirect.scatter.add.f32 [tilespmem:s7], [sflag:$0x2], $0x10, s29, s8, $0x2000b8;
	[tilespmem:$0x14BE0] =	vst v63  }
0x81: {  	s30 =	simm.s32 $0x1500  }
0x82: {  	[spmem:s3] =	stream.indirect.scatter.add.f32 [tilespmem:s7], [sflag:$0x2], $0x10, s30, s8, $0x2000b8;
	[tilespmem:$0x14BE0] =	vst v63  }
0x83: {  	s31 =	simm.s32 $0x1540  }
0x84: {  	[spmem:s3] =	stream.indirect.scatter.add.f32 [tilespmem:s7], [sflag:$0x2], $0x10, s31, s8, $0x2000b8;
	[tilespmem:$0x14BE0] =	vst v63  }
0x85: {  	s10 =	simm.s32 $0x1580  }
0x86: {  	[spmem:s3] =	stream.indirect.scatter.add.f32 [tilespmem:s7], [sflag:$0x2], $0x10, s10, s8, $0x2000b8;
	[tilespmem:$0x14BE0] =	vst v63  }
0x87: {  	s11 =	simm.s32 $0x15C0  }
0x88: {  	[spmem:s3] =	stream.indirect.scatter.add.f32 [tilespmem:s7], [sflag:$0x2], $0x10, s11, s8, $0x2000b8;
	[tilespmem:$0x14BE0] =	vst v63  }
0x89: {  	s12 =	simm.s32 $0x1600  }
0x8a: {  	[spmem:s3] =	stream.indirect.scatter.add.f32 [tilespmem:s7], [sflag:$0x2], $0x10, s12, s8, $0x2000b8;
	[tilespmem:$0x14BE0] =	vst v63  }
0x8b: {  	s13 =	simm.s32 $0x1640  }
0x8c: {  	[spmem:s3] =	stream.indirect.scatter.add.f32 [tilespmem:s7], [sflag:$0x2], $0x10, s13, s8, $0x2000b8;
	[tilespmem:$0x14BE0] =	vst v63  }
0x8d: {  	s14 =	simm.s32 $0x1680  }
0x8e: {  	[spmem:s3] =	stream.indirect.scatter.add.f32 [tilespmem:s7], [sflag:$0x2], $0x10, s14, s8, $0x2000b8;
	[tilespmem:$0x14BE0] =	vst v63  }
0x8f: {  	s15 =	simm.s32 $0x16C0  }
0x90: {  	[spmem:s3] =	stream.indirect.scatter.add.f32 [tilespmem:s7], [sflag:$0x2], $0x10, s15, s8, $0x2000b8;
	[tilespmem:$0x14BE0] =	vst v63  }
0x91: {  	s16 =	simm.s32 $0x1700  }
0x92: {  	[spmem:s3] =	stream.indirect.scatter.add.f32 [tilespmem:s7], [sflag:$0x2], $0x10, s16, s8, $0x2000b8;
	[tilespmem:$0x14BE0] =	vst v63  }
0x93: {  	s17 =	simm.s32 $0x1740  }
0x94: {  	[spmem:s3] =	stream.indirect.scatter.add.f32 [tilespmem:s7], [sflag:$0x2], $0x10, s17, s8, $0x2000b8;
	[tilespmem:$0x14BE0] =	vst v63  }
0x95: {  	s18 =	simm.s32 $0x1780  }
0x96: {  	[spmem:s3] =	stream.indirect.scatter.add.f32 [tilespmem:s7], [sflag:$0x2], $0x10, s18, s8, $0x2000b8;
	[tilespmem:$0x14BE0] =	vst v63  }
0x97: {  	s19 =	simm.s32 $0x17C0  }
0x98: {  	[spmem:s3] =	stream.indirect.scatter.add.f32 [tilespmem:s7], [sflag:$0x2], $0x10, s19, s8, $0x2000b8;
	[tilespmem:$0x14BE0] =	vst v63  }
0x99: {  	s20 =	simm.s32 $0x1800  }
0x9a: {  	[spmem:s3] =	stream.indirect.scatter.add.f32 [tilespmem:s7], [sflag:$0x2], $0x10, s20, s8, $0x2000b8;
	[tilespmem:$0x14BE0] =	vst v63  }
0x9b: {  	s21 =	simm.s32 $0x1840  }
0x9c: {  	[spmem:s3] =	stream.indirect.scatter.add.f32 [tilespmem:s7], [sflag:$0x2], $0x10, s21, s8, $0x2000b8;
	[tilespmem:$0x14BE0] =	vst v63  }
0x9d: {  	s22 =	simm.s32 $0x1880  }
0x9e: {  	[spmem:s3] =	stream.indirect.scatter.add.f32 [tilespmem:s7], [sflag:$0x2], $0x10, s22, s8, $0x2000b8;
	[tilespmem:$0x14BE0] =	vst v63  }
0x9f: {  	s23 =	simm.s32 $0x18C0  }
0xa0: {  	[spmem:s3] =	stream.indirect.scatter.add.f32 [tilespmem:s7], [sflag:$0x2], $0x10, s23, s8, $0x2000b8;
	[tilespmem:$0x14BE0] =	vst v63  }
0xa1: {  	s24 =	simm.s32 $0x1900  }
0xa2: {  	[spmem:s3] =	stream.indirect.scatter.add.f32 [tilespmem:s7], [sflag:$0x2], $0x10, s24, s8, $0x2000b8;
	[tilespmem:$0x14BE0] =	vst v63  }
0xa3: {  	s25 =	simm.s32 $0x1940  }
0xa4: {  	[spmem:s3] =	stream.indirect.scatter.add.f32 [tilespmem:s7], [sflag:$0x2], $0x10, s25, s8, $0x2000b8;
	[tilespmem:$0x14BE0] =	vst v63  }
0xa5: {  	s26 =	simm.s32 $0x1980  }
0xa6: {  	[spmem:s3] =	stream.indirect.scatter.add.f32 [tilespmem:s7], [sflag:$0x2], $0x10, s26, s8, $0x2000b8;
	[tilespmem:$0x14BE0] =	vst v63  }
0xa7: {  	s28 =	simm.s32 $0x19C0  }
0xa8: {  	[spmem:s3] =	stream.indirect.scatter.add.f32 [tilespmem:s7], [sflag:$0x2], $0x10, s28, s8, $0x2000b8;
	[tilespmem:$0x14BE0] =	vst v63  }
0xa9: {  	s29 =	simm.s32 $0x1A00  }
0xaa: {  	[spmem:s3] =	stream.indirect.scatter.add.f32 [tilespmem:s7], [sflag:$0x2], $0x10, s29, s8, $0x2000b8;
	[tilespmem:$0x14BE0] =	vst v63  }
0xab: {  	s30 =	simm.s32 $0x1A40  }
0xac: {  	[spmem:s3] =	stream.indirect.scatter.add.f32 [tilespmem:s7], [sflag:$0x2], $0x10, s30, s8, $0x2000b8;
	[tilespmem:$0x14BE0] =	vst v63  }
0xad: {  	s31 =	simm.s32 $0x1A80  }
0xae: {  	[spmem:s3] =	stream.indirect.scatter.add.f32 [tilespmem:s7], [sflag:$0x2], $0x10, s31, s8, $0x2000b8;
	[tilespmem:$0x14BE0] =	vst v63  }
0xaf: {  	s10 =	simm.s32 $0x1AC0  }
0xb0: {  	[spmem:s3] =	stream.indirect.scatter.add.f32 [tilespmem:s7], [sflag:$0x2], $0x10, s10, s8, $0x2000b8;
	[tilespmem:$0x14BE0] =	vst v63  }
0xb1: {  	s11 =	simm.s32 $0x1B00  }
0xb2: {  	[spmem:s3] =	stream.indirect.scatter.add.f32 [tilespmem:s7], [sflag:$0x2], $0x10, s11, s8, $0x2000b8;
	[tilespmem:$0x14BE0] =	vst v63  }
0xb3: {  	s12 =	simm.s32 $0x1B40  }
0xb4: {  	[spmem:s3] =	stream.indirect.scatter.add.f32 [tilespmem:s7], [sflag:$0x2], $0x10, s12, s8, $0x2000b8;
	[tilespmem:$0x14BE0] =	vst v63  }
0xb5: {  	s13 =	simm.s32 $0x1B80  }
0xb6: {  	[spmem:s3] =	stream.indirect.scatter.add.f32 [tilespmem:s7], [sflag:$0x2], $0x10, s13, s8, $0x2000b8;
	[tilespmem:$0x14BE0] =	vst v63  }
0xb7: {  	s14 =	simm.s32 $0x1BC0  }
0xb8: {  	[spmem:s3] =	stream.indirect.scatter.add.f32 [tilespmem:s7], [sflag:$0x2], $0x10, s14, s8, $0x2000b8;
	[tilespmem:$0x14BE0] =	vst v63  }
0xb9: {  	s15 =	simm.s32 $0x1C00  }
0xba: {  	[spmem:s3] =	stream.indirect.scatter.add.f32 [tilespmem:s7], [sflag:$0x2], $0x10, s15, s8, $0x2000b8;
	[tilespmem:$0x14BE0] =	vst v63  }
0xbb: {  	s16 =	simm.s32 $0x1C40  }
0xbc: {  	[spmem:s3] =	stream.indirect.scatter.add.f32 [tilespmem:s7], [sflag:$0x2], $0x10, s16, s8, $0x2000b8;
	[tilespmem:$0x14BE0] =	vst v63  }
0xbd: {  	s17 =	simm.s32 $0x1C80  }
0xbe: {  	[spmem:s3] =	stream.indirect.scatter.add.f32 [tilespmem:s7], [sflag:$0x2], $0x10, s17, s8, $0x2000b8;
	[tilespmem:$0x14BE0] =	vst v63  }
0xbf: {  	s18 =	simm.s32 $0x1CC0  }
0xc0: {  	[spmem:s3] =	stream.indirect.scatter.add.f32 [tilespmem:s7], [sflag:$0x2], $0x10, s18, s8, $0x2000b8;
	[tilespmem:$0x14BE0] =	vst v63  }
0xc1: {  	s19 =	simm.s32 $0x1D00  }
0xc2: {  	[spmem:s3] =	stream.indirect.scatter.add.f32 [tilespmem:s7], [sflag:$0x2], $0x10, s19, s8, $0x2000b8;
	[tilespmem:$0x14BE0] =	vst v63  }
0xc3: {  	s20 =	simm.s32 $0x1D40  }
0xc4: {  	[spmem:s3] =	stream.indirect.scatter.add.f32 [tilespmem:s7], [sflag:$0x2], $0x10, s20, s8, $0x2000b8;
	[tilespmem:$0x14BE0] =	vst v63  }
0xc5: {  	s21 =	simm.s32 $0x1D80  }
0xc6: {  	[spmem:s3] =	stream.indirect.scatter.add.f32 [tilespmem:s7], [sflag:$0x2], $0x10, s21, s8, $0x2000b8;
	[tilespmem:$0x14BE0] =	vst v63  }
0xc7: {  	s22 =	simm.s32 $0x1DC0  }
0xc8: {  	[spmem:s3] =	stream.indirect.scatter.add.f32 [tilespmem:s7], [sflag:$0x2], $0x10, s22, s8, $0x2000b8;
	[tilespmem:$0x14BE0] =	vst v63  }
0xc9: {  	s23 =	simm.s32 $0x1E00  }
0xca: {  	[spmem:s3] =	stream.indirect.scatter.add.f32 [tilespmem:s7], [sflag:$0x2], $0x10, s23, s8, $0x2000b8;
	[tilespmem:$0x14BE0] =	vst v63  }
0xcb: {  	s24 =	simm.s32 $0x1E40  }
0xcc: {  	[spmem:s3] =	stream.indirect.scatter.add.f32 [tilespmem:s7], [sflag:$0x2], $0x10, s24, s8, $0x2000b8;
	[tilespmem:$0x14BE0] =	vst v63  }
0xcd: {  	s25 =	simm.s32 $0x1E80  }
0xce: {  	[spmem:s3] =	stream.indirect.scatter.add.f32 [tilespmem:s7], [sflag:$0x2], $0x10, s25, s8, $0x2000b8;
	[tilespmem:$0x14BE0] =	vst v63  }
0xcf: {  	s26 =	simm.s32 $0x1EC0  }
0xd0: {  	[spmem:s3] =	stream.indirect.scatter.add.f32 [tilespmem:s7], [sflag:$0x2], $0x10, s26, s8, $0x2000b8;
	[tilespmem:$0x14BE0] =	vst v63  }
0xd1: {  	s28 =	simm.s32 $0x1F00  }
0xd2: {  	[spmem:s3] =	stream.indirect.scatter.add.f32 [tilespmem:s7], [sflag:$0x2], $0x10, s28, s8, $0x2000b8;
	[tilespmem:$0x14BE0] =	vst v63  }
0xd3: {  	s29 =	simm.s32 $0x1F40  }
0xd4: {  	[spmem:s3] =	stream.indirect.scatter.add.f32 [tilespmem:s7], [sflag:$0x2], $0x10, s29, s8, $0x2000b8;
	[tilespmem:$0x14BE0] =	vst v63  }
0xd5: {  	s30 =	simm.s32 $0x1F80  }
0xd6: {  	[spmem:s3] =	stream.indirect.scatter.add.f32 [tilespmem:s7], [sflag:$0x2], $0x10, s30, s8, $0x2000b8;
	[tilespmem:$0x14BE0] =	vst v63  }
0xd7: {  	s31 =	simm.s32 $0x1FC0  }
0xd8: {  	[spmem:s3] =	stream.indirect.scatter.add.f32 [tilespmem:s7], [sflag:$0x2], $0x10, s31, s8, $0x2000b8;
	[tilespmem:$0x14BE0] =	vst v63  }
0xd9: {  	s8 =	simm.s32 $0x12400  }
0xda: {  	v6 =	vld [tilespmem:s8+$0x0];
	_ =	sdelay $0x3  }
0xdb: {  	v1 =	vld [tilespmem:$0x12500]  }
0xdc: {  	v2 =	vbroadcast v6, $0x0;
	v5 =	vbroadcast v6, $0x7  }
0xdd: {  	v10 =	vbroadcast v6, $0x5;
	v3 =	vbroadcast v6, $0x8  }
0xde: {  	v8 =	vbroadcast v6, $0x3;
	v7 =	vbroadcast v6, $0x6  }
0xdf: {  	v4 =	vld [tilespmem:$0x12510];
	v9 =	vbroadcast v6, $0xE;
	v13 =	vbroadcast v6, $0x2  }
0xe0: {  	v12 =	vmul.f32 v3, v1;
	v3 =	vbroadcast v6, $0x4  }
0xe1: {  	v14 =	vbroadcast v6, $0xC;
	v11 =	vmul.f32 v2, v1;
	v2 =	vld [tilespmem:$0x12520]  }
0xe2: {  	v16 =	vbroadcast v6, $0xA;
	v15 =	vmul.f32 v3, v1  }
0xe3: {  	s7 =	simm.s32 $0x0;
	v14 =	vmul.f32 v14, v1;
	v18 =	vadd.f32 $0.0e+00, v11;
	v11 =	vbroadcast v6, $0x1  }
0xe4: {  	v19 =	vbroadcast v6, $0xD;
	v17 =	vmul.f32 v10, v4;
	v3 =	vld [tilespmem:$0x12530];
	[tilespmem:s7+$0x13DE0] =	vst v0;
	v15 =	vadd.f32 $0.0e+00, v15  }
0xe5: {  	[tilespmem:s7+$0x13DF0] =	vst v0;
	v10 =	vadd.f32 $0.0e+00, v12;
	v14 =	vadd.f32 $0.0e+00, v14;
	v12 =	vmul.f32 v11, v4  }
0xe6: {  	[tilespmem:s7+$0x13E00] =	vst v0;
	v13 =	vmul.f32 v13, v2;
	v11 =	vadd.f32 v15, v17;
	v17 =	vbroadcast v6, $0x9  }
0xe7: {  	s9 =	simm.s32 $0x100;
	[tilespmem:s7+$0x13E10] =	vst v0;
	v15 =	vadd.f32 v18, v12;
	v12 =	vmul.f32 v16, v2;
	v16 =	vmul.f32 v19, v4  }
.LBB2_3:
0xe8: {  	p0 =	sne.s32 s9, $0xF00  }
0xe9: {  	v17 =	vmul.f32 v17, v4;
	v18 =	vbroadcast v6, $0xB;
	s8 =	sadd.s32 $0x10, s8;
	s10 =	smov.u32 s9;
	s9 =	sadd.s32 $0x100, s9  }
0xea: {  	v8 =	vmul.f32 v8, v3;
	v6 =	vbroadcast v6, $0xF;
	v13 =	vadd.f32 v15, v13  }
0xeb: {  	v9 =	vmul.f32 v9, v2;
	v14 =	vadd.f32 v14, v16;
	v15 =	vmul.f32 v18, v3  }
0xec: {  	v7 =	vmul.f32 v7, v2;
	v10 =	vadd.f32 v10, v17;
	v8 =	vadd.f32 v13, v8  }
0xed: {  	v6 =	vmul.f32 v6, v3;
	v9 =	vadd.f32 v14, v9  }
0xee: {  	v5 =	vmul.f32 v5, v3;
	v7 =	vadd.f32 v11, v7;
	[tilespmem:s7+$0x12DE0] =	vst v8;
	v8 =	vadd.f32 v10, v12  }
0xef: {  	v6 =	vadd.f32 v9, v6  }
0xf0: {  	v5 =	vadd.f32 v7, v5;
	v7 =	vadd.f32 v8, v15  }
0xf1: {  	[tilespmem:s7+$0x12E10] =	vst v6  }
0xf2: {  	[tilespmem:s7+$0x12E00] =	vst v7  }
0xf3: {  	[tilespmem:s7+$0x12DF0] =	vst v5  }
0xf4: {  	s7 =	sshra.s32 s10, $0x2;
	v6 =	vld [tilespmem:s8+$0x0]  }
0xf5: {  	[tilespmem:s7+$0x13DE0] =	vst v0  }
0xf6: {  	[tilespmem:s7+$0x13DF0] =	vst v0  }
0xf7: {  	[tilespmem:s7+$0x13E00] =	vst v0  }
0xf8: {  	[tilespmem:s7+$0x13E10] =	vst v0  }
0xf9: {  	v7 =	vbroadcast v6, $0x0;
	v5 =	vbroadcast v6, $0x7  }
0xfa: {  	v11 =	vbroadcast v6, $0x5;
	v9 =	vbroadcast v6, $0x8  }
0xfb: {  	v8 =	vbroadcast v6, $0x3;
	v10 =	vmul.f32 v7, v1  }
0xfc: {  	v7 =	vbroadcast v6, $0x6;
	v12 =	vmul.f32 v9, v1  }
0xfd: {  	v13 =	vbroadcast v6, $0x4;
	v9 =	vbroadcast v6, $0xE;
	v15 =	vadd.f32 $0.0e+00, v10  }
0xfe: {  	v14 =	vbroadcast v6, $0x2;
	v10 =	vadd.f32 $0.0e+00, v12;
	v12 =	vbroadcast v6, $0xC  }
0xff: {  	v16 =	vbroadcast v6, $0xA;
	v13 =	vmul.f32 v13, v1  }
.Ltmp1:
0x100: {  	v17 =	vbroadcast v6, $0x1;
	v12 =	vmul.f32 v12, v1;
	(pc) =	sbr.rel @p0 .LBB2_3-.Ltmp1, $4  }
0x101: {  	v19 =	vbroadcast v6, $0xD;
	v11 =	vmul.f32 v11, v4;
	v18 =	vadd.f32 $0.0e+00, v13  }
0x102: {  	v20 =	vmul.f32 v17, v4;
	v13 =	vmul.f32 v14, v2  }
0x103: {  	v17 =	vbroadcast v6, $0x9;
	v11 =	vadd.f32 v18, v11;
	v14 =	vadd.f32 $0.0e+00, v12  }
0x104: {  	v15 =	vadd.f32 v15, v20;
	v12 =	vmul.f32 v16, v2;
	v16 =	vmul.f32 v19, v4  }
0x105: {  	v0 =	vmul.f32 v17, v4;
	v1 =	vbroadcast v6, $0xB  }
0x106: {  	v4 =	vbroadcast v6, $0xF;
	v9 =	vmul.f32 v9, v2;
	v6 =	vadd.f32 v14, v16  }
0x107: {  	v8 =	vmul.f32 v8, v3;
	v13 =	vadd.f32 v15, v13;
	v0 =	vadd.f32 v10, v0  }
0x108: {  	v2 =	vmul.f32 v7, v2;
	v4 =	vmul.f32 v4, v3;
	v6 =	vadd.f32 v6, v9  }
0x109: {  	v1 =	vmul.f32 v1, v3;
	v7 =	vadd.f32 v13, v8;
	v0 =	vadd.f32 v0, v12  }
0x10a: {  	v2 =	vadd.f32 v11, v2;
	v3 =	vmul.f32 v5, v3;
	v4 =	vadd.f32 v6, v4  }
0x10b: {  	[tilespmem:s7+$0x12DE0] =	vst v7;
	v0 =	vadd.f32 v0, v1  }
0x10c: {  	v1 =	vadd.f32 v2, v3;
	[tilespmem:s7+$0x12E10] =	vst v4  }
0x10d: {  	[tilespmem:s7+$0x12E00] =	vst v0  }
0x10e: {  	s29 =	simm.s32 $0x2;
	[tilespmem:s7+$0x12DF0] =	vst v1  }
0x10f: {  	_ =	swait.ge [sflag:s29], $0x400  }
0x110: {  	[sflag:s29] =	ssyncset.done $0x0  }
0x111: {  	[sflag:s29] =	ssyncadd.s32 $0xFFFFFC00  }
0x112: {  	_ =	swait.ge [sflag:s29], $0x400  }
0x113: {  	[sflag:s29] =	ssyncset.done $0x0  }
0x114: {  	[sflag:s29] =	ssyncadd.s32 $0xFFFFFC00  }
0x115: {  	_ =	swait.ge [sflag:s29], $0x400  }
0x116: {  	[sflag:s29] =	ssyncset.done $0x0  }
0x117: {  	[sflag:s29] =	ssyncadd.s32 $0xFFFFFC00  }
0x118: {  	_ =	swait.ge [sflag:s29], $0x400  }
0x119: {  	[sflag:s29] =	ssyncset.done $0x0  }
0x11a: {  	[sflag:s29] =	ssyncadd.s32 $0xFFFFFC00  }
0x11b: {  	_ =	swait.ge [sflag:s29], $0x400  }
0x11c: {  	[sflag:s29] =	ssyncset.done $0x0  }
0x11d: {  	[sflag:s29] =	ssyncadd.s32 $0xFFFFFC00  }
0x11e: {  	_ =	swait.ge [sflag:s29], $0x400  }
0x11f: {  	[sflag:s29] =	ssyncset.done $0x0  }
0x120: {  	[sflag:s29] =	ssyncadd.s32 $0xFFFFFC00  }
0x121: {  	_ =	swait.ge [sflag:s29], $0x400  }
0x122: {  	[sflag:s29] =	ssyncset.done $0x0  }
0x123: {  	[sflag:s29] =	ssyncadd.s32 $0xFFFFFC00  }
0x124: {  	_ =	swait.ge [sflag:s29], $0x400  }
0x125: {  	[sflag:s29] =	ssyncset.done $0x0  }
0x126: {  	[sflag:s29] =	ssyncadd.s32 $0xFFFFFC00  }
0x127: {  	_ =	swait.ge [sflag:s29], $0x400  }
0x128: {  	[sflag:s29] =	ssyncset.done $0x0  }
0x129: {  	[sflag:s29] =	ssyncadd.s32 $0xFFFFFC00  }
0x12a: {  	_ =	swait.ge [sflag:s29], $0x400  }
0x12b: {  	[sflag:s29] =	ssyncset.done $0x0  }
0x12c: {  	[sflag:s29] =	ssyncadd.s32 $0xFFFFFC00  }
0x12d: {  	_ =	swait.ge [sflag:s29], $0x400  }
0x12e: {  	[sflag:s29] =	ssyncset.done $0x0  }
0x12f: {  	[sflag:s29] =	ssyncadd.s32 $0xFFFFFC00  }
0x130: {  	_ =	swait.ge [sflag:s29], $0x400  }
0x131: {  	[sflag:s29] =	ssyncset.done $0x0  }
0x132: {  	[sflag:s29] =	ssyncadd.s32 $0xFFFFFC00  }
0x133: {  	_ =	swait.ge [sflag:s29], $0x400  }
0x134: {  	[sflag:s29] =	ssyncset.done $0x0  }
0x135: {  	[sflag:s29] =	ssyncadd.s32 $0xFFFFFC00  }
0x136: {  	_ =	swait.ge [sflag:s29], $0x400  }
0x137: {  	[sflag:s29] =	ssyncset.done $0x0  }
0x138: {  	[sflag:s29] =	ssyncadd.s32 $0xFFFFFC00  }
0x139: {  	_ =	swait.ge [sflag:s29], $0x400  }
0x13a: {  	[sflag:s29] =	ssyncset.done $0x0  }
0x13b: {  	[sflag:s29] =	ssyncadd.s32 $0xFFFFFC00  }
0x13c: {  	_ =	swait.ge [sflag:s29], $0x400  }
0x13d: {  	[sflag:s29] =	ssyncset.done $0x0  }
0x13e: {  	[sflag:s29] =	ssyncadd.s32 $0xFFFFFC00  }
0x13f: {  	_ =	swait.ge [sflag:s29], $0x400  }
0x140: {  	[sflag:s29] =	ssyncset.done $0x0  }
0x141: {  	[sflag:s29] =	ssyncadd.s32 $0xFFFFFC00  }
0x142: {  	_ =	swait.ge [sflag:s29], $0x400  }
0x143: {  	[sflag:s29] =	ssyncset.done $0x0  }
0x144: {  	[sflag:s29] =	ssyncadd.s32 $0xFFFFFC00  }
0x145: {  	_ =	swait.ge [sflag:s29], $0x400  }
0x146: {  	[sflag:s29] =	ssyncset.done $0x0  }
0x147: {  	[sflag:s29] =	ssyncadd.s32 $0xFFFFFC00  }
0x148: {  	_ =	swait.ge [sflag:s29], $0x400  }
0x149: {  	[sflag:s29] =	ssyncset.done $0x0  }
0x14a: {  	[sflag:s29] =	ssyncadd.s32 $0xFFFFFC00  }
0x14b: {  	_ =	swait.ge [sflag:s29], $0x400  }
0x14c: {  	[sflag:s29] =	ssyncset.done $0x0  }
0x14d: {  	[sflag:s29] =	ssyncadd.s32 $0xFFFFFC00  }
0x14e: {  	_ =	swait.ge [sflag:s29], $0x400  }
0x14f: {  	[sflag:s29] =	ssyncset.done $0x0  }
0x150: {  	[sflag:s29] =	ssyncadd.s32 $0xFFFFFC00  }
0x151: {  	_ =	swait.ge [sflag:s29], $0x400  }
0x152: {  	[sflag:s29] =	ssyncset.done $0x0  }
0x153: {  	[sflag:s29] =	ssyncadd.s32 $0xFFFFFC00  }
0x154: {  	_ =	swait.ge [sflag:s29], $0x400  }
0x155: {  	[sflag:s29] =	ssyncset.done $0x0  }
0x156: {  	[sflag:s29] =	ssyncadd.s32 $0xFFFFFC00  }
0x157: {  	_ =	swait.ge [sflag:s29], $0x400  }
0x158: {  	[sflag:s29] =	ssyncset.done $0x0  }
0x159: {  	[sflag:s29] =	ssyncadd.s32 $0xFFFFFC00  }
0x15a: {  	_ =	swait.ge [sflag:s29], $0x400  }
0x15b: {  	[sflag:s29] =	ssyncset.done $0x0  }
0x15c: {  	[sflag:s29] =	ssyncadd.s32 $0xFFFFFC00  }
0x15d: {  	_ =	swait.ge [sflag:s29], $0x400  }
0x15e: {  	[sflag:s29] =	ssyncset.done $0x0  }
0x15f: {  	[sflag:s29] =	ssyncadd.s32 $0xFFFFFC00  }
0x160: {  	_ =	swait.ge [sflag:s29], $0x400  }
0x161: {  	[sflag:s29] =	ssyncset.done $0x0  }
0x162: {  	[sflag:s29] =	ssyncadd.s32 $0xFFFFFC00  }
0x163: {  	_ =	swait.ge [sflag:s29], $0x400  }
0x164: {  	[sflag:s29] =	ssyncset.done $0x0  }
0x165: {  	[sflag:s29] =	ssyncadd.s32 $0xFFFFFC00  }
0x166: {  	_ =	swait.ge [sflag:s29], $0x400  }
0x167: {  	[sflag:s29] =	ssyncset.done $0x0  }
0x168: {  	[sflag:s29] =	ssyncadd.s32 $0xFFFFFC00  }
0x169: {  	_ =	swait.ge [sflag:s29], $0x400  }
0x16a: {  	[sflag:s29] =	ssyncset.done $0x0  }
0x16b: {  	[sflag:s29] =	ssyncadd.s32 $0xFFFFFC00  }
0x16c: {  	_ =	swait.ge [sflag:s29], $0x400  }
0x16d: {  	[sflag:s29] =	ssyncset.done $0x0  }
0x16e: {  	[sflag:s29] =	ssyncadd.s32 $0xFFFFFC00  }
0x16f: {  	_ =	swait.ge [sflag:s29], $0x400  }
0x170: {  	[sflag:s29] =	ssyncset.done $0x0  }
0x171: {  	[sflag:s29] =	ssyncadd.s32 $0xFFFFFC00  }
0x172: {  	_ =	swait.ge [sflag:s29], $0x400  }
0x173: {  	[sflag:s29] =	ssyncset.done $0x0  }
0x174: {  	[sflag:s29] =	ssyncadd.s32 $0xFFFFFC00  }
0x175: {  	_ =	swait.ge [sflag:s29], $0x400  }
0x176: {  	[sflag:s29] =	ssyncset.done $0x0  }
0x177: {  	[sflag:s29] =	ssyncadd.s32 $0xFFFFFC00  }
0x178: {  	_ =	swait.ge [sflag:s29], $0x400  }
0x179: {  	[sflag:s29] =	ssyncset.done $0x0  }
0x17a: {  	[sflag:s29] =	ssyncadd.s32 $0xFFFFFC00  }
0x17b: {  	_ =	swait.ge [sflag:s29], $0x400  }
0x17c: {  	[sflag:s29] =	ssyncset.done $0x0  }
0x17d: {  	[sflag:s29] =	ssyncadd.s32 $0xFFFFFC00  }
0x17e: {  	_ =	swait.ge [sflag:s29], $0x400  }
0x17f: {  	[sflag:s29] =	ssyncset.done $0x0  }
0x180: {  	[sflag:s29] =	ssyncadd.s32 $0xFFFFFC00  }
0x181: {  	_ =	swait.ge [sflag:s29], $0x400  }
0x182: {  	[sflag:s29] =	ssyncset.done $0x0  }
0x183: {  	[sflag:s29] =	ssyncadd.s32 $0xFFFFFC00  }
0x184: {  	_ =	swait.ge [sflag:s29], $0x400  }
0x185: {  	[sflag:s29] =	ssyncset.done $0x0  }
0x186: {  	[sflag:s29] =	ssyncadd.s32 $0xFFFFFC00  }
0x187: {  	_ =	swait.ge [sflag:s29], $0x400  }
0x188: {  	[sflag:s29] =	ssyncset.done $0x0  }
0x189: {  	[sflag:s29] =	ssyncadd.s32 $0xFFFFFC00  }
0x18a: {  	_ =	swait.ge [sflag:s29], $0x400  }
0x18b: {  	[sflag:s29] =	ssyncset.done $0x0  }
0x18c: {  	[sflag:s29] =	ssyncadd.s32 $0xFFFFFC00  }
0x18d: {  	_ =	swait.ge [sflag:s29], $0x400  }
0x18e: {  	[sflag:s29] =	ssyncset.done $0x0  }
0x18f: {  	[sflag:s29] =	ssyncadd.s32 $0xFFFFFC00  }
0x190: {  	_ =	swait.ge [sflag:s29], $0x400  }
0x191: {  	[sflag:s29] =	ssyncset.done $0x0  }
0x192: {  	[sflag:s29] =	ssyncadd.s32 $0xFFFFFC00  }
0x193: {  	_ =	swait.ge [sflag:s29], $0x400  }
0x194: {  	[sflag:s29] =	ssyncset.done $0x0  }
0x195: {  	[sflag:s29] =	ssyncadd.s32 $0xFFFFFC00  }
0x196: {  	_ =	swait.ge [sflag:s29], $0x400  }
0x197: {  	[sflag:s29] =	ssyncset.done $0x0  }
0x198: {  	[sflag:s29] =	ssyncadd.s32 $0xFFFFFC00  }
0x199: {  	_ =	swait.ge [sflag:s29], $0x400  }
0x19a: {  	[sflag:s29] =	ssyncset.done $0x0  }
0x19b: {  	[sflag:s29] =	ssyncadd.s32 $0xFFFFFC00  }
0x19c: {  	_ =	swait.ge [sflag:s29], $0x400  }
0x19d: {  	[sflag:s29] =	ssyncset.done $0x0  }
0x19e: {  	[sflag:s29] =	ssyncadd.s32 $0xFFFFFC00  }
0x19f: {  	_ =	swait.ge [sflag:s29], $0x400  }
0x1a0: {  	[sflag:s29] =	ssyncset.done $0x0  }
0x1a1: {  	[sflag:s29] =	ssyncadd.s32 $0xFFFFFC00  }
0x1a2: {  	_ =	swait.ge [sflag:s29], $0x400  }
0x1a3: {  	[sflag:s29] =	ssyncset.done $0x0  }
0x1a4: {  	[sflag:s29] =	ssyncadd.s32 $0xFFFFFC00  }
0x1a5: {  	_ =	swait.ge [sflag:s29], $0x400  }
0x1a6: {  	[sflag:s29] =	ssyncset.done $0x0  }
0x1a7: {  	[sflag:s29] =	ssyncadd.s32 $0xFFFFFC00  }
0x1a8: {  	_ =	swait.ge [sflag:s29], $0x400  }
0x1a9: {  	[sflag:s29] =	ssyncset.done $0x0  }
0x1aa: {  	[sflag:s29] =	ssyncadd.s32 $0xFFFFFC00  }
0x1ab: {  	_ =	swait.ge [sflag:s29], $0x400  }
0x1ac: {  	[sflag:s29] =	ssyncset.done $0x0  }
0x1ad: {  	[sflag:s29] =	ssyncadd.s32 $0xFFFFFC00  }
0x1ae: {  	_ =	swait.ge [sflag:s29], $0x400  }
0x1af: {  	[sflag:s29] =	ssyncset.done $0x0  }
0x1b0: {  	[sflag:s29] =	ssyncadd.s32 $0xFFFFFC00  }
0x1b1: {  	_ =	swait.ge [sflag:s29], $0x400  }
0x1b2: {  	[sflag:s29] =	ssyncset.done $0x0  }
0x1b3: {  	[sflag:s29] =	ssyncadd.s32 $0xFFFFFC00  }
0x1b4: {  	_ =	swait.ge [sflag:s29], $0x400  }
0x1b5: {  	[sflag:s29] =	ssyncset.done $0x0  }
0x1b6: {  	[sflag:s29] =	ssyncadd.s32 $0xFFFFFC00  }
0x1b7: {  	_ =	swait.ge [sflag:s29], $0x400  }
0x1b8: {  	[sflag:s29] =	ssyncset.done $0x0  }
0x1b9: {  	[sflag:s29] =	ssyncadd.s32 $0xFFFFFC00  }
0x1ba: {  	_ =	swait.ge [sflag:s29], $0x400  }
0x1bb: {  	[sflag:s29] =	ssyncset.done $0x0  }
0x1bc: {  	[sflag:s29] =	ssyncadd.s32 $0xFFFFFC00  }
0x1bd: {  	_ =	swait.ge [sflag:s29], $0x400  }
0x1be: {  	[sflag:s29] =	ssyncset.done $0x0  }
0x1bf: {  	[sflag:s29] =	ssyncadd.s32 $0xFFFFFC00  }
0x1c0: {  	_ =	swait.ge [sflag:s29], $0x400  }
0x1c1: {  	[sflag:s29] =	ssyncset.done $0x0  }
0x1c2: {  	[sflag:s29] =	ssyncadd.s32 $0xFFFFFC00  }
0x1c3: {  	_ =	swait.ge [sflag:s29], $0x400  }
0x1c4: {  	[sflag:s29] =	ssyncset.done $0x0  }
0x1c5: {  	[sflag:s29] =	ssyncadd.s32 $0xFFFFFC00  }
0x1c6: {  	_ =	swait.ge [sflag:s29], $0x400  }
0x1c7: {  	[sflag:s29] =	ssyncset.done $0x0  }
0x1c8: {  	[sflag:s29] =	ssyncadd.s32 $0xFFFFFC00  }
0x1c9: {  	_ =	swait.ge [sflag:s29], $0x400  }
0x1ca: {  	[sflag:s29] =	ssyncset.done $0x0  }
0x1cb: {  	[sflag:s29] =	ssyncadd.s32 $0xFFFFFC00  }
0x1cc: {  	_ =	swait.ge [sflag:s29], $0x400  }
0x1cd: {  	[sflag:s29] =	ssyncset.done $0x0  }
0x1ce: {  	[sflag:s29] =	ssyncadd.s32 $0xFFFFFC00  }
0x1cf: {  	[bflag:$0x0] =	sbarrier.arrive $0xFFFF  }
0x1d0: {  	_ =	strace $0x90000049  }
0x1d1: {  	s30 =	simm.s32 $0x125E0;
	s31 =	simm.s32 $0x3;
	_ =	strace $0x8000004A  }
0x1d2: {  	[tilespmem:s30], [sflag:$0x3] =	stream.linear.gather [spmem:s5], $0x400, $0x200038;
	[tilespmem:$0x14BE0] =	vst v63  }
0x1d3: {  	_ =	swait.ge [sflag:s31], $0x400  }
0x1d4: {  	[sflag:s31] =	ssyncset.done $0x0  }
0x1d5: {  	s10 =	simm.s32 $0x0;
	[sflag:s31] =	ssyncadd.s32 $0xFFFFFC00  }
0x1d6: {  	v0 =	vld [tilespmem:s10+$0x125E0];
	_ =	sdelay $0x4  }
0x1d7: {  	s9 =	simm.s32 $0x10;
	v1 =	vshrl.u32 v0, $0x1;
	v2 =	vmul.f32 $5.000000000e-01, v0  }
0x1d8: {  	v0 =	vld [tilespmem:s9+$0x125E0];
	v1 =	vsub.s32 $0x5F3759DF, v1  }
0x1d9: {  	v3 =	vmul.f32 v1, v2;
	_ =	sdelay $0x1  }
0x1da: {  	v3 =	vmul.f32 v1, v3  }
0x1db: {  	s8 =	simm.s32 $0x20  }
0x1dc: {  	v5 =	vld [tilespmem:s8+$0x125E0];
	v4 =	vshrl.u32 v0, $0x1;
	v15 =	vmul.f32 $5.000000000e-01, v0;
	v0 =	vsub.f32 $1.500000000e+00, v3  }
0x1dd: {  	v3 =	vsub.s32 $0x5F3759DF, v4  }
0x1de: {  	v4 =	vmul.f32 v3, v15;
	v1 =	vmul.f32 v1, v0;
	_ =	sdelay $0x1  }
0x1df: {  	v0 =	vmul.f32 v3, v4;
	v4 =	vmul.f32 v1, v2  }
0x1e0: {  	s7 =	simm.s32 $0x30;
	v6 =	vshrl.u32 v5, $0x1;
	v10 =	vmul.f32 $5.000000000e-01, v5  }
0x1e1: {  	v7 =	vld [tilespmem:s7+$0x125E0];
	v12 =	vsub.s32 $0x5F3759DF, v6;
	v5 =	vsub.f32 $1.500000000e+00, v0;
	v4 =	vmul.f32 v4, v1  }
0x1e2: {  	v6 =	vmul.f32 v12, v10  }
0x1e3: {  	v9 =	vld [tilespmem:$0x12540];
	v13 =	vmul.f32 v3, v5;
	v3 =	vsub.f32 $1.500000000e+00, v4  }
0x1e4: {  	s11 =	simm.s32 $0x40;
	v8 =	vld [tilespmem:$0x12550];
	v4 =	vmul.f32 v12, v6  }
0x1e5: {  	v16 =	vld [tilespmem:s11+$0x125E0];
	v6 =	vmul.f32 v13, v15;
	v17 =	vmul.f32 v3, v1  }
0x1e6: {  	v21 =	vld [tilespmem:s10+$0x12DE0];
	v11 =	vmul.f32 $5.000000000e-01, v7;
	v1 =	vshrl.u32 v7, $0x1;
	v3 =	vsub.f32 $1.500000000e+00, v4  }
0x1e7: {  	v0 =	vld [tilespmem:$0x125D0];
	v4 =	vmul.f32 v6, v13;
	v18 =	vsub.s32 $0x5F3759DF, v1;
	v1 =	vmul.f32 v17, v2  }
0x1e8: {  	v5 =	vld [tilespmem:$0x12560];
	v2 =	vmul.f32 v18, v11;
	v14 =	vmul.f32 v12, v3  }
0x1e9: {  	v7 =	vld [tilespmem:$0x12570];
	v12 =	vsub.f32 $1.500000000e+00, v4;
	v1 =	vmul.f32 v1, v17  }
0x1ea: {  	v6 =	vld [tilespmem:$0x12580];
	v19 =	vmul.f32 v18, v2;
	v20 =	vmul.f32 v14, v10  }
0x1eb: {  	v22 =	vshrl.u32 v16, $0x1;
	v3 =	vld [tilespmem:$0x12590];
	v13 =	vmul.f32 v12, v13;
	v23 =	vsub.f32 $1.500000000e+00, v1  }
0x1ec: {  	s12 =	simm.s32 $0x50;
	v4 =	vld [tilespmem:$0x125A0];
	v12 =	vmul.f32 $5.000000000e-01, v16;
	v19 =	vsub.f32 $1.500000000e+00, v19;
	v24 =	vmul.f32 v20, v14  }
0x1ed: {  	v16 =	vsub.s32 $0x5F3759DF, v22;
	v15 =	vmul.f32 v13, v15;
	v22 =	vmul.f32 v23, v17;
	v17 =	vld [tilespmem:s12+$0x125E0]  }
0x1ee: {  	v2 =	vld [tilespmem:$0x125B0];
	v25 =	vmul.f32 v16, v12;
	v18 =	vmul.f32 v18, v19  }
0x1ef: {  	v1 =	vld [tilespmem:$0x125C0];
	v20 =	vmul.f32 v15, v13;
	[tilespmem:s10+$0x129E0] =	vst v22;
	v19 =	vmul.f32 v22, v21  }
0x1f0: {  	s13 =	simm.s32 $0x180;
	v23 =	vsub.f32 $1.500000000e+00, v24;
	v22 =	vmul.f32 v16, v25;
	v21 =	vmul.f32 v18, v11;
	v15 =	vld [tilespmem:s9+$0x12DE0]  }
.LBB2_5:
0x1f1: {  	s14 =	sshra.s32 s13, $0x2  }
0x1f2: {  	v24 =	vshrl.u32 v17, $0x1;
	v23 =	vmul.f32 v23, v14;
	v20 =	vsub.f32 $1.500000000e+00, v20;
	[tilespmem:s10+$0x139E0] =	vst v19;
	v14 =	vmovc v18;
	s10 =	smov.u32 s9;
	s9 =	smov.u32 s8;
	p0 =	sne.s32 s13, $0xFC0  }
.Ltmp2:
0x1f3: {  	v19 =	vmul.f32 $5.000000000e-01, v17;
	s8 =	smov.u32 s7;
	s7 =	smov.u32 s11;
	v17 =	vld [tilespmem:s14+$0x125E0];
	v18 =	vsub.f32 $1.500000000e+00, v22;
	v21 =	vmul.f32 v21, v14;
	(pc) =	sbr.rel @p0 .LBB2_5-.Ltmp2, $4  }
0x1f4: {  	s13 =	sadd.s32 $0x40, s13;
	s11 =	smov.u32 s12;
	v22 =	vsub.s32 $0x5F3759DF, v24;
	v24 =	vmul.f32 v23, v10;
	v25 =	vmul.f32 v20, v13;
	v13 =	vmovc v23;
	v10 =	vmovc v11  }
0x1f5: {  	s12 =	smov.u32 s14;
	v26 =	vmul.f32 v22, v19;
	v11 =	vmovc v12;
	v12 =	vmovc v19;
	v18 =	vmul.f32 v16, v18;
	v16 =	vmov v22  }
0x1f6: {  	v23 =	vsub.f32 $1.500000000e+00, v21;
	v20 =	vmul.f32 v24, v13;
	[tilespmem:s10+$0x129E0] =	vst v25;
	v19 =	vmul.f32 v25, v15  }
0x1f7: {  	v22 =	vmul.f32 v16, v26;
	v21 =	vmul.f32 v18, v11;
	v15 =	vld [tilespmem:s9+$0x12DE0]  }
0x1f8: {  	_ = 	snop  }
0x1f9: {  	v24 =	vshrl.u32 v17, $0x1;
	v17 =	vmul.f32 $5.000000000e-01, v17;
	v22 =	vsub.f32 $1.500000000e+00, v22  }
0x1fa: {  	v14 =	vmul.f32 v23, v14;
	v23 =	vsub.s32 $0x5F3759DF, v24  }
0x1fb: {  	v24 =	vmul.f32 v23, v17;
	v16 =	vmul.f32 v16, v22  }
0x1fc: {  	v21 =	vmul.f32 v21, v18;
	v10 =	vmul.f32 v14, v10  }
0x1fd: {  	v20 =	vsub.f32 $1.500000000e+00, v20;
	v22 =	vmul.f32 v23, v24;
	v62 =	vmul.f32 v16, v12  }
0x1fe: {  	v21 =	vsub.f32 $1.500000000e+00, v21;
	v10 =	vmul.f32 v10, v14  }
0x1ff: {  	v13 =	vmul.f32 v20, v13;
	v20 =	vsub.f32 $1.500000000e+00, v22;
	v22 =	vmul.f32 v62, v16  }
0x200: {  	[tilespmem:s10+$0x139E0] =	vst v19;
	v18 =	vmul.f32 v21, v18;
	v10 =	vsub.f32 $1.500000000e+00, v10  }
0x201: {  	[tilespmem:s9+$0x129E0] =	vst v13;
	v13 =	vmul.f32 v13, v15;
	v15 =	vmul.f32 v23, v20;
	v19 =	vsub.f32 $1.500000000e+00, v22  }
0x202: {  	v11 =	vmul.f32 v18, v11;
	v20 =	vld [tilespmem:s8+$0x12DE0];
	v10 =	vmul.f32 v10, v14  }
0x203: {  	[tilespmem:s9+$0x139E0] =	vst v13;
	v13 =	vmul.f32 v15, v17;
	v14 =	vmul.f32 v19, v16  }
0x204: {  	v11 =	vmul.f32 v11, v18;
	[tilespmem:s8+$0x129E0] =	vst v10  }
0x205: {  	v16 =	vld [tilespmem:s7+$0x12DE0];
	v13 =	vmul.f32 v13, v15;
	v12 =	vmul.f32 v14, v12  }
0x206: {  	v11 =	vsub.f32 $1.500000000e+00, v11  }
0x207: {  	v10 =	vmul.f32 v10, v20;
	v13 =	vsub.f32 $1.500000000e+00, v13;
	v12 =	vmul.f32 v12, v14  }
0x208: {  	v11 =	vmul.f32 v11, v18  }
0x209: {  	[tilespmem:s8+$0x139E0] =	vst v10;
	v10 =	vmul.f32 v13, v15;
	v12 =	vsub.f32 $1.500000000e+00, v12  }
0x20a: {  	[tilespmem:s7+$0x129E0] =	vst v11;
	v11 =	vmul.f32 v11, v16  }
0x20b: {  	v15 =	vmul.f32 v10, v17;
	v12 =	vmul.f32 v12, v14  }
0x20c: {  	v13 =	vld [tilespmem:s11+$0x12DE0];
	[tilespmem:s7+$0x139E0] =	vst v11  }
0x20d: {  	v11 =	vmul.f32 v15, v10;
	[tilespmem:s11+$0x129E0] =	vst v12  }
0x20e: {  	v14 =	vld [tilespmem:s12+$0x12DE0]  }
0x20f: {  	v11 =	vsub.f32 $1.500000000e+00, v11;
	_ =	sdelay $0x1  }
0x210: {  	v12 =	vmul.f32 v12, v13;
	v10 =	vmul.f32 v11, v10;
	_ =	sdelay $0x1  }
0x211: {  	[tilespmem:s11+$0x139E0] =	vst v12;
	v11 =	vmul.f32 v10, v14  }
0x212: {  	[tilespmem:s12+$0x129E0] =	vst v10  }
0x213: {  	s6 =	sadd.s32 s6, s4;
	s19 =	simm.s32 $0x139E0;
	s20 =	simm.s32 $0x3;
	[tilespmem:s12+$0x139E0] =	vst v11  }
0x214: {  	[spmem:s6] =	stream.linear.scatter [tilespmem:s19], [sflag:$0x3], $0x400, $0x200038;
	[tilespmem:$0x14BE0] =	vst v63  }
0x215: {  	_ =	swait.ge [sflag:s20], $0x400  }
0x216: {  	[sflag:s20] =	ssyncset.done $0x0  }
0x217: {  	s21 =	simm.s32 $0x13DE0;
	[sflag:s20] =	ssyncadd.s32 $0xFFFFFC00  }
0x218: {  	[spmem:s5] =	stream.linear.scatter [tilespmem:s21], [sflag:$0x3], $0x400, $0x200038;
	[tilespmem:$0x14BE0] =	vst v63  }
0x219: {  	_ =	swait.ge [sflag:s20], $0x400  }
0x21a: {  	[sflag:s20] =	ssyncset.done $0x0  }
0x21b: {  	[sflag:s20] =	ssyncadd.s32 $0xFFFFFC00  }
0x21c: {  	[bflag:$0x0] =	sbarrier.arrive $0xFFFF  }
0x21d: {  	s22 =	simm.s32 $0x800;
	s23 =	simm.s32 $0x0;
	_ =	strace $0x9000004A  }
0x21e: {  	s24 =	simm.s32 $0x2000;
	s25 =	simm.s32 $0x1;
	_ =	strace $0x8000004B  }
0x21f: {  	[tilespmem:s24], [sflag:$0x1] =	stream.indirect.gather [spmem:s4], $0x10, s23, s22, $0x2000b8;
	[tilespmem:$0x14BE0] =	vst v63  }
0x220: {  	_ =	swait.ge [sflag:s25], $0x8000  }
0x221: {  	[sflag:s25] =	ssyncset.done $0x0  }
0x222: {  	s26 =	simm.s32 $0x1000;
	[sflag:s25] =	ssyncadd.s32 $0xFFFF8000  }
0x223: {  	[spmem:s3] =	stream.indirect.scatter.add.f32 [tilespmem:s24], [sflag:$0x2], $0x10, s26, s22, $0x2000b8;
	[tilespmem:$0x14BE0] =	vst v63  }
0x224: {  	s28 =	simm.s32 $0xA000  }
0x225: {  	[tilespmem:s28], [sflag:$0x1] =	stream.indirect.gather [spmem:s4], $0x10, s22, s22, $0x2000b8;
	[tilespmem:$0x14BE0] =	vst v63  }
0x226: {  	_ =	swait.ge [sflag:s25], $0x8000  }
0x227: {  	[sflag:s25] =	ssyncset.done $0x0  }
0x228: {  	s29 =	simm.s32 $0x2;
	[sflag:s25] =	ssyncadd.s32 $0xFFFF8000  }
0x229: {  	_ =	swait.ge [sflag:s29], $0x8000  }
0x22a: {  	[sflag:s29] =	ssyncset.done $0x0  }
0x22b: {  	s30 =	simm.s32 $0x1800;
	[sflag:s29] =	ssyncadd.s32 $0xFFFF8000  }
0x22c: {  	[spmem:s3] =	stream.indirect.scatter.add.f32 [tilespmem:s28], [sflag:$0x2], $0x10, s30, s22, $0x2000b8;
	[tilespmem:$0x14BE0] =	vst v63  }
0x22d: {  	_ =	swait.ge [sflag:s29], $0x8000  }
0x22e: {  	[sflag:s29] =	ssyncset.done $0x0  }
0x22f: {  	[sflag:s29] =	ssyncadd.s32 $0xFFFF8000  }
0x230: {  	_ =	strace $0x9000004B  }
0x231: {  	[bflag:$0x0] =	sbarrier.arrive $0xFFFF  }
0x232: {  	s31 =	simm.s32 $0x135E0;
	_ =	strace $0x8000004C  }
0x233: {  	[tilespmem:s31], [sflag:$0x3] =	stream.linear.gather [spmem:s5], $0x400, $0x200038;
	[tilespmem:$0x14BE0] =	vst v63  }
0x234: {  	_ =	swait.ge [sflag:s20], $0x400  }
0x235: {  	[sflag:s20] =	ssyncset.done $0x0  }
0x236: {  	s7 =	simm.s32 $0x0;
	[sflag:s20] =	ssyncadd.s32 $0xFFFFFC00  }
0x237: {  	v13 =	vld [tilespmem:s7+$0x129E0]  }
0x238: {  	v10 =	vld [tilespmem:s7+$0x135E0]  }
0x239: {  	v11 =	vld [tilespmem:s7+$0x12DE0];
	_ =	sdelay $0x2  }
0x23a: {  	v12 =	vmul.f32 v13, v13;
	_ =	sdelay $0x1  }
0x23b: {  	v10 =	vmul.f32 v10, v13;
	v11 =	vmul.f32 v11, v12;
	_ =	sdelay $0x1  }
0x23c: {  	s8 =	simm.s32 $0x10;
	v11 =	vadd.f32 v11, v10  }
0x23d: {  	v10 =	vld [tilespmem:s8+$0x129E0]  }
0x23e: {  	v14 =	vld [tilespmem:s8+$0x12DE0];
	v11 =	vadd.f32 v11, v9  }
0x23f: {  	v12 =	vld [tilespmem:s8+$0x135E0]  }
0x240: {  	v15 =	vmax.f32 v11, $0.0e+00  }
0x241: {  	v11 =	vbroadcast v15, $0x0  }
0x242: {  	v16 =	vmul.f32 v10, v10  }
0x243: {  	v18 =	vbroadcast v15, $0x1;
	v17 =	vmul.f32 v11, v8  }
0x244: {  	s9 =	simm.s32 $0x20;
	v12 =	vmul.f32 v12, v10;
	v14 =	vmul.f32 v14, v16  }
0x245: {  	v19 =	vbroadcast v15, $0x2;
	v11 =	vld [tilespmem:s9+$0x129E0];
	v18 =	vmul.f32 v18, v5;
	v17 =	vadd.f32 $0.0e+00, v17  }
0x246: {  	v12 =	vadd.f32 v14, v12  }
0x247: {  	v20 =	vld [tilespmem:s9+$0x12DE0];
	v14 =	vadd.f32 v17, v18;
	v17 =	vmul.f32 v19, v7;
	v18 =	vbroadcast v15, $0x3  }
0x248: {  	v16 =	vld [tilespmem:s9+$0x135E0];
	v12 =	vadd.f32 v12, v9  }
0x249: {  	v19 =	vbroadcast v15, $0x4;
	v17 =	vadd.f32 v14, v17;
	v18 =	vmul.f32 v18, v6  }
0x24a: {  	v22 =	vbroadcast v15, $0x6;
	v21 =	vmul.f32 v11, v11;
	v14 =	vmax.f32 v12, $0.0e+00  }
0x24b: {  	v12 =	vadd.f32 v17, v18;
	v17 =	vmul.f32 v19, v3;
	v18 =	vbroadcast v15, $0x5  }
0x24c: {  	s10 =	simm.s32 $0x30;
	v19 =	vmul.f32 v20, v21;
	v20 =	vbroadcast v14, $0x0  }
0x24d: {  	v16 =	vmul.f32 v16, v11;
	v21 =	vld [tilespmem:s10+$0x135E0];
	v17 =	vadd.f32 v12, v17;
	v18 =	vmul.f32 v18, v4  }
0x24e: {  	v23 =	vbroadcast v14, $0x1;
	v12 =	vld [tilespmem:s10+$0x129E0];
	v20 =	vmul.f32 v20, v8  }
0x24f: {  	v15 =	vbroadcast v15, $0x7;
	v17 =	vadd.f32 v17, v18;
	v18 =	vmul.f32 v22, v2  }
0x250: {  	v20 =	vadd.f32 $0.0e+00, v20;
	v22 =	vmul.f32 v23, v5;
	v23 =	vbroadcast v14, $0x2  }
0x251: {  	v63 =	vadd.f32 v19, v16;
	v15 =	vmul.f32 v15, v1;
	v25 =	vadd.f32 v17, v18  }
0x252: {  	v19 =	vbroadcast v14, $0x3;
	v18 =	vadd.f32 v20, v22;
	v20 =	vmul.f32 v23, v7;
	v17 =	vld [tilespmem:s10+$0x12DE0]  }
0x253: {  	s11 =	simm.s32 $0x100;
	v16 =	vmul.f32 v21, v12;
	v21 =	vadd.f32 v63, v9;
	v15 =	vadd.f32 v25, v15  }
.LBB2_7:
0x254: {  	p0 =	sne.s32 s11, $0xFC0;
	v18 =	vadd.f32 v18, v20;
	v19 =	vmul.f32 v19, v6;
	v20 =	vbroadcast v14, $0x4  }
0x255: {  	v22 =	vmul.f32 v12, v12;
	v21 =	vmax.f32 v21, $0.0e+00;
	[tilespmem:s7+$0x131E0] =	vst v15;
	v15 =	vmul.f32 v15, v13;
	v13 =	vmovc v10  }
0x256: {  	v10 =	vmovc v11;
	v11 =	vmovc v12;
	v18 =	vadd.f32 v18, v19;
	v19 =	vmul.f32 v20, v3;
	v20 =	vbroadcast v14, $0x5  }
0x257: {  	s12 =	sshra.s32 s11, $0x2;
	v17 =	vmul.f32 v17, v22;
	v22 =	vbroadcast v21, $0x0;
	[tilespmem:s7+$0x139E0] =	vst v15;
	s7 =	smov.u32 s8;
	s8 =	smov.u32 s9  }
0x258: {  	s9 =	smov.u32 s10;
	s10 =	smov.u32 s12;
	v15 =	vld [tilespmem:s12+$0x135E0];
	v18 =	vadd.f32 v18, v19;
	v19 =	vmul.f32 v20, v4;
	v20 =	vbroadcast v14, $0x6  }
0x259: {  	v23 =	vbroadcast v21, $0x1;
	v12 =	vld [tilespmem:s10+$0x129E0];
	v22 =	vmul.f32 v22, v8  }
.Ltmp3:
0x25a: {  	v18 =	vadd.f32 v18, v19;
	v19 =	vmul.f32 v20, v2;
	v20 =	vbroadcast v14, $0x7;
	v14 =	vmovc v21;
	(pc) =	sbr.rel @p0 .LBB2_7-.Ltmp3, $4  }
0x25b: {  	v21 =	vadd.f32 $0.0e+00, v22;
	v22 =	vmul.f32 v23, v5;
	v23 =	vbroadcast v14, $0x2  }
0x25c: {  	v24 =	vadd.f32 v17, v16;
	v25 =	vadd.f32 v18, v19;
	v26 =	vmul.f32 v20, v1  }
0x25d: {  	v19 =	vbroadcast v14, $0x3;
	v17 =	vld [tilespmem:s10+$0x12DE0];
	v18 =	vadd.f32 v21, v22;
	v20 =	vmul.f32 v23, v7  }
0x25e: {  	s11 =	sadd.s32 $0x40, s11;
	v21 =	vadd.f32 v24, v9;
	v16 =	vmul.f32 v15, v12;
	v15 =	vadd.f32 v25, v26  }
0x25f: {  	_ = 	snop  }
0x260: {  	v22 =	vmul.f32 v12, v12  }
0x261: {  	v19 =	vmul.f32 v19, v6;
	v26 =	vbroadcast v14, $0x4  }
0x262: {  	v27 =	vbroadcast v14, $0x5;
	v17 =	vmul.f32 v17, v22  }
0x263: {  	v32 =	vbroadcast v14, $0x6;
	v37 =	vbroadcast v14, $0x7;
	v21 =	vmax.f32 v21, $0.0e+00  }
0x264: {  	v13 =	vmul.f32 v15, v13;
	v29 =	vmul.f32 v26, v3;
	v16 =	vadd.f32 v17, v16  }
0x265: {  	v30 =	vbroadcast v21, $0x0;
	v31 =	vmul.f32 v27, v4  }
0x266: {  	v35 =	vbroadcast v21, $0x1;
	v36 =	vmul.f32 v32, v2;
	v9 =	vadd.f32 v16, v9  }
0x267: {  	v18 =	vadd.f32 v18, v20;
	v39 =	vbroadcast v21, $0x2;
	v14 =	vmul.f32 v37, v1  }
0x268: {  	v43 =	vbroadcast v21, $0x3;
	v34 =	vmul.f32 v30, v8;
	v9 =	vmax.f32 v9, $0.0e+00  }
0x269: {  	v28 =	vadd.f32 v18, v19;
	v46 =	vbroadcast v21, $0x4;
	v38 =	vbroadcast v9, $0x0  }
0x26a: {  	v50 =	vbroadcast v21, $0x5;
	v18 =	vmul.f32 v35, v5;
	v17 =	vadd.f32 $0.0e+00, v34  }
0x26b: {  	v41 =	vbroadcast v9, $0x1;
	v40 =	vmul.f32 v38, v8  }
0x26c: {  	v55 =	vbroadcast v21, $0x6;
	v42 =	vmul.f32 v39, v7;
	v17 =	vadd.f32 v17, v18  }
0x26d: {  	v44 =	vbroadcast v9, $0x2;
	v5 =	vmul.f32 v41, v5;
	v8 =	vadd.f32 $0.0e+00, v40  }
0x26e: {  	v59 =	vbroadcast v21, $0x7;
	v45 =	vmul.f32 v43, v6;
	v17 =	vadd.f32 v17, v42  }
0x26f: {  	v48 =	vbroadcast v9, $0x3;
	v47 =	vmul.f32 v44, v7;
	v5 =	vadd.f32 v8, v5  }
0x270: {  	v33 =	vadd.f32 v28, v29;
	v49 =	vmul.f32 v46, v3;
	v17 =	vadd.f32 v17, v45  }
0x271: {  	v52 =	vbroadcast v9, $0x4;
	v51 =	vmul.f32 v48, v6;
	v5 =	vadd.f32 v5, v47  }
0x272: {  	v54 =	vmul.f32 v50, v4;
	v16 =	vadd.f32 v33, v31;
	v53 =	vadd.f32 v17, v49  }
0x273: {  	v56 =	vbroadcast v9, $0x5;
	v3 =	vmul.f32 v52, v3;
	v5 =	vadd.f32 v5, v51  }
0x274: {  	v58 =	vmul.f32 v55, v2;
	v16 =	vadd.f32 v16, v36;
	v57 =	vadd.f32 v53, v54  }
0x275: {  	v4 =	vmul.f32 v56, v4;
	v3 =	vadd.f32 v5, v3;
	v5 =	vbroadcast v9, $0x6  }
0x276: {  	v61 =	vmul.f32 v59, v1;
	v60 =	vadd.f32 v16, v14;
	v7 =	vadd.f32 v57, v58  }
0x277: {  	v3 =	vadd.f32 v3, v4;
	v2 =	vmul.f32 v5, v2;
	v4 =	vbroadcast v9, $0x7  }
0x278: {  	[tilespmem:s7+$0x131E0] =	vst v15;
	v7 =	vadd.f32 v7, v61  }
0x279: {  	[tilespmem:s7+$0x139E0] =	vst v13;
	v5 =	vmul.f32 v60, v10;
	v2 =	vadd.f32 v3, v2;
	v1 =	vmul.f32 v4, v1  }
0x27a: {  	[tilespmem:s8+$0x131E0] =	vst v60  }
0x27b: {  	[tilespmem:s8+$0x139E0] =	vst v5;
	v3 =	vmul.f32 v7, v11;
	v1 =	vadd.f32 v2, v1  }
0x27c: {  	[tilespmem:s9+$0x131E0] =	vst v7  }
0x27d: {  	[tilespmem:s9+$0x139E0] =	vst v3;
	v2 =	vmul.f32 v1, v12  }
0x27e: {  	[tilespmem:s10+$0x131E0] =	vst v1  }
0x27f: {  	s19 =	simm.s32 $0x139E0;
	s20 =	simm.s32 $0x3;
	[tilespmem:s10+$0x139E0] =	vst v2  }
0x280: {  	[spmem:s6] =	stream.linear.scatter [tilespmem:s19], [sflag:$0x3], $0x400, $0x200038;
	[tilespmem:$0x14BE0] =	vst v63  }
0x281: {  	_ =	swait.ge [sflag:s20], $0x400  }
0x282: {  	[sflag:s20] =	ssyncset.done $0x0  }
0x283: {  	s21 =	simm.s32 $0x13DE0;
	[sflag:s20] =	ssyncadd.s32 $0xFFFFFC00  }
0x284: {  	[spmem:s5] =	stream.linear.scatter [tilespmem:s21], [sflag:$0x3], $0x400, $0x200038;
	[tilespmem:$0x14BE0] =	vst v63  }
0x285: {  	_ =	swait.ge [sflag:s20], $0x400  }
0x286: {  	[sflag:s20] =	ssyncset.done $0x0  }
0x287: {  	[sflag:s20] =	ssyncadd.s32 $0xFFFFFC00  }
0x288: {  	[bflag:$0x0] =	sbarrier.arrive $0xFFFF  }
0x289: {  	s22 =	simm.s32 $0x800;
	s23 =	simm.s32 $0x0;
	_ =	strace $0x9000004C  }
0x28a: {  	s24 =	simm.s32 $0x2000;
	s25 =	simm.s32 $0x1;
	_ =	strace $0x8000004D  }
0x28b: {  	[tilespmem:s24], [sflag:$0x1] =	stream.indirect.gather [spmem:s4], $0x10, s23, s22, $0x2000b8;
	[tilespmem:$0x14BE0] =	vst v63  }
0x28c: {  	_ =	swait.ge [sflag:s25], $0x8000  }
0x28d: {  	[sflag:s25] =	ssyncset.done $0x0  }
0x28e: {  	s11 =	simm.s32 $0x1000;
	[sflag:s25] =	ssyncadd.s32 $0xFFFF8000  }
0x28f: {  	[spmem:s3] =	stream.indirect.scatter.add.f32 [tilespmem:s24], [sflag:$0x2], $0x10, s11, s22, $0x2000b8;
	[tilespmem:$0x14BE0] =	vst v63  }
0x290: {  	s26 =	simm.s32 $0xA000  }
0x291: {  	[tilespmem:s26], [sflag:$0x1] =	stream.indirect.gather [spmem:s4], $0x10, s22, s22, $0x2000b8;
	[tilespmem:$0x14BE0] =	vst v63  }
0x292: {  	_ =	swait.ge [sflag:s25], $0x8000  }
0x293: {  	[sflag:s25] =	ssyncset.done $0x0  }
0x294: {  	s28 =	simm.s32 $0x2;
	[sflag:s25] =	ssyncadd.s32 $0xFFFF8000  }
0x295: {  	_ =	swait.ge [sflag:s28], $0x8000  }
0x296: {  	[sflag:s28] =	ssyncset.done $0x0  }
0x297: {  	s29 =	simm.s32 $0x1800;
	[sflag:s28] =	ssyncadd.s32 $0xFFFF8000  }
0x298: {  	[spmem:s3] =	stream.indirect.scatter.add.f32 [tilespmem:s26], [sflag:$0x2], $0x10, s29, s22, $0x2000b8;
	[tilespmem:$0x14BE0] =	vst v63  }
0x299: {  	_ =	swait.ge [sflag:s28], $0x8000  }
0x29a: {  	[sflag:s28] =	ssyncset.done $0x0  }
0x29b: {  	[sflag:s28] =	ssyncadd.s32 $0xFFFF8000  }
0x29c: {  	_ =	strace $0x9000004D  }
0x29d: {  	[bflag:$0x0] =	sbarrier.arrive $0xFFFF  }
0x29e: {  	s30 =	simm.s32 $0x135E0;
	_ =	strace $0x8000004E  }
0x29f: {  	[tilespmem:s30], [sflag:$0x3] =	stream.linear.gather [spmem:s5], $0x400, $0x200038;
	[tilespmem:$0x14BE0] =	vst v63  }
0x2a0: {  	_ =	swait.ge [sflag:s20], $0x400  }
0x2a1: {  	[sflag:s20] =	ssyncset.done $0x0  }
0x2a2: {  	s31 =	simm.s32 $0x129E0;
	[sflag:s20] =	ssyncadd.s32 $0xFFFFFC00  }
0x2a3: {  	v3 =	vld [tilespmem:s31+$0x0]  }
0x2a4: {  	s3 =	simm.s32 $0x131E0;
	v4 =	vld [tilespmem:s30+$0x0]  }
0x2a5: {  	v5 =	vld [tilespmem:s3+$0x0];
	_ =	sdelay $0x2  }
0x2a6: {  	v2 =	vlaneseq.u32;
	v62 =	vmul.f32 v3, v3  }
0x2a7: {  	v1 =	vand.u32 $0x7, v2;
	v63 =	vadd.s32 s23, v2  }
0x2a8: {  	v3 =	vmul.f32 v4, v3;
	v4 =	vmul.f32 v5, v62;
	v5 =	vand.u32 $0x3F8, v63  }
0x2a9: {  	v5 =	vor.u32 v1, v5  }
0x2aa: {  	v3 =	vadd.f32 v4, v3;
	_ =	sdelay $0x1  }
0x2ab: {  	v3 =	vadd.f32 v3, v0  }
0x2ac: {  	s4 =	simm.s32 $0x141E0  }
0x2ad: {  	s6 =	simm.s32 $0x129F0;
	[tilespmem:v5+s4+$0x0] =	vst.idx.msk $0xff, v3  }
0x2ae: {  	s7 =	simm.s32 $0x135F0;
	s8 =	simm.s32 $0x10;
	s5 =	simm.s32 $0x8;
	v3 =	vld [tilespmem:s6+$0x0]  }
.LBB2_9:
0x2af: {  	p0 =	sne.s32 s8, $0x1F8;
	v4 =	vld [tilespmem:s7+$0x0];
	s3 =	sadd.s32 $0x10, s3  }
0x2b0: {  	v5 =	vld [tilespmem:s3+$0x0];
	_ =	sdelay $0x2  }
0x2b1: {  	v6 =	vmul.f32 v3, v3  }
0x2b2: {  	v7 =	vadd.s32 s5, v2;
	s5 =	smov.u32 s8  }
0x2b3: {  	v3 =	vmul.f32 v4, v3;
	v4 =	vmul.f32 v5, v6;
	v5 =	vand.u32 $0x3F8, v7  }
0x2b4: {  	v5 =	vor.u32 v1, v5  }
0x2b5: {  	v3 =	vadd.f32 v4, v3  }
.Ltmp4:
0x2b6: {  	(pc) =	sbr.rel @p0 .LBB2_9-.Ltmp4, $3  }
0x2b7: {  	v3 =	vadd.f32 v3, v0;
	_ =	sdelay $0x1  }
0x2b8: {  	s6 =	sadd.s32 $0x10, s6;
	[tilespmem:v5+s4+$0x0] =	vst.idx.msk $0xff, v3  }
0x2b9: {  	s8 =	sadd.s32 $0x8, s8;
	s7 =	sadd.s32 $0x10, s7;
	v3 =	vld [tilespmem:s6+$0x0]  }
0x2ba: {  	v4 =	vld [tilespmem:s7+$0x0];
	s3 =	sadd.s32 $0x10, s3  }
0x2bb: {  	v5 =	vld [tilespmem:s3+$0x0];
	_ =	sdelay $0x2  }
0x2bc: {  	v6 =	vmul.f32 v3, v3  }
0x2bd: {  	v2 =	vadd.s32 s5, v2  }
0x2be: {  	v2 =	vand.u32 $0x3F8, v2;
	v61 =	vmul.f32 v4, v3;
	v62 =	vmul.f32 v5, v6  }
0x2bf: {  	v1 =	vor.u32 v1, v2  }
0x2c0: {  	v63 =	vadd.f32 v62, v61;
	_ =	sdelay $0x1  }
0x2c1: {  	v0 =	vadd.f32 v63, v0  }
0x2c2: {  	s28 =	sshll.u32 s1, $0x6;
	s29 =	simm.s32 $0x0  }
0x2c3: {  	s30 =	simm.s32 $0x141E0;
	s31 =	simm.s32 $0x3;
	s2 =	sadd.s32 s2, s28;
	[tilespmem:v1+s4+$0x0] =	vst.idx.msk $0xff, v0  }
0x2c4: {  	[hbm4b:s2+s29] =	stream.linear.scatter [tilespmem:s30], [sflag:$0x3], $0x200, $0x200038;
	[tilespmem:$0x14BE0] =	vst v63  }
0x2c5: {  	_ =	swait.ge [sflag:s31], $0x200  }
0x2c6: {  	[sflag:s31] =	ssyncset.done $0x0  }
0x2c7: {  	[sflag:s31] =	ssyncadd.s32 $0xFFFFFE00  }
0x2c8: {  	_ =	strace $0x9000004E  }
0x2c9: {  	_ =	sfence.sel $0x180000  }
0x2ca: {  	[bflag:$0x0] =	sbarrier.arrive $0xFFFF  }
0x2cb: {  	p0 =	sne.s32 s1, $0x0;
	_ =	strace $0x90000047  }
0x2cc: {  	s0 =	sadd.s32 @!p0 $0x100000, s0;
	[bflag:$0x2] =	sbarrier.arrive $0xFFFF  }
0x2cd: {  	[sflag:s0] =	ssyncadd.tile.s32 @!p0 $0x1;
	_ =	shalt  }
.Lfunc_end2:
_tile_overlayer_lowered:
.L_overlay_start_2:
0x2ce: {  	(tag) =	ssettag $0x2  }
0x2cf: {  	s0 =	rddreg [dreg:$0x0];
	s2 =	stileid.u32  }
0x2d0: {  	s1 =	rddreg [dreg:$0x1];
	p0 =	sne.s32 s2, $0x0  }
0x2d1: {  	s3 =	rddreg [dreg:$0x2];
	[bflag:$0x3] =	sbarrier.arrive $0xFFFF;
	s2 =	simm.s32 @!p0 $0x1C03  }
0x2d2: {  	[timem:s3], [sflag:s2] =	dma.local @!p0 [hbm:s0], s1  }
0x2d3: {  	s0 =	simm.s32 @!p0 $0x3  }
0x2d4: {  	_ =	swait.ge @!p0 [sflag:s0], s1  }
0x2d5: {  	s1 =	ssub.s32 @!p0 $0x0, s1;
	[sflag:s0] =	ssyncset.done @!p0 $0x0  }
0x2d6: {  	[sflag:s0] =	ssyncadd.s32 @!p0 s1  }
0x2d7: {  	[bflag:$0x3] =	sbarrier.arrive $0xFFFF  }
0x2d8: {  	_ =	shalt  }

</sc_bundles>
